<compile_context>
chip_gen: v7x
topology: tpu7x:2x2x1
jax: 0.10.2.dev20260603
libtpu: 0.0.44.dev20260713+nightly
codegen_flags: <defaults>
</compile_context>

<pallas_src>
import jax
import jax.numpy as jnp
from jax import lax
from jax.experimental import pallas as pl
from jax.experimental.pallas import tpu as pltpu
from jax.experimental.pallas import tpu_sc as plsc

NUM_EMB = 1000000
DIM = 128
B = 4096
L = 50
N = B * L

NC, NS = 2, 16
NW = NC * NS
K = 5
NK = N // K
ROWS_PER_W = NK // NW
CHUNK = 128
NCHUNK = ROWS_PER_W // CHUNK
NBUF = 6


def _sc_gather(ids_hbm, table_hbm, out_hbm, idx_v, rows_v, g_sem, s_sem):
    wid = lax.axis_index("s") * NC + lax.axis_index("c")
    base = wid * ROWS_PER_W
    pltpu.sync_copy(ids_hbm.at[wid], idx_v)
    g_h = [None] * NCHUNK
    s_h = [None] * NCHUNK
    for c in range(NCHUNK + NBUF - 1):
        if c < NCHUNK:
            if c >= NBUF:
                s_h[c - NBUF].wait()
            g_h[c] = pltpu.async_copy(
                table_hbm.at[idx_v.at[c]], rows_v.at[c % NBUF], g_sem
            )
        d = c - (NBUF - 1)
        if 0 <= d < NCHUNK:
            g_h[d].wait()
            s_h[d] = pltpu.async_copy(
                rows_v.at[d % NBUF],
                out_hbm.at[pl.ds(base + d * CHUNK, CHUNK)],
                s_sem,
            )
    for d in range(max(NCHUNK - NBUF, 0), NCHUNK):
        s_h[d].wait()


def _gather_call(ids, table):
    return pl.kernel(
        _sc_gather,
        mesh=plsc.VectorSubcoreMesh(
            core_axis_name="c", subcore_axis_name="s", num_cores=NC
        ),
        out_type=jax.ShapeDtypeStruct((NK, DIM), jnp.float32),
        scratch_types=[
            pltpu.VMEM((NCHUNK, CHUNK), jnp.int32),
            pltpu.VMEM((NBUF, CHUNK, DIM), jnp.float32),
            pltpu.SemaphoreType.DMA,
            pltpu.SemaphoreType.DMA,
        ],
    )(ids, table)


MM_BLK = 4096
MM_STEPS = NK // MM_BLK


def _mm_body(prev_ref, emb_ref, wt_ref, b_ref, out_ref):
    del prev_ref
    out_ref[...] = (
        jnp.dot(
            emb_ref[...].astype(jnp.bfloat16),
            wt_ref[...],
            preferred_element_type=jnp.float32,
        )
        + b_ref[...]
    )


def _tc_project_chunk(k, out_prev, emb_k, Wt, b2d):
    return pl.pallas_call(
        _mm_body,
        grid=(MM_STEPS,),
        in_specs=[
            pl.BlockSpec(memory_space=pl.ANY),
            pl.BlockSpec((MM_BLK, DIM), lambda i: (i, 0)),
            pl.BlockSpec((DIM, DIM), lambda i: (0, 0)),
            pl.BlockSpec((1, DIM), lambda i: (0, 0)),
        ],
        out_specs=pl.BlockSpec((MM_BLK, DIM), lambda i, k=k: (k * MM_STEPS + i, 0)),
        out_shape=jax.ShapeDtypeStruct((N, DIM), jnp.float32),
        input_output_aliases={0: 0},
    )(out_prev, emb_k, Wt, b2d)


def _mm_first_body(emb_ref, wt_ref, b_ref, out_ref):
    out_ref[...] = (
        jnp.dot(
            emb_ref[...].astype(jnp.bfloat16),
            wt_ref[...],
            preferred_element_type=jnp.float32,
        )
        + b_ref[...]
    )


def _tc_project_first(emb_k, Wt, b2d):
    return pl.pallas_call(
        _mm_first_body,
        grid=(MM_STEPS,),
        in_specs=[
            pl.BlockSpec((MM_BLK, DIM), lambda i: (i, 0)),
            pl.BlockSpec((DIM, DIM), lambda i: (0, 0)),
            pl.BlockSpec((1, DIM), lambda i: (0, 0)),
        ],
        out_specs=pl.BlockSpec((MM_BLK, DIM), lambda i: (i, 0)),
        out_shape=jax.ShapeDtypeStruct((N, DIM), jnp.float32),
    )(emb_k, Wt, b2d)


def kernel(news_ids, news_categ, table, W, b):
    del news_categ
    ids = news_ids.T.reshape(K, NW, NCHUNK, CHUNK).astype(jnp.int32)
    Wt = W.T.astype(jnp.bfloat16)
    b2d = b.reshape(1, DIM)
    embs = [_gather_call(ids[k], table) for k in range(K)]
    out = _tc_project_first(embs[0], Wt, b2d)
    for k in range(1, K):
        out = _tc_project_chunk(k, out, embs[k], Wt, b2d)
    return out.reshape(L, B, DIM).transpose(1, 0, 2)

# --- scband reference (transcript-rebuilt; emitter-appended) ---
"""Pipeline reference for scband-bert-news-encoder-13219909337786 (READ-ONLY COPY).

The authoritative reference and input builder live on the scoring server;
editing this copy changes nothing except your own understanding.
"""

import jax, jax.numpy as jnp
import numpy as np

NUM_EMB = 1000000
DIM = 128
B = 4096
L = 50


def setup_inputs(seed: int = 0) -> dict:
    key = jax.random.key(seed)
    k1, k2, k3, k4 = jax.random.split(key, 4)
    news_ids = jax.random.randint(k1, (B, L), 0, NUM_EMB, dtype=jnp.int64 if jax.config.jax_enable_x64 else jnp.int32)
    news_categ = jax.random.randint(k2, (B, L), 0, 20, dtype=jnp.int64 if jax.config.jax_enable_x64 else jnp.int32)
    # learned params: pretrained embedding table (trainable, freeze=False) + dense layer
    table = jax.random.normal(k3, (NUM_EMB, DIM), dtype=jnp.float32) * 0.02
    W = jax.random.normal(k4, (DIM, DIM), dtype=jnp.float32) * (1.0 / np.sqrt(DIM))
    b = jnp.zeros((DIM,), dtype=jnp.float32)
    return {"news_ids": news_ids, "news_categ": news_categ, "table": table, "W": W, "b": b}


def reference(news_ids, news_categ, table, W, b):
    # news_embedding lookup (gather)
    emb = jnp.take(table, news_ids, axis=0)  # [B, L, DIM]
    # news_dense: single Linear(bert_embed_size, bert_embed_size)
    out = emb @ W.T + b
    # dropout is identity at inference
    # news_categ is unpacked but unused in the original forward
    return out

if __name__ == "__main__":
    import jax
    _d = setup_inputs()
    print(jax.jit(kernel)(*tuple(_d.values())))

</pallas_src>

<mosaic_0001>
#map = affine_map<(d0, d1) -> (0, 0, 0)>
#map1 = affine_map<(d0, d1) -> (0, 0)>
module attributes {stable_mosaic.version = 14 : i64} {
  func.func @_sc_gather(%arg0: i32, %arg1: i32, %arg2: memref<32x10x128xi32, #tpu.memory_space<hbm>>, %arg3: memref<1000000x128xf32, #tpu.memory_space<hbm>>, %arg4: memref<40960x128xf32, #tpu.memory_space<hbm>>, %arg5: memref<10x128xi32, #tpu.memory_space<vmem>>, %arg6: memref<6x128x128xf32, #tpu.memory_space<vmem>>, %arg7: memref<!tpu.dma_semaphore, #tpu.memory_space<semaphore_mem>>, %arg8: memref<!tpu.dma_semaphore, #tpu.memory_space<semaphore_mem>>) attributes {dimension_semantics = [#tpu.dimension_semantics<core_parallel>, #tpu.dimension_semantics<subcore_parallel>], iteration_bounds = array<i64: 2, 16>, scalar_prefetch = 0 : i64, scratch_operands = 4 : i64, tpu.core_type = #tpu.core_type<sc_vector_subcore>, window_params = [{transform_indices = #map}, {transform_indices = #map1}, {transform_indices = #map1}]} {
    %mul3A = arith.constant 2 : i32
    %mul3A_0 = arith.muli %arg1, %mul3A : i32
    %add3A = arith.addi %mul3A_0, %arg0 : i32
    %mul3A_1 = arith.constant 1280 : i32
    %mul3A_2 = arith.muli %add3A, %mul3A_1 : i32
    "tpu.region"() ({
      %run_scoped3A = tpu.sem_alloc : memref<!tpu.dma_semaphore, #tpu.memory_space<semaphore_mem>>
      %dma_start3A_521 = arith.constant 0 : i32
      %dma_start3A_522 = arith.constant 0 : i32
      %dma_start3A_523 = tpu.memref_slice %arg2[%add3A, %dma_start3A_521, %dma_start3A_522] : memref<32x10x128xi32, #tpu.memory_space<hbm>> -> memref<1x10x128xi32, #tpu.memory_space<hbm>>
      %dma_start3A_524 = tpu.memref_squeeze %dma_start3A_523 : memref<1x10x128xi32, #tpu.memory_space<hbm>> -> memref<10x128xi32, #tpu.memory_space<hbm>>
      %dma_start3A_525 = arith.constant 0 : i32
      %dma_start3A_526 = arith.constant 0 : i32
      %dma_start3A_527 = tpu.memref_slice %arg2[%add3A, %dma_start3A_525, %dma_start3A_526] : memref<32x10x128xi32, #tpu.memory_space<hbm>> -> memref<1x10x128xi32, #tpu.memory_space<hbm>>
      %dma_start3A_528 = tpu.memref_squeeze %dma_start3A_527 : memref<1x10x128xi32, #tpu.memory_space<hbm>> -> memref<10x128xi32, #tpu.memory_space<hbm>>
      tpu.enqueue_dma source(%dma_start3A_528 : memref<10x128xi32, #tpu.memory_space<hbm>>) target(%arg5 : memref<10x128xi32, #tpu.memory_space<vmem>>) target_semaphore(%run_scoped3A : memref<!tpu.dma_semaphore, #tpu.memory_space<semaphore_mem>>)
      %dma_wait3A_529 = arith.constant 0 : i32
      %dma_wait3A_530 = arith.constant 0 : i32
      %dma_wait3A_531 = tpu.memref_slice %arg2[%add3A, %dma_wait3A_529, %dma_wait3A_530] : memref<32x10x128xi32, #tpu.memory_space<hbm>> -> memref<1x10x128xi32, #tpu.memory_space<hbm>>
      %dma_wait3A_532 = tpu.memref_squeeze %dma_wait3A_531 : memref<1x10x128xi32, #tpu.memory_space<hbm>> -> memref<10x128xi32, #tpu.memory_space<hbm>>
      %dma_wait3A_533 = arith.constant 0 : i32
      %dma_wait3A_534 = arith.constant 0 : i32
      %dma_wait3A_535 = tpu.memref_slice %arg2[%add3A, %dma_wait3A_533, %dma_wait3A_534] : memref<32x10x128xi32, #tpu.memory_space<hbm>> -> memref<1x10x128xi32, #tpu.memory_space<hbm>>
      %dma_wait3A_536 = tpu.memref_squeeze %dma_wait3A_535 : memref<1x10x128xi32, #tpu.memory_space<hbm>> -> memref<10x128xi32, #tpu.memory_space<hbm>>
      tpu.wait_dma2 semaphore(%run_scoped3A : memref<!tpu.dma_semaphore, #tpu.memory_space<semaphore_mem>>) src(%dma_wait3A_536 : memref<10x128xi32, #tpu.memory_space<hbm>>) dst(%arg5 : memref<10x128xi32, #tpu.memory_space<vmem>>)
      tpu.yield
    }) : () -> ()
    %dma_start3A = arith.constant 0 : i32
    %dma_start3A_3 = arith.constant 0 : i32
    %dma_start3A_4 = arith.constant 0 : i32
    %dma_start3A_5 = arith.constant 0 : i32
    %dma_start3A_6 = tpu.memref_slice %arg6[%dma_start3A_3, %dma_start3A_4, %dma_start3A_5] : memref<6x128x128xf32, #tpu.memory_space<vmem>> -> memref<1x128x128xf32, #tpu.memory_space<vmem>>
    %dma_start3A_7 = tpu.memref_squeeze %dma_start3A_6 : memref<1x128x128xf32, #tpu.memory_space<vmem>> -> memref<128x128xf32, #tpu.memory_space<vmem>>
    %dma_start3A_8 = arith.constant 0 : i32
    %dma_start3A_9 = tpu.memref_slice %arg5[%dma_start3A, %dma_start3A_8] : memref<10x128xi32, #tpu.memory_space<vmem>> -> memref<1x128xi32, #tpu.memory_space<vmem>>
    %dma_start3A_10 = tpu.memref_squeeze %dma_start3A_9 : memref<1x128xi32, #tpu.memory_space<vmem>> -> memref<128xi32, #tpu.memory_space<vmem>>
    %dma_start3A_11 = arith.constant 0 : i32
    %dma_start3A_12 = arith.constant 0 : i32
    %dma_start3A_13 = tpu.memref_slice %arg3[%dma_start3A_11, %dma_start3A_12] : memref<1000000x128xf32, #tpu.memory_space<hbm>> -> memref<1000000x128xf32, #tpu.memory_space<hbm>>
    tpu.enqueue_indirect_dma source(%dma_start3A_13 : memref<1000000x128xf32, #tpu.memory_space<hbm>>) target(%dma_start3A_7 : memref<128x128xf32, #tpu.memory_space<vmem>>) offsets(%dma_start3A_10 : memref<128xi32, #tpu.memory_space<vmem>>) semaphore(%arg7 : memref<!tpu.dma_semaphore, #tpu.memory_space<semaphore_mem>>)
    %dma_start3A_14 = arith.constant 1 : i32
    %dma_start3A_15 = arith.constant 1 : i32
    %dma_start3A_16 = arith.constant 0 : i32
    %dma_start3A_17 = arith.constant 0 : i32
    %dma_start3A_18 = tpu.memref_slice %arg6[%dma_start3A_15, %dma_start3A_16, %dma_start3A_17] : memref<6x128x128xf32, #tpu.memory_space<vmem>> -> memref<1x128x128xf32, #tpu.memory_space<vmem>>
    %dma_start3A_19 = tpu.memref_squeeze %dma_start3A_18 : memref<1x128x128xf32, #tpu.memory_space<vmem>> -> memref<128x128xf32, #tpu.memory_space<vmem>>
    %dma_start3A_20 = arith.constant 0 : i32
    %dma_start3A_21 = tpu.memref_slice %arg5[%dma_start3A_14, %dma_start3A_20] : memref<10x128xi32, #tpu.memory_space<vmem>> -> memref<1x128xi32, #tpu.memory_space<vmem>>
    %dma_start3A_22 = tpu.memref_squeeze %dma_start3A_21 : memref<1x128xi32, #tpu.memory_space<vmem>> -> memref<128xi32, #tpu.memory_space<vmem>>
    %dma_start3A_23 = arith.constant 0 : i32
    %dma_start3A_24 = arith.constant 0 : i32
    %dma_start3A_25 = tpu.memref_slice %arg3[%dma_start3A_23, %dma_start3A_24] : memref<1000000x128xf32, #tpu.memory_space<hbm>> -> memref<1000000x128xf32, #tpu.memory_space<hbm>>
    tpu.enqueue_indirect_dma source(%dma_start3A_25 : memref<1000000x128xf32, #tpu.memory_space<hbm>>) target(%dma_start3A_19 : memref<128x128xf32, #tpu.memory_space<vmem>>) offsets(%dma_start3A_22 : memref<128xi32, #tpu.memory_space<vmem>>) semaphore(%arg7 : memref<!tpu.dma_semaphore, #tpu.memory_space<semaphore_mem>>)
    %dma_start3A_26 = arith.constant 2 : i32
    %dma_start3A_27 = arith.constant 2 : i32
    %dma_start3A_28 = arith.constant 0 : i32
    %dma_start3A_29 = arith.constant 0 : i32
    %dma_start3A_30 = tpu.memref_slice %arg6[%dma_start3A_27, %dma_start3A_28, %dma_start3A_29] : memref<6x128x128xf32, #tpu.memory_space<vmem>> -> memref<1x128x128xf32, #tpu.memory_space<vmem>>
    %dma_start3A_31 = tpu.memref_squeeze %dma_start3A_30 : memref<1x128x128xf32, #tpu.memory_space<vmem>> -> memref<128x128xf32, #tpu.memory_space<vmem>>
    %dma_start3A_32 = arith.constant 0 : i32
    %dma_start3A_33 = tpu.memref_slice %arg5[%dma_start3A_26, %dma_start3A_32] : memref<10x128xi32, #tpu.memory_space<vmem>> -> memref<1x128xi32, #tpu.memory_space<vmem>>
    %dma_start3A_34 = tpu.memref_squeeze %dma_start3A_33 : memref<1x128xi32, #tpu.memory_space<vmem>> -> memref<128xi32, #tpu.memory_space<vmem>>
    %dma_start3A_35 = arith.constant 0 : i32
    %dma_start3A_36 = arith.constant 0 : i32
    %dma_start3A_37 = tpu.memref_slice %arg3[%dma_start3A_35, %dma_start3A_36] : memref<1000000x128xf32, #tpu.memory_space<hbm>> -> memref<1000000x128xf32, #tpu.memory_space<hbm>>
    tpu.enqueue_indirect_dma source(%dma_start3A_37 : memref<1000000x128xf32, #tpu.memory_space<hbm>>) target(%dma_start3A_31 : memref<128x128xf32, #tpu.memory_space<vmem>>) offsets(%dma_start3A_34 : memref<128xi32, #tpu.memory_space<vmem>>) semaphore(%arg7 : memref<!tpu.dma_semaphore, #tpu.memory_space<semaphore_mem>>)
    %dma_start3A_38 = arith.constant 3 : i32
    %dma_start3A_39 = arith.constant 3 : i32
    %dma_start3A_40 = arith.constant 0 : i32
    %dma_start3A_41 = arith.constant 0 : i32
    %dma_start3A_42 = tpu.memref_slice %arg6[%dma_start3A_39, %dma_start3A_40, %dma_start3A_41] : memref<6x128x128xf32, #tpu.memory_space<vmem>> -> memref<1x128x128xf32, #tpu.memory_space<vmem>>
    %dma_start3A_43 = tpu.memref_squeeze %dma_start3A_42 : memref<1x128x128xf32, #tpu.memory_space<vmem>> -> memref<128x128xf32, #tpu.memory_space<vmem>>
    %dma_start3A_44 = arith.constant 0 : i32
    %dma_start3A_45 = tpu.memref_slice %arg5[%dma_start3A_38, %dma_start3A_44] : memref<10x128xi32, #tpu.memory_space<vmem>> -> memref<1x128xi32, #tpu.memory_space<vmem>>
    %dma_start3A_46 = tpu.memref_squeeze %dma_start3A_45 : memref<1x128xi32, #tpu.memory_space<vmem>> -> memref<128xi32, #tpu.memory_space<vmem>>
    %dma_start3A_47 = arith.constant 0 : i32
    %dma_start3A_48 = arith.constant 0 : i32
    %dma_start3A_49 = tpu.memref_slice %arg3[%dma_start3A_47, %dma_start3A_48] : memref<1000000x128xf32, #tpu.memory_space<hbm>> -> memref<1000000x128xf32, #tpu.memory_space<hbm>>
    tpu.enqueue_indirect_dma source(%dma_start3A_49 : memref<1000000x128xf32, #tpu.memory_space<hbm>>) target(%dma_start3A_43 : memref<128x128xf32, #tpu.memory_space<vmem>>) offsets(%dma_start3A_46 : memref<128xi32, #tpu.memory_space<vmem>>) semaphore(%arg7 : memref<!tpu.dma_semaphore, #tpu.memory_space<semaphore_mem>>)
    %dma_start3A_50 = arith.constant 4 : i32
    %dma_start3A_51 = arith.constant 4 : i32
    %dma_start3A_52 = arith.constant 0 : i32
    %dma_start3A_53 = arith.constant 0 : i32
    %dma_start3A_54 = tpu.memref_slice %arg6[%dma_start3A_51, %dma_start3A_52, %dma_start3A_53] : memref<6x128x128xf32, #tpu.memory_space<vmem>> -> memref<1x128x128xf32, #tpu.memory_space<vmem>>
    %dma_start3A_55 = tpu.memref_squeeze %dma_start3A_54 : memref<1x128x128xf32, #tpu.memory_space<vmem>> -> memref<128x128xf32, #tpu.memory_space<vmem>>
    %dma_start3A_56 = arith.constant 0 : i32
    %dma_start3A_57 = tpu.memref_slice %arg5[%dma_start3A_50, %dma_start3A_56] : memref<10x128xi32, #tpu.memory_space<vmem>> -> memref<1x128xi32, #tpu.memory_space<vmem>>
    %dma_start3A_58 = tpu.memref_squeeze %dma_start3A_57 : memref<1x128xi32, #tpu.memory_space<vmem>> -> memref<128xi32, #tpu.memory_space<vmem>>
    %dma_start3A_59 = arith.constant 0 : i32
    %dma_start3A_60 = arith.constant 0 : i32
    %dma_start3A_61 = tpu.memref_slice %arg3[%dma_start3A_59, %dma_start3A_60] : memref<1000000x128xf32, #tpu.memory_space<hbm>> -> memref<1000000x128xf32, #tpu.memory_space<hbm>>
    tpu.enqueue_indirect_dma source(%dma_start3A_61 : memref<1000000x128xf32, #tpu.memory_space<hbm>>) target(%dma_start3A_55 : memref<128x128xf32, #tpu.memory_space<vmem>>) offsets(%dma_start3A_58 : memref<128xi32, #tpu.memory_space<vmem>>) semaphore(%arg7 : memref<!tpu.dma_semaphore, #tpu.memory_space<semaphore_mem>>)
    %dma_start3A_62 = arith.constant 5 : i32
    %dma_start3A_63 = arith.constant 5 : i32
    %dma_start3A_64 = arith.constant 0 : i32
    %dma_start3A_65 = arith.constant 0 : i32
    %dma_start3A_66 = tpu.memref_slice %arg6[%dma_start3A_63, %dma_start3A_64, %dma_start3A_65] : memref<6x128x128xf32, #tpu.memory_space<vmem>> -> memref<1x128x128xf32, #tpu.memory_space<vmem>>
    %dma_start3A_67 = tpu.memref_squeeze %dma_start3A_66 : memref<1x128x128xf32, #tpu.memory_space<vmem>> -> memref<128x128xf32, #tpu.memory_space<vmem>>
    %dma_start3A_68 = arith.constant 0 : i32
    %dma_start3A_69 = tpu.memref_slice %arg5[%dma_start3A_62, %dma_start3A_68] : memref<10x128xi32, #tpu.memory_space<vmem>> -> memref<1x128xi32, #tpu.memory_space<vmem>>
    %dma_start3A_70 = tpu.memref_squeeze %dma_start3A_69 : memref<1x128xi32, #tpu.memory_space<vmem>> -> memref<128xi32, #tpu.memory_space<vmem>>
    %dma_start3A_71 = arith.constant 0 : i32
    %dma_start3A_72 = arith.constant 0 : i32
    %dma_start3A_73 = tpu.memref_slice %arg3[%dma_start3A_71, %dma_start3A_72] : memref<1000000x128xf32, #tpu.memory_space<hbm>> -> memref<1000000x128xf32, #tpu.memory_space<hbm>>
    tpu.enqueue_indirect_dma source(%dma_start3A_73 : memref<1000000x128xf32, #tpu.memory_space<hbm>>) target(%dma_start3A_67 : memref<128x128xf32, #tpu.memory_space<vmem>>) offsets(%dma_start3A_70 : memref<128xi32, #tpu.memory_space<vmem>>) semaphore(%arg7 : memref<!tpu.dma_semaphore, #tpu.memory_space<semaphore_mem>>)
    %dma_wait3A = arith.constant 0 : i32
    %dma_wait3A_74 = arith.constant 0 : i32
    %dma_wait3A_75 = arith.constant 0 : i32
    %dma_wait3A_76 = arith.constant 0 : i32
    %dma_wait3A_77 = tpu.memref_slice %arg6[%dma_wait3A_74, %dma_wait3A_75, %dma_wait3A_76] : memref<6x128x128xf32, #tpu.memory_space<vmem>> -> memref<1x128x128xf32, #tpu.memory_space<vmem>>
    %dma_wait3A_78 = tpu.memref_squeeze %dma_wait3A_77 : memref<1x128x128xf32, #tpu.memory_space<vmem>> -> memref<128x128xf32, #tpu.memory_space<vmem>>
    %dma_wait3A_79 = arith.constant 0 : i32
    %dma_wait3A_80 = tpu.memref_slice %arg5[%dma_wait3A, %dma_wait3A_79] : memref<10x128xi32, #tpu.memory_space<vmem>> -> memref<1x128xi32, #tpu.memory_space<vmem>>
    %dma_wait3A_81 = tpu.memref_squeeze %dma_wait3A_80 : memref<1x128xi32, #tpu.memory_space<vmem>> -> memref<128xi32, #tpu.memory_space<vmem>>
    %dma_wait3A_82 = arith.constant 0 : i32
    %dma_wait3A_83 = arith.constant 0 : i32
    %dma_wait3A_84 = tpu.memref_slice %arg3[%dma_wait3A_82, %dma_wait3A_83] : memref<1000000x128xf32, #tpu.memory_space<hbm>> -> memref<1000000x128xf32, #tpu.memory_space<hbm>>
    tpu.wait_indirect_dma semaphore(%arg7 : memref<!tpu.dma_semaphore, #tpu.memory_space<semaphore_mem>>) src(%dma_wait3A_84 : memref<1000000x128xf32, #tpu.memory_space<hbm>>) dst(%dma_wait3A_78 : memref<128x128xf32, #tpu.memory_space<vmem>>)
    %add3A_85 = arith.constant 0 : i32
    %add3A_86 = arith.addi %mul3A_2, %add3A_85 : i32
    %dma_start3A_87 = arith.constant 0 : i32
    %dma_start3A_88 = arith.constant 0 : i32
    %dma_start3A_89 = arith.constant 0 : i32
    %dma_start3A_90 = tpu.memref_slice %arg6[%dma_start3A_87, %dma_start3A_88, %dma_start3A_89] : memref<6x128x128xf32, #tpu.memory_space<vmem>> -> memref<1x128x128xf32, #tpu.memory_space<vmem>>
    %dma_start3A_91 = tpu.memref_squeeze %dma_start3A_90 : memref<1x128x128xf32, #tpu.memory_space<vmem>> -> memref<128x128xf32, #tpu.memory_space<vmem>>
    %dma_start3A_92 = arith.constant 0 : i32
    %dma_start3A_93 = tpu.memref_slice %arg4[%add3A_86, %dma_start3A_92] : memref<40960x128xf32, #tpu.memory_space<hbm>> -> memref<128x128xf32, #tpu.memory_space<hbm>>
    %dma_start3A_94 = arith.constant 0 : i32
    %dma_start3A_95 = tpu.memref_slice %arg4[%add3A_86, %dma_start3A_94] : memref<40960x128xf32, #tpu.memory_space<hbm>> -> memref<128x128xf32, #tpu.memory_space<hbm>>
    %dma_start3A_96 = arith.constant 0 : i32
    %dma_start3A_97 = arith.constant 0 : i32
    %dma_start3A_98 = tpu.memref_slice %arg6[%dma_start3A_87, %dma_start3A_96, %dma_start3A_97] : memref<6x128x128xf32, #tpu.memory_space<vmem>> -> memref<1x128x128xf32, #tpu.memory_space<vmem>>
    %dma_start3A_99 = tpu.memref_squeeze %dma_start3A_98 : memref<1x128x128xf32, #tpu.memory_space<vmem>> -> memref<128x128xf32, #tpu.memory_space<vmem>>
    tpu.enqueue_dma source(%dma_start3A_99 : memref<128x128xf32, #tpu.memory_space<vmem>>) target(%dma_start3A_95 : memref<128x128xf32, #tpu.memory_space<hbm>>) target_semaphore(%arg8 : memref<!tpu.dma_semaphore, #tpu.memory_space<semaphore_mem>>)
    %dma_wait3A_100 = arith.constant 0 : i32
    %dma_wait3A_101 = arith.constant 0 : i32
    %dma_wait3A_102 = arith.constant 0 : i32
    %dma_wait3A_103 = tpu.memref_slice %arg6[%dma_wait3A_100, %dma_wait3A_101, %dma_wait3A_102] : memref<6x128x128xf32, #tpu.memory_space<vmem>> -> memref<1x128x128xf32, #tpu.memory_space<vmem>>
    %dma_wait3A_104 = tpu.memref_squeeze %dma_wait3A_103 : memref<1x128x128xf32, #tpu.memory_space<vmem>> -> memref<128x128xf32, #tpu.memory_space<vmem>>
    %dma_wait3A_105 = arith.constant 0 : i32
    %dma_wait3A_106 = tpu.memref_slice %arg4[%add3A_86, %dma_wait3A_105] : memref<40960x128xf32, #tpu.memory_space<hbm>> -> memref<128x128xf32, #tpu.memory_space<hbm>>
    %dma_wait3A_107 = arith.constant 0 : i32
    %dma_wait3A_108 = tpu.memref_slice %arg4[%add3A_86, %dma_wait3A_107] : memref<40960x128xf32, #tpu.memory_space<hbm>> -> memref<128x128xf32, #tpu.memory_space<hbm>>
    %dma_wait3A_109 = arith.constant 0 : i32
    %dma_wait3A_110 = arith.constant 0 : i32
    %dma_wait3A_111 = tpu.memref_slice %arg6[%dma_wait3A_100, %dma_wait3A_109, %dma_wait3A_110] : memref<6x128x128xf32, #tpu.memory_space<vmem>> -> memref<1x128x128xf32, #tpu.memory_space<vmem>>
    %dma_wait3A_112 = tpu.memref_squeeze %dma_wait3A_111 : memref<1x128x128xf32, #tpu.memory_space<vmem>> -> memref<128x128xf32, #tpu.memory_space<vmem>>
    tpu.wait_dma2 semaphore(%arg8 : memref<!tpu.dma_semaphore, #tpu.memory_space<semaphore_mem>>) src(%dma_wait3A_112 : memref<128x128xf32, #tpu.memory_space<vmem>>) dst(%dma_wait3A_108 : memref<128x128xf32, #tpu.memory_space<hbm>>)
    %dma_start3A_113 = arith.constant 6 : i32
    %dma_start3A_114 = arith.constant 0 : i32
    %dma_start3A_115 = arith.constant 0 : i32
    %dma_start3A_116 = arith.constant 0 : i32
    %dma_start3A_117 = tpu.memref_slice %arg6[%dma_start3A_114, %dma_start3A_115, %dma_start3A_116] : memref<6x128x128xf32, #tpu.memory_space<vmem>> -> memref<1x128x128xf32, #tpu.memory_space<vmem>>
    %dma_start3A_118 = tpu.memref_squeeze %dma_start3A_117 : memref<1x128x128xf32, #tpu.memory_space<vmem>> -> memref<128x128xf32, #tpu.memory_space<vmem>>
    %dma_start3A_119 = arith.constant 0 : i32
    %dma_start3A_120 = tpu.memref_slice %arg5[%dma_start3A_113, %dma_start3A_119] : memref<10x128xi32, #tpu.memory_space<vmem>> -> memref<1x128xi32, #tpu.memory_space<vmem>>
    %dma_start3A_121 = tpu.memref_squeeze %dma_start3A_120 : memref<1x128xi32, #tpu.memory_space<vmem>> -> memref<128xi32, #tpu.memory_space<vmem>>
    %dma_start3A_122 = arith.constant 0 : i32
    %dma_start3A_123 = arith.constant 0 : i32
    %dma_start3A_124 = tpu.memref_slice %arg3[%dma_start3A_122, %dma_start3A_123] : memref<1000000x128xf32, #tpu.memory_space<hbm>> -> memref<1000000x128xf32, #tpu.memory_space<hbm>>
    tpu.enqueue_indirect_dma source(%dma_start3A_124 : memref<1000000x128xf32, #tpu.memory_space<hbm>>) target(%dma_start3A_118 : memref<128x128xf32, #tpu.memory_space<vmem>>) offsets(%dma_start3A_121 : memref<128xi32, #tpu.memory_space<vmem>>) semaphore(%arg7 : memref<!tpu.dma_semaphore, #tpu.memory_space<semaphore_mem>>)
    %dma_wait3A_125 = arith.constant 1 : i32
    %dma_wait3A_126 = arith.constant 1 : i32
    %dma_wait3A_127 = arith.constant 0 : i32
    %dma_wait3A_128 = arith.constant 0 : i32
    %dma_wait3A_129 = tpu.memref_slice %arg6[%dma_wait3A_126, %dma_wait3A_127, %dma_wait3A_128] : memref<6x128x128xf32, #tpu.memory_space<vmem>> -> memref<1x128x128xf32, #tpu.memory_space<vmem>>
    %dma_wait3A_130 = tpu.memref_squeeze %dma_wait3A_129 : memref<1x128x128xf32, #tpu.memory_space<vmem>> -> memref<128x128xf32, #tpu.memory_space<vmem>>
    %dma_wait3A_131 = arith.constant 0 : i32
    %dma_wait3A_132 = tpu.memref_slice %arg5[%dma_wait3A_125, %dma_wait3A_131] : memref<10x128xi32, #tpu.memory_space<vmem>> -> memref<1x128xi32, #tpu.memory_space<vmem>>
    %dma_wait3A_133 = tpu.memref_squeeze %dma_wait3A_132 : memref<1x128xi32, #tpu.memory_space<vmem>> -> memref<128xi32, #tpu.memory_space<vmem>>
    %dma_wait3A_134 = arith.constant 0 : i32
    %dma_wait3A_135 = arith.constant 0 : i32
    %dma_wait3A_136 = tpu.memref_slice %arg3[%dma_wait3A_134, %dma_wait3A_135] : memref<1000000x128xf32, #tpu.memory_space<hbm>> -> memref<1000000x128xf32, #tpu.memory_space<hbm>>
    tpu.wait_indirect_dma semaphore(%arg7 : memref<!tpu.dma_semaphore, #tpu.memory_space<semaphore_mem>>) src(%dma_wait3A_136 : memref<1000000x128xf32, #tpu.memory_space<hbm>>) dst(%dma_wait3A_130 : memref<128x128xf32, #tpu.memory_space<vmem>>)
    %add3A_137 = arith.constant 128 : i32
    %add3A_138 = arith.addi %mul3A_2, %add3A_137 : i32
    %dma_start3A_139 = arith.constant 1 : i32
    %dma_start3A_140 = arith.constant 0 : i32
    %dma_start3A_141 = arith.constant 0 : i32
    %dma_start3A_142 = tpu.memref_slice %arg6[%dma_start3A_139, %dma_start3A_140, %dma_start3A_141] : memref<6x128x128xf32, #tpu.memory_space<vmem>> -> memref<1x128x128xf32, #tpu.memory_space<vmem>>
    %dma_start3A_143 = tpu.memref_squeeze %dma_start3A_142 : memref<1x128x128xf32, #tpu.memory_space<vmem>> -> memref<128x128xf32, #tpu.memory_space<vmem>>
    %dma_start3A_144 = arith.constant 0 : i32
    %dma_start3A_145 = tpu.memref_slice %arg4[%add3A_138, %dma_start3A_144] : memref<40960x128xf32, #tpu.memory_space<hbm>> -> memref<128x128xf32, #tpu.memory_space<hbm>>
    %dma_start3A_146 = arith.constant 0 : i32
    %dma_start3A_147 = tpu.memref_slice %arg4[%add3A_138, %dma_start3A_146] : memref<40960x128xf32, #tpu.memory_space<hbm>> -> memref<128x128xf32, #tpu.memory_space<hbm>>
    %dma_start3A_148 = arith.constant 0 : i32
    %dma_start3A_149 = arith.constant 0 : i32
    %dma_start3A_150 = tpu.memref_slice %arg6[%dma_start3A_139, %dma_start3A_148, %dma_start3A_149] : memref<6x128x128xf32, #tpu.memory_space<vmem>> -> memref<1x128x128xf32, #tpu.memory_space<vmem>>
    %dma_start3A_151 = tpu.memref_squeeze %dma_start3A_150 : memref<1x128x128xf32, #tpu.memory_space<vmem>> -> memref<128x128xf32, #tpu.memory_space<vmem>>
    tpu.enqueue_dma source(%dma_start3A_151 : memref<128x128xf32, #tpu.memory_space<vmem>>) target(%dma_start3A_147 : memref<128x128xf32, #tpu.memory_space<hbm>>) target_semaphore(%arg8 : memref<!tpu.dma_semaphore, #tpu.memory_space<semaphore_mem>>)
    %dma_wait3A_152 = arith.constant 1 : i32
    %dma_wait3A_153 = arith.constant 0 : i32
    %dma_wait3A_154 = arith.constant 0 : i32
    %dma_wait3A_155 = tpu.memref_slice %arg6[%dma_wait3A_152, %dma_wait3A_153, %dma_wait3A_154] : memref<6x128x128xf32, #tpu.memory_space<vmem>> -> memref<1x128x128xf32, #tpu.memory_space<vmem>>
    %dma_wait3A_156 = tpu.memref_squeeze %dma_wait3A_155 : memref<1x128x128xf32, #tpu.memory_space<vmem>> -> memref<128x128xf32, #tpu.memory_space<vmem>>
    %dma_wait3A_157 = arith.constant 0 : i32
    %dma_wait3A_158 = tpu.memref_slice %arg4[%add3A_138, %dma_wait3A_157] : memref<40960x128xf32, #tpu.memory_space<hbm>> -> memref<128x128xf32, #tpu.memory_space<hbm>>
    %dma_wait3A_159 = arith.constant 0 : i32
    %dma_wait3A_160 = tpu.memref_slice %arg4[%add3A_138, %dma_wait3A_159] : memref<40960x128xf32, #tpu.memory_space<hbm>> -> memref<128x128xf32, #tpu.memory_space<hbm>>
    %dma_wait3A_161 = arith.constant 0 : i32
    %dma_wait3A_162 = arith.constant 0 : i32
    %dma_wait3A_163 = tpu.memref_slice %arg6[%dma_wait3A_152, %dma_wait3A_161, %dma_wait3A_162] : memref<6x128x128xf32, #tpu.memory_space<vmem>> -> memref<1x128x128xf32, #tpu.memory_space<vmem>>
    %dma_wait3A_164 = tpu.memref_squeeze %dma_wait3A_163 : memref<1x128x128xf32, #tpu.memory_space<vmem>> -> memref<128x128xf32, #tpu.memory_space<vmem>>
    tpu.wait_dma2 semaphore(%arg8 : memref<!tpu.dma_semaphore, #tpu.memory_space<semaphore_mem>>) src(%dma_wait3A_164 : memref<128x128xf32, #tpu.memory_space<vmem>>) dst(%dma_wait3A_160 : memref<128x128xf32, #tpu.memory_space<hbm>>)
    %dma_start3A_165 = arith.constant 7 : i32
    %dma_start3A_166 = arith.constant 1 : i32
    %dma_start3A_167 = arith.constant 0 : i32
    %dma_start3A_168 = arith.constant 0 : i32
    %dma_start3A_169 = tpu.memref_slice %arg6[%dma_start3A_166, %dma_start3A_167, %dma_start3A_168] : memref<6x128x128xf32, #tpu.memory_space<vmem>> -> memref<1x128x128xf32, #tpu.memory_space<vmem>>
    %dma_start3A_170 = tpu.memref_squeeze %dma_start3A_169 : memref<1x128x128xf32, #tpu.memory_space<vmem>> -> memref<128x128xf32, #tpu.memory_space<vmem>>
    %dma_start3A_171 = arith.constant 0 : i32
    %dma_start3A_172 = tpu.memref_slice %arg5[%dma_start3A_165, %dma_start3A_171] : memref<10x128xi32, #tpu.memory_space<vmem>> -> memref<1x128xi32, #tpu.memory_space<vmem>>
    %dma_start3A_173 = tpu.memref_squeeze %dma_start3A_172 : memref<1x128xi32, #tpu.memory_space<vmem>> -> memref<128xi32, #tpu.memory_space<vmem>>
    %dma_start3A_174 = arith.constant 0 : i32
    %dma_start3A_175 = arith.constant 0 : i32
    %dma_start3A_176 = tpu.memref_slice %arg3[%dma_start3A_174, %dma_start3A_175] : memref<1000000x128xf32, #tpu.memory_space<hbm>> -> memref<1000000x128xf32, #tpu.memory_space<hbm>>
    tpu.enqueue_indirect_dma source(%dma_start3A_176 : memref<1000000x128xf32, #tpu.memory_space<hbm>>) target(%dma_start3A_170 : memref<128x128xf32, #tpu.memory_space<vmem>>) offsets(%dma_start3A_173 : memref<128xi32, #tpu.memory_space<vmem>>) semaphore(%arg7 : memref<!tpu.dma_semaphore, #tpu.memory_space<semaphore_mem>>)
    %dma_wait3A_177 = arith.constant 2 : i32
    %dma_wait3A_178 = arith.constant 2 : i32
    %dma_wait3A_179 = arith.constant 0 : i32
    %dma_wait3A_180 = arith.constant 0 : i32
    %dma_wait3A_181 = tpu.memref_slice %arg6[%dma_wait3A_178, %dma_wait3A_179, %dma_wait3A_180] : memref<6x128x128xf32, #tpu.memory_space<vmem>> -> memref<1x128x128xf32, #tpu.memory_space<vmem>>
    %dma_wait3A_182 = tpu.memref_squeeze %dma_wait3A_181 : memref<1x128x128xf32, #tpu.memory_space<vmem>> -> memref<128x128xf32, #tpu.memory_space<vmem>>
    %dma_wait3A_183 = arith.constant 0 : i32
    %dma_wait3A_184 = tpu.memref_slice %arg5[%dma_wait3A_177, %dma_wait3A_183] : memref<10x128xi32, #tpu.memory_space<vmem>> -> memref<1x128xi32, #tpu.memory_space<vmem>>
    %dma_wait3A_185 = tpu.memref_squeeze %dma_wait3A_184 : memref<1x128xi32, #tpu.memory_space<vmem>> -> memref<128xi32, #tpu.memory_space<vmem>>
    %dma_wait3A_186 = arith.constant 0 : i32
    %dma_wait3A_187 = arith.constant 0 : i32
    %dma_wait3A_188 = tpu.memref_slice %arg3[%dma_wait3A_186, %dma_wait3A_187] : memref<1000000x128xf32, #tpu.memory_space<hbm>> -> memref<1000000x128xf32, #tpu.memory_space<hbm>>
    tpu.wait_indirect_dma semaphore(%arg7 : memref<!tpu.dma_semaphore, #tpu.memory_space<semaphore_mem>>) src(%dma_wait3A_188 : memref<1000000x128xf32, #tpu.memory_space<hbm>>) dst(%dma_wait3A_182 : memref<128x128xf32, #tpu.memory_space<vmem>>)
    %add3A_189 = arith.constant 256 : i32
    %add3A_190 = arith.addi %mul3A_2, %add3A_189 : i32
    %dma_start3A_191 = arith.constant 2 : i32
    %dma_start3A_192 = arith.constant 0 : i32
    %dma_start3A_193 = arith.constant 0 : i32
    %dma_start3A_194 = tpu.memref_slice %arg6[%dma_start3A_191, %dma_start3A_192, %dma_start3A_193] : memref<6x128x128xf32, #tpu.memory_space<vmem>> -> memref<1x128x128xf32, #tpu.memory_space<vmem>>
    %dma_start3A_195 = tpu.memref_squeeze %dma_start3A_194 : memref<1x128x128xf32, #tpu.memory_space<vmem>> -> memref<128x128xf32, #tpu.memory_space<vmem>>
    %dma_start3A_196 = arith.constant 0 : i32
    %dma_start3A_197 = tpu.memref_slice %arg4[%add3A_190, %dma_start3A_196] : memref<40960x128xf32, #tpu.memory_space<hbm>> -> memref<128x128xf32, #tpu.memory_space<hbm>>
    %dma_start3A_198 = arith.constant 0 : i32
    %dma_start3A_199 = tpu.memref_slice %arg4[%add3A_190, %dma_start3A_198] : memref<40960x128xf32, #tpu.memory_space<hbm>> -> memref<128x128xf32, #tpu.memory_space<hbm>>
    %dma_start3A_200 = arith.constant 0 : i32
    %dma_start3A_201 = arith.constant 0 : i32
    %dma_start3A_202 = tpu.memref_slice %arg6[%dma_start3A_191, %dma_start3A_200, %dma_start3A_201] : memref<6x128x128xf32, #tpu.memory_space<vmem>> -> memref<1x128x128xf32, #tpu.memory_space<vmem>>
    %dma_start3A_203 = tpu.memref_squeeze %dma_start3A_202 : memref<1x128x128xf32, #tpu.memory_space<vmem>> -> memref<128x128xf32, #tpu.memory_space<vmem>>
    tpu.enqueue_dma source(%dma_start3A_203 : memref<128x128xf32, #tpu.memory_space<vmem>>) target(%dma_start3A_199 : memref<128x128xf32, #tpu.memory_space<hbm>>) target_semaphore(%arg8 : memref<!tpu.dma_semaphore, #tpu.memory_space<semaphore_mem>>)
    %dma_wait3A_204 = arith.constant 2 : i32
    %dma_wait3A_205 = arith.constant 0 : i32
    %dma_wait3A_206 = arith.constant 0 : i32
    %dma_wait3A_207 = tpu.memref_slice %arg6[%dma_wait3A_204, %dma_wait3A_205, %dma_wait3A_206] : memref<6x128x128xf32, #tpu.memory_space<vmem>> -> memref<1x128x128xf32, #tpu.memory_space<vmem>>
    %dma_wait3A_208 = tpu.memref_squeeze %dma_wait3A_207 : memref<1x128x128xf32, #tpu.memory_space<vmem>> -> memref<128x128xf32, #tpu.memory_space<vmem>>
    %dma_wait3A_209 = arith.constant 0 : i32
    %dma_wait3A_210 = tpu.memref_slice %arg4[%add3A_190, %dma_wait3A_209] : memref<40960x128xf32, #tpu.memory_space<hbm>> -> memref<128x128xf32, #tpu.memory_space<hbm>>
    %dma_wait3A_211 = arith.constant 0 : i32
    %dma_wait3A_212 = tpu.memref_slice %arg4[%add3A_190, %dma_wait3A_211] : memref<40960x128xf32, #tpu.memory_space<hbm>> -> memref<128x128xf32, #tpu.memory_space<hbm>>
    %dma_wait3A_213 = arith.constant 0 : i32
    %dma_wait3A_214 = arith.constant 0 : i32
    %dma_wait3A_215 = tpu.memref_slice %arg6[%dma_wait3A_204, %dma_wait3A_213, %dma_wait3A_214] : memref<6x128x128xf32, #tpu.memory_space<vmem>> -> memref<1x128x128xf32, #tpu.memory_space<vmem>>
    %dma_wait3A_216 = tpu.memref_squeeze %dma_wait3A_215 : memref<1x128x128xf32, #tpu.memory_space<vmem>> -> memref<128x128xf32, #tpu.memory_space<vmem>>
    tpu.wait_dma2 semaphore(%arg8 : memref<!tpu.dma_semaphore, #tpu.memory_space<semaphore_mem>>) src(%dma_wait3A_216 : memref<128x128xf32, #tpu.memory_space<vmem>>) dst(%dma_wait3A_212 : memref<128x128xf32, #tpu.memory_space<hbm>>)
    %dma_start3A_217 = arith.constant 8 : i32
    %dma_start3A_218 = arith.constant 2 : i32
    %dma_start3A_219 = arith.constant 0 : i32
    %dma_start3A_220 = arith.constant 0 : i32
    %dma_start3A_221 = tpu.memref_slice %arg6[%dma_start3A_218, %dma_start3A_219, %dma_start3A_220] : memref<6x128x128xf32, #tpu.memory_space<vmem>> -> memref<1x128x128xf32, #tpu.memory_space<vmem>>
    %dma_start3A_222 = tpu.memref_squeeze %dma_start3A_221 : memref<1x128x128xf32, #tpu.memory_space<vmem>> -> memref<128x128xf32, #tpu.memory_space<vmem>>
    %dma_start3A_223 = arith.constant 0 : i32
    %dma_start3A_224 = tpu.memref_slice %arg5[%dma_start3A_217, %dma_start3A_223] : memref<10x128xi32, #tpu.memory_space<vmem>> -> memref<1x128xi32, #tpu.memory_space<vmem>>
    %dma_start3A_225 = tpu.memref_squeeze %dma_start3A_224 : memref<1x128xi32, #tpu.memory_space<vmem>> -> memref<128xi32, #tpu.memory_space<vmem>>
    %dma_start3A_226 = arith.constant 0 : i32
    %dma_start3A_227 = arith.constant 0 : i32
    %dma_start3A_228 = tpu.memref_slice %arg3[%dma_start3A_226, %dma_start3A_227] : memref<1000000x128xf32, #tpu.memory_space<hbm>> -> memref<1000000x128xf32, #tpu.memory_space<hbm>>
    tpu.enqueue_indirect_dma source(%dma_start3A_228 : memref<1000000x128xf32, #tpu.memory_space<hbm>>) target(%dma_start3A_222 : memref<128x128xf32, #tpu.memory_space<vmem>>) offsets(%dma_start3A_225 : memref<128xi32, #tpu.memory_space<vmem>>) semaphore(%arg7 : memref<!tpu.dma_semaphore, #tpu.memory_space<semaphore_mem>>)
    %dma_wait3A_229 = arith.constant 3 : i32
    %dma_wait3A_230 = arith.constant 3 : i32
    %dma_wait3A_231 = arith.constant 0 : i32
    %dma_wait3A_232 = arith.constant 0 : i32
    %dma_wait3A_233 = tpu.memref_slice %arg6[%dma_wait3A_230, %dma_wait3A_231, %dma_wait3A_232] : memref<6x128x128xf32, #tpu.memory_space<vmem>> -> memref<1x128x128xf32, #tpu.memory_space<vmem>>
    %dma_wait3A_234 = tpu.memref_squeeze %dma_wait3A_233 : memref<1x128x128xf32, #tpu.memory_space<vmem>> -> memref<128x128xf32, #tpu.memory_space<vmem>>
    %dma_wait3A_235 = arith.constant 0 : i32
    %dma_wait3A_236 = tpu.memref_slice %arg5[%dma_wait3A_229, %dma_wait3A_235] : memref<10x128xi32, #tpu.memory_space<vmem>> -> memref<1x128xi32, #tpu.memory_space<vmem>>
    %dma_wait3A_237 = tpu.memref_squeeze %dma_wait3A_236 : memref<1x128xi32, #tpu.memory_space<vmem>> -> memref<128xi32, #tpu.memory_space<vmem>>
    %dma_wait3A_238 = arith.constant 0 : i32
    %dma_wait3A_239 = arith.constant 0 : i32
    %dma_wait3A_240 = tpu.memref_slice %arg3[%dma_wait3A_238, %dma_wait3A_239] : memref<1000000x128xf32, #tpu.memory_space<hbm>> -> memref<1000000x128xf32, #tpu.memory_space<hbm>>
    tpu.wait_indirect_dma semaphore(%arg7 : memref<!tpu.dma_semaphore, #tpu.memory_space<semaphore_mem>>) src(%dma_wait3A_240 : memref<1000000x128xf32, #tpu.memory_space<hbm>>) dst(%dma_wait3A_234 : memref<128x128xf32, #tpu.memory_space<vmem>>)
    %add3A_241 = arith.constant 384 : i32
    %add3A_242 = arith.addi %mul3A_2, %add3A_241 : i32
    %dma_start3A_243 = arith.constant 3 : i32
    %dma_start3A_244 = arith.constant 0 : i32
    %dma_start3A_245 = arith.constant 0 : i32
    %dma_start3A_246 = tpu.memref_slice %arg6[%dma_start3A_243, %dma_start3A_244, %dma_start3A_245] : memref<6x128x128xf32, #tpu.memory_space<vmem>> -> memref<1x128x128xf32, #tpu.memory_space<vmem>>
    %dma_start3A_247 = tpu.memref_squeeze %dma_start3A_246 : memref<1x128x128xf32, #tpu.memory_space<vmem>> -> memref<128x128xf32, #tpu.memory_space<vmem>>
    %dma_start3A_248 = arith.constant 0 : i32
    %dma_start3A_249 = tpu.memref_slice %arg4[%add3A_242, %dma_start3A_248] : memref<40960x128xf32, #tpu.memory_space<hbm>> -> memref<128x128xf32, #tpu.memory_space<hbm>>
    %dma_start3A_250 = arith.constant 0 : i32
    %dma_start3A_251 = tpu.memref_slice %arg4[%add3A_242, %dma_start3A_250] : memref<40960x128xf32, #tpu.memory_space<hbm>> -> memref<128x128xf32, #tpu.memory_space<hbm>>
    %dma_start3A_252 = arith.constant 0 : i32
    %dma_start3A_253 = arith.constant 0 : i32
    %dma_start3A_254 = tpu.memref_slice %arg6[%dma_start3A_243, %dma_start3A_252, %dma_start3A_253] : memref<6x128x128xf32, #tpu.memory_space<vmem>> -> memref<1x128x128xf32, #tpu.memory_space<vmem>>
    %dma_start3A_255 = tpu.memref_squeeze %dma_start3A_254 : memref<1x128x128xf32, #tpu.memory_space<vmem>> -> memref<128x128xf32, #tpu.memory_space<vmem>>
    tpu.enqueue_dma source(%dma_start3A_255 : memref<128x128xf32, #tpu.memory_space<vmem>>) target(%dma_start3A_251 : memref<128x128xf32, #tpu.memory_space<hbm>>) target_semaphore(%arg8 : memref<!tpu.dma_semaphore, #tpu.memory_space<semaphore_mem>>)
    %dma_wait3A_256 = arith.constant 3 : i32
    %dma_wait3A_257 = arith.constant 0 : i32
    %dma_wait3A_258 = arith.constant 0 : i32
    %dma_wait3A_259 = tpu.memref_slice %arg6[%dma_wait3A_256, %dma_wait3A_257, %dma_wait3A_258] : memref<6x128x128xf32, #tpu.memory_space<vmem>> -> memref<1x128x128xf32, #tpu.memory_space<vmem>>
    %dma_wait3A_260 = tpu.memref_squeeze %dma_wait3A_259 : memref<1x128x128xf32, #tpu.memory_space<vmem>> -> memref<128x128xf32, #tpu.memory_space<vmem>>
    %dma_wait3A_261 = arith.constant 0 : i32
    %dma_wait3A_262 = tpu.memref_slice %arg4[%add3A_242, %dma_wait3A_261] : memref<40960x128xf32, #tpu.memory_space<hbm>> -> memref<128x128xf32, #tpu.memory_space<hbm>>
    %dma_wait3A_263 = arith.constant 0 : i32
    %dma_wait3A_264 = tpu.memref_slice %arg4[%add3A_242, %dma_wait3A_263] : memref<40960x128xf32, #tpu.memory_space<hbm>> -> memref<128x128xf32, #tpu.memory_space<hbm>>
    %dma_wait3A_265 = arith.constant 0 : i32
    %dma_wait3A_266 = arith.constant 0 : i32
    %dma_wait3A_267 = tpu.memref_slice %arg6[%dma_wait3A_256, %dma_wait3A_265, %dma_wait3A_266] : memref<6x128x128xf32, #tpu.memory_space<vmem>> -> memref<1x128x128xf32, #tpu.memory_space<vmem>>
    %dma_wait3A_268 = tpu.memref_squeeze %dma_wait3A_267 : memref<1x128x128xf32, #tpu.memory_space<vmem>> -> memref<128x128xf32, #tpu.memory_space<vmem>>
    tpu.wait_dma2 semaphore(%arg8 : memref<!tpu.dma_semaphore, #tpu.memory_space<semaphore_mem>>) src(%dma_wait3A_268 : memref<128x128xf32, #tpu.memory_space<vmem>>) dst(%dma_wait3A_264 : memref<128x128xf32, #tpu.memory_space<hbm>>)
    %dma_start3A_269 = arith.constant 9 : i32
    %dma_start3A_270 = arith.constant 3 : i32
    %dma_start3A_271 = arith.constant 0 : i32
    %dma_start3A_272 = arith.constant 0 : i32
    %dma_start3A_273 = tpu.memref_slice %arg6[%dma_start3A_270, %dma_start3A_271, %dma_start3A_272] : memref<6x128x128xf32, #tpu.memory_space<vmem>> -> memref<1x128x128xf32, #tpu.memory_space<vmem>>
    %dma_start3A_274 = tpu.memref_squeeze %dma_start3A_273 : memref<1x128x128xf32, #tpu.memory_space<vmem>> -> memref<128x128xf32, #tpu.memory_space<vmem>>
    %dma_start3A_275 = arith.constant 0 : i32
    %dma_start3A_276 = tpu.memref_slice %arg5[%dma_start3A_269, %dma_start3A_275] : memref<10x128xi32, #tpu.memory_space<vmem>> -> memref<1x128xi32, #tpu.memory_space<vmem>>
    %dma_start3A_277 = tpu.memref_squeeze %dma_start3A_276 : memref<1x128xi32, #tpu.memory_space<vmem>> -> memref<128xi32, #tpu.memory_space<vmem>>
    %dma_start3A_278 = arith.constant 0 : i32
    %dma_start3A_279 = arith.constant 0 : i32
    %dma_start3A_280 = tpu.memref_slice %arg3[%dma_start3A_278, %dma_start3A_279] : memref<1000000x128xf32, #tpu.memory_space<hbm>> -> memref<1000000x128xf32, #tpu.memory_space<hbm>>
    tpu.enqueue_indirect_dma source(%dma_start3A_280 : memref<1000000x128xf32, #tpu.memory_space<hbm>>) target(%dma_start3A_274 : memref<128x128xf32, #tpu.memory_space<vmem>>) offsets(%dma_start3A_277 : memref<128xi32, #tpu.memory_space<vmem>>) semaphore(%arg7 : memref<!tpu.dma_semaphore, #tpu.memory_space<semaphore_mem>>)
    %dma_wait3A_281 = arith.constant 4 : i32
    %dma_wait3A_282 = arith.constant 4 : i32
    %dma_wait3A_283 = arith.constant 0 : i32
    %dma_wait3A_284 = arith.constant 0 : i32
    %dma_wait3A_285 = tpu.memref_slice %arg6[%dma_wait3A_282, %dma_wait3A_283, %dma_wait3A_284] : memref<6x128x128xf32, #tpu.memory_space<vmem>> -> memref<1x128x128xf32, #tpu.memory_space<vmem>>
    %dma_wait3A_286 = tpu.memref_squeeze %dma_wait3A_285 : memref<1x128x128xf32, #tpu.memory_space<vmem>> -> memref<128x128xf32, #tpu.memory_space<vmem>>
    %dma_wait3A_287 = arith.constant 0 : i32
    %dma_wait3A_288 = tpu.memref_slice %arg5[%dma_wait3A_281, %dma_wait3A_287] : memref<10x128xi32, #tpu.memory_space<vmem>> -> memref<1x128xi32, #tpu.memory_space<vmem>>
    %dma_wait3A_289 = tpu.memref_squeeze %dma_wait3A_288 : memref<1x128xi32, #tpu.memory_space<vmem>> -> memref<128xi32, #tpu.memory_space<vmem>>
    %dma_wait3A_290 = arith.constant 0 : i32
    %dma_wait3A_291 = arith.constant 0 : i32
    %dma_wait3A_292 = tpu.memref_slice %arg3[%dma_wait3A_290, %dma_wait3A_291] : memref<1000000x128xf32, #tpu.memory_space<hbm>> -> memref<1000000x128xf32, #tpu.memory_space<hbm>>
    tpu.wait_indirect_dma semaphore(%arg7 : memref<!tpu.dma_semaphore, #tpu.memory_space<semaphore_mem>>) src(%dma_wait3A_292 : memref<1000000x128xf32, #tpu.memory_space<hbm>>) dst(%dma_wait3A_286 : memref<128x128xf32, #tpu.memory_space<vmem>>)
    %add3A_293 = arith.constant 512 : i32
    %add3A_294 = arith.addi %mul3A_2, %add3A_293 : i32
    %dma_start3A_295 = arith.constant 4 : i32
    %dma_start3A_296 = arith.constant 0 : i32
    %dma_start3A_297 = arith.constant 0 : i32
    %dma_start3A_298 = tpu.memref_slice %arg6[%dma_start3A_295, %dma_start3A_296, %dma_start3A_297] : memref<6x128x128xf32, #tpu.memory_space<vmem>> -> memref<1x128x128xf32, #tpu.memory_space<vmem>>
    %dma_start3A_299 = tpu.memref_squeeze %dma_start3A_298 : memref<1x128x128xf32, #tpu.memory_space<vmem>> -> memref<128x128xf32, #tpu.memory_space<vmem>>
    %dma_start3A_300 = arith.constant 0 : i32
    %dma_start3A_301 = tpu.memref_slice %arg4[%add3A_294, %dma_start3A_300] : memref<40960x128xf32, #tpu.memory_space<hbm>> -> memref<128x128xf32, #tpu.memory_space<hbm>>
    %dma_start3A_302 = arith.constant 0 : i32
    %dma_start3A_303 = tpu.memref_slice %arg4[%add3A_294, %dma_start3A_302] : memref<40960x128xf32, #tpu.memory_space<hbm>> -> memref<128x128xf32, #tpu.memory_space<hbm>>
    %dma_start3A_304 = arith.constant 0 : i32
    %dma_start3A_305 = arith.constant 0 : i32
    %dma_start3A_306 = tpu.memref_slice %arg6[%dma_start3A_295, %dma_start3A_304, %dma_start3A_305] : memref<6x128x128xf32, #tpu.memory_space<vmem>> -> memref<1x128x128xf32, #tpu.memory_space<vmem>>
    %dma_start3A_307 = tpu.memref_squeeze %dma_start3A_306 : memref<1x128x128xf32, #tpu.memory_space<vmem>> -> memref<128x128xf32, #tpu.memory_space<vmem>>
    tpu.enqueue_dma source(%dma_start3A_307 : memref<128x128xf32, #tpu.memory_space<vmem>>) target(%dma_start3A_303 : memref<128x128xf32, #tpu.memory_space<hbm>>) target_semaphore(%arg8 : memref<!tpu.dma_semaphore, #tpu.memory_space<semaphore_mem>>)
    %dma_wait3A_308 = arith.constant 5 : i32
    %dma_wait3A_309 = arith.constant 5 : i32
    %dma_wait3A_310 = arith.constant 0 : i32
    %dma_wait3A_311 = arith.constant 0 : i32
    %dma_wait3A_312 = tpu.memref_slice %arg6[%dma_wait3A_309, %dma_wait3A_310, %dma_wait3A_311] : memref<6x128x128xf32, #tpu.memory_space<vmem>> -> memref<1x128x128xf32, #tpu.memory_space<vmem>>
    %dma_wait3A_313 = tpu.memref_squeeze %dma_wait3A_312 : memref<1x128x128xf32, #tpu.memory_space<vmem>> -> memref<128x128xf32, #tpu.memory_space<vmem>>
    %dma_wait3A_314 = arith.constant 0 : i32
    %dma_wait3A_315 = tpu.memref_slice %arg5[%dma_wait3A_308, %dma_wait3A_314] : memref<10x128xi32, #tpu.memory_space<vmem>> -> memref<1x128xi32, #tpu.memory_space<vmem>>
    %dma_wait3A_316 = tpu.memref_squeeze %dma_wait3A_315 : memref<1x128xi32, #tpu.memory_space<vmem>> -> memref<128xi32, #tpu.memory_space<vmem>>
    %dma_wait3A_317 = arith.constant 0 : i32
    %dma_wait3A_318 = arith.constant 0 : i32
    %dma_wait3A_319 = tpu.memref_slice %arg3[%dma_wait3A_317, %dma_wait3A_318] : memref<1000000x128xf32, #tpu.memory_space<hbm>> -> memref<1000000x128xf32, #tpu.memory_space<hbm>>
    tpu.wait_indirect_dma semaphore(%arg7 : memref<!tpu.dma_semaphore, #tpu.memory_space<semaphore_mem>>) src(%dma_wait3A_319 : memref<1000000x128xf32, #tpu.memory_space<hbm>>) dst(%dma_wait3A_313 : memref<128x128xf32, #tpu.memory_space<vmem>>)
    %add3A_320 = arith.constant 640 : i32
    %add3A_321 = arith.addi %mul3A_2, %add3A_320 : i32
    %dma_start3A_322 = arith.constant 5 : i32
    %dma_start3A_323 = arith.constant 0 : i32
    %dma_start3A_324 = arith.constant 0 : i32
    %dma_start3A_325 = tpu.memref_slice %arg6[%dma_start3A_322, %dma_start3A_323, %dma_start3A_324] : memref<6x128x128xf32, #tpu.memory_space<vmem>> -> memref<1x128x128xf32, #tpu.memory_space<vmem>>
    %dma_start3A_326 = tpu.memref_squeeze %dma_start3A_325 : memref<1x128x128xf32, #tpu.memory_space<vmem>> -> memref<128x128xf32, #tpu.memory_space<vmem>>
    %dma_start3A_327 = arith.constant 0 : i32
    %dma_start3A_328 = tpu.memref_slice %arg4[%add3A_321, %dma_start3A_327] : memref<40960x128xf32, #tpu.memory_space<hbm>> -> memref<128x128xf32, #tpu.memory_space<hbm>>
    %dma_start3A_329 = arith.constant 0 : i32
    %dma_start3A_330 = tpu.memref_slice %arg4[%add3A_321, %dma_start3A_329] : memref<40960x128xf32, #tpu.memory_space<hbm>> -> memref<128x128xf32, #tpu.memory_space<hbm>>
    %dma_start3A_331 = arith.constant 0 : i32
    %dma_start3A_332 = arith.constant 0 : i32
    %dma_start3A_333 = tpu.memref_slice %arg6[%dma_start3A_322, %dma_start3A_331, %dma_start3A_332] : memref<6x128x128xf32, #tpu.memory_space<vmem>> -> memref<1x128x128xf32, #tpu.memory_space<vmem>>
    %dma_start3A_334 = tpu.memref_squeeze %dma_start3A_333 : memref<1x128x128xf32, #tpu.memory_space<vmem>> -> memref<128x128xf32, #tpu.memory_space<vmem>>
    tpu.enqueue_dma source(%dma_start3A_334 : memref<128x128xf32, #tpu.memory_space<vmem>>) target(%dma_start3A_330 : memref<128x128xf32, #tpu.memory_space<hbm>>) target_semaphore(%arg8 : memref<!tpu.dma_semaphore, #tpu.memory_space<semaphore_mem>>)
    %dma_wait3A_335 = arith.constant 6 : i32
    %dma_wait3A_336 = arith.constant 0 : i32
    %dma_wait3A_337 = arith.constant 0 : i32
    %dma_wait3A_338 = arith.constant 0 : i32
    %dma_wait3A_339 = tpu.memref_slice %arg6[%dma_wait3A_336, %dma_wait3A_337, %dma_wait3A_338] : memref<6x128x128xf32, #tpu.memory_space<vmem>> -> memref<1x128x128xf32, #tpu.memory_space<vmem>>
    %dma_wait3A_340 = tpu.memref_squeeze %dma_wait3A_339 : memref<1x128x128xf32, #tpu.memory_space<vmem>> -> memref<128x128xf32, #tpu.memory_space<vmem>>
    %dma_wait3A_341 = arith.constant 0 : i32
    %dma_wait3A_342 = tpu.memref_slice %arg5[%dma_wait3A_335, %dma_wait3A_341] : memref<10x128xi32, #tpu.memory_space<vmem>> -> memref<1x128xi32, #tpu.memory_space<vmem>>
    %dma_wait3A_343 = tpu.memref_squeeze %dma_wait3A_342 : memref<1x128xi32, #tpu.memory_space<vmem>> -> memref<128xi32, #tpu.memory_space<vmem>>
    %dma_wait3A_344 = arith.constant 0 : i32
    %dma_wait3A_345 = arith.constant 0 : i32
    %dma_wait3A_346 = tpu.memref_slice %arg3[%dma_wait3A_344, %dma_wait3A_345] : memref<1000000x128xf32, #tpu.memory_space<hbm>> -> memref<1000000x128xf32, #tpu.memory_space<hbm>>
    tpu.wait_indirect_dma semaphore(%arg7 : memref<!tpu.dma_semaphore, #tpu.memory_space<semaphore_mem>>) src(%dma_wait3A_346 : memref<1000000x128xf32, #tpu.memory_space<hbm>>) dst(%dma_wait3A_340 : memref<128x128xf32, #tpu.memory_space<vmem>>)
    %add3A_347 = arith.constant 768 : i32
    %add3A_348 = arith.addi %mul3A_2, %add3A_347 : i32
    %dma_start3A_349 = arith.constant 0 : i32
    %dma_start3A_350 = arith.constant 0 : i32
    %dma_start3A_351 = arith.constant 0 : i32
    %dma_start3A_352 = tpu.memref_slice %arg6[%dma_start3A_349, %dma_start3A_350, %dma_start3A_351] : memref<6x128x128xf32, #tpu.memory_space<vmem>> -> memref<1x128x128xf32, #tpu.memory_space<vmem>>
    %dma_start3A_353 = tpu.memref_squeeze %dma_start3A_352 : memref<1x128x128xf32, #tpu.memory_space<vmem>> -> memref<128x128xf32, #tpu.memory_space<vmem>>
    %dma_start3A_354 = arith.constant 0 : i32
    %dma_start3A_355 = tpu.memref_slice %arg4[%add3A_348, %dma_start3A_354] : memref<40960x128xf32, #tpu.memory_space<hbm>> -> memref<128x128xf32, #tpu.memory_space<hbm>>
    %dma_start3A_356 = arith.constant 0 : i32
    %dma_start3A_357 = tpu.memref_slice %arg4[%add3A_348, %dma_start3A_356] : memref<40960x128xf32, #tpu.memory_space<hbm>> -> memref<128x128xf32, #tpu.memory_space<hbm>>
    %dma_start3A_358 = arith.constant 0 : i32
    %dma_start3A_359 = arith.constant 0 : i32
    %dma_start3A_360 = tpu.memref_slice %arg6[%dma_start3A_349, %dma_start3A_358, %dma_start3A_359] : memref<6x128x128xf32, #tpu.memory_space<vmem>> -> memref<1x128x128xf32, #tpu.memory_space<vmem>>
    %dma_start3A_361 = tpu.memref_squeeze %dma_start3A_360 : memref<1x128x128xf32, #tpu.memory_space<vmem>> -> memref<128x128xf32, #tpu.memory_space<vmem>>
    tpu.enqueue_dma source(%dma_start3A_361 : memref<128x128xf32, #tpu.memory_space<vmem>>) target(%dma_start3A_357 : memref<128x128xf32, #tpu.memory_space<hbm>>) target_semaphore(%arg8 : memref<!tpu.dma_semaphore, #tpu.memory_space<semaphore_mem>>)
    %dma_wait3A_362 = arith.constant 7 : i32
    %dma_wait3A_363 = arith.constant 1 : i32
    %dma_wait3A_364 = arith.constant 0 : i32
    %dma_wait3A_365 = arith.constant 0 : i32
    %dma_wait3A_366 = tpu.memref_slice %arg6[%dma_wait3A_363, %dma_wait3A_364, %dma_wait3A_365] : memref<6x128x128xf32, #tpu.memory_space<vmem>> -> memref<1x128x128xf32, #tpu.memory_space<vmem>>
    %dma_wait3A_367 = tpu.memref_squeeze %dma_wait3A_366 : memref<1x128x128xf32, #tpu.memory_space<vmem>> -> memref<128x128xf32, #tpu.memory_space<vmem>>
    %dma_wait3A_368 = arith.constant 0 : i32
    %dma_wait3A_369 = tpu.memref_slice %arg5[%dma_wait3A_362, %dma_wait3A_368] : memref<10x128xi32, #tpu.memory_space<vmem>> -> memref<1x128xi32, #tpu.memory_space<vmem>>
    %dma_wait3A_370 = tpu.memref_squeeze %dma_wait3A_369 : memref<1x128xi32, #tpu.memory_space<vmem>> -> memref<128xi32, #tpu.memory_space<vmem>>
    %dma_wait3A_371 = arith.constant 0 : i32
    %dma_wait3A_372 = arith.constant 0 : i32
    %dma_wait3A_373 = tpu.memref_slice %arg3[%dma_wait3A_371, %dma_wait3A_372] : memref<1000000x128xf32, #tpu.memory_space<hbm>> -> memref<1000000x128xf32, #tpu.memory_space<hbm>>
    tpu.wait_indirect_dma semaphore(%arg7 : memref<!tpu.dma_semaphore, #tpu.memory_space<semaphore_mem>>) src(%dma_wait3A_373 : memref<1000000x128xf32, #tpu.memory_space<hbm>>) dst(%dma_wait3A_367 : memref<128x128xf32, #tpu.memory_space<vmem>>)
    %add3A_374 = arith.constant 896 : i32
    %add3A_375 = arith.addi %mul3A_2, %add3A_374 : i32
    %dma_start3A_376 = arith.constant 1 : i32
    %dma_start3A_377 = arith.constant 0 : i32
    %dma_start3A_378 = arith.constant 0 : i32
    %dma_start3A_379 = tpu.memref_slice %arg6[%dma_start3A_376, %dma_start3A_377, %dma_start3A_378] : memref<6x128x128xf32, #tpu.memory_space<vmem>> -> memref<1x128x128xf32, #tpu.memory_space<vmem>>
    %dma_start3A_380 = tpu.memref_squeeze %dma_start3A_379 : memref<1x128x128xf32, #tpu.memory_space<vmem>> -> memref<128x128xf32, #tpu.memory_space<vmem>>
    %dma_start3A_381 = arith.constant 0 : i32
    %dma_start3A_382 = tpu.memref_slice %arg4[%add3A_375, %dma_start3A_381] : memref<40960x128xf32, #tpu.memory_space<hbm>> -> memref<128x128xf32, #tpu.memory_space<hbm>>
    %dma_start3A_383 = arith.constant 0 : i32
    %dma_start3A_384 = tpu.memref_slice %arg4[%add3A_375, %dma_start3A_383] : memref<40960x128xf32, #tpu.memory_space<hbm>> -> memref<128x128xf32, #tpu.memory_space<hbm>>
    %dma_start3A_385 = arith.constant 0 : i32
    %dma_start3A_386 = arith.constant 0 : i32
    %dma_start3A_387 = tpu.memref_slice %arg6[%dma_start3A_376, %dma_start3A_385, %dma_start3A_386] : memref<6x128x128xf32, #tpu.memory_space<vmem>> -> memref<1x128x128xf32, #tpu.memory_space<vmem>>
    %dma_start3A_388 = tpu.memref_squeeze %dma_start3A_387 : memref<1x128x128xf32, #tpu.memory_space<vmem>> -> memref<128x128xf32, #tpu.memory_space<vmem>>
    tpu.enqueue_dma source(%dma_start3A_388 : memref<128x128xf32, #tpu.memory_space<vmem>>) target(%dma_start3A_384 : memref<128x128xf32, #tpu.memory_space<hbm>>) target_semaphore(%arg8 : memref<!tpu.dma_semaphore, #tpu.memory_space<semaphore_mem>>)
    %dma_wait3A_389 = arith.constant 8 : i32
    %dma_wait3A_390 = arith.constant 2 : i32
    %dma_wait3A_391 = arith.constant 0 : i32
    %dma_wait3A_392 = arith.constant 0 : i32
    %dma_wait3A_393 = tpu.memref_slice %arg6[%dma_wait3A_390, %dma_wait3A_391, %dma_wait3A_392] : memref<6x128x128xf32, #tpu.memory_space<vmem>> -> memref<1x128x128xf32, #tpu.memory_space<vmem>>
    %dma_wait3A_394 = tpu.memref_squeeze %dma_wait3A_393 : memref<1x128x128xf32, #tpu.memory_space<vmem>> -> memref<128x128xf32, #tpu.memory_space<vmem>>
    %dma_wait3A_395 = arith.constant 0 : i32
    %dma_wait3A_396 = tpu.memref_slice %arg5[%dma_wait3A_389, %dma_wait3A_395] : memref<10x128xi32, #tpu.memory_space<vmem>> -> memref<1x128xi32, #tpu.memory_space<vmem>>
    %dma_wait3A_397 = tpu.memref_squeeze %dma_wait3A_396 : memref<1x128xi32, #tpu.memory_space<vmem>> -> memref<128xi32, #tpu.memory_space<vmem>>
    %dma_wait3A_398 = arith.constant 0 : i32
    %dma_wait3A_399 = arith.constant 0 : i32
    %dma_wait3A_400 = tpu.memref_slice %arg3[%dma_wait3A_398, %dma_wait3A_399] : memref<1000000x128xf32, #tpu.memory_space<hbm>> -> memref<1000000x128xf32, #tpu.memory_space<hbm>>
    tpu.wait_indirect_dma semaphore(%arg7 : memref<!tpu.dma_semaphore, #tpu.memory_space<semaphore_mem>>) src(%dma_wait3A_400 : memref<1000000x128xf32, #tpu.memory_space<hbm>>) dst(%dma_wait3A_394 : memref<128x128xf32, #tpu.memory_space<vmem>>)
    %add3A_401 = arith.constant 1024 : i32
    %add3A_402 = arith.addi %mul3A_2, %add3A_401 : i32
    %dma_start3A_403 = arith.constant 2 : i32
    %dma_start3A_404 = arith.constant 0 : i32
    %dma_start3A_405 = arith.constant 0 : i32
    %dma_start3A_406 = tpu.memref_slice %arg6[%dma_start3A_403, %dma_start3A_404, %dma_start3A_405] : memref<6x128x128xf32, #tpu.memory_space<vmem>> -> memref<1x128x128xf32, #tpu.memory_space<vmem>>
    %dma_start3A_407 = tpu.memref_squeeze %dma_start3A_406 : memref<1x128x128xf32, #tpu.memory_space<vmem>> -> memref<128x128xf32, #tpu.memory_space<vmem>>
    %dma_start3A_408 = arith.constant 0 : i32
    %dma_start3A_409 = tpu.memref_slice %arg4[%add3A_402, %dma_start3A_408] : memref<40960x128xf32, #tpu.memory_space<hbm>> -> memref<128x128xf32, #tpu.memory_space<hbm>>
    %dma_start3A_410 = arith.constant 0 : i32
    %dma_start3A_411 = tpu.memref_slice %arg4[%add3A_402, %dma_start3A_410] : memref<40960x128xf32, #tpu.memory_space<hbm>> -> memref<128x128xf32, #tpu.memory_space<hbm>>
    %dma_start3A_412 = arith.constant 0 : i32
    %dma_start3A_413 = arith.constant 0 : i32
    %dma_start3A_414 = tpu.memref_slice %arg6[%dma_start3A_403, %dma_start3A_412, %dma_start3A_413] : memref<6x128x128xf32, #tpu.memory_space<vmem>> -> memref<1x128x128xf32, #tpu.memory_space<vmem>>
    %dma_start3A_415 = tpu.memref_squeeze %dma_start3A_414 : memref<1x128x128xf32, #tpu.memory_space<vmem>> -> memref<128x128xf32, #tpu.memory_space<vmem>>
    tpu.enqueue_dma source(%dma_start3A_415 : memref<128x128xf32, #tpu.memory_space<vmem>>) target(%dma_start3A_411 : memref<128x128xf32, #tpu.memory_space<hbm>>) target_semaphore(%arg8 : memref<!tpu.dma_semaphore, #tpu.memory_space<semaphore_mem>>)
    %dma_wait3A_416 = arith.constant 9 : i32
    %dma_wait3A_417 = arith.constant 3 : i32
    %dma_wait3A_418 = arith.constant 0 : i32
    %dma_wait3A_419 = arith.constant 0 : i32
    %dma_wait3A_420 = tpu.memref_slice %arg6[%dma_wait3A_417, %dma_wait3A_418, %dma_wait3A_419] : memref<6x128x128xf32, #tpu.memory_space<vmem>> -> memref<1x128x128xf32, #tpu.memory_space<vmem>>
    %dma_wait3A_421 = tpu.memref_squeeze %dma_wait3A_420 : memref<1x128x128xf32, #tpu.memory_space<vmem>> -> memref<128x128xf32, #tpu.memory_space<vmem>>
    %dma_wait3A_422 = arith.constant 0 : i32
    %dma_wait3A_423 = tpu.memref_slice %arg5[%dma_wait3A_416, %dma_wait3A_422] : memref<10x128xi32, #tpu.memory_space<vmem>> -> memref<1x128xi32, #tpu.memory_space<vmem>>
    %dma_wait3A_424 = tpu.memref_squeeze %dma_wait3A_423 : memref<1x128xi32, #tpu.memory_space<vmem>> -> memref<128xi32, #tpu.memory_space<vmem>>
    %dma_wait3A_425 = arith.constant 0 : i32
    %dma_wait3A_426 = arith.constant 0 : i32
    %dma_wait3A_427 = tpu.memref_slice %arg3[%dma_wait3A_425, %dma_wait3A_426] : memref<1000000x128xf32, #tpu.memory_space<hbm>> -> memref<1000000x128xf32, #tpu.memory_space<hbm>>
    tpu.wait_indirect_dma semaphore(%arg7 : memref<!tpu.dma_semaphore, #tpu.memory_space<semaphore_mem>>) src(%dma_wait3A_427 : memref<1000000x128xf32, #tpu.memory_space<hbm>>) dst(%dma_wait3A_421 : memref<128x128xf32, #tpu.memory_space<vmem>>)
    %add3A_428 = arith.constant 1152 : i32
    %add3A_429 = arith.addi %mul3A_2, %add3A_428 : i32
    %dma_start3A_430 = arith.constant 3 : i32
    %dma_start3A_431 = arith.constant 0 : i32
    %dma_start3A_432 = arith.constant 0 : i32
    %dma_start3A_433 = tpu.memref_slice %arg6[%dma_start3A_430, %dma_start3A_431, %dma_start3A_432] : memref<6x128x128xf32, #tpu.memory_space<vmem>> -> memref<1x128x128xf32, #tpu.memory_space<vmem>>
    %dma_start3A_434 = tpu.memref_squeeze %dma_start3A_433 : memref<1x128x128xf32, #tpu.memory_space<vmem>> -> memref<128x128xf32, #tpu.memory_space<vmem>>
    %dma_start3A_435 = arith.constant 0 : i32
    %dma_start3A_436 = tpu.memref_slice %arg4[%add3A_429, %dma_start3A_435] : memref<40960x128xf32, #tpu.memory_space<hbm>> -> memref<128x128xf32, #tpu.memory_space<hbm>>
    %dma_start3A_437 = arith.constant 0 : i32
    %dma_start3A_438 = tpu.memref_slice %arg4[%add3A_429, %dma_start3A_437] : memref<40960x128xf32, #tpu.memory_space<hbm>> -> memref<128x128xf32, #tpu.memory_space<hbm>>
    %dma_start3A_439 = arith.constant 0 : i32
    %dma_start3A_440 = arith.constant 0 : i32
    %dma_start3A_441 = tpu.memref_slice %arg6[%dma_start3A_430, %dma_start3A_439, %dma_start3A_440] : memref<6x128x128xf32, #tpu.memory_space<vmem>> -> memref<1x128x128xf32, #tpu.memory_space<vmem>>
    %dma_start3A_442 = tpu.memref_squeeze %dma_start3A_441 : memref<1x128x128xf32, #tpu.memory_space<vmem>> -> memref<128x128xf32, #tpu.memory_space<vmem>>
    tpu.enqueue_dma source(%dma_start3A_442 : memref<128x128xf32, #tpu.memory_space<vmem>>) target(%dma_start3A_438 : memref<128x128xf32, #tpu.memory_space<hbm>>) target_semaphore(%arg8 : memref<!tpu.dma_semaphore, #tpu.memory_space<semaphore_mem>>)
    %dma_wait3A_443 = arith.constant 4 : i32
    %dma_wait3A_444 = arith.constant 0 : i32
    %dma_wait3A_445 = arith.constant 0 : i32
    %dma_wait3A_446 = tpu.memref_slice %arg6[%dma_wait3A_443, %dma_wait3A_444, %dma_wait3A_445] : memref<6x128x128xf32, #tpu.memory_space<vmem>> -> memref<1x128x128xf32, #tpu.memory_space<vmem>>
    %dma_wait3A_447 = tpu.memref_squeeze %dma_wait3A_446 : memref<1x128x128xf32, #tpu.memory_space<vmem>> -> memref<128x128xf32, #tpu.memory_space<vmem>>
    %dma_wait3A_448 = arith.constant 0 : i32
    %dma_wait3A_449 = tpu.memref_slice %arg4[%add3A_294, %dma_wait3A_448] : memref<40960x128xf32, #tpu.memory_space<hbm>> -> memref<128x128xf32, #tpu.memory_space<hbm>>
    %dma_wait3A_450 = arith.constant 0 : i32
    %dma_wait3A_451 = tpu.memref_slice %arg4[%add3A_294, %dma_wait3A_450] : memref<40960x128xf32, #tpu.memory_space<hbm>> -> memref<128x128xf32, #tpu.memory_space<hbm>>
    %dma_wait3A_452 = arith.constant 0 : i32
    %dma_wait3A_453 = arith.constant 0 : i32
    %dma_wait3A_454 = tpu.memref_slice %arg6[%dma_wait3A_443, %dma_wait3A_452, %dma_wait3A_453] : memref<6x128x128xf32, #tpu.memory_space<vmem>> -> memref<1x128x128xf32, #tpu.memory_space<vmem>>
    %dma_wait3A_455 = tpu.memref_squeeze %dma_wait3A_454 : memref<1x128x128xf32, #tpu.memory_space<vmem>> -> memref<128x128xf32, #tpu.memory_space<vmem>>
    tpu.wait_dma2 semaphore(%arg8 : memref<!tpu.dma_semaphore, #tpu.memory_space<semaphore_mem>>) src(%dma_wait3A_455 : memref<128x128xf32, #tpu.memory_space<vmem>>) dst(%dma_wait3A_451 : memref<128x128xf32, #tpu.memory_space<hbm>>)
    %dma_wait3A_456 = arith.constant 5 : i32
    %dma_wait3A_457 = arith.constant 0 : i32
    %dma_wait3A_458 = arith.constant 0 : i32
    %dma_wait3A_459 = tpu.memref_slice %arg6[%dma_wait3A_456, %dma_wait3A_457, %dma_wait3A_458] : memref<6x128x128xf32, #tpu.memory_space<vmem>> -> memref<1x128x128xf32, #tpu.memory_space<vmem>>
    %dma_wait3A_460 = tpu.memref_squeeze %dma_wait3A_459 : memref<1x128x128xf32, #tpu.memory_space<vmem>> -> memref<128x128xf32, #tpu.memory_space<vmem>>
    %dma_wait3A_461 = arith.constant 0 : i32
    %dma_wait3A_462 = tpu.memref_slice %arg4[%add3A_321, %dma_wait3A_461] : memref<40960x128xf32, #tpu.memory_space<hbm>> -> memref<128x128xf32, #tpu.memory_space<hbm>>
    %dma_wait3A_463 = arith.constant 0 : i32
    %dma_wait3A_464 = tpu.memref_slice %arg4[%add3A_321, %dma_wait3A_463] : memref<40960x128xf32, #tpu.memory_space<hbm>> -> memref<128x128xf32, #tpu.memory_space<hbm>>
    %dma_wait3A_465 = arith.constant 0 : i32
    %dma_wait3A_466 = arith.constant 0 : i32
    %dma_wait3A_467 = tpu.memref_slice %arg6[%dma_wait3A_456, %dma_wait3A_465, %dma_wait3A_466] : memref<6x128x128xf32, #tpu.memory_space<vmem>> -> memref<1x128x128xf32, #tpu.memory_space<vmem>>
    %dma_wait3A_468 = tpu.memref_squeeze %dma_wait3A_467 : memref<1x128x128xf32, #tpu.memory_space<vmem>> -> memref<128x128xf32, #tpu.memory_space<vmem>>
    tpu.wait_dma2 semaphore(%arg8 : memref<!tpu.dma_semaphore, #tpu.memory_space<semaphore_mem>>) src(%dma_wait3A_468 : memref<128x128xf32, #tpu.memory_space<vmem>>) dst(%dma_wait3A_464 : memref<128x128xf32, #tpu.memory_space<hbm>>)
    %dma_wait3A_469 = arith.constant 0 : i32
    %dma_wait3A_470 = arith.constant 0 : i32
    %dma_wait3A_471 = arith.constant 0 : i32
    %dma_wait3A_472 = tpu.memref_slice %arg6[%dma_wait3A_469, %dma_wait3A_470, %dma_wait3A_471] : memref<6x128x128xf32, #tpu.memory_space<vmem>> -> memref<1x128x128xf32, #tpu.memory_space<vmem>>
    %dma_wait3A_473 = tpu.memref_squeeze %dma_wait3A_472 : memref<1x128x128xf32, #tpu.memory_space<vmem>> -> memref<128x128xf32, #tpu.memory_space<vmem>>
    %dma_wait3A_474 = arith.constant 0 : i32
    %dma_wait3A_475 = tpu.memref_slice %arg4[%add3A_348, %dma_wait3A_474] : memref<40960x128xf32, #tpu.memory_space<hbm>> -> memref<128x128xf32, #tpu.memory_space<hbm>>
    %dma_wait3A_476 = arith.constant 0 : i32
    %dma_wait3A_477 = tpu.memref_slice %arg4[%add3A_348, %dma_wait3A_476] : memref<40960x128xf32, #tpu.memory_space<hbm>> -> memref<128x128xf32, #tpu.memory_space<hbm>>
    %dma_wait3A_478 = arith.constant 0 : i32
    %dma_wait3A_479 = arith.constant 0 : i32
    %dma_wait3A_480 = tpu.memref_slice %arg6[%dma_wait3A_469, %dma_wait3A_478, %dma_wait3A_479] : memref<6x128x128xf32, #tpu.memory_space<vmem>> -> memref<1x128x128xf32, #tpu.memory_space<vmem>>
    %dma_wait3A_481 = tpu.memref_squeeze %dma_wait3A_480 : memref<1x128x128xf32, #tpu.memory_space<vmem>> -> memref<128x128xf32, #tpu.memory_space<vmem>>
    tpu.wait_dma2 semaphore(%arg8 : memref<!tpu.dma_semaphore, #tpu.memory_space<semaphore_mem>>) src(%dma_wait3A_481 : memref<128x128xf32, #tpu.memory_space<vmem>>) dst(%dma_wait3A_477 : memref<128x128xf32, #tpu.memory_space<hbm>>)
    %dma_wait3A_482 = arith.constant 1 : i32
    %dma_wait3A_483 = arith.constant 0 : i32
    %dma_wait3A_484 = arith.constant 0 : i32
    %dma_wait3A_485 = tpu.memref_slice %arg6[%dma_wait3A_482, %dma_wait3A_483, %dma_wait3A_484] : memref<6x128x128xf32, #tpu.memory_space<vmem>> -> memref<1x128x128xf32, #tpu.memory_space<vmem>>
    %dma_wait3A_486 = tpu.memref_squeeze %dma_wait3A_485 : memref<1x128x128xf32, #tpu.memory_space<vmem>> -> memref<128x128xf32, #tpu.memory_space<vmem>>
    %dma_wait3A_487 = arith.constant 0 : i32
    %dma_wait3A_488 = tpu.memref_slice %arg4[%add3A_375, %dma_wait3A_487] : memref<40960x128xf32, #tpu.memory_space<hbm>> -> memref<128x128xf32, #tpu.memory_space<hbm>>
    %dma_wait3A_489 = arith.constant 0 : i32
    %dma_wait3A_490 = tpu.memref_slice %arg4[%add3A_375, %dma_wait3A_489] : memref<40960x128xf32, #tpu.memory_space<hbm>> -> memref<128x128xf32, #tpu.memory_space<hbm>>
    %dma_wait3A_491 = arith.constant 0 : i32
    %dma_wait3A_492 = arith.constant 0 : i32
    %dma_wait3A_493 = tpu.memref_slice %arg6[%dma_wait3A_482, %dma_wait3A_491, %dma_wait3A_492] : memref<6x128x128xf32, #tpu.memory_space<vmem>> -> memref<1x128x128xf32, #tpu.memory_space<vmem>>
    %dma_wait3A_494 = tpu.memref_squeeze %dma_wait3A_493 : memref<1x128x128xf32, #tpu.memory_space<vmem>> -> memref<128x128xf32, #tpu.memory_space<vmem>>
    tpu.wait_dma2 semaphore(%arg8 : memref<!tpu.dma_semaphore, #tpu.memory_space<semaphore_mem>>) src(%dma_wait3A_494 : memref<128x128xf32, #tpu.memory_space<vmem>>) dst(%dma_wait3A_490 : memref<128x128xf32, #tpu.memory_space<hbm>>)
    %dma_wait3A_495 = arith.constant 2 : i32
    %dma_wait3A_496 = arith.constant 0 : i32
    %dma_wait3A_497 = arith.constant 0 : i32
    %dma_wait3A_498 = tpu.memref_slice %arg6[%dma_wait3A_495, %dma_wait3A_496, %dma_wait3A_497] : memref<6x128x128xf32, #tpu.memory_space<vmem>> -> memref<1x128x128xf32, #tpu.memory_space<vmem>>
    %dma_wait3A_499 = tpu.memref_squeeze %dma_wait3A_498 : memref<1x128x128xf32, #tpu.memory_space<vmem>> -> memref<128x128xf32, #tpu.memory_space<vmem>>
    %dma_wait3A_500 = arith.constant 0 : i32
    %dma_wait3A_501 = tpu.memref_slice %arg4[%add3A_402, %dma_wait3A_500] : memref<40960x128xf32, #tpu.memory_space<hbm>> -> memref<128x128xf32, #tpu.memory_space<hbm>>
    %dma_wait3A_502 = arith.constant 0 : i32
    %dma_wait3A_503 = tpu.memref_slice %arg4[%add3A_402, %dma_wait3A_502] : memref<40960x128xf32, #tpu.memory_space<hbm>> -> memref<128x128xf32, #tpu.memory_space<hbm>>
    %dma_wait3A_504 = arith.constant 0 : i32
    %dma_wait3A_505 = arith.constant 0 : i32
    %dma_wait3A_506 = tpu.memref_slice %arg6[%dma_wait3A_495, %dma_wait3A_504, %dma_wait3A_505] : memref<6x128x128xf32, #tpu.memory_space<vmem>> -> memref<1x128x128xf32, #tpu.memory_space<vmem>>
    %dma_wait3A_507 = tpu.memref_squeeze %dma_wait3A_506 : memref<1x128x128xf32, #tpu.memory_space<vmem>> -> memref<128x128xf32, #tpu.memory_space<vmem>>
    tpu.wait_dma2 semaphore(%arg8 : memref<!tpu.dma_semaphore, #tpu.memory_space<semaphore_mem>>) src(%dma_wait3A_507 : memref<128x128xf32, #tpu.memory_space<vmem>>) dst(%dma_wait3A_503 : memref<128x128xf32, #tpu.memory_space<hbm>>)
    %dma_wait3A_508 = arith.constant 3 : i32
    %dma_wait3A_509 = arith.constant 0 : i32
    %dma_wait3A_510 = arith.constant 0 : i32
    %dma_wait3A_511 = tpu.memref_slice %arg6[%dma_wait3A_508, %dma_wait3A_509, %dma_wait3A_510] : memref<6x128x128xf32, #tpu.memory_space<vmem>> -> memref<1x128x128xf32, #tpu.memory_space<vmem>>
    %dma_wait3A_512 = tpu.memref_squeeze %dma_wait3A_511 : memref<1x128x128xf32, #tpu.memory_space<vmem>> -> memref<128x128xf32, #tpu.memory_space<vmem>>
    %dma_wait3A_513 = arith.constant 0 : i32
    %dma_wait3A_514 = tpu.memref_slice %arg4[%add3A_429, %dma_wait3A_513] : memref<40960x128xf32, #tpu.memory_space<hbm>> -> memref<128x128xf32, #tpu.memory_space<hbm>>
    %dma_wait3A_515 = arith.constant 0 : i32
    %dma_wait3A_516 = tpu.memref_slice %arg4[%add3A_429, %dma_wait3A_515] : memref<40960x128xf32, #tpu.memory_space<hbm>> -> memref<128x128xf32, #tpu.memory_space<hbm>>
    %dma_wait3A_517 = arith.constant 0 : i32
    %dma_wait3A_518 = arith.constant 0 : i32
    %dma_wait3A_519 = tpu.memref_slice %arg6[%dma_wait3A_508, %dma_wait3A_517, %dma_wait3A_518] : memref<6x128x128xf32, #tpu.memory_space<vmem>> -> memref<1x128x128xf32, #tpu.memory_space<vmem>>
    %dma_wait3A_520 = tpu.memref_squeeze %dma_wait3A_519 : memref<1x128x128xf32, #tpu.memory_space<vmem>> -> memref<128x128xf32, #tpu.memory_space<vmem>>
    tpu.wait_dma2 semaphore(%arg8 : memref<!tpu.dma_semaphore, #tpu.memory_space<semaphore_mem>>) src(%dma_wait3A_520 : memref<128x128xf32, #tpu.memory_space<vmem>>) dst(%dma_wait3A_516 : memref<128x128xf32, #tpu.memory_space<hbm>>)
    return
  }
}

#map = affine_map<(d0, d1) -> (0, 0, 0)>
#map1 = affine_map<(d0, d1) -> (0, 0)>
module attributes {stable_mosaic.version = 14 : i64} {
  func.func @_sc_gather(%arg0: i32, %arg1: i32, %arg2: memref<32x10x128xi32, #tpu.memory_space<hbm>>, %arg3: memref<1000000x128xf32, #tpu.memory_space<hbm>>, %arg4: memref<40960x128xf32, #tpu.memory_space<hbm>>, %arg5: memref<10x128xi32, #tpu.memory_space<vmem>>, %arg6: memref<6x128x128xf32, #tpu.memory_space<vmem>>, %arg7: memref<!tpu.dma_semaphore, #tpu.memory_space<semaphore_mem>>, %arg8: memref<!tpu.dma_semaphore, #tpu.memory_space<semaphore_mem>>) attributes {dimension_semantics = [#tpu.dimension_semantics<core_parallel>, #tpu.dimension_semantics<subcore_parallel>], iteration_bounds = array<i64: 2, 16>, scalar_prefetch = 0 : i64, scratch_operands = 4 : i64, tpu.core_type = #tpu.core_type<sc_vector_subcore>, window_params = [{transform_indices = #map}, {transform_indices = #map1}, {transform_indices = #map1}]} {
    %mul3A = arith.constant 2 : i32
    %mul3A_0 = arith.muli %arg1, %mul3A : i32
    %add3A = arith.addi %mul3A_0, %arg0 : i32
    %mul3A_1 = arith.constant 1280 : i32
    %mul3A_2 = arith.muli %add3A, %mul3A_1 : i32
    "tpu.region"() ({
      %run_scoped3A = tpu.sem_alloc : memref<!tpu.dma_semaphore, #tpu.memory_space<semaphore_mem>>
      %dma_start3A_521 = arith.constant 0 : i32
      %dma_start3A_522 = arith.constant 0 : i32
      %dma_start3A_523 = tpu.memref_slice %arg2[%add3A, %dma_start3A_521, %dma_start3A_522] : memref<32x10x128xi32, #tpu.memory_space<hbm>> -> memref<1x10x128xi32, #tpu.memory_space<hbm>>
      %dma_start3A_524 = tpu.memref_squeeze %dma_start3A_523 : memref<1x10x128xi32, #tpu.memory_space<hbm>> -> memref<10x128xi32, #tpu.memory_space<hbm>>
      %dma_start3A_525 = arith.constant 0 : i32
      %dma_start3A_526 = arith.constant 0 : i32
      %dma_start3A_527 = tpu.memref_slice %arg2[%add3A, %dma_start3A_525, %dma_start3A_526] : memref<32x10x128xi32, #tpu.memory_space<hbm>> -> memref<1x10x128xi32, #tpu.memory_space<hbm>>
      %dma_start3A_528 = tpu.memref_squeeze %dma_start3A_527 : memref<1x10x128xi32, #tpu.memory_space<hbm>> -> memref<10x128xi32, #tpu.memory_space<hbm>>
      tpu.enqueue_dma source(%dma_start3A_528 : memref<10x128xi32, #tpu.memory_space<hbm>>) target(%arg5 : memref<10x128xi32, #tpu.memory_space<vmem>>) target_semaphore(%run_scoped3A : memref<!tpu.dma_semaphore, #tpu.memory_space<semaphore_mem>>)
      %dma_wait3A_529 = arith.constant 0 : i32
      %dma_wait3A_530 = arith.constant 0 : i32
      %dma_wait3A_531 = tpu.memref_slice %arg2[%add3A, %dma_wait3A_529, %dma_wait3A_530] : memref<32x10x128xi32, #tpu.memory_space<hbm>> -> memref<1x10x128xi32, #tpu.memory_space<hbm>>
      %dma_wait3A_532 = tpu.memref_squeeze %dma_wait3A_531 : memref<1x10x128xi32, #tpu.memory_space<hbm>> -> memref<10x128xi32, #tpu.memory_space<hbm>>
      %dma_wait3A_533 = arith.constant 0 : i32
      %dma_wait3A_534 = arith.constant 0 : i32
      %dma_wait3A_535 = tpu.memref_slice %arg2[%add3A, %dma_wait3A_533, %dma_wait3A_534] : memref<32x10x128xi32, #tpu.memory_space<hbm>> -> memref<1x10x128xi32, #tpu.memory_space<hbm>>
      %dma_wait3A_536 = tpu.memref_squeeze %dma_wait3A_535 : memref<1x10x128xi32, #tpu.memory_space<hbm>> -> memref<10x128xi32, #tpu.memory_space<hbm>>
      tpu.wait_dma2 semaphore(%run_scoped3A : memref<!tpu.dma_semaphore, #tpu.memory_space<semaphore_mem>>) src(%dma_wait3A_536 : memref<10x128xi32, #tpu.memory_space<hbm>>) dst(%arg5 : memref<10x128xi32, #tpu.memory_space<vmem>>)
      tpu.yield
    }) : () -> ()
    %dma_start3A = arith.constant 0 : i32
    %dma_start3A_3 = arith.constant 0 : i32
    %dma_start3A_4 = arith.constant 0 : i32
    %dma_start3A_5 = arith.constant 0 : i32
    %dma_start3A_6 = tpu.memref_slice %arg6[%dma_start3A_3, %dma_start3A_4, %dma_start3A_5] : memref<6x128x128xf32, #tpu.memory_space<vmem>> -> memref<1x128x128xf32, #tpu.memory_space<vmem>>
    %dma_start3A_7 = tpu.memref_squeeze %dma_start3A_6 : memref<1x128x128xf32, #tpu.memory_space<vmem>> -> memref<128x128xf32, #tpu.memory_space<vmem>>
    %dma_start3A_8 = arith.constant 0 : i32
    %dma_start3A_9 = tpu.memref_slice %arg5[%dma_start3A, %dma_start3A_8] : memref<10x128xi32, #tpu.memory_space<vmem>> -> memref<1x128xi32, #tpu.memory_space<vmem>>
    %dma_start3A_10 = tpu.memref_squeeze %dma_start3A_9 : memref<1x128xi32, #tpu.memory_space<vmem>> -> memref<128xi32, #tpu.memory_space<vmem>>
    %dma_start3A_11 = arith.constant 0 : i32
    %dma_start3A_12 = arith.constant 0 : i32
    %dma_start3A_13 = tpu.memref_slice %arg3[%dma_start3A_11, %dma_start3A_12] : memref<1000000x128xf32, #tpu.memory_space<hbm>> -> memref<1000000x128xf32, #tpu.memory_space<hbm>>
    tpu.enqueue_indirect_dma source(%dma_start3A_13 : memref<1000000x128xf32, #tpu.memory_space<hbm>>) target(%dma_start3A_7 : memref<128x128xf32, #tpu.memory_space<vmem>>) offsets(%dma_start3A_10 : memref<128xi32, #tpu.memory_space<vmem>>) semaphore(%arg7 : memref<!tpu.dma_semaphore, #tpu.memory_space<semaphore_mem>>)
    %dma_start3A_14 = arith.constant 1 : i32
    %dma_start3A_15 = arith.constant 1 : i32
    %dma_start3A_16 = arith.constant 0 : i32
    %dma_start3A_17 = arith.constant 0 : i32
    %dma_start3A_18 = tpu.memref_slice %arg6[%dma_start3A_15, %dma_start3A_16, %dma_start3A_17] : memref<6x128x128xf32, #tpu.memory_space<vmem>> -> memref<1x128x128xf32, #tpu.memory_space<vmem>>
    %dma_start3A_19 = tpu.memref_squeeze %dma_start3A_18 : memref<1x128x128xf32, #tpu.memory_space<vmem>> -> memref<128x128xf32, #tpu.memory_space<vmem>>
    %dma_start3A_20 = arith.constant 0 : i32
    %dma_start3A_21 = tpu.memref_slice %arg5[%dma_start3A_14, %dma_start3A_20] : memref<10x128xi32, #tpu.memory_space<vmem>> -> memref<1x128xi32, #tpu.memory_space<vmem>>
    %dma_start3A_22 = tpu.memref_squeeze %dma_start3A_21 : memref<1x128xi32, #tpu.memory_space<vmem>> -> memref<128xi32, #tpu.memory_space<vmem>>
    %dma_start3A_23 = arith.constant 0 : i32
    %dma_start3A_24 = arith.constant 0 : i32
    %dma_start3A_25 = tpu.memref_slice %arg3[%dma_start3A_23, %dma_start3A_24] : memref<1000000x128xf32, #tpu.memory_space<hbm>> -> memref<1000000x128xf32, #tpu.memory_space<hbm>>
    tpu.enqueue_indirect_dma source(%dma_start3A_25 : memref<1000000x128xf32, #tpu.memory_space<hbm>>) target(%dma_start3A_19 : memref<128x128xf32, #tpu.memory_space<vmem>>) offsets(%dma_start3A_22 : memref<128xi32, #tpu.memory_space<vmem>>) semaphore(%arg7 : memref<!tpu.dma_semaphore, #tpu.memory_space<semaphore_mem>>)
    %dma_start3A_26 = arith.constant 2 : i32
    %dma_start3A_27 = arith.constant 2 : i32
    %dma_start3A_28 = arith.constant 0 : i32
    %dma_start3A_29 = arith.constant 0 : i32
    %dma_start3A_30 = tpu.memref_slice %arg6[%dma_start3A_27, %dma_start3A_28, %dma_start3A_29] : memref<6x128x128xf32, #tpu.memory_space<vmem>> -> memref<1x128x128xf32, #tpu.memory_space<vmem>>
    %dma_start3A_31 = tpu.memref_squeeze %dma_start3A_30 : memref<1x128x128xf32, #tpu.memory_space<vmem>> -> memref<128x128xf32, #tpu.memory_space<vmem>>
    %dma_start3A_32 = arith.constant 0 : i32
    %dma_start3A_33 = tpu.memref_slice %arg5[%dma_start3A_26, %dma_start3A_32] : memref<10x128xi32, #tpu.memory_space<vmem>> -> memref<1x128xi32, #tpu.memory_space<vmem>>
    %dma_start3A_34 = tpu.memref_squeeze %dma_start3A_33 : memref<1x128xi32, #tpu.memory_space<vmem>> -> memref<128xi32, #tpu.memory_space<vmem>>
    %dma_start3A_35 = arith.constant 0 : i32
    %dma_start3A_36 = arith.constant 0 : i32
    %dma_start3A_37 = tpu.memref_slice %arg3[%dma_start3A_35, %dma_start3A_36] : memref<1000000x128xf32, #tpu.memory_space<hbm>> -> memref<1000000x128xf32, #tpu.memory_space<hbm>>
    tpu.enqueue_indirect_dma source(%dma_start3A_37 : memref<1000000x128xf32, #tpu.memory_space<hbm>>) target(%dma_start3A_31 : memref<128x128xf32, #tpu.memory_space<vmem>>) offsets(%dma_start3A_34 : memref<128xi32, #tpu.memory_space<vmem>>) semaphore(%arg7 : memref<!tpu.dma_semaphore, #tpu.memory_space<semaphore_mem>>)
    %dma_start3A_38 = arith.constant 3 : i32
    %dma_start3A_39 = arith.constant 3 : i32
    %dma_start3A_40 = arith.constant 0 : i32
    %dma_start3A_41 = arith.constant 0 : i32
    %dma_start3A_42 = tpu.memref_slice %arg6[%dma_start3A_39, %dma_start3A_40, %dma_start3A_41] : memref<6x128x128xf32, #tpu.memory_space<vmem>> -> memref<1x128x128xf32, #tpu.memory_space<vmem>>
    %dma_start3A_43 = tpu.memref_squeeze %dma_start3A_42 : memref<1x128x128xf32, #tpu.memory_space<vmem>> -> memref<128x128xf32, #tpu.memory_space<vmem>>
    %dma_start3A_44 = arith.constant 0 : i32
    %dma_start3A_45 = tpu.memref_slice %arg5[%dma_start3A_38, %dma_start3A_44] : memref<10x128xi32, #tpu.memory_space<vmem>> -> memref<1x128xi32, #tpu.memory_space<vmem>>
    %dma_start3A_46 = tpu.memref_squeeze %dma_start3A_45 : memref<1x128xi32, #tpu.memory_space<vmem>> -> memref<128xi32, #tpu.memory_space<vmem>>
    %dma_start3A_47 = arith.constant 0 : i32
    %dma_start3A_48 = arith.constant 0 : i32
    %dma_start3A_49 = tpu.memref_slice %arg3[%dma_start3A_47, %dma_start3A_48] : memref<1000000x128xf32, #tpu.memory_space<hbm>> -> memref<1000000x128xf32, #tpu.memory_space<hbm>>
    tpu.enqueue_indirect_dma source(%dma_start3A_49 : memref<1000000x128xf32, #tpu.memory_space<hbm>>) target(%dma_start3A_43 : memref<128x128xf32, #tpu.memory_space<vmem>>) offsets(%dma_start3A_46 : memref<128xi32, #tpu.memory_space<vmem>>) semaphore(%arg7 : memref<!tpu.dma_semaphore, #tpu.memory_space<semaphore_mem>>)
    %dma_start3A_50 = arith.constant 4 : i32
    %dma_start3A_51 = arith.constant 4 : i32
    %dma_start3A_52 = arith.constant 0 : i32
    %dma_start3A_53 = arith.constant 0 : i32
    %dma_start3A_54 = tpu.memref_slice %arg6[%dma_start3A_51, %dma_start3A_52, %dma_start3A_53] : memref<6x128x128xf32, #tpu.memory_space<vmem>> -> memref<1x128x128xf32, #tpu.memory_space<vmem>>
    %dma_start3A_55 = tpu.memref_squeeze %dma_start3A_54 : memref<1x128x128xf32, #tpu.memory_space<vmem>> -> memref<128x128xf32, #tpu.memory_space<vmem>>
    %dma_start3A_56 = arith.constant 0 : i32
    %dma_start3A_57 = tpu.memref_slice %arg5[%dma_start3A_50, %dma_start3A_56] : memref<10x128xi32, #tpu.memory_space<vmem>> -> memref<1x128xi32, #tpu.memory_space<vmem>>
    %dma_start3A_58 = tpu.memref_squeeze %dma_start3A_57 : memref<1x128xi32, #tpu.memory_space<vmem>> -> memref<128xi32, #tpu.memory_space<vmem>>
    %dma_start3A_59 = arith.constant 0 : i32
    %dma_start3A_60 = arith.constant 0 : i32
    %dma_start3A_61 = tpu.memref_slice %arg3[%dma_start3A_59, %dma_start3A_60] : memref<1000000x128xf32, #tpu.memory_space<hbm>> -> memref<1000000x128xf32, #tpu.memory_space<hbm>>
    tpu.enqueue_indirect_dma source(%dma_start3A_61 : memref<1000000x128xf32, #tpu.memory_space<hbm>>) target(%dma_start3A_55 : memref<128x128xf32, #tpu.memory_space<vmem>>) offsets(%dma_start3A_58 : memref<128xi32, #tpu.memory_space<vmem>>) semaphore(%arg7 : memref<!tpu.dma_semaphore, #tpu.memory_space<semaphore_mem>>)
    %dma_start3A_62 = arith.constant 5 : i32
    %dma_start3A_63 = arith.constant 5 : i32
    %dma_start3A_64 = arith.constant 0 : i32
    %dma_start3A_65 = arith.constant 0 : i32
    %dma_start3A_66 = tpu.memref_slice %arg6[%dma_start3A_63, %dma_start3A_64, %dma_start3A_65] : memref<6x128x128xf32, #tpu.memory_space<vmem>> -> memref<1x128x128xf32, #tpu.memory_space<vmem>>
    %dma_start3A_67 = tpu.memref_squeeze %dma_start3A_66 : memref<1x128x128xf32, #tpu.memory_space<vmem>> -> memref<128x128xf32, #tpu.memory_space<vmem>>
    %dma_start3A_68 = arith.constant 0 : i32
    %dma_start3A_69 = tpu.memref_slice %arg5[%dma_start3A_62, %dma_start3A_68] : memref<10x128xi32, #tpu.memory_space<vmem>> -> memref<1x128xi32, #tpu.memory_space<vmem>>
    %dma_start3A_70 = tpu.memref_squeeze %dma_start3A_69 : memref<1x128xi32, #tpu.memory_space<vmem>> -> memref<128xi32, #tpu.memory_space<vmem>>
    %dma_start3A_71 = arith.constant 0 : i32
    %dma_start3A_72 = arith.constant 0 : i32
    %dma_start3A_73 = tpu.memref_slice %arg3[%dma_start3A_71, %dma_start3A_72] : memref<1000000x128xf32, #tpu.memory_space<hbm>> -> memref<1000000x128xf32, #tpu.memory_space<hbm>>
    tpu.enqueue_indirect_dma source(%dma_start3A_73 : memref<1000000x128xf32, #tpu.memory_space<hbm>>) target(%dma_start3A_67 : memref<128x128xf32, #tpu.memory_space<vmem>>) offsets(%dma_start3A_70 : memref<128xi32, #tpu.memory_space<vmem>>) semaphore(%arg7 : memref<!tpu.dma_semaphore, #tpu.memory_space<semaphore_mem>>)
    %dma_wait3A = arith.constant 0 : i32
    %dma_wait3A_74 = arith.constant 0 : i32
    %dma_wait3A_75 = arith.constant 0 : i32
    %dma_wait3A_76 = arith.constant 0 : i32
    %dma_wait3A_77 = tpu.memref_slice %arg6[%dma_wait3A_74, %dma_wait3A_75, %dma_wait3A_76] : memref<6x128x128xf32, #tpu.memory_space<vmem>> -> memref<1x128x128xf32, #tpu.memory_space<vmem>>
    %dma_wait3A_78 = tpu.memref_squeeze %dma_wait3A_77 : memref<1x128x128xf32, #tpu.memory_space<vmem>> -> memref<128x128xf32, #tpu.memory_space<vmem>>
    %dma_wait3A_79 = arith.constant 0 : i32
    %dma_wait3A_80 = tpu.memref_slice %arg5[%dma_wait3A, %dma_wait3A_79] : memref<10x128xi32, #tpu.memory_space<vmem>> -> memref<1x128xi32, #tpu.memory_space<vmem>>
    %dma_wait3A_81 = tpu.memref_squeeze %dma_wait3A_80 : memref<1x128xi32, #tpu.memory_space<vmem>> -> memref<128xi32, #tpu.memory_space<vmem>>
    %dma_wait3A_82 = arith.constant 0 : i32
    %dma_wait3A_83 = arith.constant 0 : i32
    %dma_wait3A_84 = tpu.memref_slice %arg3[%dma_wait3A_82, %dma_wait3A_83] : memref<1000000x128xf32, #tpu.memory_space<hbm>> -> memref<1000000x128xf32, #tpu.memory_space<hbm>>
    tpu.wait_indirect_dma semaphore(%arg7 : memref<!tpu.dma_semaphore, #tpu.memory_space<semaphore_mem>>) src(%dma_wait3A_84 : memref<1000000x128xf32, #tpu.memory_space<hbm>>) dst(%dma_wait3A_78 : memref<128x128xf32, #tpu.memory_space<vmem>>)
    %add3A_85 = arith.constant 0 : i32
    %add3A_86 = arith.addi %mul3A_2, %add3A_85 : i32
    %dma_start3A_87 = arith.constant 0 : i32
    %dma_start3A_88 = arith.constant 0 : i32
    %dma_start3A_89 = arith.constant 0 : i32
    %dma_start3A_90 = tpu.memref_slice %arg6[%dma_start3A_87, %dma_start3A_88, %dma_start3A_89] : memref<6x128x128xf32, #tpu.memory_space<vmem>> -> memref<1x128x128xf32, #tpu.memory_space<vmem>>
    %dma_start3A_91 = tpu.memref_squeeze %dma_start3A_90 : memref<1x128x128xf32, #tpu.memory_space<vmem>> -> memref<128x128xf32, #tpu.memory_space<vmem>>
    %dma_start3A_92 = arith.constant 0 : i32
    %dma_start3A_93 = tpu.memref_slice %arg4[%add3A_86, %dma_start3A_92] : memref<40960x128xf32, #tpu.memory_space<hbm>> -> memref<128x128xf32, #tpu.memory_space<hbm>>
    %dma_start3A_94 = arith.constant 0 : i32
    %dma_start3A_95 = tpu.memref_slice %arg4[%add3A_86, %dma_start3A_94] : memref<40960x128xf32, #tpu.memory_space<hbm>> -> memref<128x128xf32, #tpu.memory_space<hbm>>
    %dma_start3A_96 = arith.constant 0 : i32
    %dma_start3A_97 = arith.constant 0 : i32
    %dma_start3A_98 = tpu.memref_slice %arg6[%dma_start3A_87, %dma_start3A_96, %dma_start3A_97] : memref<6x128x128xf32, #tpu.memory_space<vmem>> -> memref<1x128x128xf32, #tpu.memory_space<vmem>>
    %dma_start3A_99 = tpu.memref_squeeze %dma_start3A_98 : memref<1x128x128xf32, #tpu.memory_space<vmem>> -> memref<128x128xf32, #tpu.memory_space<vmem>>
    tpu.enqueue_dma source(%dma_start3A_99 : memref<128x128xf32, #tpu.memory_space<vmem>>) target(%dma_start3A_95 : memref<128x128xf32, #tpu.memory_space<hbm>>) target_semaphore(%arg8 : memref<!tpu.dma_semaphore, #tpu.memory_space<semaphore_mem>>)
    %dma_wait3A_100 = arith.constant 0 : i32
    %dma_wait3A_101 = arith.constant 0 : i32
    %dma_wait3A_102 = arith.constant 0 : i32
    %dma_wait3A_103 = tpu.memref_slice %arg6[%dma_wait3A_100, %dma_wait3A_101, %dma_wait3A_102] : memref<6x128x128xf32, #tpu.memory_space<vmem>> -> memref<1x128x128xf32, #tpu.memory_space<vmem>>
    %dma_wait3A_104 = tpu.memref_squeeze %dma_wait3A_103 : memref<1x128x128xf32, #tpu.memory_space<vmem>> -> memref<128x128xf32, #tpu.memory_space<vmem>>
    %dma_wait3A_105 = arith.constant 0 : i32
    %dma_wait3A_106 = tpu.memref_slice %arg4[%add3A_86, %dma_wait3A_105] : memref<40960x128xf32, #tpu.memory_space<hbm>> -> memref<128x128xf32, #tpu.memory_space<hbm>>
    %dma_wait3A_107 = arith.constant 0 : i32
    %dma_wait3A_108 = tpu.memref_slice %arg4[%add3A_86, %dma_wait3A_107] : memref<40960x128xf32, #tpu.memory_space<hbm>> -> memref<128x128xf32, #tpu.memory_space<hbm>>
    %dma_wait3A_109 = arith.constant 0 : i32
    %dma_wait3A_110 = arith.constant 0 : i32
    %dma_wait3A_111 = tpu.memref_slice %arg6[%dma_wait3A_100, %dma_wait3A_109, %dma_wait3A_110] : memref<6x128x128xf32, #tpu.memory_space<vmem>> -> memref<1x128x128xf32, #tpu.memory_space<vmem>>
    %dma_wait3A_112 = tpu.memref_squeeze %dma_wait3A_111 : memref<1x128x128xf32, #tpu.memory_space<vmem>> -> memref<128x128xf32, #tpu.memory_space<vmem>>
    tpu.wait_dma2 semaphore(%arg8 : memref<!tpu.dma_semaphore, #tpu.memory_space<semaphore_mem>>) src(%dma_wait3A_112 : memref<128x128xf32, #tpu.memory_space<vmem>>) dst(%dma_wait3A_108 : memref<128x128xf32, #tpu.memory_space<hbm>>)
    %dma_start3A_113 = arith.constant 6 : i32
    %dma_start3A_114 = arith.constant 0 : i32
    %dma_start3A_115 = arith.constant 0 : i32
    %dma_start3A_116 = arith.constant 0 : i32
    %dma_start3A_117 = tpu.memref_slice %arg6[%dma_start3A_114, %dma_start3A_115, %dma_start3A_116] : memref<6x128x128xf32, #tpu.memory_space<vmem>> -> memref<1x128x128xf32, #tpu.memory_space<vmem>>
    %dma_start3A_118 = tpu.memref_squeeze %dma_start3A_117 : memref<1x128x128xf32, #tpu.memory_space<vmem>> -> memref<128x128xf32, #tpu.memory_space<vmem>>
    %dma_start3A_119 = arith.constant 0 : i32
    %dma_start3A_120 = tpu.memref_slice %arg5[%dma_start3A_113, %dma_start3A_119] : memref<10x128xi32, #tpu.memory_space<vmem>> -> memref<1x128xi32, #tpu.memory_space<vmem>>
    %dma_start3A_121 = tpu.memref_squeeze %dma_start3A_120 : memref<1x128xi32, #tpu.memory_space<vmem>> -> memref<128xi32, #tpu.memory_space<vmem>>
    %dma_start3A_122 = arith.constant 0 : i32
    %dma_start3A_123 = arith.constant 0 : i32
    %dma_start3A_124 = tpu.memref_slice %arg3[%dma_start3A_122, %dma_start3A_123] : memref<1000000x128xf32, #tpu.memory_space<hbm>> -> memref<1000000x128xf32, #tpu.memory_space<hbm>>
    tpu.enqueue_indirect_dma source(%dma_start3A_124 : memref<1000000x128xf32, #tpu.memory_space<hbm>>) target(%dma_start3A_118 : memref<128x128xf32, #tpu.memory_space<vmem>>) offsets(%dma_start3A_121 : memref<128xi32, #tpu.memory_space<vmem>>) semaphore(%arg7 : memref<!tpu.dma_semaphore, #tpu.memory_space<semaphore_mem>>)
    %dma_wait3A_125 = arith.constant 1 : i32
    %dma_wait3A_126 = arith.constant 1 : i32
    %dma_wait3A_127 = arith.constant 0 : i32
    %dma_wait3A_128 = arith.constant 0 : i32
    %dma_wait3A_129 = tpu.memref_slice %arg6[%dma_wait3A_126, %dma_wait3A_127, %dma_wait3A_128] : memref<6x128x128xf32, #tpu.memory_space<vmem>> -> memref<1x128x128xf32, #tpu.memory_space<vmem>>
    %dma_wait3A_130 = tpu.memref_squeeze %dma_wait3A_129 : memref<1x128x128xf32, #tpu.memory_space<vmem>> -> memref<128x128xf32, #tpu.memory_space<vmem>>
    %dma_wait3A_131 = arith.constant 0 : i32
    %dma_wait3A_132 = tpu.memref_slice %arg5[%dma_wait3A_125, %dma_wait3A_131] : memref<10x128xi32, #tpu.memory_space<vmem>> -> memref<1x128xi32, #tpu.memory_space<vmem>>
    %dma_wait3A_133 = tpu.memref_squeeze %dma_wait3A_132 : memref<1x128xi32, #tpu.memory_space<vmem>> -> memref<128xi32, #tpu.memory_space<vmem>>
    %dma_wait3A_134 = arith.constant 0 : i32
    %dma_wait3A_135 = arith.constant 0 : i32
    %dma_wait3A_136 = tpu.memref_slice %arg3[%dma_wait3A_134, %dma_wait3A_135] : memref<1000000x128xf32, #tpu.memory_space<hbm>> -> memref<1000000x128xf32, #tpu.memory_space<hbm>>
    tpu.wait_indirect_dma semaphore(%arg7 : memref<!tpu.dma_semaphore, #tpu.memory_space<semaphore_mem>>) src(%dma_wait3A_136 : memref<1000000x128xf32, #tpu.memory_space<hbm>>) dst(%dma_wait3A_130 : memref<128x128xf32, #tpu.memory_space<vmem>>)
    %add3A_137 = arith.constant 128 : i32
    %add3A_138 = arith.addi %mul3A_2, %add3A_137 : i32
    %dma_start3A_139 = arith.constant 1 : i32
    %dma_start3A_140 = arith.constant 0 : i32
    %dma_start3A_141 = arith.constant 0 : i32
    %dma_start3A_142 = tpu.memref_slice %arg6[%dma_start3A_139, %dma_start3A_140, %dma_start3A_141] : memref<6x128x128xf32, #tpu.memory_space<vmem>> -> memref<1x128x128xf32, #tpu.memory_space<vmem>>
    %dma_start3A_143 = tpu.memref_squeeze %dma_start3A_142 : memref<1x128x128xf32, #tpu.memory_space<vmem>> -> memref<128x128xf32, #tpu.memory_space<vmem>>
    %dma_start3A_144 = arith.constant 0 : i32
    %dma_start3A_145 = tpu.memref_slice %arg4[%add3A_138, %dma_start3A_144] : memref<40960x128xf32, #tpu.memory_space<hbm>> -> memref<128x128xf32, #tpu.memory_space<hbm>>
    %dma_start3A_146 = arith.constant 0 : i32
    %dma_start3A_147 = tpu.memref_slice %arg4[%add3A_138, %dma_start3A_146] : memref<40960x128xf32, #tpu.memory_space<hbm>> -> memref<128x128xf32, #tpu.memory_space<hbm>>
    %dma_start3A_148 = arith.constant 0 : i32
    %dma_start3A_149 = arith.constant 0 : i32
    %dma_start3A_150 = tpu.memref_slice %arg6[%dma_start3A_139, %dma_start3A_148, %dma_start3A_149] : memref<6x128x128xf32, #tpu.memory_space<vmem>> -> memref<1x128x128xf32, #tpu.memory_space<vmem>>
    %dma_start3A_151 = tpu.memref_squeeze %dma_start3A_150 : memref<1x128x128xf32, #tpu.memory_space<vmem>> -> memref<128x128xf32, #tpu.memory_space<vmem>>
    tpu.enqueue_dma source(%dma_start3A_151 : memref<128x128xf32, #tpu.memory_space<vmem>>) target(%dma_start3A_147 : memref<128x128xf32, #tpu.memory_space<hbm>>) target_semaphore(%arg8 : memref<!tpu.dma_semaphore, #tpu.memory_space<semaphore_mem>>)
    %dma_wait3A_152 = arith.constant 1 : i32
    %dma_wait3A_153 = arith.constant 0 : i32
    %dma_wait3A_154 = arith.constant 0 : i32
    %dma_wait3A_155 = tpu.memref_slice %arg6[%dma_wait3A_152, %dma_wait3A_153, %dma_wait3A_154] : memref<6x128x128xf32, #tpu.memory_space<vmem>> -> memref<1x128x128xf32, #tpu.memory_space<vmem>>
    %dma_wait3A_156 = tpu.memref_squeeze %dma_wait3A_155 : memref<1x128x128xf32, #tpu.memory_space<vmem>> -> memref<128x128xf32, #tpu.memory_space<vmem>>
    %dma_wait3A_157 = arith.constant 0 : i32
    %dma_wait3A_158 = tpu.memref_slice %arg4[%add3A_138, %dma_wait3A_157] : memref<40960x128xf32, #tpu.memory_space<hbm>> -> memref<128x128xf32, #tpu.memory_space<hbm>>
    %dma_wait3A_159 = arith.constant 0 : i32
    %dma_wait3A_160 = tpu.memref_slice %arg4[%add3A_138, %dma_wait3A_159] : memref<40960x128xf32, #tpu.memory_space<hbm>> -> memref<128x128xf32, #tpu.memory_space<hbm>>
    %dma_wait3A_161 = arith.constant 0 : i32
    %dma_wait3A_162 = arith.constant 0 : i32
    %dma_wait3A_163 = tpu.memref_slice %arg6[%dma_wait3A_152, %dma_wait3A_161, %dma_wait3A_162] : memref<6x128x128xf32, #tpu.memory_space<vmem>> -> memref<1x128x128xf32, #tpu.memory_space<vmem>>
    %dma_wait3A_164 = tpu.memref_squeeze %dma_wait3A_163 : memref<1x128x128xf32, #tpu.memory_space<vmem>> -> memref<128x128xf32, #tpu.memory_space<vmem>>
    tpu.wait_dma2 semaphore(%arg8 : memref<!tpu.dma_semaphore, #tpu.memory_space<semaphore_mem>>) src(%dma_wait3A_164 : memref<128x128xf32, #tpu.memory_space<vmem>>) dst(%dma_wait3A_160 : memref<128x128xf32, #tpu.memory_space<hbm>>)
    %dma_start3A_165 = arith.constant 7 : i32
    %dma_start3A_166 = arith.constant 1 : i32
    %dma_start3A_167 = arith.constant 0 : i32
    %dma_start3A_168 = arith.constant 0 : i32
    %dma_start3A_169 = tpu.memref_slice %arg6[%dma_start3A_166, %dma_start3A_167, %dma_start3A_168] : memref<6x128x128xf32, #tpu.memory_space<vmem>> -> memref<1x128x128xf32, #tpu.memory_space<vmem>>
    %dma_start3A_170 = tpu.memref_squeeze %dma_start3A_169 : memref<1x128x128xf32, #tpu.memory_space<vmem>> -> memref<128x128xf32, #tpu.memory_space<vmem>>
    %dma_start3A_171 = arith.constant 0 : i32
    %dma_start3A_172 = tpu.memref_slice %arg5[%dma_start3A_165, %dma_start3A_171] : memref<10x128xi32, #tpu.memory_space<vmem>> -> memref<1x128xi32, #tpu.memory_space<vmem>>
    %dma_start3A_173 = tpu.memref_squeeze %dma_start3A_172 : memref<1x128xi32, #tpu.memory_space<vmem>> -> memref<128xi32, #tpu.memory_space<vmem>>
    %dma_start3A_174 = arith.constant 0 : i32
    %dma_start3A_175 = arith.constant 0 : i32
    %dma_start3A_176 = tpu.memref_slice %arg3[%dma_start3A_174, %dma_start3A_175] : memref<1000000x128xf32, #tpu.memory_space<hbm>> -> memref<1000000x128xf32, #tpu.memory_space<hbm>>
    tpu.enqueue_indirect_dma source(%dma_start3A_176 : memref<1000000x128xf32, #tpu.memory_space<hbm>>) target(%dma_start3A_170 : memref<128x128xf32, #tpu.memory_space<vmem>>) offsets(%dma_start3A_173 : memref<128xi32, #tpu.memory_space<vmem>>) semaphore(%arg7 : memref<!tpu.dma_semaphore, #tpu.memory_space<semaphore_mem>>)
    %dma_wait3A_177 = arith.constant 2 : i32
    %dma_wait3A_178 = arith.constant 2 : i32
    %dma_wait3A_179 = arith.constant 0 : i32
    %dma_wait3A_180 = arith.constant 0 : i32
    %dma_wait3A_181 = tpu.memref_slice %arg6[%dma_wait3A_178, %dma_wait3A_179, %dma_wait3A_180] : memref<6x128x128xf32, #tpu.memory_space<vmem>> -> memref<1x128x128xf32, #tpu.memory_space<vmem>>
    %dma_wait3A_182 = tpu.memref_squeeze %dma_wait3A_181 : memref<1x128x128xf32, #tpu.memory_space<vmem>> -> memref<128x128xf32, #tpu.memory_space<vmem>>
    %dma_wait3A_183 = arith.constant 0 : i32
    %dma_wait3A_184 = tpu.memref_slice %arg5[%dma_wait3A_177, %dma_wait3A_183] : memref<10x128xi32, #tpu.memory_space<vmem>> -> memref<1x128xi32, #tpu.memory_space<vmem>>
    %dma_wait3A_185 = tpu.memref_squeeze %dma_wait3A_184 : memref<1x128xi32, #tpu.memory_space<vmem>> -> memref<128xi32, #tpu.memory_space<vmem>>
    %dma_wait3A_186 = arith.constant 0 : i32
    %dma_wait3A_187 = arith.constant 0 : i32
    %dma_wait3A_188 = tpu.memref_slice %arg3[%dma_wait3A_186, %dma_wait3A_187] : memref<1000000x128xf32, #tpu.memory_space<hbm>> -> memref<1000000x128xf32, #tpu.memory_space<hbm>>
    tpu.wait_indirect_dma semaphore(%arg7 : memref<!tpu.dma_semaphore, #tpu.memory_space<semaphore_mem>>) src(%dma_wait3A_188 : memref<1000000x128xf32, #tpu.memory_space<hbm>>) dst(%dma_wait3A_182 : memref<128x128xf32, #tpu.memory_space<vmem>>)
    %add3A_189 = arith.constant 256 : i32
    %add3A_190 = arith.addi %mul3A_2, %add3A_189 : i32
    %dma_start3A_191 = arith.constant 2 : i32
    %dma_start3A_192 = arith.constant 0 : i32
    %dma_start3A_193 = arith.constant 0 : i32
    %dma_start3A_194 = tpu.memref_slice %arg6[%dma_start3A_191, %dma_start3A_192, %dma_start3A_193] : memref<6x128x128xf32, #tpu.memory_space<vmem>> -> memref<1x128x128xf32, #tpu.memory_space<vmem>>
    %dma_start3A_195 = tpu.memref_squeeze %dma_start3A_194 : memref<1x128x128xf32, #tpu.memory_space<vmem>> -> memref<128x128xf32, #tpu.memory_space<vmem>>
    %dma_start3A_196 = arith.constant 0 : i32
    %dma_start3A_197 = tpu.memref_slice %arg4[%add3A_190, %dma_start3A_196] : memref<40960x128xf32, #tpu.memory_space<hbm>> -> memref<128x128xf32, #tpu.memory_space<hbm>>
    %dma_start3A_198 = arith.constant 0 : i32
    %dma_start3A_199 = tpu.memref_slice %arg4[%add3A_190, %dma_start3A_198] : memref<40960x128xf32, #tpu.memory_space<hbm>> -> memref<128x128xf32, #tpu.memory_space<hbm>>
    %dma_start3A_200 = arith.constant 0 : i32
    %dma_start3A_201 = arith.constant 0 : i32
    %dma_start3A_202 = tpu.memref_slice %arg6[%dma_start3A_191, %dma_start3A_200, %dma_start3A_201] : memref<6x128x128xf32, #tpu.memory_space<vmem>> -> memref<1x128x128xf32, #tpu.memory_space<vmem>>
    %dma_start3A_203 = tpu.memref_squeeze %dma_start3A_202 : memref<1x128x128xf32, #tpu.memory_space<vmem>> -> memref<128x128xf32, #tpu.memory_space<vmem>>
    tpu.enqueue_dma source(%dma_start3A_203 : memref<128x128xf32, #tpu.memory_space<vmem>>) target(%dma_start3A_199 : memref<128x128xf32, #tpu.memory_space<hbm>>) target_semaphore(%arg8 : memref<!tpu.dma_semaphore, #tpu.memory_space<semaphore_mem>>)
    %dma_wait3A_204 = arith.constant 2 : i32
    %dma_wait3A_205 = arith.constant 0 : i32
    %dma_wait3A_206 = arith.constant 0 : i32
    %dma_wait3A_207 = tpu.memref_slice %arg6[%dma_wait3A_204, %dma_wait3A_205, %dma_wait3A_206] : memref<6x128x128xf32, #tpu.memory_space<vmem>> -> memref<1x128x128xf32, #tpu.memory_space<vmem>>
    %dma_wait3A_208 = tpu.memref_squeeze %dma_wait3A_207 : memref<1x128x128xf32, #tpu.memory_space<vmem>> -> memref<128x128xf32, #tpu.memory_space<vmem>>
    %dma_wait3A_209 = arith.constant 0 : i32
    %dma_wait3A_210 = tpu.memref_slice %arg4[%add3A_190, %dma_wait3A_209] : memref<40960x128xf32, #tpu.memory_space<hbm>> -> memref<128x128xf32, #tpu.memory_space<hbm>>
    %dma_wait3A_211 = arith.constant 0 : i32
    %dma_wait3A_212 = tpu.memref_slice %arg4[%add3A_190, %dma_wait3A_211] : memref<40960x128xf32, #tpu.memory_space<hbm>> -> memref<128x128xf32, #tpu.memory_space<hbm>>
    %dma_wait3A_213 = arith.constant 0 : i32
    %dma_wait3A_214 = arith.constant 0 : i32
    %dma_wait3A_215 = tpu.memref_slice %arg6[%dma_wait3A_204, %dma_wait3A_213, %dma_wait3A_214] : memref<6x128x128xf32, #tpu.memory_space<vmem>> -> memref<1x128x128xf32, #tpu.memory_space<vmem>>
    %dma_wait3A_216 = tpu.memref_squeeze %dma_wait3A_215 : memref<1x128x128xf32, #tpu.memory_space<vmem>> -> memref<128x128xf32, #tpu.memory_space<vmem>>
    tpu.wait_dma2 semaphore(%arg8 : memref<!tpu.dma_semaphore, #tpu.memory_space<semaphore_mem>>) src(%dma_wait3A_216 : memref<128x128xf32, #tpu.memory_space<vmem>>) dst(%dma_wait3A_212 : memref<128x128xf32, #tpu.memory_space<hbm>>)
    %dma_start3A_217 = arith.constant 8 : i32
    %dma_start3A_218 = arith.constant 2 : i32
    %dma_start3A_219 = arith.constant 0 : i32
    %dma_start3A_220 = arith.constant 0 : i32
    %dma_start3A_221 = tpu.memref_slice %arg6[%dma_start3A_218, %dma_start3A_219, %dma_start3A_220] : memref<6x128x128xf32, #tpu.memory_space<vmem>> -> memref<1x128x128xf32, #tpu.memory_space<vmem>>
    %dma_start3A_222 = tpu.memref_squeeze %dma_start3A_221 : memref<1x128x128xf32, #tpu.memory_space<vmem>> -> memref<128x128xf32, #tpu.memory_space<vmem>>
    %dma_start3A_223 = arith.constant 0 : i32
    %dma_start3A_224 = tpu.memref_slice %arg5[%dma_start3A_217, %dma_start3A_223] : memref<10x128xi32, #tpu.memory_space<vmem>> -> memref<1x128xi32, #tpu.memory_space<vmem>>
    %dma_start3A_225 = tpu.memref_squeeze %dma_start3A_224 : memref<1x128xi32, #tpu.memory_space<vmem>> -> memref<128xi32, #tpu.memory_space<vmem>>
    %dma_start3A_226 = arith.constant 0 : i32
    %dma_start3A_227 = arith.constant 0 : i32
    %dma_start3A_228 = tpu.memref_slice %arg3[%dma_start3A_226, %dma_start3A_227] : memref<1000000x128xf32, #tpu.memory_space<hbm>> -> memref<1000000x128xf32, #tpu.memory_space<hbm>>
    tpu.enqueue_indirect_dma source(%dma_start3A_228 : memref<1000000x128xf32, #tpu.memory_space<hbm>>) target(%dma_start3A_222 : memref<128x128xf32, #tpu.memory_space<vmem>>) offsets(%dma_start3A_225 : memref<128xi32, #tpu.memory_space<vmem>>) semaphore(%arg7 : memref<!tpu.dma_semaphore, #tpu.memory_space<semaphore_mem>>)
    %dma_wait3A_229 = arith.constant 3 : i32
    %dma_wait3A_230 = arith.constant 3 : i32
    %dma_wait3A_231 = arith.constant 0 : i32
    %dma_wait3A_232 = arith.constant 0 : i32
    %dma_wait3A_233 = tpu.memref_slice %arg6[%dma_wait3A_230, %dma_wait3A_231, %dma_wait3A_232] : memref<6x128x128xf32, #tpu.memory_space<vmem>> -> memref<1x128x128xf32, #tpu.memory_space<vmem>>
    %dma_wait3A_234 = tpu.memref_squeeze %dma_wait3A_233 : memref<1x128x128xf32, #tpu.memory_space<vmem>> -> memref<128x128xf32, #tpu.memory_space<vmem>>
    %dma_wait3A_235 = arith.constant 0 : i32
    %dma_wait3A_236 = tpu.memref_slice %arg5[%dma_wait3A_229, %dma_wait3A_235] : memref<10x128xi32, #tpu.memory_space<vmem>> -> memref<1x128xi32, #tpu.memory_space<vmem>>
    %dma_wait3A_237 = tpu.memref_squeeze %dma_wait3A_236 : memref<1x128xi32, #tpu.memory_space<vmem>> -> memref<128xi32, #tpu.memory_space<vmem>>
    %dma_wait3A_238 = arith.constant 0 : i32
    %dma_wait3A_239 = arith.constant 0 : i32
    %dma_wait3A_240 = tpu.memref_slice %arg3[%dma_wait3A_238, %dma_wait3A_239] : memref<1000000x128xf32, #tpu.memory_space<hbm>> -> memref<1000000x128xf32, #tpu.memory_space<hbm>>
    tpu.wait_indirect_dma semaphore(%arg7 : memref<!tpu.dma_semaphore, #tpu.memory_space<semaphore_mem>>) src(%dma_wait3A_240 : memref<1000000x128xf32, #tpu.memory_space<hbm>>) dst(%dma_wait3A_234 : memref<128x128xf32, #tpu.memory_space<vmem>>)
    %add3A_241 = arith.constant 384 : i32
    %add3A_242 = arith.addi %mul3A_2, %add3A_241 : i32
    %dma_start3A_243 = arith.constant 3 : i32
    %dma_start3A_244 = arith.constant 0 : i32
    %dma_start3A_245 = arith.constant 0 : i32
    %dma_start3A_246 = tpu.memref_slice %arg6[%dma_start3A_243, %dma_start3A_244, %dma_start3A_245] : memref<6x128x128xf32, #tpu.memory_space<vmem>> -> memref<1x128x128xf32, #tpu.memory_space<vmem>>
    %dma_start3A_247 = tpu.memref_squeeze %dma_start3A_246 : memref<1x128x128xf32, #tpu.memory_space<vmem>> -> memref<128x128xf32, #tpu.memory_space<vmem>>
    %dma_start3A_248 = arith.constant 0 : i32
    %dma_start3A_249 = tpu.memref_slice %arg4[%add3A_242, %dma_start3A_248] : memref<40960x128xf32, #tpu.memory_space<hbm>> -> memref<128x128xf32, #tpu.memory_space<hbm>>
    %dma_start3A_250 = arith.constant 0 : i32
    %dma_start3A_251 = tpu.memref_slice %arg4[%add3A_242, %dma_start3A_250] : memref<40960x128xf32, #tpu.memory_space<hbm>> -> memref<128x128xf32, #tpu.memory_space<hbm>>
    %dma_start3A_252 = arith.constant 0 : i32
    %dma_start3A_253 = arith.constant 0 : i32
    %dma_start3A_254 = tpu.memref_slice %arg6[%dma_start3A_243, %dma_start3A_252, %dma_start3A_253] : memref<6x128x128xf32, #tpu.memory_space<vmem>> -> memref<1x128x128xf32, #tpu.memory_space<vmem>>
    %dma_start3A_255 = tpu.memref_squeeze %dma_start3A_254 : memref<1x128x128xf32, #tpu.memory_space<vmem>> -> memref<128x128xf32, #tpu.memory_space<vmem>>
    tpu.enqueue_dma source(%dma_start3A_255 : memref<128x128xf32, #tpu.memory_space<vmem>>) target(%dma_start3A_251 : memref<128x128xf32, #tpu.memory_space<hbm>>) target_semaphore(%arg8 : memref<!tpu.dma_semaphore, #tpu.memory_space<semaphore_mem>>)
    %dma_wait3A_256 = arith.constant 3 : i32
    %dma_wait3A_257 = arith.constant 0 : i32
    %dma_wait3A_258 = arith.constant 0 : i32
    %dma_wait3A_259 = tpu.memref_slice %arg6[%dma_wait3A_256, %dma_wait3A_257, %dma_wait3A_258] : memref<6x128x128xf32, #tpu.memory_space<vmem>> -> memref<1x128x128xf32, #tpu.memory_space<vmem>>
    %dma_wait3A_260 = tpu.memref_squeeze %dma_wait3A_259 : memref<1x128x128xf32, #tpu.memory_space<vmem>> -> memref<128x128xf32, #tpu.memory_space<vmem>>
    %dma_wait3A_261 = arith.constant 0 : i32
    %dma_wait3A_262 = tpu.memref_slice %arg4[%add3A_242, %dma_wait3A_261] : memref<40960x128xf32, #tpu.memory_space<hbm>> -> memref<128x128xf32, #tpu.memory_space<hbm>>
    %dma_wait3A_263 = arith.constant 0 : i32
    %dma_wait3A_264 = tpu.memref_slice %arg4[%add3A_242, %dma_wait3A_263] : memref<40960x128xf32, #tpu.memory_space<hbm>> -> memref<128x128xf32, #tpu.memory_space<hbm>>
    %dma_wait3A_265 = arith.constant 0 : i32
    %dma_wait3A_266 = arith.constant 0 : i32
    %dma_wait3A_267 = tpu.memref_slice %arg6[%dma_wait3A_256, %dma_wait3A_265, %dma_wait3A_266] : memref<6x128x128xf32, #tpu.memory_space<vmem>> -> memref<1x128x128xf32, #tpu.memory_space<vmem>>
    %dma_wait3A_268 = tpu.memref_squeeze %dma_wait3A_267 : memref<1x128x128xf32, #tpu.memory_space<vmem>> -> memref<128x128xf32, #tpu.memory_space<vmem>>
    tpu.wait_dma2 semaphore(%arg8 : memref<!tpu.dma_semaphore, #tpu.memory_space<semaphore_mem>>) src(%dma_wait3A_268 : memref<128x128xf32, #tpu.memory_space<vmem>>) dst(%dma_wait3A_264 : memref<128x128xf32, #tpu.memory_space<hbm>>)
    %dma_start3A_269 = arith.constant 9 : i32
    %dma_start3A_270 = arith.constant 3 : i32
    %dma_start3A_271 = arith.constant 0 : i32
    %dma_start3A_272 = arith.constant 0 : i32
    %dma_start3A_273 = tpu.memref_slice %arg6[%dma_start3A_270, %dma_start3A_271, %dma_start3A_272] : memref<6x128x128xf32, #tpu.memory_space<vmem>> -> memref<1x128x128xf32, #tpu.memory_space<vmem>>
    %dma_start3A_274 = tpu.memref_squeeze %dma_start3A_273 : memref<1x128x128xf32, #tpu.memory_space<vmem>> -> memref<128x128xf32, #tpu.memory_space<vmem>>
    %dma_start3A_275 = arith.constant 0 : i32
    %dma_start3A_276 = tpu.memref_slice %arg5[%dma_start3A_269, %dma_start3A_275] : memref<10x128xi32, #tpu.memory_space<vmem>> -> memref<1x128xi32, #tpu.memory_space<vmem>>
    %dma_start3A_277 = tpu.memref_squeeze %dma_start3A_276 : memref<1x128xi32, #tpu.memory_space<vmem>> -> memref<128xi32, #tpu.memory_space<vmem>>
    %dma_start3A_278 = arith.constant 0 : i32
    %dma_start3A_279 = arith.constant 0 : i32
    %dma_start3A_280 = tpu.memref_slice %arg3[%dma_start3A_278, %dma_start3A_279] : memref<1000000x128xf32, #tpu.memory_space<hbm>> -> memref<1000000x128xf32, #tpu.memory_space<hbm>>
    tpu.enqueue_indirect_dma source(%dma_start3A_280 : memref<1000000x128xf32, #tpu.memory_space<hbm>>) target(%dma_start3A_274 : memref<128x128xf32, #tpu.memory_space<vmem>>) offsets(%dma_start3A_277 : memref<128xi32, #tpu.memory_space<vmem>>) semaphore(%arg7 : memref<!tpu.dma_semaphore, #tpu.memory_space<semaphore_mem>>)
    %dma_wait3A_281 = arith.constant 4 : i32
    %dma_wait3A_282 = arith.constant 4 : i32
    %dma_wait3A_283 = arith.constant 0 : i32
    %dma_wait3A_284 = arith.constant 0 : i32
    %dma_wait3A_285 = tpu.memref_slice %arg6[%dma_wait3A_282, %dma_wait3A_283, %dma_wait3A_284] : memref<6x128x128xf32, #tpu.memory_space<vmem>> -> memref<1x128x128xf32, #tpu.memory_space<vmem>>
    %dma_wait3A_286 = tpu.memref_squeeze %dma_wait3A_285 : memref<1x128x128xf32, #tpu.memory_space<vmem>> -> memref<128x128xf32, #tpu.memory_space<vmem>>
    %dma_wait3A_287 = arith.constant 0 : i32
    %dma_wait3A_288 = tpu.memref_slice %arg5[%dma_wait3A_281, %dma_wait3A_287] : memref<10x128xi32, #tpu.memory_space<vmem>> -> memref<1x128xi32, #tpu.memory_space<vmem>>
    %dma_wait3A_289 = tpu.memref_squeeze %dma_wait3A_288 : memref<1x128xi32, #tpu.memory_space<vmem>> -> memref<128xi32, #tpu.memory_space<vmem>>
    %dma_wait3A_290 = arith.constant 0 : i32
    %dma_wait3A_291 = arith.constant 0 : i32
    %dma_wait3A_292 = tpu.memref_slice %arg3[%dma_wait3A_290, %dma_wait3A_291] : memref<1000000x128xf32, #tpu.memory_space<hbm>> -> memref<1000000x128xf32, #tpu.memory_space<hbm>>
    tpu.wait_indirect_dma semaphore(%arg7 : memref<!tpu.dma_semaphore, #tpu.memory_space<semaphore_mem>>) src(%dma_wait3A_292 : memref<1000000x128xf32, #tpu.memory_space<hbm>>) dst(%dma_wait3A_286 : memref<128x128xf32, #tpu.memory_space<vmem>>)
    %add3A_293 = arith.constant 512 : i32
    %add3A_294 = arith.addi %mul3A_2, %add3A_293 : i32
    %dma_start3A_295 = arith.constant 4 : i32
    %dma_start3A_296 = arith.constant 0 : i32
    %dma_start3A_297 = arith.constant 0 : i32
    %dma_start3A_298 = tpu.memref_slice %arg6[%dma_start3A_295, %dma_start3A_296, %dma_start3A_297] : memref<6x128x128xf32, #tpu.memory_space<vmem>> -> memref<1x128x128xf32, #tpu.memory_space<vmem>>
    %dma_start3A_299 = tpu.memref_squeeze %dma_start3A_298 : memref<1x128x128xf32, #tpu.memory_space<vmem>> -> memref<128x128xf32, #tpu.memory_space<vmem>>
    %dma_start3A_300 = arith.constant 0 : i32
    %dma_start3A_301 = tpu.memref_slice %arg4[%add3A_294, %dma_start3A_300] : memref<40960x128xf32, #tpu.memory_space<hbm>> -> memref<128x128xf32, #tpu.memory_space<hbm>>
    %dma_start3A_302 = arith.constant 0 : i32
    %dma_start3A_303 = tpu.memref_slice %arg4[%add3A_294, %dma_start3A_302] : memref<40960x128xf32, #tpu.memory_space<hbm>> -> memref<128x128xf32, #tpu.memory_space<hbm>>
    %dma_start3A_304 = arith.constant 0 : i32
    %dma_start3A_305 = arith.constant 0 : i32
    %dma_start3A_306 = tpu.memref_slice %arg6[%dma_start3A_295, %dma_start3A_304, %dma_start3A_305] : memref<6x128x128xf32, #tpu.memory_space<vmem>> -> memref<1x128x128xf32, #tpu.memory_space<vmem>>
    %dma_start3A_307 = tpu.memref_squeeze %dma_start3A_306 : memref<1x128x128xf32, #tpu.memory_space<vmem>> -> memref<128x128xf32, #tpu.memory_space<vmem>>
    tpu.enqueue_dma source(%dma_start3A_307 : memref<128x128xf32, #tpu.memory_space<vmem>>) target(%dma_start3A_303 : memref<128x128xf32, #tpu.memory_space<hbm>>) target_semaphore(%arg8 : memref<!tpu.dma_semaphore, #tpu.memory_space<semaphore_mem>>)
    %dma_wait3A_308 = arith.constant 5 : i32
    %dma_wait3A_309 = arith.constant 5 : i32
    %dma_wait3A_310 = arith.constant 0 : i32
    %dma_wait3A_311 = arith.constant 0 : i32
    %dma_wait3A_312 = tpu.memref_slice %arg6[%dma_wait3A_309, %dma_wait3A_310, %dma_wait3A_311] : memref<6x128x128xf32, #tpu.memory_space<vmem>> -> memref<1x128x128xf32, #tpu.memory_space<vmem>>
    %dma_wait3A_313 = tpu.memref_squeeze %dma_wait3A_312 : memref<1x128x128xf32, #tpu.memory_space<vmem>> -> memref<128x128xf32, #tpu.memory_space<vmem>>
    %dma_wait3A_314 = arith.constant 0 : i32
    %dma_wait3A_315 = tpu.memref_slice %arg5[%dma_wait3A_308, %dma_wait3A_314] : memref<10x128xi32, #tpu.memory_space<vmem>> -> memref<1x128xi32, #tpu.memory_space<vmem>>
    %dma_wait3A_316 = tpu.memref_squeeze %dma_wait3A_315 : memref<1x128xi32, #tpu.memory_space<vmem>> -> memref<128xi32, #tpu.memory_space<vmem>>
    %dma_wait3A_317 = arith.constant 0 : i32
    %dma_wait3A_318 = arith.constant 0 : i32
    %dma_wait3A_319 = tpu.memref_slice %arg3[%dma_wait3A_317, %dma_wait3A_318] : memref<1000000x128xf32, #tpu.memory_space<hbm>> -> memref<1000000x128xf32, #tpu.memory_space<hbm>>
    tpu.wait_indirect_dma semaphore(%arg7 : memref<!tpu.dma_semaphore, #tpu.memory_space<semaphore_mem>>) src(%dma_wait3A_319 : memref<1000000x128xf32, #tpu.memory_space<hbm>>) dst(%dma_wait3A_313 : memref<128x128xf32, #tpu.memory_space<vmem>>)
    %add3A_320 = arith.constant 640 : i32
    %add3A_321 = arith.addi %mul3A_2, %add3A_320 : i32
    %dma_start3A_322 = arith.constant 5 : i32
    %dma_start3A_323 = arith.constant 0 : i32
    %dma_start3A_324 = arith.constant 0 : i32
    %dma_start3A_325 = tpu.memref_slice %arg6[%dma_start3A_322, %dma_start3A_323, %dma_start3A_324] : memref<6x128x128xf32, #tpu.memory_space<vmem>> -> memref<1x128x128xf32, #tpu.memory_space<vmem>>
    %dma_start3A_326 = tpu.memref_squeeze %dma_start3A_325 : memref<1x128x128xf32, #tpu.memory_space<vmem>> -> memref<128x128xf32, #tpu.memory_space<vmem>>
    %dma_start3A_327 = arith.constant 0 : i32
    %dma_start3A_328 = tpu.memref_slice %arg4[%add3A_321, %dma_start3A_327] : memref<40960x128xf32, #tpu.memory_space<hbm>> -> memref<128x128xf32, #tpu.memory_space<hbm>>
    %dma_start3A_329 = arith.constant 0 : i32
    %dma_start3A_330 = tpu.memref_slice %arg4[%add3A_321, %dma_start3A_329] : memref<40960x128xf32, #tpu.memory_space<hbm>> -> memref<128x128xf32, #tpu.memory_space<hbm>>
    %dma_start3A_331 = arith.constant 0 : i32
    %dma_start3A_332 = arith.constant 0 : i32
    %dma_start3A_333 = tpu.memref_slice %arg6[%dma_start3A_322, %dma_start3A_331, %dma_start3A_332] : memref<6x128x128xf32, #tpu.memory_space<vmem>> -> memref<1x128x128xf32, #tpu.memory_space<vmem>>
    %dma_start3A_334 = tpu.memref_squeeze %dma_start3A_333 : memref<1x128x128xf32, #tpu.memory_space<vmem>> -> memref<128x128xf32, #tpu.memory_space<vmem>>
    tpu.enqueue_dma source(%dma_start3A_334 : memref<128x128xf32, #tpu.memory_space<vmem>>) target(%dma_start3A_330 : memref<128x128xf32, #tpu.memory_space<hbm>>) target_semaphore(%arg8 : memref<!tpu.dma_semaphore, #tpu.memory_space<semaphore_mem>>)
    %dma_wait3A_335 = arith.constant 6 : i32
    %dma_wait3A_336 = arith.constant 0 : i32
    %dma_wait3A_337 = arith.constant 0 : i32
    %dma_wait3A_338 = arith.constant 0 : i32
    %dma_wait3A_339 = tpu.memref_slice %arg6[%dma_wait3A_336, %dma_wait3A_337, %dma_wait3A_338] : memref<6x128x128xf32, #tpu.memory_space<vmem>> -> memref<1x128x128xf32, #tpu.memory_space<vmem>>
    %dma_wait3A_340 = tpu.memref_squeeze %dma_wait3A_339 : memref<1x128x128xf32, #tpu.memory_space<vmem>> -> memref<128x128xf32, #tpu.memory_space<vmem>>
    %dma_wait3A_341 = arith.constant 0 : i32
    %dma_wait3A_342 = tpu.memref_slice %arg5[%dma_wait3A_335, %dma_wait3A_341] : memref<10x128xi32, #tpu.memory_space<vmem>> -> memref<1x128xi32, #tpu.memory_space<vmem>>
    %dma_wait3A_343 = tpu.memref_squeeze %dma_wait3A_342 : memref<1x128xi32, #tpu.memory_space<vmem>> -> memref<128xi32, #tpu.memory_space<vmem>>
    %dma_wait3A_344 = arith.constant 0 : i32
    %dma_wait3A_345 = arith.constant 0 : i32
    %dma_wait3A_346 = tpu.memref_slice %arg3[%dma_wait3A_344, %dma_wait3A_345] : memref<1000000x128xf32, #tpu.memory_space<hbm>> -> memref<1000000x128xf32, #tpu.memory_space<hbm>>
    tpu.wait_indirect_dma semaphore(%arg7 : memref<!tpu.dma_semaphore, #tpu.memory_space<semaphore_mem>>) src(%dma_wait3A_346 : memref<1000000x128xf32, #tpu.memory_space<hbm>>) dst(%dma_wait3A_340 : memref<128x128xf32, #tpu.memory_space<vmem>>)
    %add3A_347 = arith.constant 768 : i32
    %add3A_348 = arith.addi %mul3A_2, %add3A_347 : i32
    %dma_start3A_349 = arith.constant 0 : i32
    %dma_start3A_350 = arith.constant 0 : i32
    %dma_start3A_351 = arith.constant 0 : i32
    %dma_start3A_352 = tpu.memref_slice %arg6[%dma_start3A_349, %dma_start3A_350, %dma_start3A_351] : memref<6x128x128xf32, #tpu.memory_space<vmem>> -> memref<1x128x128xf32, #tpu.memory_space<vmem>>
    %dma_start3A_353 = tpu.memref_squeeze %dma_start3A_352 : memref<1x128x128xf32, #tpu.memory_space<vmem>> -> memref<128x128xf32, #tpu.memory_space<vmem>>
    %dma_start3A_354 = arith.constant 0 : i32
    %dma_start3A_355 = tpu.memref_slice %arg4[%add3A_348, %dma_start3A_354] : memref<40960x128xf32, #tpu.memory_space<hbm>> -> memref<128x128xf32, #tpu.memory_space<hbm>>
    %dma_start3A_356 = arith.constant 0 : i32
    %dma_start3A_357 = tpu.memref_slice %arg4[%add3A_348, %dma_start3A_356] : memref<40960x128xf32, #tpu.memory_space<hbm>> -> memref<128x128xf32, #tpu.memory_space<hbm>>
    %dma_start3A_358 = arith.constant 0 : i32
    %dma_start3A_359 = arith.constant 0 : i32
    %dma_start3A_360 = tpu.memref_slice %arg6[%dma_start3A_349, %dma_start3A_358, %dma_start3A_359] : memref<6x128x128xf32, #tpu.memory_space<vmem>> -> memref<1x128x128xf32, #tpu.memory_space<vmem>>
    %dma_start3A_361 = tpu.memref_squeeze %dma_start3A_360 : memref<1x128x128xf32, #tpu.memory_space<vmem>> -> memref<128x128xf32, #tpu.memory_space<vmem>>
    tpu.enqueue_dma source(%dma_start3A_361 : memref<128x128xf32, #tpu.memory_space<vmem>>) target(%dma_start3A_357 : memref<128x128xf32, #tpu.memory_space<hbm>>) target_semaphore(%arg8 : memref<!tpu.dma_semaphore, #tpu.memory_space<semaphore_mem>>)
    %dma_wait3A_362 = arith.constant 7 : i32
    %dma_wait3A_363 = arith.constant 1 : i32
    %dma_wait3A_364 = arith.constant 0 : i32
    %dma_wait3A_365 = arith.constant 0 : i32
    %dma_wait3A_366 = tpu.memref_slice %arg6[%dma_wait3A_363, %dma_wait3A_364, %dma_wait3A_365] : memref<6x128x128xf32, #tpu.memory_space<vmem>> -> memref<1x128x128xf32, #tpu.memory_space<vmem>>
    %dma_wait3A_367 = tpu.memref_squeeze %dma_wait3A_366 : memref<1x128x128xf32, #tpu.memory_space<vmem>> -> memref<128x128xf32, #tpu.memory_space<vmem>>
    %dma_wait3A_368 = arith.constant 0 : i32
    %dma_wait3A_369 = tpu.memref_slice %arg5[%dma_wait3A_362, %dma_wait3A_368] : memref<10x128xi32, #tpu.memory_space<vmem>> -> memref<1x128xi32, #tpu.memory_space<vmem>>
    %dma_wait3A_370 = tpu.memref_squeeze %dma_wait3A_369 : memref<1x128xi32, #tpu.memory_space<vmem>> -> memref<128xi32, #tpu.memory_space<vmem>>
    %dma_wait3A_371 = arith.constant 0 : i32
    %dma_wait3A_372 = arith.constant 0 : i32
    %dma_wait3A_373 = tpu.memref_slice %arg3[%dma_wait3A_371, %dma_wait3A_372] : memref<1000000x128xf32, #tpu.memory_space<hbm>> -> memref<1000000x128xf32, #tpu.memory_space<hbm>>
    tpu.wait_indirect_dma semaphore(%arg7 : memref<!tpu.dma_semaphore, #tpu.memory_space<semaphore_mem>>) src(%dma_wait3A_373 : memref<1000000x128xf32, #tpu.memory_space<hbm>>) dst(%dma_wait3A_367 : memref<128x128xf32, #tpu.memory_space<vmem>>)
    %add3A_374 = arith.constant 896 : i32
    %add3A_375 = arith.addi %mul3A_2, %add3A_374 : i32
    %dma_start3A_376 = arith.constant 1 : i32
    %dma_start3A_377 = arith.constant 0 : i32
    %dma_start3A_378 = arith.constant 0 : i32
    %dma_start3A_379 = tpu.memref_slice %arg6[%dma_start3A_376, %dma_start3A_377, %dma_start3A_378] : memref<6x128x128xf32, #tpu.memory_space<vmem>> -> memref<1x128x128xf32, #tpu.memory_space<vmem>>
    %dma_start3A_380 = tpu.memref_squeeze %dma_start3A_379 : memref<1x128x128xf32, #tpu.memory_space<vmem>> -> memref<128x128xf32, #tpu.memory_space<vmem>>
    %dma_start3A_381 = arith.constant 0 : i32
    %dma_start3A_382 = tpu.memref_slice %arg4[%add3A_375, %dma_start3A_381] : memref<40960x128xf32, #tpu.memory_space<hbm>> -> memref<128x128xf32, #tpu.memory_space<hbm>>
    %dma_start3A_383 = arith.constant 0 : i32
    %dma_start3A_384 = tpu.memref_slice %arg4[%add3A_375, %dma_start3A_383] : memref<40960x128xf32, #tpu.memory_space<hbm>> -> memref<128x128xf32, #tpu.memory_space<hbm>>
    %dma_start3A_385 = arith.constant 0 : i32
    %dma_start3A_386 = arith.constant 0 : i32
    %dma_start3A_387 = tpu.memref_slice %arg6[%dma_start3A_376, %dma_start3A_385, %dma_start3A_386] : memref<6x128x128xf32, #tpu.memory_space<vmem>> -> memref<1x128x128xf32, #tpu.memory_space<vmem>>
    %dma_start3A_388 = tpu.memref_squeeze %dma_start3A_387 : memref<1x128x128xf32, #tpu.memory_space<vmem>> -> memref<128x128xf32, #tpu.memory_space<vmem>>
    tpu.enqueue_dma source(%dma_start3A_388 : memref<128x128xf32, #tpu.memory_space<vmem>>) target(%dma_start3A_384 : memref<128x128xf32, #tpu.memory_space<hbm>>) target_semaphore(%arg8 : memref<!tpu.dma_semaphore, #tpu.memory_space<semaphore_mem>>)
    %dma_wait3A_389 = arith.constant 8 : i32
    %dma_wait3A_390 = arith.constant 2 : i32
    %dma_wait3A_391 = arith.constant 0 : i32
    %dma_wait3A_392 = arith.constant 0 : i32
    %dma_wait3A_393 = tpu.memref_slice %arg6[%dma_wait3A_390, %dma_wait3A_391, %dma_wait3A_392] : memref<6x128x128xf32, #tpu.memory_space<vmem>> -> memref<1x128x128xf32, #tpu.memory_space<vmem>>
    %dma_wait3A_394 = tpu.memref_squeeze %dma_wait3A_393 : memref<1x128x128xf32, #tpu.memory_space<vmem>> -> memref<128x128xf32, #tpu.memory_space<vmem>>
    %dma_wait3A_395 = arith.constant 0 : i32
    %dma_wait3A_396 = tpu.memref_slice %arg5[%dma_wait3A_389, %dma_wait3A_395] : memref<10x128xi32, #tpu.memory_space<vmem>> -> memref<1x128xi32, #tpu.memory_space<vmem>>
    %dma_wait3A_397 = tpu.memref_squeeze %dma_wait3A_396 : memref<1x128xi32, #tpu.memory_space<vmem>> -> memref<128xi32, #tpu.memory_space<vmem>>
    %dma_wait3A_398 = arith.constant 0 : i32
    %dma_wait3A_399 = arith.constant 0 : i32
    %dma_wait3A_400 = tpu.memref_slice %arg3[%dma_wait3A_398, %dma_wait3A_399] : memref<1000000x128xf32, #tpu.memory_space<hbm>> -> memref<1000000x128xf32, #tpu.memory_space<hbm>>
    tpu.wait_indirect_dma semaphore(%arg7 : memref<!tpu.dma_semaphore, #tpu.memory_space<semaphore_mem>>) src(%dma_wait3A_400 : memref<1000000x128xf32, #tpu.memory_space<hbm>>) dst(%dma_wait3A_394 : memref<128x128xf32, #tpu.memory_space<vmem>>)
    %add3A_401 = arith.constant 1024 : i32
    %add3A_402 = arith.addi %mul3A_2, %add3A_401 : i32
    %dma_start3A_403 = arith.constant 2 : i32
    %dma_start3A_404 = arith.constant 0 : i32
    %dma_start3A_405 = arith.constant 0 : i32
    %dma_start3A_406 = tpu.memref_slice %arg6[%dma_start3A_403, %dma_start3A_404, %dma_start3A_405] : memref<6x128x128xf32, #tpu.memory_space<vmem>> -> memref<1x128x128xf32, #tpu.memory_space<vmem>>
    %dma_start3A_407 = tpu.memref_squeeze %dma_start3A_406 : memref<1x128x128xf32, #tpu.memory_space<vmem>> -> memref<128x128xf32, #tpu.memory_space<vmem>>
    %dma_start3A_408 = arith.constant 0 : i32
    %dma_start3A_409 = tpu.memref_slice %arg4[%add3A_402, %dma_start3A_408] : memref<40960x128xf32, #tpu.memory_space<hbm>> -> memref<128x128xf32, #tpu.memory_space<hbm>>
    %dma_start3A_410 = arith.constant 0 : i32
    %dma_start3A_411 = tpu.memref_slice %arg4[%add3A_402, %dma_start3A_410] : memref<40960x128xf32, #tpu.memory_space<hbm>> -> memref<128x128xf32, #tpu.memory_space<hbm>>
    %dma_start3A_412 = arith.constant 0 : i32
    %dma_start3A_413 = arith.constant 0 : i32
    %dma_start3A_414 = tpu.memref_slice %arg6[%dma_start3A_403, %dma_start3A_412, %dma_start3A_413] : memref<6x128x128xf32, #tpu.memory_space<vmem>> -> memref<1x128x128xf32, #tpu.memory_space<vmem>>
    %dma_start3A_415 = tpu.memref_squeeze %dma_start3A_414 : memref<1x128x128xf32, #tpu.memory_space<vmem>> -> memref<128x128xf32, #tpu.memory_space<vmem>>
    tpu.enqueue_dma source(%dma_start3A_415 : memref<128x128xf32, #tpu.memory_space<vmem>>) target(%dma_start3A_411 : memref<128x128xf32, #tpu.memory_space<hbm>>) target_semaphore(%arg8 : memref<!tpu.dma_semaphore, #tpu.memory_space<semaphore_mem>>)
    %dma_wait3A_416 = arith.constant 9 : i32
    %dma_wait3A_417 = arith.constant 3 : i32
    %dma_wait3A_418 = arith.constant 0 : i32
    %dma_wait3A_419 = arith.constant 0 : i32
    %dma_wait3A_420 = tpu.memref_slice %arg6[%dma_wait3A_417, %dma_wait3A_418, %dma_wait3A_419] : memref<6x128x128xf32, #tpu.memory_space<vmem>> -> memref<1x128x128xf32, #tpu.memory_space<vmem>>
    %dma_wait3A_421 = tpu.memref_squeeze %dma_wait3A_420 : memref<1x128x128xf32, #tpu.memory_space<vmem>> -> memref<128x128xf32, #tpu.memory_space<vmem>>
    %dma_wait3A_422 = arith.constant 0 : i32
    %dma_wait3A_423 = tpu.memref_slice %arg5[%dma_wait3A_416, %dma_wait3A_422] : memref<10x128xi32, #tpu.memory_space<vmem>> -> memref<1x128xi32, #tpu.memory_space<vmem>>
    %dma_wait3A_424 = tpu.memref_squeeze %dma_wait3A_423 : memref<1x128xi32, #tpu.memory_space<vmem>> -> memref<128xi32, #tpu.memory_space<vmem>>
    %dma_wait3A_425 = arith.constant 0 : i32
    %dma_wait3A_426 = arith.constant 0 : i32
    %dma_wait3A_427 = tpu.memref_slice %arg3[%dma_wait3A_425, %dma_wait3A_426] : memref<1000000x128xf32, #tpu.memory_space<hbm>> -> memref<1000000x128xf32, #tpu.memory_space<hbm>>
    tpu.wait_indirect_dma semaphore(%arg7 : memref<!tpu.dma_semaphore, #tpu.memory_space<semaphore_mem>>) src(%dma_wait3A_427 : memref<1000000x128xf32, #tpu.memory_space<hbm>>) dst(%dma_wait3A_421 : memref<128x128xf32, #tpu.memory_space<vmem>>)
    %add3A_428 = arith.constant 1152 : i32
    %add3A_429 = arith.addi %mul3A_2, %add3A_428 : i32
    %dma_start3A_430 = arith.constant 3 : i32
    %dma_start3A_431 = arith.constant 0 : i32
    %dma_start3A_432 = arith.constant 0 : i32
    %dma_start3A_433 = tpu.memref_slice %arg6[%dma_start3A_430, %dma_start3A_431, %dma_start3A_432] : memref<6x128x128xf32, #tpu.memory_space<vmem>> -> memref<1x128x128xf32, #tpu.memory_space<vmem>>
    %dma_start3A_434 = tpu.memref_squeeze %dma_start3A_433 : memref<1x128x128xf32, #tpu.memory_space<vmem>> -> memref<128x128xf32, #tpu.memory_space<vmem>>
    %dma_start3A_435 = arith.constant 0 : i32
    %dma_start3A_436 = tpu.memref_slice %arg4[%add3A_429, %dma_start3A_435] : memref<40960x128xf32, #tpu.memory_space<hbm>> -> memref<128x128xf32, #tpu.memory_space<hbm>>
    %dma_start3A_437 = arith.constant 0 : i32
    %dma_start3A_438 = tpu.memref_slice %arg4[%add3A_429, %dma_start3A_437] : memref<40960x128xf32, #tpu.memory_space<hbm>> -> memref<128x128xf32, #tpu.memory_space<hbm>>
    %dma_start3A_439 = arith.constant 0 : i32
    %dma_start3A_440 = arith.constant 0 : i32
    %dma_start3A_441 = tpu.memref_slice %arg6[%dma_start3A_430, %dma_start3A_439, %dma_start3A_440] : memref<6x128x128xf32, #tpu.memory_space<vmem>> -> memref<1x128x128xf32, #tpu.memory_space<vmem>>
    %dma_start3A_442 = tpu.memref_squeeze %dma_start3A_441 : memref<1x128x128xf32, #tpu.memory_space<vmem>> -> memref<128x128xf32, #tpu.memory_space<vmem>>
    tpu.enqueue_dma source(%dma_start3A_442 : memref<128x128xf32, #tpu.memory_space<vmem>>) target(%dma_start3A_438 : memref<128x128xf32, #tpu.memory_space<hbm>>) target_semaphore(%arg8 : memref<!tpu.dma_semaphore, #tpu.memory_space<semaphore_mem>>)
    %dma_wait3A_443 = arith.constant 4 : i32
    %dma_wait3A_444 = arith.constant 0 : i32
    %dma_wait3A_445 = arith.constant 0 : i32
    %dma_wait3A_446 = tpu.memref_slice %arg6[%dma_wait3A_443, %dma_wait3A_444, %dma_wait3A_445] : memref<6x128x128xf32, #tpu.memory_space<vmem>> -> memref<1x128x128xf32, #tpu.memory_space<vmem>>
    %dma_wait3A_447 = tpu.memref_squeeze %dma_wait3A_446 : memref<1x128x128xf32, #tpu.memory_space<vmem>> -> memref<128x128xf32, #tpu.memory_space<vmem>>
    %dma_wait3A_448 = arith.constant 0 : i32
    %dma_wait3A_449 = tpu.memref_slice %arg4[%add3A_294, %dma_wait3A_448] : memref<40960x128xf32, #tpu.memory_space<hbm>> -> memref<128x128xf32, #tpu.memory_space<hbm>>
    %dma_wait3A_450 = arith.constant 0 : i32
    %dma_wait3A_451 = tpu.memref_slice %arg4[%add3A_294, %dma_wait3A_450] : memref<40960x128xf32, #tpu.memory_space<hbm>> -> memref<128x128xf32, #tpu.memory_space<hbm>>
    %dma_wait3A_452 = arith.constant 0 : i32
    %dma_wait3A_453 = arith.constant 0 : i32
    %dma_wait3A_454 = tpu.memref_slice %arg6[%dma_wait3A_443, %dma_wait3A_452, %dma_wait3A_453] : memref<6x128x128xf32, #tpu.memory_space<vmem>> -> memref<1x128x128xf32, #tpu.memory_space<vmem>>
    %dma_wait3A_455 = tpu.memref_squeeze %dma_wait3A_454 : memref<1x128x128xf32, #tpu.memory_space<vmem>> -> memref<128x128xf32, #tpu.memory_space<vmem>>
    tpu.wait_dma2 semaphore(%arg8 : memref<!tpu.dma_semaphore, #tpu.memory_space<semaphore_mem>>) src(%dma_wait3A_455 : memref<128x128xf32, #tpu.memory_space<vmem>>) dst(%dma_wait3A_451 : memref<128x128xf32, #tpu.memory_space<hbm>>)
    %dma_wait3A_456 = arith.constant 5 : i32
    %dma_wait3A_457 = arith.constant 0 : i32
    %dma_wait3A_458 = arith.constant 0 : i32
    %dma_wait3A_459 = tpu.memref_slice %arg6[%dma_wait3A_456, %dma_wait3A_457, %dma_wait3A_458] : memref<6x128x128xf32, #tpu.memory_space<vmem>> -> memref<1x128x128xf32, #tpu.memory_space<vmem>>
    %dma_wait3A_460 = tpu.memref_squeeze %dma_wait3A_459 : memref<1x128x128xf32, #tpu.memory_space<vmem>> -> memref<128x128xf32, #tpu.memory_space<vmem>>
    %dma_wait3A_461 = arith.constant 0 : i32
    %dma_wait3A_462 = tpu.memref_slice %arg4[%add3A_321, %dma_wait3A_461] : memref<40960x128xf32, #tpu.memory_space<hbm>> -> memref<128x128xf32, #tpu.memory_space<hbm>>
    %dma_wait3A_463 = arith.constant 0 : i32
    %dma_wait3A_464 = tpu.memref_slice %arg4[%add3A_321, %dma_wait3A_463] : memref<40960x128xf32, #tpu.memory_space<hbm>> -> memref<128x128xf32, #tpu.memory_space<hbm>>
    %dma_wait3A_465 = arith.constant 0 : i32
    %dma_wait3A_466 = arith.constant 0 : i32
    %dma_wait3A_467 = tpu.memref_slice %arg6[%dma_wait3A_456, %dma_wait3A_465, %dma_wait3A_466] : memref<6x128x128xf32, #tpu.memory_space<vmem>> -> memref<1x128x128xf32, #tpu.memory_space<vmem>>
    %dma_wait3A_468 = tpu.memref_squeeze %dma_wait3A_467 : memref<1x128x128xf32, #tpu.memory_space<vmem>> -> memref<128x128xf32, #tpu.memory_space<vmem>>
    tpu.wait_dma2 semaphore(%arg8 : memref<!tpu.dma_semaphore, #tpu.memory_space<semaphore_mem>>) src(%dma_wait3A_468 : memref<128x128xf32, #tpu.memory_space<vmem>>) dst(%dma_wait3A_464 : memref<128x128xf32, #tpu.memory_space<hbm>>)
    %dma_wait3A_469 = arith.constant 0 : i32
    %dma_wait3A_470 = arith.constant 0 : i32
    %dma_wait3A_471 = arith.constant 0 : i32
    %dma_wait3A_472 = tpu.memref_slice %arg6[%dma_wait3A_469, %dma_wait3A_470, %dma_wait3A_471] : memref<6x128x128xf32, #tpu.memory_space<vmem>> -> memref<1x128x128xf32, #tpu.memory_space<vmem>>
    %dma_wait3A_473 = tpu.memref_squeeze %dma_wait3A_472 : memref<1x128x128xf32, #tpu.memory_space<vmem>> -> memref<128x128xf32, #tpu.memory_space<vmem>>
    %dma_wait3A_474 = arith.constant 0 : i32
    %dma_wait3A_475 = tpu.memref_slice %arg4[%add3A_348, %dma_wait3A_474] : memref<40960x128xf32, #tpu.memory_space<hbm>> -> memref<128x128xf32, #tpu.memory_space<hbm>>
    %dma_wait3A_476 = arith.constant 0 : i32
    %dma_wait3A_477 = tpu.memref_slice %arg4[%add3A_348, %dma_wait3A_476] : memref<40960x128xf32, #tpu.memory_space<hbm>> -> memref<128x128xf32, #tpu.memory_space<hbm>>
    %dma_wait3A_478 = arith.constant 0 : i32
    %dma_wait3A_479 = arith.constant 0 : i32
    %dma_wait3A_480 = tpu.memref_slice %arg6[%dma_wait3A_469, %dma_wait3A_478, %dma_wait3A_479] : memref<6x128x128xf32, #tpu.memory_space<vmem>> -> memref<1x128x128xf32, #tpu.memory_space<vmem>>
    %dma_wait3A_481 = tpu.memref_squeeze %dma_wait3A_480 : memref<1x128x128xf32, #tpu.memory_space<vmem>> -> memref<128x128xf32, #tpu.memory_space<vmem>>
    tpu.wait_dma2 semaphore(%arg8 : memref<!tpu.dma_semaphore, #tpu.memory_space<semaphore_mem>>) src(%dma_wait3A_481 : memref<128x128xf32, #tpu.memory_space<vmem>>) dst(%dma_wait3A_477 : memref<128x128xf32, #tpu.memory_space<hbm>>)
    %dma_wait3A_482 = arith.constant 1 : i32
    %dma_wait3A_483 = arith.constant 0 : i32
    %dma_wait3A_484 = arith.constant 0 : i32
    %dma_wait3A_485 = tpu.memref_slice %arg6[%dma_wait3A_482, %dma_wait3A_483, %dma_wait3A_484] : memref<6x128x128xf32, #tpu.memory_space<vmem>> -> memref<1x128x128xf32, #tpu.memory_space<vmem>>
    %dma_wait3A_486 = tpu.memref_squeeze %dma_wait3A_485 : memref<1x128x128xf32, #tpu.memory_space<vmem>> -> memref<128x128xf32, #tpu.memory_space<vmem>>
    %dma_wait3A_487 = arith.constant 0 : i32
    %dma_wait3A_488 = tpu.memref_slice %arg4[%add3A_375, %dma_wait3A_487] : memref<40960x128xf32, #tpu.memory_space<hbm>> -> memref<128x128xf32, #tpu.memory_space<hbm>>
    %dma_wait3A_489 = arith.constant 0 : i32
    %dma_wait3A_490 = tpu.memref_slice %arg4[%add3A_375, %dma_wait3A_489] : memref<40960x128xf32, #tpu.memory_space<hbm>> -> memref<128x128xf32, #tpu.memory_space<hbm>>
    %dma_wait3A_491 = arith.constant 0 : i32
    %dma_wait3A_492 = arith.constant 0 : i32
    %dma_wait3A_493 = tpu.memref_slice %arg6[%dma_wait3A_482, %dma_wait3A_491, %dma_wait3A_492] : memref<6x128x128xf32, #tpu.memory_space<vmem>> -> memref<1x128x128xf32, #tpu.memory_space<vmem>>
    %dma_wait3A_494 = tpu.memref_squeeze %dma_wait3A_493 : memref<1x128x128xf32, #tpu.memory_space<vmem>> -> memref<128x128xf32, #tpu.memory_space<vmem>>
    tpu.wait_dma2 semaphore(%arg8 : memref<!tpu.dma_semaphore, #tpu.memory_space<semaphore_mem>>) src(%dma_wait3A_494 : memref<128x128xf32, #tpu.memory_space<vmem>>) dst(%dma_wait3A_490 : memref<128x128xf32, #tpu.memory_space<hbm>>)
    %dma_wait3A_495 = arith.constant 2 : i32
    %dma_wait3A_496 = arith.constant 0 : i32
    %dma_wait3A_497 = arith.constant 0 : i32
    %dma_wait3A_498 = tpu.memref_slice %arg6[%dma_wait3A_495, %dma_wait3A_496, %dma_wait3A_497] : memref<6x128x128xf32, #tpu.memory_space<vmem>> -> memref<1x128x128xf32, #tpu.memory_space<vmem>>
    %dma_wait3A_499 = tpu.memref_squeeze %dma_wait3A_498 : memref<1x128x128xf32, #tpu.memory_space<vmem>> -> memref<128x128xf32, #tpu.memory_space<vmem>>
    %dma_wait3A_500 = arith.constant 0 : i32
    %dma_wait3A_501 = tpu.memref_slice %arg4[%add3A_402, %dma_wait3A_500] : memref<40960x128xf32, #tpu.memory_space<hbm>> -> memref<128x128xf32, #tpu.memory_space<hbm>>
    %dma_wait3A_502 = arith.constant 0 : i32
    %dma_wait3A_503 = tpu.memref_slice %arg4[%add3A_402, %dma_wait3A_502] : memref<40960x128xf32, #tpu.memory_space<hbm>> -> memref<128x128xf32, #tpu.memory_space<hbm>>
    %dma_wait3A_504 = arith.constant 0 : i32
    %dma_wait3A_505 = arith.constant 0 : i32
    %dma_wait3A_506 = tpu.memref_slice %arg6[%dma_wait3A_495, %dma_wait3A_504, %dma_wait3A_505] : memref<6x128x128xf32, #tpu.memory_space<vmem>> -> memref<1x128x128xf32, #tpu.memory_space<vmem>>
    %dma_wait3A_507 = tpu.memref_squeeze %dma_wait3A_506 : memref<1x128x128xf32, #tpu.memory_space<vmem>> -> memref<128x128xf32, #tpu.memory_space<vmem>>
    tpu.wait_dma2 semaphore(%arg8 : memref<!tpu.dma_semaphore, #tpu.memory_space<semaphore_mem>>) src(%dma_wait3A_507 : memref<128x128xf32, #tpu.memory_space<vmem>>) dst(%dma_wait3A_503 : memref<128x128xf32, #tpu.memory_space<hbm>>)
    %dma_wait3A_508 = arith.constant 3 : i32
    %dma_wait3A_509 = arith.constant 0 : i32
    %dma_wait3A_510 = arith.constant 0 : i32
    %dma_wait3A_511 = tpu.memref_slice %arg6[%dma_wait3A_508, %dma_wait3A_509, %dma_wait3A_510] : memref<6x128x128xf32, #tpu.memory_space<vmem>> -> memref<1x128x128xf32, #tpu.memory_space<vmem>>
    %dma_wait3A_512 = tpu.memref_squeeze %dma_wait3A_511 : memref<1x128x128xf32, #tpu.memory_space<vmem>> -> memref<128x128xf32, #tpu.memory_space<vmem>>
    %dma_wait3A_513 = arith.constant 0 : i32
    %dma_wait3A_514 = tpu.memref_slice %arg4[%add3A_429, %dma_wait3A_513] : memref<40960x128xf32, #tpu.memory_space<hbm>> -> memref<128x128xf32, #tpu.memory_space<hbm>>
    %dma_wait3A_515 = arith.constant 0 : i32
    %dma_wait3A_516 = tpu.memref_slice %arg4[%add3A_429, %dma_wait3A_515] : memref<40960x128xf32, #tpu.memory_space<hbm>> -> memref<128x128xf32, #tpu.memory_space<hbm>>
    %dma_wait3A_517 = arith.constant 0 : i32
    %dma_wait3A_518 = arith.constant 0 : i32
    %dma_wait3A_519 = tpu.memref_slice %arg6[%dma_wait3A_508, %dma_wait3A_517, %dma_wait3A_518] : memref<6x128x128xf32, #tpu.memory_space<vmem>> -> memref<1x128x128xf32, #tpu.memory_space<vmem>>
    %dma_wait3A_520 = tpu.memref_squeeze %dma_wait3A_519 : memref<1x128x128xf32, #tpu.memory_space<vmem>> -> memref<128x128xf32, #tpu.memory_space<vmem>>
    tpu.wait_dma2 semaphore(%arg8 : memref<!tpu.dma_semaphore, #tpu.memory_space<semaphore_mem>>) src(%dma_wait3A_520 : memref<128x128xf32, #tpu.memory_space<vmem>>) dst(%dma_wait3A_516 : memref<128x128xf32, #tpu.memory_space<hbm>>)
    return
  }
}

#map = affine_map<(d0, d1) -> (0, 0, 0)>
#map1 = affine_map<(d0, d1) -> (0, 0)>
module attributes {stable_mosaic.version = 14 : i64} {
  func.func @_sc_gather(%arg0: i32, %arg1: i32, %arg2: memref<32x10x128xi32, #tpu.memory_space<hbm>>, %arg3: memref<1000000x128xf32, #tpu.memory_space<hbm>>, %arg4: memref<40960x128xf32, #tpu.memory_space<hbm>>, %arg5: memref<10x128xi32, #tpu.memory_space<vmem>>, %arg6: memref<6x128x128xf32, #tpu.memory_space<vmem>>, %arg7: memref<!tpu.dma_semaphore, #tpu.memory_space<semaphore_mem>>, %arg8: memref<!tpu.dma_semaphore, #tpu.memory_space<semaphore_mem>>) attributes {dimension_semantics = [#tpu.dimension_semantics<core_parallel>, #tpu.dimension_semantics<subcore_parallel>], iteration_bounds = array<i64: 2, 16>, scalar_prefetch = 0 : i64, scratch_operands = 4 : i64, tpu.core_type = #tpu.core_type<sc_vector_subcore>, window_params = [{transform_indices = #map}, {transform_indices = #map1}, {transform_indices = #map1}]} {
    %mul3A = arith.constant 2 : i32
    %mul3A_0 = arith.muli %arg1, %mul3A : i32
    %add3A = arith.addi %mul3A_0, %arg0 : i32
    %mul3A_1 = arith.constant 1280 : i32
    %mul3A_2 = arith.muli %add3A, %mul3A_1 : i32
    "tpu.region"() ({
      %run_scoped3A = tpu.sem_alloc : memref<!tpu.dma_semaphore, #tpu.memory_space<semaphore_mem>>
      %dma_start3A_521 = arith.constant 0 : i32
      %dma_start3A_522 = arith.constant 0 : i32
      %dma_start3A_523 = tpu.memref_slice %arg2[%add3A, %dma_start3A_521, %dma_start3A_522] : memref<32x10x128xi32, #tpu.memory_space<hbm>> -> memref<1x10x128xi32, #tpu.memory_space<hbm>>
      %dma_start3A_524 = tpu.memref_squeeze %dma_start3A_523 : memref<1x10x128xi32, #tpu.memory_space<hbm>> -> memref<10x128xi32, #tpu.memory_space<hbm>>
      %dma_start3A_525 = arith.constant 0 : i32
      %dma_start3A_526 = arith.constant 0 : i32
      %dma_start3A_527 = tpu.memref_slice %arg2[%add3A, %dma_start3A_525, %dma_start3A_526] : memref<32x10x128xi32, #tpu.memory_space<hbm>> -> memref<1x10x128xi32, #tpu.memory_space<hbm>>
      %dma_start3A_528 = tpu.memref_squeeze %dma_start3A_527 : memref<1x10x128xi32, #tpu.memory_space<hbm>> -> memref<10x128xi32, #tpu.memory_space<hbm>>
      tpu.enqueue_dma source(%dma_start3A_528 : memref<10x128xi32, #tpu.memory_space<hbm>>) target(%arg5 : memref<10x128xi32, #tpu.memory_space<vmem>>) target_semaphore(%run_scoped3A : memref<!tpu.dma_semaphore, #tpu.memory_space<semaphore_mem>>)
      %dma_wait3A_529 = arith.constant 0 : i32
      %dma_wait3A_530 = arith.constant 0 : i32
      %dma_wait3A_531 = tpu.memref_slice %arg2[%add3A, %dma_wait3A_529, %dma_wait3A_530] : memref<32x10x128xi32, #tpu.memory_space<hbm>> -> memref<1x10x128xi32, #tpu.memory_space<hbm>>
      %dma_wait3A_532 = tpu.memref_squeeze %dma_wait3A_531 : memref<1x10x128xi32, #tpu.memory_space<hbm>> -> memref<10x128xi32, #tpu.memory_space<hbm>>
      %dma_wait3A_533 = arith.constant 0 : i32
      %dma_wait3A_534 = arith.constant 0 : i32
      %dma_wait3A_535 = tpu.memref_slice %arg2[%add3A, %dma_wait3A_533, %dma_wait3A_534] : memref<32x10x128xi32, #tpu.memory_space<hbm>> -> memref<1x10x128xi32, #tpu.memory_space<hbm>>
      %dma_wait3A_536 = tpu.memref_squeeze %dma_wait3A_535 : memref<1x10x128xi32, #tpu.memory_space<hbm>> -> memref<10x128xi32, #tpu.memory_space<hbm>>
      tpu.wait_dma2 semaphore(%run_scoped3A : memref<!tpu.dma_semaphore, #tpu.memory_space<semaphore_mem>>) src(%dma_wait3A_536 : memref<10x128xi32, #tpu.memory_space<hbm>>) dst(%arg5 : memref<10x128xi32, #tpu.memory_space<vmem>>)
      tpu.yield
    }) : () -> ()
    %dma_start3A = arith.constant 0 : i32
    %dma_start3A_3 = arith.constant 0 : i32
    %dma_start3A_4 = arith.constant 0 : i32
    %dma_start3A_5 = arith.constant 0 : i32
    %dma_start3A_6 = tpu.memref_slice %arg6[%dma_start3A_3, %dma_start3A_4, %dma_start3A_5] : memref<6x128x128xf32, #tpu.memory_space<vmem>> -> memref<1x128x128xf32, #tpu.memory_space<vmem>>
    %dma_start3A_7 = tpu.memref_squeeze %dma_start3A_6 : memref<1x128x128xf32, #tpu.memory_space<vmem>> -> memref<128x128xf32, #tpu.memory_space<vmem>>
    %dma_start3A_8 = arith.constant 0 : i32
    %dma_start3A_9 = tpu.memref_slice %arg5[%dma_start3A, %dma_start3A_8] : memref<10x128xi32, #tpu.memory_space<vmem>> -> memref<1x128xi32, #tpu.memory_space<vmem>>
    %dma_start3A_10 = tpu.memref_squeeze %dma_start3A_9 : memref<1x128xi32, #tpu.memory_space<vmem>> -> memref<128xi32, #tpu.memory_space<vmem>>
    %dma_start3A_11 = arith.constant 0 : i32
    %dma_start3A_12 = arith.constant 0 : i32
    %dma_start3A_13 = tpu.memref_slice %arg3[%dma_start3A_11, %dma_start3A_12] : memref<1000000x128xf32, #tpu.memory_space<hbm>> -> memref<1000000x128xf32, #tpu.memory_space<hbm>>
    tpu.enqueue_indirect_dma source(%dma_start3A_13 : memref<1000000x128xf32, #tpu.memory_space<hbm>>) target(%dma_start3A_7 : memref<128x128xf32, #tpu.memory_space<vmem>>) offsets(%dma_start3A_10 : memref<128xi32, #tpu.memory_space<vmem>>) semaphore(%arg7 : memref<!tpu.dma_semaphore, #tpu.memory_space<semaphore_mem>>)
    %dma_start3A_14 = arith.constant 1 : i32
    %dma_start3A_15 = arith.constant 1 : i32
    %dma_start3A_16 = arith.constant 0 : i32
    %dma_start3A_17 = arith.constant 0 : i32
    %dma_start3A_18 = tpu.memref_slice %arg6[%dma_start3A_15, %dma_start3A_16, %dma_start3A_17] : memref<6x128x128xf32, #tpu.memory_space<vmem>> -> memref<1x128x128xf32, #tpu.memory_space<vmem>>
    %dma_start3A_19 = tpu.memref_squeeze %dma_start3A_18 : memref<1x128x128xf32, #tpu.memory_space<vmem>> -> memref<128x128xf32, #tpu.memory_space<vmem>>
    %dma_start3A_20 = arith.constant 0 : i32
    %dma_start3A_21 = tpu.memref_slice %arg5[%dma_start3A_14, %dma_start3A_20] : memref<10x128xi32, #tpu.memory_space<vmem>> -> memref<1x128xi32, #tpu.memory_space<vmem>>
    %dma_start3A_22 = tpu.memref_squeeze %dma_start3A_21 : memref<1x128xi32, #tpu.memory_space<vmem>> -> memref<128xi32, #tpu.memory_space<vmem>>
    %dma_start3A_23 = arith.constant 0 : i32
    %dma_start3A_24 = arith.constant 0 : i32
    %dma_start3A_25 = tpu.memref_slice %arg3[%dma_start3A_23, %dma_start3A_24] : memref<1000000x128xf32, #tpu.memory_space<hbm>> -> memref<1000000x128xf32, #tpu.memory_space<hbm>>
    tpu.enqueue_indirect_dma source(%dma_start3A_25 : memref<1000000x128xf32, #tpu.memory_space<hbm>>) target(%dma_start3A_19 : memref<128x128xf32, #tpu.memory_space<vmem>>) offsets(%dma_start3A_22 : memref<128xi32, #tpu.memory_space<vmem>>) semaphore(%arg7 : memref<!tpu.dma_semaphore, #tpu.memory_space<semaphore_mem>>)
    %dma_start3A_26 = arith.constant 2 : i32
    %dma_start3A_27 = arith.constant 2 : i32
    %dma_start3A_28 = arith.constant 0 : i32
    %dma_start3A_29 = arith.constant 0 : i32
    %dma_start3A_30 = tpu.memref_slice %arg6[%dma_start3A_27, %dma_start3A_28, %dma_start3A_29] : memref<6x128x128xf32, #tpu.memory_space<vmem>> -> memref<1x128x128xf32, #tpu.memory_space<vmem>>
    %dma_start3A_31 = tpu.memref_squeeze %dma_start3A_30 : memref<1x128x128xf32, #tpu.memory_space<vmem>> -> memref<128x128xf32, #tpu.memory_space<vmem>>
    %dma_start3A_32 = arith.constant 0 : i32
    %dma_start3A_33 = tpu.memref_slice %arg5[%dma_start3A_26, %dma_start3A_32] : memref<10x128xi32, #tpu.memory_space<vmem>> -> memref<1x128xi32, #tpu.memory_space<vmem>>
    %dma_start3A_34 = tpu.memref_squeeze %dma_start3A_33 : memref<1x128xi32, #tpu.memory_space<vmem>> -> memref<128xi32, #tpu.memory_space<vmem>>
    %dma_start3A_35 = arith.constant 0 : i32
    %dma_start3A_36 = arith.constant 0 : i32
    %dma_start3A_37 = tpu.memref_slice %arg3[%dma_start3A_35, %dma_start3A_36] : memref<1000000x128xf32, #tpu.memory_space<hbm>> -> memref<1000000x128xf32, #tpu.memory_space<hbm>>
    tpu.enqueue_indirect_dma source(%dma_start3A_37 : memref<1000000x128xf32, #tpu.memory_space<hbm>>) target(%dma_start3A_31 : memref<128x128xf32, #tpu.memory_space<vmem>>) offsets(%dma_start3A_34 : memref<128xi32, #tpu.memory_space<vmem>>) semaphore(%arg7 : memref<!tpu.dma_semaphore, #tpu.memory_space<semaphore_mem>>)
    %dma_start3A_38 = arith.constant 3 : i32
    %dma_start3A_39 = arith.constant 3 : i32
    %dma_start3A_40 = arith.constant 0 : i32
    %dma_start3A_41 = arith.constant 0 : i32
    %dma_start3A_42 = tpu.memref_slice %arg6[%dma_start3A_39, %dma_start3A_40, %dma_start3A_41] : memref<6x128x128xf32, #tpu.memory_space<vmem>> -> memref<1x128x128xf32, #tpu.memory_space<vmem>>
    %dma_start3A_43 = tpu.memref_squeeze %dma_start3A_42 : memref<1x128x128xf32, #tpu.memory_space<vmem>> -> memref<128x128xf32, #tpu.memory_space<vmem>>
    %dma_start3A_44 = arith.constant 0 : i32
    %dma_start3A_45 = tpu.memref_slice %arg5[%dma_start3A_38, %dma_start3A_44] : memref<10x128xi32, #tpu.memory_space<vmem>> -> memref<1x128xi32, #tpu.memory_space<vmem>>
    %dma_start3A_46 = tpu.memref_squeeze %dma_start3A_45 : memref<1x128xi32, #tpu.memory_space<vmem>> -> memref<128xi32, #tpu.memory_space<vmem>>
    %dma_start3A_47 = arith.constant 0 : i32
    %dma_start3A_48 = arith.constant 0 : i32
    %dma_start3A_49 = tpu.memref_slice %arg3[%dma_start3A_47, %dma_start3A_48] : memref<1000000x128xf32, #tpu.memory_space<hbm>> -> memref<1000000x128xf32, #tpu.memory_space<hbm>>
    tpu.enqueue_indirect_dma source(%dma_start3A_49 : memref<1000000x128xf32, #tpu.memory_space<hbm>>) target(%dma_start3A_43 : memref<128x128xf32, #tpu.memory_space<vmem>>) offsets(%dma_start3A_46 : memref<128xi32, #tpu.memory_space<vmem>>) semaphore(%arg7 : memref<!tpu.dma_semaphore, #tpu.memory_space<semaphore_mem>>)
    %dma_start3A_50 = arith.constant 4 : i32
    %dma_start3A_51 = arith.constant 4 : i32
    %dma_start3A_52 = arith.constant 0 : i32
    %dma_start3A_53 = arith.constant 0 : i32
    %dma_start3A_54 = tpu.memref_slice %arg6[%dma_start3A_51, %dma_start3A_52, %dma_start3A_53] : memref<6x128x128xf32, #tpu.memory_space<vmem>> -> memref<1x128x128xf32, #tpu.memory_space<vmem>>
    %dma_start3A_55 = tpu.memref_squeeze %dma_start3A_54 : memref<1x128x128xf32, #tpu.memory_space<vmem>> -> memref<128x128xf32, #tpu.memory_space<vmem>>
    %dma_start3A_56 = arith.constant 0 : i32
    %dma_start3A_57 = tpu.memref_slice %arg5[%dma_start3A_50, %dma_start3A_56] : memref<10x128xi32, #tpu.memory_space<vmem>> -> memref<1x128xi32, #tpu.memory_space<vmem>>
    %dma_start3A_58 = tpu.memref_squeeze %dma_start3A_57 : memref<1x128xi32, #tpu.memory_space<vmem>> -> memref<128xi32, #tpu.memory_space<vmem>>
    %dma_start3A_59 = arith.constant 0 : i32
    %dma_start3A_60 = arith.constant 0 : i32
    %dma_start3A_61 = tpu.memref_slice %arg3[%dma_start3A_59, %dma_start3A_60] : memref<1000000x128xf32, #tpu.memory_space<hbm>> -> memref<1000000x128xf32, #tpu.memory_space<hbm>>
    tpu.enqueue_indirect_dma source(%dma_start3A_61 : memref<1000000x128xf32, #tpu.memory_space<hbm>>) target(%dma_start3A_55 : memref<128x128xf32, #tpu.memory_space<vmem>>) offsets(%dma_start3A_58 : memref<128xi32, #tpu.memory_space<vmem>>) semaphore(%arg7 : memref<!tpu.dma_semaphore, #tpu.memory_space<semaphore_mem>>)
    %dma_start3A_62 = arith.constant 5 : i32
    %dma_start3A_63 = arith.constant 5 : i32
    %dma_start3A_64 = arith.constant 0 : i32
    %dma_start3A_65 = arith.constant 0 : i32
    %dma_start3A_66 = tpu.memref_slice %arg6[%dma_start3A_63, %dma_start3A_64, %dma_start3A_65] : memref<6x128x128xf32, #tpu.memory_space<vmem>> -> memref<1x128x128xf32, #tpu.memory_space<vmem>>
    %dma_start3A_67 = tpu.memref_squeeze %dma_start3A_66 : memref<1x128x128xf32, #tpu.memory_space<vmem>> -> memref<128x128xf32, #tpu.memory_space<vmem>>
    %dma_start3A_68 = arith.constant 0 : i32
    %dma_start3A_69 = tpu.memref_slice %arg5[%dma_start3A_62, %dma_start3A_68] : memref<10x128xi32, #tpu.memory_space<vmem>> -> memref<1x128xi32, #tpu.memory_space<vmem>>
    %dma_start3A_70 = tpu.memref_squeeze %dma_start3A_69 : memref<1x128xi32, #tpu.memory_space<vmem>> -> memref<128xi32, #tpu.memory_space<vmem>>
    %dma_start3A_71 = arith.constant 0 : i32
    %dma_start3A_72 = arith.constant 0 : i32
    %dma_start3A_73 = tpu.memref_slice %arg3[%dma_start3A_71, %dma_start3A_72] : memref<1000000x128xf32, #tpu.memory_space<hbm>> -> memref<1000000x128xf32, #tpu.memory_space<hbm>>
    tpu.enqueue_indirect_dma source(%dma_start3A_73 : memref<1000000x128xf32, #tpu.memory_space<hbm>>) target(%dma_start3A_67 : memref<128x128xf32, #tpu.memory_space<vmem>>) offsets(%dma_start3A_70 : memref<128xi32, #tpu.memory_space<vmem>>) semaphore(%arg7 : memref<!tpu.dma_semaphore, #tpu.memory_space<semaphore_mem>>)
    %dma_wait3A = arith.constant 0 : i32
    %dma_wait3A_74 = arith.constant 0 : i32
    %dma_wait3A_75 = arith.constant 0 : i32
    %dma_wait3A_76 = arith.constant 0 : i32
    %dma_wait3A_77 = tpu.memref_slice %arg6[%dma_wait3A_74, %dma_wait3A_75, %dma_wait3A_76] : memref<6x128x128xf32, #tpu.memory_space<vmem>> -> memref<1x128x128xf32, #tpu.memory_space<vmem>>
    %dma_wait3A_78 = tpu.memref_squeeze %dma_wait3A_77 : memref<1x128x128xf32, #tpu.memory_space<vmem>> -> memref<128x128xf32, #tpu.memory_space<vmem>>
    %dma_wait3A_79 = arith.constant 0 : i32
    %dma_wait3A_80 = tpu.memref_slice %arg5[%dma_wait3A, %dma_wait3A_79] : memref<10x128xi32, #tpu.memory_space<vmem>> -> memref<1x128xi32, #tpu.memory_space<vmem>>
    %dma_wait3A_81 = tpu.memref_squeeze %dma_wait3A_80 : memref<1x128xi32, #tpu.memory_space<vmem>> -> memref<128xi32, #tpu.memory_space<vmem>>
    %dma_wait3A_82 = arith.constant 0 : i32
    %dma_wait3A_83 = arith.constant 0 : i32
    %dma_wait3A_84 = tpu.memref_slice %arg3[%dma_wait3A_82, %dma_wait3A_83] : memref<1000000x128xf32, #tpu.memory_space<hbm>> -> memref<1000000x128xf32, #tpu.memory_space<hbm>>
    tpu.wait_indirect_dma semaphore(%arg7 : memref<!tpu.dma_semaphore, #tpu.memory_space<semaphore_mem>>) src(%dma_wait3A_84 : memref<1000000x128xf32, #tpu.memory_space<hbm>>) dst(%dma_wait3A_78 : memref<128x128xf32, #tpu.memory_space<vmem>>)
    %add3A_85 = arith.constant 0 : i32
    %add3A_86 = arith.addi %mul3A_2, %add3A_85 : i32
    %dma_start3A_87 = arith.constant 0 : i32
    %dma_start3A_88 = arith.constant 0 : i32
    %dma_start3A_89 = arith.constant 0 : i32
    %dma_start3A_90 = tpu.memref_slice %arg6[%dma_start3A_87, %dma_start3A_88, %dma_start3A_89] : memref<6x128x128xf32, #tpu.memory_space<vmem>> -> memref<1x128x128xf32, #tpu.memory_space<vmem>>
    %dma_start3A_91 = tpu.memref_squeeze %dma_start3A_90 : memref<1x128x128xf32, #tpu.memory_space<vmem>> -> memref<128x128xf32, #tpu.memory_space<vmem>>
    %dma_start3A_92 = arith.constant 0 : i32
    %dma_start3A_93 = tpu.memref_slice %arg4[%add3A_86, %dma_start3A_92] : memref<40960x128xf32, #tpu.memory_space<hbm>> -> memref<128x128xf32, #tpu.memory_space<hbm>>
    %dma_start3A_94 = arith.constant 0 : i32
    %dma_start3A_95 = tpu.memref_slice %arg4[%add3A_86, %dma_start3A_94] : memref<40960x128xf32, #tpu.memory_space<hbm>> -> memref<128x128xf32, #tpu.memory_space<hbm>>
    %dma_start3A_96 = arith.constant 0 : i32
    %dma_start3A_97 = arith.constant 0 : i32
    %dma_start3A_98 = tpu.memref_slice %arg6[%dma_start3A_87, %dma_start3A_96, %dma_start3A_97] : memref<6x128x128xf32, #tpu.memory_space<vmem>> -> memref<1x128x128xf32, #tpu.memory_space<vmem>>
    %dma_start3A_99 = tpu.memref_squeeze %dma_start3A_98 : memref<1x128x128xf32, #tpu.memory_space<vmem>> -> memref<128x128xf32, #tpu.memory_space<vmem>>
    tpu.enqueue_dma source(%dma_start3A_99 : memref<128x128xf32, #tpu.memory_space<vmem>>) target(%dma_start3A_95 : memref<128x128xf32, #tpu.memory_space<hbm>>) target_semaphore(%arg8 : memref<!tpu.dma_semaphore, #tpu.memory_space<semaphore_mem>>)
    %dma_wait3A_100 = arith.constant 0 : i32
    %dma_wait3A_101 = arith.constant 0 : i32
    %dma_wait3A_102 = arith.constant 0 : i32
    %dma_wait3A_103 = tpu.memref_slice %arg6[%dma_wait3A_100, %dma_wait3A_101, %dma_wait3A_102] : memref<6x128x128xf32, #tpu.memory_space<vmem>> -> memref<1x128x128xf32, #tpu.memory_space<vmem>>
    %dma_wait3A_104 = tpu.memref_squeeze %dma_wait3A_103 : memref<1x128x128xf32, #tpu.memory_space<vmem>> -> memref<128x128xf32, #tpu.memory_space<vmem>>
    %dma_wait3A_105 = arith.constant 0 : i32
    %dma_wait3A_106 = tpu.memref_slice %arg4[%add3A_86, %dma_wait3A_105] : memref<40960x128xf32, #tpu.memory_space<hbm>> -> memref<128x128xf32, #tpu.memory_space<hbm>>
    %dma_wait3A_107 = arith.constant 0 : i32
    %dma_wait3A_108 = tpu.memref_slice %arg4[%add3A_86, %dma_wait3A_107] : memref<40960x128xf32, #tpu.memory_space<hbm>> -> memref<128x128xf32, #tpu.memory_space<hbm>>
    %dma_wait3A_109 = arith.constant 0 : i32
    %dma_wait3A_110 = arith.constant 0 : i32
    %dma_wait3A_111 = tpu.memref_slice %arg6[%dma_wait3A_100, %dma_wait3A_109, %dma_wait3A_110] : memref<6x128x128xf32, #tpu.memory_space<vmem>> -> memref<1x128x128xf32, #tpu.memory_space<vmem>>
    %dma_wait3A_112 = tpu.memref_squeeze %dma_wait3A_111 : memref<1x128x128xf32, #tpu.memory_space<vmem>> -> memref<128x128xf32, #tpu.memory_space<vmem>>
    tpu.wait_dma2 semaphore(%arg8 : memref<!tpu.dma_semaphore, #tpu.memory_space<semaphore_mem>>) src(%dma_wait3A_112 : memref<128x128xf32, #tpu.memory_space<vmem>>) dst(%dma_wait3A_108 : memref<128x128xf32, #tpu.memory_space<hbm>>)
    %dma_start3A_113 = arith.constant 6 : i32
    %dma_start3A_114 = arith.constant 0 : i32
    %dma_start3A_115 = arith.constant 0 : i32
    %dma_start3A_116 = arith.constant 0 : i32
    %dma_start3A_117 = tpu.memref_slice %arg6[%dma_start3A_114, %dma_start3A_115, %dma_start3A_116] : memref<6x128x128xf32, #tpu.memory_space<vmem>> -> memref<1x128x128xf32, #tpu.memory_space<vmem>>
    %dma_start3A_118 = tpu.memref_squeeze %dma_start3A_117 : memref<1x128x128xf32, #tpu.memory_space<vmem>> -> memref<128x128xf32, #tpu.memory_space<vmem>>
    %dma_start3A_119 = arith.constant 0 : i32
    %dma_start3A_120 = tpu.memref_slice %arg5[%dma_start3A_113, %dma_start3A_119] : memref<10x128xi32, #tpu.memory_space<vmem>> -> memref<1x128xi32, #tpu.memory_space<vmem>>
    %dma_start3A_121 = tpu.memref_squeeze %dma_start3A_120 : memref<1x128xi32, #tpu.memory_space<vmem>> -> memref<128xi32, #tpu.memory_space<vmem>>
    %dma_start3A_122 = arith.constant 0 : i32
    %dma_start3A_123 = arith.constant 0 : i32
    %dma_start3A_124 = tpu.memref_slice %arg3[%dma_start3A_122, %dma_start3A_123] : memref<1000000x128xf32, #tpu.memory_space<hbm>> -> memref<1000000x128xf32, #tpu.memory_space<hbm>>
    tpu.enqueue_indirect_dma source(%dma_start3A_124 : memref<1000000x128xf32, #tpu.memory_space<hbm>>) target(%dma_start3A_118 : memref<128x128xf32, #tpu.memory_space<vmem>>) offsets(%dma_start3A_121 : memref<128xi32, #tpu.memory_space<vmem>>) semaphore(%arg7 : memref<!tpu.dma_semaphore, #tpu.memory_space<semaphore_mem>>)
    %dma_wait3A_125 = arith.constant 1 : i32
    %dma_wait3A_126 = arith.constant 1 : i32
    %dma_wait3A_127 = arith.constant 0 : i32
    %dma_wait3A_128 = arith.constant 0 : i32
    %dma_wait3A_129 = tpu.memref_slice %arg6[%dma_wait3A_126, %dma_wait3A_127, %dma_wait3A_128] : memref<6x128x128xf32, #tpu.memory_space<vmem>> -> memref<1x128x128xf32, #tpu.memory_space<vmem>>
    %dma_wait3A_130 = tpu.memref_squeeze %dma_wait3A_129 : memref<1x128x128xf32, #tpu.memory_space<vmem>> -> memref<128x128xf32, #tpu.memory_space<vmem>>
    %dma_wait3A_131 = arith.constant 0 : i32
    %dma_wait3A_132 = tpu.memref_slice %arg5[%dma_wait3A_125, %dma_wait3A_131] : memref<10x128xi32, #tpu.memory_space<vmem>> -> memref<1x128xi32, #tpu.memory_space<vmem>>
    %dma_wait3A_133 = tpu.memref_squeeze %dma_wait3A_132 : memref<1x128xi32, #tpu.memory_space<vmem>> -> memref<128xi32, #tpu.memory_space<vmem>>
    %dma_wait3A_134 = arith.constant 0 : i32
    %dma_wait3A_135 = arith.constant 0 : i32
    %dma_wait3A_136 = tpu.memref_slice %arg3[%dma_wait3A_134, %dma_wait3A_135] : memref<1000000x128xf32, #tpu.memory_space<hbm>> -> memref<1000000x128xf32, #tpu.memory_space<hbm>>
    tpu.wait_indirect_dma semaphore(%arg7 : memref<!tpu.dma_semaphore, #tpu.memory_space<semaphore_mem>>) src(%dma_wait3A_136 : memref<1000000x128xf32, #tpu.memory_space<hbm>>) dst(%dma_wait3A_130 : memref<128x128xf32, #tpu.memory_space<vmem>>)
    %add3A_137 = arith.constant 128 : i32
    %add3A_138 = arith.addi %mul3A_2, %add3A_137 : i32
    %dma_start3A_139 = arith.constant 1 : i32
    %dma_start3A_140 = arith.constant 0 : i32
    %dma_start3A_141 = arith.constant 0 : i32
    %dma_start3A_142 = tpu.memref_slice %arg6[%dma_start3A_139, %dma_start3A_140, %dma_start3A_141] : memref<6x128x128xf32, #tpu.memory_space<vmem>> -> memref<1x128x128xf32, #tpu.memory_space<vmem>>
    %dma_start3A_143 = tpu.memref_squeeze %dma_start3A_142 : memref<1x128x128xf32, #tpu.memory_space<vmem>> -> memref<128x128xf32, #tpu.memory_space<vmem>>
    %dma_start3A_144 = arith.constant 0 : i32
    %dma_start3A_145 = tpu.memref_slice %arg4[%add3A_138, %dma_start3A_144] : memref<40960x128xf32, #tpu.memory_space<hbm>> -> memref<128x128xf32, #tpu.memory_space<hbm>>
    %dma_start3A_146 = arith.constant 0 : i32
    %dma_start3A_147 = tpu.memref_slice %arg4[%add3A_138, %dma_start3A_146] : memref<40960x128xf32, #tpu.memory_space<hbm>> -> memref<128x128xf32, #tpu.memory_space<hbm>>
    %dma_start3A_148 = arith.constant 0 : i32
    %dma_start3A_149 = arith.constant 0 : i32
    %dma_start3A_150 = tpu.memref_slice %arg6[%dma_start3A_139, %dma_start3A_148, %dma_start3A_149] : memref<6x128x128xf32, #tpu.memory_space<vmem>> -> memref<1x128x128xf32, #tpu.memory_space<vmem>>
    %dma_start3A_151 = tpu.memref_squeeze %dma_start3A_150 : memref<1x128x128xf32, #tpu.memory_space<vmem>> -> memref<128x128xf32, #tpu.memory_space<vmem>>
    tpu.enqueue_dma source(%dma_start3A_151 : memref<128x128xf32, #tpu.memory_space<vmem>>) target(%dma_start3A_147 : memref<128x128xf32, #tpu.memory_space<hbm>>) target_semaphore(%arg8 : memref<!tpu.dma_semaphore, #tpu.memory_space<semaphore_mem>>)
    %dma_wait3A_152 = arith.constant 1 : i32
    %dma_wait3A_153 = arith.constant 0 : i32
    %dma_wait3A_154 = arith.constant 0 : i32
    %dma_wait3A_155 = tpu.memref_slice %arg6[%dma_wait3A_152, %dma_wait3A_153, %dma_wait3A_154] : memref<6x128x128xf32, #tpu.memory_space<vmem>> -> memref<1x128x128xf32, #tpu.memory_space<vmem>>
    %dma_wait3A_156 = tpu.memref_squeeze %dma_wait3A_155 : memref<1x128x128xf32, #tpu.memory_space<vmem>> -> memref<128x128xf32, #tpu.memory_space<vmem>>
    %dma_wait3A_157 = arith.constant 0 : i32
    %dma_wait3A_158 = tpu.memref_slice %arg4[%add3A_138, %dma_wait3A_157] : memref<40960x128xf32, #tpu.memory_space<hbm>> -> memref<128x128xf32, #tpu.memory_space<hbm>>
    %dma_wait3A_159 = arith.constant 0 : i32
    %dma_wait3A_160 = tpu.memref_slice %arg4[%add3A_138, %dma_wait3A_159] : memref<40960x128xf32, #tpu.memory_space<hbm>> -> memref<128x128xf32, #tpu.memory_space<hbm>>
    %dma_wait3A_161 = arith.constant 0 : i32
    %dma_wait3A_162 = arith.constant 0 : i32
    %dma_wait3A_163 = tpu.memref_slice %arg6[%dma_wait3A_152, %dma_wait3A_161, %dma_wait3A_162] : memref<6x128x128xf32, #tpu.memory_space<vmem>> -> memref<1x128x128xf32, #tpu.memory_space<vmem>>
    %dma_wait3A_164 = tpu.memref_squeeze %dma_wait3A_163 : memref<1x128x128xf32, #tpu.memory_space<vmem>> -> memref<128x128xf32, #tpu.memory_space<vmem>>
    tpu.wait_dma2 semaphore(%arg8 : memref<!tpu.dma_semaphore, #tpu.memory_space<semaphore_mem>>) src(%dma_wait3A_164 : memref<128x128xf32, #tpu.memory_space<vmem>>) dst(%dma_wait3A_160 : memref<128x128xf32, #tpu.memory_space<hbm>>)
    %dma_start3A_165 = arith.constant 7 : i32
    %dma_start3A_166 = arith.constant 1 : i32
    %dma_start3A_167 = arith.constant 0 : i32
    %dma_start3A_168 = arith.constant 0 : i32
    %dma_start3A_169 = tpu.memref_slice %arg6[%dma_start3A_166, %dma_start3A_167, %dma_start3A_168] : memref<6x128x128xf32, #tpu.memory_space<vmem>> -> memref<1x128x128xf32, #tpu.memory_space<vmem>>
    %dma_start3A_170 = tpu.memref_squeeze %dma_start3A_169 : memref<1x128x128xf32, #tpu.memory_space<vmem>> -> memref<128x128xf32, #tpu.memory_space<vmem>>
    %dma_start3A_171 = arith.constant 0 : i32
    %dma_start3A_172 = tpu.memref_slice %arg5[%dma_start3A_165, %dma_start3A_171] : memref<10x128xi32, #tpu.memory_space<vmem>> -> memref<1x128xi32, #tpu.memory_space<vmem>>
    %dma_start3A_173 = tpu.memref_squeeze %dma_start3A_172 : memref<1x128xi32, #tpu.memory_space<vmem>> -> memref<128xi32, #tpu.memory_space<vmem>>
    %dma_start3A_174 = arith.constant 0 : i32
    %dma_start3A_175 = arith.constant 0 : i32
    %dma_start3A_176 = tpu.memref_slice %arg3[%dma_start3A_174, %dma_start3A_175] : memref<1000000x128xf32, #tpu.memory_space<hbm>> -> memref<1000000x128xf32, #tpu.memory_space<hbm>>
    tpu.enqueue_indirect_dma source(%dma_start3A_176 : memref<1000000x128xf32, #tpu.memory_space<hbm>>) target(%dma_start3A_170 : memref<128x128xf32, #tpu.memory_space<vmem>>) offsets(%dma_start3A_173 : memref<128xi32, #tpu.memory_space<vmem>>) semaphore(%arg7 : memref<!tpu.dma_semaphore, #tpu.memory_space<semaphore_mem>>)
    %dma_wait3A_177 = arith.constant 2 : i32
    %dma_wait3A_178 = arith.constant 2 : i32
    %dma_wait3A_179 = arith.constant 0 : i32
    %dma_wait3A_180 = arith.constant 0 : i32
    %dma_wait3A_181 = tpu.memref_slice %arg6[%dma_wait3A_178, %dma_wait3A_179, %dma_wait3A_180] : memref<6x128x128xf32, #tpu.memory_space<vmem>> -> memref<1x128x128xf32, #tpu.memory_space<vmem>>
    %dma_wait3A_182 = tpu.memref_squeeze %dma_wait3A_181 : memref<1x128x128xf32, #tpu.memory_space<vmem>> -> memref<128x128xf32, #tpu.memory_space<vmem>>
    %dma_wait3A_183 = arith.constant 0 : i32
    %dma_wait3A_184 = tpu.memref_slice %arg5[%dma_wait3A_177, %dma_wait3A_183] : memref<10x128xi32, #tpu.memory_space<vmem>> -> memref<1x128xi32, #tpu.memory_space<vmem>>
    %dma_wait3A_185 = tpu.memref_squeeze %dma_wait3A_184 : memref<1x128xi32, #tpu.memory_space<vmem>> -> memref<128xi32, #tpu.memory_space<vmem>>
    %dma_wait3A_186 = arith.constant 0 : i32
    %dma_wait3A_187 = arith.constant 0 : i32
    %dma_wait3A_188 = tpu.memref_slice %arg3[%dma_wait3A_186, %dma_wait3A_187] : memref<1000000x128xf32, #tpu.memory_space<hbm>> -> memref<1000000x128xf32, #tpu.memory_space<hbm>>
    tpu.wait_indirect_dma semaphore(%arg7 : memref<!tpu.dma_semaphore, #tpu.memory_space<semaphore_mem>>) src(%dma_wait3A_188 : memref<1000000x128xf32, #tpu.memory_space<hbm>>) dst(%dma_wait3A_182 : memref<128x128xf32, #tpu.memory_space<vmem>>)
    %add3A_189 = arith.constant 256 : i32
    %add3A_190 = arith.addi %mul3A_2, %add3A_189 : i32
    %dma_start3A_191 = arith.constant 2 : i32
    %dma_start3A_192 = arith.constant 0 : i32
    %dma_start3A_193 = arith.constant 0 : i32
    %dma_start3A_194 = tpu.memref_slice %arg6[%dma_start3A_191, %dma_start3A_192, %dma_start3A_193] : memref<6x128x128xf32, #tpu.memory_space<vmem>> -> memref<1x128x128xf32, #tpu.memory_space<vmem>>
    %dma_start3A_195 = tpu.memref_squeeze %dma_start3A_194 : memref<1x128x128xf32, #tpu.memory_space<vmem>> -> memref<128x128xf32, #tpu.memory_space<vmem>>
    %dma_start3A_196 = arith.constant 0 : i32
    %dma_start3A_197 = tpu.memref_slice %arg4[%add3A_190, %dma_start3A_196] : memref<40960x128xf32, #tpu.memory_space<hbm>> -> memref<128x128xf32, #tpu.memory_space<hbm>>
    %dma_start3A_198 = arith.constant 0 : i32
    %dma_start3A_199 = tpu.memref_slice %arg4[%add3A_190, %dma_start3A_198] : memref<40960x128xf32, #tpu.memory_space<hbm>> -> memref<128x128xf32, #tpu.memory_space<hbm>>
    %dma_start3A_200 = arith.constant 0 : i32
    %dma_start3A_201 = arith.constant 0 : i32
    %dma_start3A_202 = tpu.memref_slice %arg6[%dma_start3A_191, %dma_start3A_200, %dma_start3A_201] : memref<6x128x128xf32, #tpu.memory_space<vmem>> -> memref<1x128x128xf32, #tpu.memory_space<vmem>>
    %dma_start3A_203 = tpu.memref_squeeze %dma_start3A_202 : memref<1x128x128xf32, #tpu.memory_space<vmem>> -> memref<128x128xf32, #tpu.memory_space<vmem>>
    tpu.enqueue_dma source(%dma_start3A_203 : memref<128x128xf32, #tpu.memory_space<vmem>>) target(%dma_start3A_199 : memref<128x128xf32, #tpu.memory_space<hbm>>) target_semaphore(%arg8 : memref<!tpu.dma_semaphore, #tpu.memory_space<semaphore_mem>>)
    %dma_wait3A_204 = arith.constant 2 : i32
    %dma_wait3A_205 = arith.constant 0 : i32
    %dma_wait3A_206 = arith.constant 0 : i32
    %dma_wait3A_207 = tpu.memref_slice %arg6[%dma_wait3A_204, %dma_wait3A_205, %dma_wait3A_206] : memref<6x128x128xf32, #tpu.memory_space<vmem>> -> memref<1x128x128xf32, #tpu.memory_space<vmem>>
    %dma_wait3A_208 = tpu.memref_squeeze %dma_wait3A_207 : memref<1x128x128xf32, #tpu.memory_space<vmem>> -> memref<128x128xf32, #tpu.memory_space<vmem>>
    %dma_wait3A_209 = arith.constant 0 : i32
    %dma_wait3A_210 = tpu.memref_slice %arg4[%add3A_190, %dma_wait3A_209] : memref<40960x128xf32, #tpu.memory_space<hbm>> -> memref<128x128xf32, #tpu.memory_space<hbm>>
    %dma_wait3A_211 = arith.constant 0 : i32
    %dma_wait3A_212 = tpu.memref_slice %arg4[%add3A_190, %dma_wait3A_211] : memref<40960x128xf32, #tpu.memory_space<hbm>> -> memref<128x128xf32, #tpu.memory_space<hbm>>
    %dma_wait3A_213 = arith.constant 0 : i32
    %dma_wait3A_214 = arith.constant 0 : i32
    %dma_wait3A_215 = tpu.memref_slice %arg6[%dma_wait3A_204, %dma_wait3A_213, %dma_wait3A_214] : memref<6x128x128xf32, #tpu.memory_space<vmem>> -> memref<1x128x128xf32, #tpu.memory_space<vmem>>
    %dma_wait3A_216 = tpu.memref_squeeze %dma_wait3A_215 : memref<1x128x128xf32, #tpu.memory_space<vmem>> -> memref<128x128xf32, #tpu.memory_space<vmem>>
    tpu.wait_dma2 semaphore(%arg8 : memref<!tpu.dma_semaphore, #tpu.memory_space<semaphore_mem>>) src(%dma_wait3A_216 : memref<128x128xf32, #tpu.memory_space<vmem>>) dst(%dma_wait3A_212 : memref<128x128xf32, #tpu.memory_space<hbm>>)
    %dma_start3A_217 = arith.constant 8 : i32
    %dma_start3A_218 = arith.constant 2 : i32
    %dma_start3A_219 = arith.constant 0 : i32
    %dma_start3A_220 = arith.constant 0 : i32
    %dma_start3A_221 = tpu.memref_slice %arg6[%dma_start3A_218, %dma_start3A_219, %dma_start3A_220] : memref<6x128x128xf32, #tpu.memory_space<vmem>> -> memref<1x128x128xf32, #tpu.memory_space<vmem>>
    %dma_start3A_222 = tpu.memref_squeeze %dma_start3A_221 : memref<1x128x128xf32, #tpu.memory_space<vmem>> -> memref<128x128xf32, #tpu.memory_space<vmem>>
    %dma_start3A_223 = arith.constant 0 : i32
    %dma_start3A_224 = tpu.memref_slice %arg5[%dma_start3A_217, %dma_start3A_223] : memref<10x128xi32, #tpu.memory_space<vmem>> -> memref<1x128xi32, #tpu.memory_space<vmem>>
    %dma_start3A_225 = tpu.memref_squeeze %dma_start3A_224 : memref<1x128xi32, #tpu.memory_space<vmem>> -> memref<128xi32, #tpu.memory_space<vmem>>
    %dma_start3A_226 = arith.constant 0 : i32
    %dma_start3A_227 = arith.constant 0 : i32
    %dma_start3A_228 = tpu.memref_slice %arg3[%dma_start3A_226, %dma_start3A_227] : memref<1000000x128xf32, #tpu.memory_space<hbm>> -> memref<1000000x128xf32, #tpu.memory_space<hbm>>
    tpu.enqueue_indirect_dma source(%dma_start3A_228 : memref<1000000x128xf32, #tpu.memory_space<hbm>>) target(%dma_start3A_222 : memref<128x128xf32, #tpu.memory_space<vmem>>) offsets(%dma_start3A_225 : memref<128xi32, #tpu.memory_space<vmem>>) semaphore(%arg7 : memref<!tpu.dma_semaphore, #tpu.memory_space<semaphore_mem>>)
    %dma_wait3A_229 = arith.constant 3 : i32
    %dma_wait3A_230 = arith.constant 3 : i32
    %dma_wait3A_231 = arith.constant 0 : i32
    %dma_wait3A_232 = arith.constant 0 : i32
    %dma_wait3A_233 = tpu.memref_slice %arg6[%dma_wait3A_230, %dma_wait3A_231, %dma_wait3A_232] : memref<6x128x128xf32, #tpu.memory_space<vmem>> -> memref<1x128x128xf32, #tpu.memory_space<vmem>>
    %dma_wait3A_234 = tpu.memref_squeeze %dma_wait3A_233 : memref<1x128x128xf32, #tpu.memory_space<vmem>> -> memref<128x128xf32, #tpu.memory_space<vmem>>
    %dma_wait3A_235 = arith.constant 0 : i32
    %dma_wait3A_236 = tpu.memref_slice %arg5[%dma_wait3A_229, %dma_wait3A_235] : memref<10x128xi32, #tpu.memory_space<vmem>> -> memref<1x128xi32, #tpu.memory_space<vmem>>
    %dma_wait3A_237 = tpu.memref_squeeze %dma_wait3A_236 : memref<1x128xi32, #tpu.memory_space<vmem>> -> memref<128xi32, #tpu.memory_space<vmem>>
    %dma_wait3A_238 = arith.constant 0 : i32
    %dma_wait3A_239 = arith.constant 0 : i32
    %dma_wait3A_240 = tpu.memref_slice %arg3[%dma_wait3A_238, %dma_wait3A_239] : memref<1000000x128xf32, #tpu.memory_space<hbm>> -> memref<1000000x128xf32, #tpu.memory_space<hbm>>
    tpu.wait_indirect_dma semaphore(%arg7 : memref<!tpu.dma_semaphore, #tpu.memory_space<semaphore_mem>>) src(%dma_wait3A_240 : memref<1000000x128xf32, #tpu.memory_space<hbm>>) dst(%dma_wait3A_234 : memref<128x128xf32, #tpu.memory_space<vmem>>)
    %add3A_241 = arith.constant 384 : i32
    %add3A_242 = arith.addi %mul3A_2, %add3A_241 : i32
    %dma_start3A_243 = arith.constant 3 : i32
    %dma_start3A_244 = arith.constant 0 : i32
    %dma_start3A_245 = arith.constant 0 : i32
    %dma_start3A_246 = tpu.memref_slice %arg6[%dma_start3A_243, %dma_start3A_244, %dma_start3A_245] : memref<6x128x128xf32, #tpu.memory_space<vmem>> -> memref<1x128x128xf32, #tpu.memory_space<vmem>>
    %dma_start3A_247 = tpu.memref_squeeze %dma_start3A_246 : memref<1x128x128xf32, #tpu.memory_space<vmem>> -> memref<128x128xf32, #tpu.memory_space<vmem>>
    %dma_start3A_248 = arith.constant 0 : i32
    %dma_start3A_249 = tpu.memref_slice %arg4[%add3A_242, %dma_start3A_248] : memref<40960x128xf32, #tpu.memory_space<hbm>> -> memref<128x128xf32, #tpu.memory_space<hbm>>
    %dma_start3A_250 = arith.constant 0 : i32
    %dma_start3A_251 = tpu.memref_slice %arg4[%add3A_242, %dma_start3A_250] : memref<40960x128xf32, #tpu.memory_space<hbm>> -> memref<128x128xf32, #tpu.memory_space<hbm>>
    %dma_start3A_252 = arith.constant 0 : i32
    %dma_start3A_253 = arith.constant 0 : i32
    %dma_start3A_254 = tpu.memref_slice %arg6[%dma_start3A_243, %dma_start3A_252, %dma_start3A_253] : memref<6x128x128xf32, #tpu.memory_space<vmem>> -> memref<1x128x128xf32, #tpu.memory_space<vmem>>
    %dma_start3A_255 = tpu.memref_squeeze %dma_start3A_254 : memref<1x128x128xf32, #tpu.memory_space<vmem>> -> memref<128x128xf32, #tpu.memory_space<vmem>>
    tpu.enqueue_dma source(%dma_start3A_255 : memref<128x128xf32, #tpu.memory_space<vmem>>) target(%dma_start3A_251 : memref<128x128xf32, #tpu.memory_space<hbm>>) target_semaphore(%arg8 : memref<!tpu.dma_semaphore, #tpu.memory_space<semaphore_mem>>)
    %dma_wait3A_256 = arith.constant 3 : i32
    %dma_wait3A_257 = arith.constant 0 : i32
    %dma_wait3A_258 = arith.constant 0 : i32
    %dma_wait3A_259 = tpu.memref_slice %arg6[%dma_wait3A_256, %dma_wait3A_257, %dma_wait3A_258] : memref<6x128x128xf32, #tpu.memory_space<vmem>> -> memref<1x128x128xf32, #tpu.memory_space<vmem>>
    %dma_wait3A_260 = tpu.memref_squeeze %dma_wait3A_259 : memref<1x128x128xf32, #tpu.memory_space<vmem>> -> memref<128x128xf32, #tpu.memory_space<vmem>>
    %dma_wait3A_261 = arith.constant 0 : i32
    %dma_wait3A_262 = tpu.memref_slice %arg4[%add3A_242, %dma_wait3A_261] : memref<40960x128xf32, #tpu.memory_space<hbm>> -> memref<128x128xf32, #tpu.memory_space<hbm>>
    %dma_wait3A_263 = arith.constant 0 : i32
    %dma_wait3A_264 = tpu.memref_slice %arg4[%add3A_242, %dma_wait3A_263] : memref<40960x128xf32, #tpu.memory_space<hbm>> -> memref<128x128xf32, #tpu.memory_space<hbm>>
    %dma_wait3A_265 = arith.constant 0 : i32
    %dma_wait3A_266 = arith.constant 0 : i32
    %dma_wait3A_267 = tpu.memref_slice %arg6[%dma_wait3A_256, %dma_wait3A_265, %dma_wait3A_266] : memref<6x128x128xf32, #tpu.memory_space<vmem>> -> memref<1x128x128xf32, #tpu.memory_space<vmem>>
    %dma_wait3A_268 = tpu.memref_squeeze %dma_wait3A_267 : memref<1x128x128xf32, #tpu.memory_space<vmem>> -> memref<128x128xf32, #tpu.memory_space<vmem>>
    tpu.wait_dma2 semaphore(%arg8 : memref<!tpu.dma_semaphore, #tpu.memory_space<semaphore_mem>>) src(%dma_wait3A_268 : memref<128x128xf32, #tpu.memory_space<vmem>>) dst(%dma_wait3A_264 : memref<128x128xf32, #tpu.memory_space<hbm>>)
    %dma_start3A_269 = arith.constant 9 : i32
    %dma_start3A_270 = arith.constant 3 : i32
    %dma_start3A_271 = arith.constant 0 : i32
    %dma_start3A_272 = arith.constant 0 : i32
    %dma_start3A_273 = tpu.memref_slice %arg6[%dma_start3A_270, %dma_start3A_271, %dma_start3A_272] : memref<6x128x128xf32, #tpu.memory_space<vmem>> -> memref<1x128x128xf32, #tpu.memory_space<vmem>>
    %dma_start3A_274 = tpu.memref_squeeze %dma_start3A_273 : memref<1x128x128xf32, #tpu.memory_space<vmem>> -> memref<128x128xf32, #tpu.memory_space<vmem>>
    %dma_start3A_275 = arith.constant 0 : i32
    %dma_start3A_276 = tpu.memref_slice %arg5[%dma_start3A_269, %dma_start3A_275] : memref<10x128xi32, #tpu.memory_space<vmem>> -> memref<1x128xi32, #tpu.memory_space<vmem>>
    %dma_start3A_277 = tpu.memref_squeeze %dma_start3A_276 : memref<1x128xi32, #tpu.memory_space<vmem>> -> memref<128xi32, #tpu.memory_space<vmem>>
    %dma_start3A_278 = arith.constant 0 : i32
    %dma_start3A_279 = arith.constant 0 : i32
    %dma_start3A_280 = tpu.memref_slice %arg3[%dma_start3A_278, %dma_start3A_279] : memref<1000000x128xf32, #tpu.memory_space<hbm>> -> memref<1000000x128xf32, #tpu.memory_space<hbm>>
    tpu.enqueue_indirect_dma source(%dma_start3A_280 : memref<1000000x128xf32, #tpu.memory_space<hbm>>) target(%dma_start3A_274 : memref<128x128xf32, #tpu.memory_space<vmem>>) offsets(%dma_start3A_277 : memref<128xi32, #tpu.memory_space<vmem>>) semaphore(%arg7 : memref<!tpu.dma_semaphore, #tpu.memory_space<semaphore_mem>>)
    %dma_wait3A_281 = arith.constant 4 : i32
    %dma_wait3A_282 = arith.constant 4 : i32
    %dma_wait3A_283 = arith.constant 0 : i32
    %dma_wait3A_284 = arith.constant 0 : i32
    %dma_wait3A_285 = tpu.memref_slice %arg6[%dma_wait3A_282, %dma_wait3A_283, %dma_wait3A_284] : memref<6x128x128xf32, #tpu.memory_space<vmem>> -> memref<1x128x128xf32, #tpu.memory_space<vmem>>
    %dma_wait3A_286 = tpu.memref_squeeze %dma_wait3A_285 : memref<1x128x128xf32, #tpu.memory_space<vmem>> -> memref<128x128xf32, #tpu.memory_space<vmem>>
    %dma_wait3A_287 = arith.constant 0 : i32
    %dma_wait3A_288 = tpu.memref_slice %arg5[%dma_wait3A_281, %dma_wait3A_287] : memref<10x128xi32, #tpu.memory_space<vmem>> -> memref<1x128xi32, #tpu.memory_space<vmem>>
    %dma_wait3A_289 = tpu.memref_squeeze %dma_wait3A_288 : memref<1x128xi32, #tpu.memory_space<vmem>> -> memref<128xi32, #tpu.memory_space<vmem>>
    %dma_wait3A_290 = arith.constant 0 : i32
    %dma_wait3A_291 = arith.constant 0 : i32
    %dma_wait3A_292 = tpu.memref_slice %arg3[%dma_wait3A_290, %dma_wait3A_291] : memref<1000000x128xf32, #tpu.memory_space<hbm>> -> memref<1000000x128xf32, #tpu.memory_space<hbm>>
    tpu.wait_indirect_dma semaphore(%arg7 : memref<!tpu.dma_semaphore, #tpu.memory_space<semaphore_mem>>) src(%dma_wait3A_292 : memref<1000000x128xf32, #tpu.memory_space<hbm>>) dst(%dma_wait3A_286 : memref<128x128xf32, #tpu.memory_space<vmem>>)
    %add3A_293 = arith.constant 512 : i32
    %add3A_294 = arith.addi %mul3A_2, %add3A_293 : i32
    %dma_start3A_295 = arith.constant 4 : i32
    %dma_start3A_296 = arith.constant 0 : i32
    %dma_start3A_297 = arith.constant 0 : i32
    %dma_start3A_298 = tpu.memref_slice %arg6[%dma_start3A_295, %dma_start3A_296, %dma_start3A_297] : memref<6x128x128xf32, #tpu.memory_space<vmem>> -> memref<1x128x128xf32, #tpu.memory_space<vmem>>
    %dma_start3A_299 = tpu.memref_squeeze %dma_start3A_298 : memref<1x128x128xf32, #tpu.memory_space<vmem>> -> memref<128x128xf32, #tpu.memory_space<vmem>>
    %dma_start3A_300 = arith.constant 0 : i32
    %dma_start3A_301 = tpu.memref_slice %arg4[%add3A_294, %dma_start3A_300] : memref<40960x128xf32, #tpu.memory_space<hbm>> -> memref<128x128xf32, #tpu.memory_space<hbm>>
    %dma_start3A_302 = arith.constant 0 : i32
    %dma_start3A_303 = tpu.memref_slice %arg4[%add3A_294, %dma_start3A_302] : memref<40960x128xf32, #tpu.memory_space<hbm>> -> memref<128x128xf32, #tpu.memory_space<hbm>>
    %dma_start3A_304 = arith.constant 0 : i32
    %dma_start3A_305 = arith.constant 0 : i32
    %dma_start3A_306 = tpu.memref_slice %arg6[%dma_start3A_295, %dma_start3A_304, %dma_start3A_305] : memref<6x128x128xf32, #tpu.memory_space<vmem>> -> memref<1x128x128xf32, #tpu.memory_space<vmem>>
    %dma_start3A_307 = tpu.memref_squeeze %dma_start3A_306 : memref<1x128x128xf32, #tpu.memory_space<vmem>> -> memref<128x128xf32, #tpu.memory_space<vmem>>
    tpu.enqueue_dma source(%dma_start3A_307 : memref<128x128xf32, #tpu.memory_space<vmem>>) target(%dma_start3A_303 : memref<128x128xf32, #tpu.memory_space<hbm>>) target_semaphore(%arg8 : memref<!tpu.dma_semaphore, #tpu.memory_space<semaphore_mem>>)
    %dma_wait3A_308 = arith.constant 5 : i32
    %dma_wait3A_309 = arith.constant 5 : i32
    %dma_wait3A_310 = arith.constant 0 : i32
    %dma_wait3A_311 = arith.constant 0 : i32
    %dma_wait3A_312 = tpu.memref_slice %arg6[%dma_wait3A_309, %dma_wait3A_310, %dma_wait3A_311] : memref<6x128x128xf32, #tpu.memory_space<vmem>> -> memref<1x128x128xf32, #tpu.memory_space<vmem>>
    %dma_wait3A_313 = tpu.memref_squeeze %dma_wait3A_312 : memref<1x128x128xf32, #tpu.memory_space<vmem>> -> memref<128x128xf32, #tpu.memory_space<vmem>>
    %dma_wait3A_314 = arith.constant 0 : i32
    %dma_wait3A_315 = tpu.memref_slice %arg5[%dma_wait3A_308, %dma_wait3A_314] : memref<10x128xi32, #tpu.memory_space<vmem>> -> memref<1x128xi32, #tpu.memory_space<vmem>>
    %dma_wait3A_316 = tpu.memref_squeeze %dma_wait3A_315 : memref<1x128xi32, #tpu.memory_space<vmem>> -> memref<128xi32, #tpu.memory_space<vmem>>
    %dma_wait3A_317 = arith.constant 0 : i32
    %dma_wait3A_318 = arith.constant 0 : i32
    %dma_wait3A_319 = tpu.memref_slice %arg3[%dma_wait3A_317, %dma_wait3A_318] : memref<1000000x128xf32, #tpu.memory_space<hbm>> -> memref<1000000x128xf32, #tpu.memory_space<hbm>>
    tpu.wait_indirect_dma semaphore(%arg7 : memref<!tpu.dma_semaphore, #tpu.memory_space<semaphore_mem>>) src(%dma_wait3A_319 : memref<1000000x128xf32, #tpu.memory_space<hbm>>) dst(%dma_wait3A_313 : memref<128x128xf32, #tpu.memory_space<vmem>>)
    %add3A_320 = arith.constant 640 : i32
    %add3A_321 = arith.addi %mul3A_2, %add3A_320 : i32
    %dma_start3A_322 = arith.constant 5 : i32
    %dma_start3A_323 = arith.constant 0 : i32
    %dma_start3A_324 = arith.constant 0 : i32
    %dma_start3A_325 = tpu.memref_slice %arg6[%dma_start3A_322, %dma_start3A_323, %dma_start3A_324] : memref<6x128x128xf32, #tpu.memory_space<vmem>> -> memref<1x128x128xf32, #tpu.memory_space<vmem>>
    %dma_start3A_326 = tpu.memref_squeeze %dma_start3A_325 : memref<1x128x128xf32, #tpu.memory_space<vmem>> -> memref<128x128xf32, #tpu.memory_space<vmem>>
    %dma_start3A_327 = arith.constant 0 : i32
    %dma_start3A_328 = tpu.memref_slice %arg4[%add3A_321, %dma_start3A_327] : memref<40960x128xf32, #tpu.memory_space<hbm>> -> memref<128x128xf32, #tpu.memory_space<hbm>>
    %dma_start3A_329 = arith.constant 0 : i32
    %dma_start3A_330 = tpu.memref_slice %arg4[%add3A_321, %dma_start3A_329] : memref<40960x128xf32, #tpu.memory_space<hbm>> -> memref<128x128xf32, #tpu.memory_space<hbm>>
    %dma_start3A_331 = arith.constant 0 : i32
    %dma_start3A_332 = arith.constant 0 : i32
    %dma_start3A_333 = tpu.memref_slice %arg6[%dma_start3A_322, %dma_start3A_331, %dma_start3A_332] : memref<6x128x128xf32, #tpu.memory_space<vmem>> -> memref<1x128x128xf32, #tpu.memory_space<vmem>>
    %dma_start3A_334 = tpu.memref_squeeze %dma_start3A_333 : memref<1x128x128xf32, #tpu.memory_space<vmem>> -> memref<128x128xf32, #tpu.memory_space<vmem>>
    tpu.enqueue_dma source(%dma_start3A_334 : memref<128x128xf32, #tpu.memory_space<vmem>>) target(%dma_start3A_330 : memref<128x128xf32, #tpu.memory_space<hbm>>) target_semaphore(%arg8 : memref<!tpu.dma_semaphore, #tpu.memory_space<semaphore_mem>>)
    %dma_wait3A_335 = arith.constant 6 : i32
    %dma_wait3A_336 = arith.constant 0 : i32
    %dma_wait3A_337 = arith.constant 0 : i32
    %dma_wait3A_338 = arith.constant 0 : i32
    %dma_wait3A_339 = tpu.memref_slice %arg6[%dma_wait3A_336, %dma_wait3A_337, %dma_wait3A_338] : memref<6x128x128xf32, #tpu.memory_space<vmem>> -> memref<1x128x128xf32, #tpu.memory_space<vmem>>
    %dma_wait3A_340 = tpu.memref_squeeze %dma_wait3A_339 : memref<1x128x128xf32, #tpu.memory_space<vmem>> -> memref<128x128xf32, #tpu.memory_space<vmem>>
    %dma_wait3A_341 = arith.constant 0 : i32
    %dma_wait3A_342 = tpu.memref_slice %arg5[%dma_wait3A_335, %dma_wait3A_341] : memref<10x128xi32, #tpu.memory_space<vmem>> -> memref<1x128xi32, #tpu.memory_space<vmem>>
    %dma_wait3A_343 = tpu.memref_squeeze %dma_wait3A_342 : memref<1x128xi32, #tpu.memory_space<vmem>> -> memref<128xi32, #tpu.memory_space<vmem>>
    %dma_wait3A_344 = arith.constant 0 : i32
    %dma_wait3A_345 = arith.constant 0 : i32
    %dma_wait3A_346 = tpu.memref_slice %arg3[%dma_wait3A_344, %dma_wait3A_345] : memref<1000000x128xf32, #tpu.memory_space<hbm>> -> memref<1000000x128xf32, #tpu.memory_space<hbm>>
    tpu.wait_indirect_dma semaphore(%arg7 : memref<!tpu.dma_semaphore, #tpu.memory_space<semaphore_mem>>) src(%dma_wait3A_346 : memref<1000000x128xf32, #tpu.memory_space<hbm>>) dst(%dma_wait3A_340 : memref<128x128xf32, #tpu.memory_space<vmem>>)
    %add3A_347 = arith.constant 768 : i32
    %add3A_348 = arith.addi %mul3A_2, %add3A_347 : i32
    %dma_start3A_349 = arith.constant 0 : i32
    %dma_start3A_350 = arith.constant 0 : i32
    %dma_start3A_351 = arith.constant 0 : i32
    %dma_start3A_352 = tpu.memref_slice %arg6[%dma_start3A_349, %dma_start3A_350, %dma_start3A_351] : memref<6x128x128xf32, #tpu.memory_space<vmem>> -> memref<1x128x128xf32, #tpu.memory_space<vmem>>
    %dma_start3A_353 = tpu.memref_squeeze %dma_start3A_352 : memref<1x128x128xf32, #tpu.memory_space<vmem>> -> memref<128x128xf32, #tpu.memory_space<vmem>>
    %dma_start3A_354 = arith.constant 0 : i32
    %dma_start3A_355 = tpu.memref_slice %arg4[%add3A_348, %dma_start3A_354] : memref<40960x128xf32, #tpu.memory_space<hbm>> -> memref<128x128xf32, #tpu.memory_space<hbm>>
    %dma_start3A_356 = arith.constant 0 : i32
    %dma_start3A_357 = tpu.memref_slice %arg4[%add3A_348, %dma_start3A_356] : memref<40960x128xf32, #tpu.memory_space<hbm>> -> memref<128x128xf32, #tpu.memory_space<hbm>>
    %dma_start3A_358 = arith.constant 0 : i32
    %dma_start3A_359 = arith.constant 0 : i32
    %dma_start3A_360 = tpu.memref_slice %arg6[%dma_start3A_349, %dma_start3A_358, %dma_start3A_359] : memref<6x128x128xf32, #tpu.memory_space<vmem>> -> memref<1x128x128xf32, #tpu.memory_space<vmem>>
    %dma_start3A_361 = tpu.memref_squeeze %dma_start3A_360 : memref<1x128x128xf32, #tpu.memory_space<vmem>> -> memref<128x128xf32, #tpu.memory_space<vmem>>
    tpu.enqueue_dma source(%dma_start3A_361 : memref<128x128xf32, #tpu.memory_space<vmem>>) target(%dma_start3A_357 : memref<128x128xf32, #tpu.memory_space<hbm>>) target_semaphore(%arg8 : memref<!tpu.dma_semaphore, #tpu.memory_space<semaphore_mem>>)
    %dma_wait3A_362 = arith.constant 7 : i32
    %dma_wait3A_363 = arith.constant 1 : i32
    %dma_wait3A_364 = arith.constant 0 : i32
    %dma_wait3A_365 = arith.constant 0 : i32
    %dma_wait3A_366 = tpu.memref_slice %arg6[%dma_wait3A_363, %dma_wait3A_364, %dma_wait3A_365] : memref<6x128x128xf32, #tpu.memory_space<vmem>> -> memref<1x128x128xf32, #tpu.memory_space<vmem>>
    %dma_wait3A_367 = tpu.memref_squeeze %dma_wait3A_366 : memref<1x128x128xf32, #tpu.memory_space<vmem>> -> memref<128x128xf32, #tpu.memory_space<vmem>>
    %dma_wait3A_368 = arith.constant 0 : i32
    %dma_wait3A_369 = tpu.memref_slice %arg5[%dma_wait3A_362, %dma_wait3A_368] : memref<10x128xi32, #tpu.memory_space<vmem>> -> memref<1x128xi32, #tpu.memory_space<vmem>>
    %dma_wait3A_370 = tpu.memref_squeeze %dma_wait3A_369 : memref<1x128xi32, #tpu.memory_space<vmem>> -> memref<128xi32, #tpu.memory_space<vmem>>
    %dma_wait3A_371 = arith.constant 0 : i32
    %dma_wait3A_372 = arith.constant 0 : i32
    %dma_wait3A_373 = tpu.memref_slice %arg3[%dma_wait3A_371, %dma_wait3A_372] : memref<1000000x128xf32, #tpu.memory_space<hbm>> -> memref<1000000x128xf32, #tpu.memory_space<hbm>>
    tpu.wait_indirect_dma semaphore(%arg7 : memref<!tpu.dma_semaphore, #tpu.memory_space<semaphore_mem>>) src(%dma_wait3A_373 : memref<1000000x128xf32, #tpu.memory_space<hbm>>) dst(%dma_wait3A_367 : memref<128x128xf32, #tpu.memory_space<vmem>>)
    %add3A_374 = arith.constant 896 : i32
    %add3A_375 = arith.addi %mul3A_2, %add3A_374 : i32
    %dma_start3A_376 = arith.constant 1 : i32
    %dma_start3A_377 = arith.constant 0 : i32
    %dma_start3A_378 = arith.constant 0 : i32
    %dma_start3A_379 = tpu.memref_slice %arg6[%dma_start3A_376, %dma_start3A_377, %dma_start3A_378] : memref<6x128x128xf32, #tpu.memory_space<vmem>> -> memref<1x128x128xf32, #tpu.memory_space<vmem>>
    %dma_start3A_380 = tpu.memref_squeeze %dma_start3A_379 : memref<1x128x128xf32, #tpu.memory_space<vmem>> -> memref<128x128xf32, #tpu.memory_space<vmem>>
    %dma_start3A_381 = arith.constant 0 : i32
    %dma_start3A_382 = tpu.memref_slice %arg4[%add3A_375, %dma_start3A_381] : memref<40960x128xf32, #tpu.memory_space<hbm>> -> memref<128x128xf32, #tpu.memory_space<hbm>>
    %dma_start3A_383 = arith.constant 0 : i32
    %dma_start3A_384 = tpu.memref_slice %arg4[%add3A_375, %dma_start3A_383] : memref<40960x128xf32, #tpu.memory_space<hbm>> -> memref<128x128xf32, #tpu.memory_space<hbm>>
    %dma_start3A_385 = arith.constant 0 : i32
    %dma_start3A_386 = arith.constant 0 : i32
    %dma_start3A_387 = tpu.memref_slice %arg6[%dma_start3A_376, %dma_start3A_385, %dma_start3A_386] : memref<6x128x128xf32, #tpu.memory_space<vmem>> -> memref<1x128x128xf32, #tpu.memory_space<vmem>>
    %dma_start3A_388 = tpu.memref_squeeze %dma_start3A_387 : memref<1x128x128xf32, #tpu.memory_space<vmem>> -> memref<128x128xf32, #tpu.memory_space<vmem>>
    tpu.enqueue_dma source(%dma_start3A_388 : memref<128x128xf32, #tpu.memory_space<vmem>>) target(%dma_start3A_384 : memref<128x128xf32, #tpu.memory_space<hbm>>) target_semaphore(%arg8 : memref<!tpu.dma_semaphore, #tpu.memory_space<semaphore_mem>>)
    %dma_wait3A_389 = arith.constant 8 : i32
    %dma_wait3A_390 = arith.constant 2 : i32
    %dma_wait3A_391 = arith.constant 0 : i32
    %dma_wait3A_392 = arith.constant 0 : i32
    %dma_wait3A_393 = tpu.memref_slice %arg6[%dma_wait3A_390, %dma_wait3A_391, %dma_wait3A_392] : memref<6x128x128xf32, #tpu.memory_space<vmem>> -> memref<1x128x128xf32, #tpu.memory_space<vmem>>
    %dma_wait3A_394 = tpu.memref_squeeze %dma_wait3A_393 : memref<1x128x128xf32, #tpu.memory_space<vmem>> -> memref<128x128xf32, #tpu.memory_space<vmem>>
    %dma_wait3A_395 = arith.constant 0 : i32
    %dma_wait3A_396 = tpu.memref_slice %arg5[%dma_wait3A_389, %dma_wait3A_395] : memref<10x128xi32, #tpu.memory_space<vmem>> -> memref<1x128xi32, #tpu.memory_space<vmem>>
    %dma_wait3A_397 = tpu.memref_squeeze %dma_wait3A_396 : memref<1x128xi32, #tpu.memory_space<vmem>> -> memref<128xi32, #tpu.memory_space<vmem>>
    %dma_wait3A_398 = arith.constant 0 : i32
    %dma_wait3A_399 = arith.constant 0 : i32
    %dma_wait3A_400 = tpu.memref_slice %arg3[%dma_wait3A_398, %dma_wait3A_399] : memref<1000000x128xf32, #tpu.memory_space<hbm>> -> memref<1000000x128xf32, #tpu.memory_space<hbm>>
    tpu.wait_indirect_dma semaphore(%arg7 : memref<!tpu.dma_semaphore, #tpu.memory_space<semaphore_mem>>) src(%dma_wait3A_400 : memref<1000000x128xf32, #tpu.memory_space<hbm>>) dst(%dma_wait3A_394 : memref<128x128xf32, #tpu.memory_space<vmem>>)
    %add3A_401 = arith.constant 1024 : i32
    %add3A_402 = arith.addi %mul3A_2, %add3A_401 : i32
    %dma_start3A_403 = arith.constant 2 : i32
    %dma_start3A_404 = arith.constant 0 : i32
    %dma_start3A_405 = arith.constant 0 : i32
    %dma_start3A_406 = tpu.memref_slice %arg6[%dma_start3A_403, %dma_start3A_404, %dma_start3A_405] : memref<6x128x128xf32, #tpu.memory_space<vmem>> -> memref<1x128x128xf32, #tpu.memory_space<vmem>>
    %dma_start3A_407 = tpu.memref_squeeze %dma_start3A_406 : memref<1x128x128xf32, #tpu.memory_space<vmem>> -> memref<128x128xf32, #tpu.memory_space<vmem>>
    %dma_start3A_408 = arith.constant 0 : i32
    %dma_start3A_409 = tpu.memref_slice %arg4[%add3A_402, %dma_start3A_408] : memref<40960x128xf32, #tpu.memory_space<hbm>> -> memref<128x128xf32, #tpu.memory_space<hbm>>
    %dma_start3A_410 = arith.constant 0 : i32
    %dma_start3A_411 = tpu.memref_slice %arg4[%add3A_402, %dma_start3A_410] : memref<40960x128xf32, #tpu.memory_space<hbm>> -> memref<128x128xf32, #tpu.memory_space<hbm>>
    %dma_start3A_412 = arith.constant 0 : i32
    %dma_start3A_413 = arith.constant 0 : i32
    %dma_start3A_414 = tpu.memref_slice %arg6[%dma_start3A_403, %dma_start3A_412, %dma_start3A_413] : memref<6x128x128xf32, #tpu.memory_space<vmem>> -> memref<1x128x128xf32, #tpu.memory_space<vmem>>
    %dma_start3A_415 = tpu.memref_squeeze %dma_start3A_414 : memref<1x128x128xf32, #tpu.memory_space<vmem>> -> memref<128x128xf32, #tpu.memory_space<vmem>>
    tpu.enqueue_dma source(%dma_start3A_415 : memref<128x128xf32, #tpu.memory_space<vmem>>) target(%dma_start3A_411 : memref<128x128xf32, #tpu.memory_space<hbm>>) target_semaphore(%arg8 : memref<!tpu.dma_semaphore, #tpu.memory_space<semaphore_mem>>)
    %dma_wait3A_416 = arith.constant 9 : i32
    %dma_wait3A_417 = arith.constant 3 : i32
    %dma_wait3A_418 = arith.constant 0 : i32
    %dma_wait3A_419 = arith.constant 0 : i32
    %dma_wait3A_420 = tpu.memref_slice %arg6[%dma_wait3A_417, %dma_wait3A_418, %dma_wait3A_419] : memref<6x128x128xf32, #tpu.memory_space<vmem>> -> memref<1x128x128xf32, #tpu.memory_space<vmem>>
    %dma_wait3A_421 = tpu.memref_squeeze %dma_wait3A_420 : memref<1x128x128xf32, #tpu.memory_space<vmem>> -> memref<128x128xf32, #tpu.memory_space<vmem>>
    %dma_wait3A_422 = arith.constant 0 : i32
    %dma_wait3A_423 = tpu.memref_slice %arg5[%dma_wait3A_416, %dma_wait3A_422] : memref<10x128xi32, #tpu.memory_space<vmem>> -> memref<1x128xi32, #tpu.memory_space<vmem>>
    %dma_wait3A_424 = tpu.memref_squeeze %dma_wait3A_423 : memref<1x128xi32, #tpu.memory_space<vmem>> -> memref<128xi32, #tpu.memory_space<vmem>>
    %dma_wait3A_425 = arith.constant 0 : i32
    %dma_wait3A_426 = arith.constant 0 : i32
    %dma_wait3A_427 = tpu.memref_slice %arg3[%dma_wait3A_425, %dma_wait3A_426] : memref<1000000x128xf32, #tpu.memory_space<hbm>> -> memref<1000000x128xf32, #tpu.memory_space<hbm>>
    tpu.wait_indirect_dma semaphore(%arg7 : memref<!tpu.dma_semaphore, #tpu.memory_space<semaphore_mem>>) src(%dma_wait3A_427 : memref<1000000x128xf32, #tpu.memory_space<hbm>>) dst(%dma_wait3A_421 : memref<128x128xf32, #tpu.memory_space<vmem>>)
    %add3A_428 = arith.constant 1152 : i32
    %add3A_429 = arith.addi %mul3A_2, %add3A_428 : i32
    %dma_start3A_430 = arith.constant 3 : i32
    %dma_start3A_431 = arith.constant 0 : i32
    %dma_start3A_432 = arith.constant 0 : i32
    %dma_start3A_433 = tpu.memref_slice %arg6[%dma_start3A_430, %dma_start3A_431, %dma_start3A_432] : memref<6x128x128xf32, #tpu.memory_space<vmem>> -> memref<1x128x128xf32, #tpu.memory_space<vmem>>
    %dma_start3A_434 = tpu.memref_squeeze %dma_start3A_433 : memref<1x128x128xf32, #tpu.memory_space<vmem>> -> memref<128x128xf32, #tpu.memory_space<vmem>>
    %dma_start3A_435 = arith.constant 0 : i32
    %dma_start3A_436 = tpu.memref_slice %arg4[%add3A_429, %dma_start3A_435] : memref<40960x128xf32, #tpu.memory_space<hbm>> -> memref<128x128xf32, #tpu.memory_space<hbm>>
    %dma_start3A_437 = arith.constant 0 : i32
    %dma_start3A_438 = tpu.memref_slice %arg4[%add3A_429, %dma_start3A_437] : memref<40960x128xf32, #tpu.memory_space<hbm>> -> memref<128x128xf32, #tpu.memory_space<hbm>>
    %dma_start3A_439 = arith.constant 0 : i32
    %dma_start3A_440 = arith.constant 0 : i32
    %dma_start3A_441 = tpu.memref_slice %arg6[%dma_start3A_430, %dma_start3A_439, %dma_start3A_440] : memref<6x128x128xf32, #tpu.memory_space<vmem>> -> memref<1x128x128xf32, #tpu.memory_space<vmem>>
    %dma_start3A_442 = tpu.memref_squeeze %dma_start3A_441 : memref<1x128x128xf32, #tpu.memory_space<vmem>> -> memref<128x128xf32, #tpu.memory_space<vmem>>
    tpu.enqueue_dma source(%dma_start3A_442 : memref<128x128xf32, #tpu.memory_space<vmem>>) target(%dma_start3A_438 : memref<128x128xf32, #tpu.memory_space<hbm>>) target_semaphore(%arg8 : memref<!tpu.dma_semaphore, #tpu.memory_space<semaphore_mem>>)
    %dma_wait3A_443 = arith.constant 4 : i32
    %dma_wait3A_444 = arith.constant 0 : i32
    %dma_wait3A_445 = arith.constant 0 : i32
    %dma_wait3A_446 = tpu.memref_slice %arg6[%dma_wait3A_443, %dma_wait3A_444, %dma_wait3A_445] : memref<6x128x128xf32, #tpu.memory_space<vmem>> -> memref<1x128x128xf32, #tpu.memory_space<vmem>>
    %dma_wait3A_447 = tpu.memref_squeeze %dma_wait3A_446 : memref<1x128x128xf32, #tpu.memory_space<vmem>> -> memref<128x128xf32, #tpu.memory_space<vmem>>
    %dma_wait3A_448 = arith.constant 0 : i32
    %dma_wait3A_449 = tpu.memref_slice %arg4[%add3A_294, %dma_wait3A_448] : memref<40960x128xf32, #tpu.memory_space<hbm>> -> memref<128x128xf32, #tpu.memory_space<hbm>>
    %dma_wait3A_450 = arith.constant 0 : i32
    %dma_wait3A_451 = tpu.memref_slice %arg4[%add3A_294, %dma_wait3A_450] : memref<40960x128xf32, #tpu.memory_space<hbm>> -> memref<128x128xf32, #tpu.memory_space<hbm>>
    %dma_wait3A_452 = arith.constant 0 : i32
    %dma_wait3A_453 = arith.constant 0 : i32
    %dma_wait3A_454 = tpu.memref_slice %arg6[%dma_wait3A_443, %dma_wait3A_452, %dma_wait3A_453] : memref<6x128x128xf32, #tpu.memory_space<vmem>> -> memref<1x128x128xf32, #tpu.memory_space<vmem>>
    %dma_wait3A_455 = tpu.memref_squeeze %dma_wait3A_454 : memref<1x128x128xf32, #tpu.memory_space<vmem>> -> memref<128x128xf32, #tpu.memory_space<vmem>>
    tpu.wait_dma2 semaphore(%arg8 : memref<!tpu.dma_semaphore, #tpu.memory_space<semaphore_mem>>) src(%dma_wait3A_455 : memref<128x128xf32, #tpu.memory_space<vmem>>) dst(%dma_wait3A_451 : memref<128x128xf32, #tpu.memory_space<hbm>>)
    %dma_wait3A_456 = arith.constant 5 : i32
    %dma_wait3A_457 = arith.constant 0 : i32
    %dma_wait3A_458 = arith.constant 0 : i32
    %dma_wait3A_459 = tpu.memref_slice %arg6[%dma_wait3A_456, %dma_wait3A_457, %dma_wait3A_458] : memref<6x128x128xf32, #tpu.memory_space<vmem>> -> memref<1x128x128xf32, #tpu.memory_space<vmem>>
    %dma_wait3A_460 = tpu.memref_squeeze %dma_wait3A_459 : memref<1x128x128xf32, #tpu.memory_space<vmem>> -> memref<128x128xf32, #tpu.memory_space<vmem>>
    %dma_wait3A_461 = arith.constant 0 : i32
    %dma_wait3A_462 = tpu.memref_slice %arg4[%add3A_321, %dma_wait3A_461] : memref<40960x128xf32, #tpu.memory_space<hbm>> -> memref<128x128xf32, #tpu.memory_space<hbm>>
    %dma_wait3A_463 = arith.constant 0 : i32
    %dma_wait3A_464 = tpu.memref_slice %arg4[%add3A_321, %dma_wait3A_463] : memref<40960x128xf32, #tpu.memory_space<hbm>> -> memref<128x128xf32, #tpu.memory_space<hbm>>
    %dma_wait3A_465 = arith.constant 0 : i32
    %dma_wait3A_466 = arith.constant 0 : i32
    %dma_wait3A_467 = tpu.memref_slice %arg6[%dma_wait3A_456, %dma_wait3A_465, %dma_wait3A_466] : memref<6x128x128xf32, #tpu.memory_space<vmem>> -> memref<1x128x128xf32, #tpu.memory_space<vmem>>
    %dma_wait3A_468 = tpu.memref_squeeze %dma_wait3A_467 : memref<1x128x128xf32, #tpu.memory_space<vmem>> -> memref<128x128xf32, #tpu.memory_space<vmem>>
    tpu.wait_dma2 semaphore(%arg8 : memref<!tpu.dma_semaphore, #tpu.memory_space<semaphore_mem>>) src(%dma_wait3A_468 : memref<128x128xf32, #tpu.memory_space<vmem>>) dst(%dma_wait3A_464 : memref<128x128xf32, #tpu.memory_space<hbm>>)
    %dma_wait3A_469 = arith.constant 0 : i32
    %dma_wait3A_470 = arith.constant 0 : i32
    %dma_wait3A_471 = arith.constant 0 : i32
    %dma_wait3A_472 = tpu.memref_slice %arg6[%dma_wait3A_469, %dma_wait3A_470, %dma_wait3A_471] : memref<6x128x128xf32, #tpu.memory_space<vmem>> -> memref<1x128x128xf32, #tpu.memory_space<vmem>>
    %dma_wait3A_473 = tpu.memref_squeeze %dma_wait3A_472 : memref<1x128x128xf32, #tpu.memory_space<vmem>> -> memref<128x128xf32, #tpu.memory_space<vmem>>
    %dma_wait3A_474 = arith.constant 0 : i32
    %dma_wait3A_475 = tpu.memref_slice %arg4[%add3A_348, %dma_wait3A_474] : memref<40960x128xf32, #tpu.memory_space<hbm>> -> memref<128x128xf32, #tpu.memory_space<hbm>>
    %dma_wait3A_476 = arith.constant 0 : i32
    %dma_wait3A_477 = tpu.memref_slice %arg4[%add3A_348, %dma_wait3A_476] : memref<40960x128xf32, #tpu.memory_space<hbm>> -> memref<128x128xf32, #tpu.memory_space<hbm>>
    %dma_wait3A_478 = arith.constant 0 : i32
    %dma_wait3A_479 = arith.constant 0 : i32
    %dma_wait3A_480 = tpu.memref_slice %arg6[%dma_wait3A_469, %dma_wait3A_478, %dma_wait3A_479] : memref<6x128x128xf32, #tpu.memory_space<vmem>> -> memref<1x128x128xf32, #tpu.memory_space<vmem>>
    %dma_wait3A_481 = tpu.memref_squeeze %dma_wait3A_480 : memref<1x128x128xf32, #tpu.memory_space<vmem>> -> memref<128x128xf32, #tpu.memory_space<vmem>>
    tpu.wait_dma2 semaphore(%arg8 : memref<!tpu.dma_semaphore, #tpu.memory_space<semaphore_mem>>) src(%dma_wait3A_481 : memref<128x128xf32, #tpu.memory_space<vmem>>) dst(%dma_wait3A_477 : memref<128x128xf32, #tpu.memory_space<hbm>>)
    %dma_wait3A_482 = arith.constant 1 : i32
    %dma_wait3A_483 = arith.constant 0 : i32
    %dma_wait3A_484 = arith.constant 0 : i32
    %dma_wait3A_485 = tpu.memref_slice %arg6[%dma_wait3A_482, %dma_wait3A_483, %dma_wait3A_484] : memref<6x128x128xf32, #tpu.memory_space<vmem>> -> memref<1x128x128xf32, #tpu.memory_space<vmem>>
    %dma_wait3A_486 = tpu.memref_squeeze %dma_wait3A_485 : memref<1x128x128xf32, #tpu.memory_space<vmem>> -> memref<128x128xf32, #tpu.memory_space<vmem>>
    %dma_wait3A_487 = arith.constant 0 : i32
    %dma_wait3A_488 = tpu.memref_slice %arg4[%add3A_375, %dma_wait3A_487] : memref<40960x128xf32, #tpu.memory_space<hbm>> -> memref<128x128xf32, #tpu.memory_space<hbm>>
    %dma_wait3A_489 = arith.constant 0 : i32
    %dma_wait3A_490 = tpu.memref_slice %arg4[%add3A_375, %dma_wait3A_489] : memref<40960x128xf32, #tpu.memory_space<hbm>> -> memref<128x128xf32, #tpu.memory_space<hbm>>
    %dma_wait3A_491 = arith.constant 0 : i32
    %dma_wait3A_492 = arith.constant 0 : i32
    %dma_wait3A_493 = tpu.memref_slice %arg6[%dma_wait3A_482, %dma_wait3A_491, %dma_wait3A_492] : memref<6x128x128xf32, #tpu.memory_space<vmem>> -> memref<1x128x128xf32, #tpu.memory_space<vmem>>
    %dma_wait3A_494 = tpu.memref_squeeze %dma_wait3A_493 : memref<1x128x128xf32, #tpu.memory_space<vmem>> -> memref<128x128xf32, #tpu.memory_space<vmem>>
    tpu.wait_dma2 semaphore(%arg8 : memref<!tpu.dma_semaphore, #tpu.memory_space<semaphore_mem>>) src(%dma_wait3A_494 : memref<128x128xf32, #tpu.memory_space<vmem>>) dst(%dma_wait3A_490 : memref<128x128xf32, #tpu.memory_space<hbm>>)
    %dma_wait3A_495 = arith.constant 2 : i32
    %dma_wait3A_496 = arith.constant 0 : i32
    %dma_wait3A_497 = arith.constant 0 : i32
    %dma_wait3A_498 = tpu.memref_slice %arg6[%dma_wait3A_495, %dma_wait3A_496, %dma_wait3A_497] : memref<6x128x128xf32, #tpu.memory_space<vmem>> -> memref<1x128x128xf32, #tpu.memory_space<vmem>>
    %dma_wait3A_499 = tpu.memref_squeeze %dma_wait3A_498 : memref<1x128x128xf32, #tpu.memory_space<vmem>> -> memref<128x128xf32, #tpu.memory_space<vmem>>
    %dma_wait3A_500 = arith.constant 0 : i32
    %dma_wait3A_501 = tpu.memref_slice %arg4[%add3A_402, %dma_wait3A_500] : memref<40960x128xf32, #tpu.memory_space<hbm>> -> memref<128x128xf32, #tpu.memory_space<hbm>>
    %dma_wait3A_502 = arith.constant 0 : i32
    %dma_wait3A_503 = tpu.memref_slice %arg4[%add3A_402, %dma_wait3A_502] : memref<40960x128xf32, #tpu.memory_space<hbm>> -> memref<128x128xf32, #tpu.memory_space<hbm>>
    %dma_wait3A_504 = arith.constant 0 : i32
    %dma_wait3A_505 = arith.constant 0 : i32
    %dma_wait3A_506 = tpu.memref_slice %arg6[%dma_wait3A_495, %dma_wait3A_504, %dma_wait3A_505] : memref<6x128x128xf32, #tpu.memory_space<vmem>> -> memref<1x128x128xf32, #tpu.memory_space<vmem>>
    %dma_wait3A_507 = tpu.memref_squeeze %dma_wait3A_506 : memref<1x128x128xf32, #tpu.memory_space<vmem>> -> memref<128x128xf32, #tpu.memory_space<vmem>>
    tpu.wait_dma2 semaphore(%arg8 : memref<!tpu.dma_semaphore, #tpu.memory_space<semaphore_mem>>) src(%dma_wait3A_507 : memref<128x128xf32, #tpu.memory_space<vmem>>) dst(%dma_wait3A_503 : memref<128x128xf32, #tpu.memory_space<hbm>>)
    %dma_wait3A_508 = arith.constant 3 : i32
    %dma_wait3A_509 = arith.constant 0 : i32
    %dma_wait3A_510 = arith.constant 0 : i32
    %dma_wait3A_511 = tpu.memref_slice %arg6[%dma_wait3A_508, %dma_wait3A_509, %dma_wait3A_510] : memref<6x128x128xf32, #tpu.memory_space<vmem>> -> memref<1x128x128xf32, #tpu.memory_space<vmem>>
    %dma_wait3A_512 = tpu.memref_squeeze %dma_wait3A_511 : memref<1x128x128xf32, #tpu.memory_space<vmem>> -> memref<128x128xf32, #tpu.memory_space<vmem>>
    %dma_wait3A_513 = arith.constant 0 : i32
    %dma_wait3A_514 = tpu.memref_slice %arg4[%add3A_429, %dma_wait3A_513] : memref<40960x128xf32, #tpu.memory_space<hbm>> -> memref<128x128xf32, #tpu.memory_space<hbm>>
    %dma_wait3A_515 = arith.constant 0 : i32
    %dma_wait3A_516 = tpu.memref_slice %arg4[%add3A_429, %dma_wait3A_515] : memref<40960x128xf32, #tpu.memory_space<hbm>> -> memref<128x128xf32, #tpu.memory_space<hbm>>
    %dma_wait3A_517 = arith.constant 0 : i32
    %dma_wait3A_518 = arith.constant 0 : i32
    %dma_wait3A_519 = tpu.memref_slice %arg6[%dma_wait3A_508, %dma_wait3A_517, %dma_wait3A_518] : memref<6x128x128xf32, #tpu.memory_space<vmem>> -> memref<1x128x128xf32, #tpu.memory_space<vmem>>
    %dma_wait3A_520 = tpu.memref_squeeze %dma_wait3A_519 : memref<1x128x128xf32, #tpu.memory_space<vmem>> -> memref<128x128xf32, #tpu.memory_space<vmem>>
    tpu.wait_dma2 semaphore(%arg8 : memref<!tpu.dma_semaphore, #tpu.memory_space<semaphore_mem>>) src(%dma_wait3A_520 : memref<128x128xf32, #tpu.memory_space<vmem>>) dst(%dma_wait3A_516 : memref<128x128xf32, #tpu.memory_space<hbm>>)
    return
  }
}

#map = affine_map<(d0, d1) -> (0, 0, 0)>
#map1 = affine_map<(d0, d1) -> (0, 0)>
module attributes {stable_mosaic.version = 14 : i64} {
  func.func @_sc_gather(%arg0: i32, %arg1: i32, %arg2: memref<32x10x128xi32, #tpu.memory_space<hbm>>, %arg3: memref<1000000x128xf32, #tpu.memory_space<hbm>>, %arg4: memref<40960x128xf32, #tpu.memory_space<hbm>>, %arg5: memref<10x128xi32, #tpu.memory_space<vmem>>, %arg6: memref<6x128x128xf32, #tpu.memory_space<vmem>>, %arg7: memref<!tpu.dma_semaphore, #tpu.memory_space<semaphore_mem>>, %arg8: memref<!tpu.dma_semaphore, #tpu.memory_space<semaphore_mem>>) attributes {dimension_semantics = [#tpu.dimension_semantics<core_parallel>, #tpu.dimension_semantics<subcore_parallel>], iteration_bounds = array<i64: 2, 16>, scalar_prefetch = 0 : i64, scratch_operands = 4 : i64, tpu.core_type = #tpu.core_type<sc_vector_subcore>, window_params = [{transform_indices = #map}, {transform_indices = #map1}, {transform_indices = #map1}]} {
    %mul3A = arith.constant 2 : i32
    %mul3A_0 = arith.muli %arg1, %mul3A : i32
    %add3A = arith.addi %mul3A_0, %arg0 : i32
    %mul3A_1 = arith.constant 1280 : i32
    %mul3A_2 = arith.muli %add3A, %mul3A_1 : i32
    "tpu.region"() ({
      %run_scoped3A = tpu.sem_alloc : memref<!tpu.dma_semaphore, #tpu.memory_space<semaphore_mem>>
      %dma_start3A_521 = arith.constant 0 : i32
      %dma_start3A_522 = arith.constant 0 : i32
      %dma_start3A_523 = tpu.memref_slice %arg2[%add3A, %dma_start3A_521, %dma_start3A_522] : memref<32x10x128xi32, #tpu.memory_space<hbm>> -> memref<1x10x128xi32, #tpu.memory_space<hbm>>
      %dma_start3A_524 = tpu.memref_squeeze %dma_start3A_523 : memref<1x10x128xi32, #tpu.memory_space<hbm>> -> memref<10x128xi32, #tpu.memory_space<hbm>>
      %dma_start3A_525 = arith.constant 0 : i32
      %dma_start3A_526 = arith.constant 0 : i32
      %dma_start3A_527 = tpu.memref_slice %arg2[%add3A, %dma_start3A_525, %dma_start3A_526] : memref<32x10x128xi32, #tpu.memory_space<hbm>> -> memref<1x10x128xi32, #tpu.memory_space<hbm>>
      %dma_start3A_528 = tpu.memref_squeeze %dma_start3A_527 : memref<1x10x128xi32, #tpu.memory_space<hbm>> -> memref<10x128xi32, #tpu.memory_space<hbm>>
      tpu.enqueue_dma source(%dma_start3A_528 : memref<10x128xi32, #tpu.memory_space<hbm>>) target(%arg5 : memref<10x128xi32, #tpu.memory_space<vmem>>) target_semaphore(%run_scoped3A : memref<!tpu.dma_semaphore, #tpu.memory_space<semaphore_mem>>)
      %dma_wait3A_529 = arith.constant 0 : i32
      %dma_wait3A_530 = arith.constant 0 : i32
      %dma_wait3A_531 = tpu.memref_slice %arg2[%add3A, %dma_wait3A_529, %dma_wait3A_530] : memref<32x10x128xi32, #tpu.memory_space<hbm>> -> memref<1x10x128xi32, #tpu.memory_space<hbm>>
      %dma_wait3A_532 = tpu.memref_squeeze %dma_wait3A_531 : memref<1x10x128xi32, #tpu.memory_space<hbm>> -> memref<10x128xi32, #tpu.memory_space<hbm>>
      %dma_wait3A_533 = arith.constant 0 : i32
      %dma_wait3A_534 = arith.constant 0 : i32
      %dma_wait3A_535 = tpu.memref_slice %arg2[%add3A, %dma_wait3A_533, %dma_wait3A_534] : memref<32x10x128xi32, #tpu.memory_space<hbm>> -> memref<1x10x128xi32, #tpu.memory_space<hbm>>
      %dma_wait3A_536 = tpu.memref_squeeze %dma_wait3A_535 : memref<1x10x128xi32, #tpu.memory_space<hbm>> -> memref<10x128xi32, #tpu.memory_space<hbm>>
      tpu.wait_dma2 semaphore(%run_scoped3A : memref<!tpu.dma_semaphore, #tpu.memory_space<semaphore_mem>>) src(%dma_wait3A_536 : memref<10x128xi32, #tpu.memory_space<hbm>>) dst(%arg5 : memref<10x128xi32, #tpu.memory_space<vmem>>)
      tpu.yield
    }) : () -> ()
    %dma_start3A = arith.constant 0 : i32
    %dma_start3A_3 = arith.constant 0 : i32
    %dma_start3A_4 = arith.constant 0 : i32
    %dma_start3A_5 = arith.constant 0 : i32
    %dma_start3A_6 = tpu.memref_slice %arg6[%dma_start3A_3, %dma_start3A_4, %dma_start3A_5] : memref<6x128x128xf32, #tpu.memory_space<vmem>> -> memref<1x128x128xf32, #tpu.memory_space<vmem>>
    %dma_start3A_7 = tpu.memref_squeeze %dma_start3A_6 : memref<1x128x128xf32, #tpu.memory_space<vmem>> -> memref<128x128xf32, #tpu.memory_space<vmem>>
    %dma_start3A_8 = arith.constant 0 : i32
    %dma_start3A_9 = tpu.memref_slice %arg5[%dma_start3A, %dma_start3A_8] : memref<10x128xi32, #tpu.memory_space<vmem>> -> memref<1x128xi32, #tpu.memory_space<vmem>>
    %dma_start3A_10 = tpu.memref_squeeze %dma_start3A_9 : memref<1x128xi32, #tpu.memory_space<vmem>> -> memref<128xi32, #tpu.memory_space<vmem>>
    %dma_start3A_11 = arith.constant 0 : i32
    %dma_start3A_12 = arith.constant 0 : i32
    %dma_start3A_13 = tpu.memref_slice %arg3[%dma_start3A_11, %dma_start3A_12] : memref<1000000x128xf32, #tpu.memory_space<hbm>> -> memref<1000000x128xf32, #tpu.memory_space<hbm>>
    tpu.enqueue_indirect_dma source(%dma_start3A_13 : memref<1000000x128xf32, #tpu.memory_space<hbm>>) target(%dma_start3A_7 : memref<128x128xf32, #tpu.memory_space<vmem>>) offsets(%dma_start3A_10 : memref<128xi32, #tpu.memory_space<vmem>>) semaphore(%arg7 : memref<!tpu.dma_semaphore, #tpu.memory_space<semaphore_mem>>)
    %dma_start3A_14 = arith.constant 1 : i32
    %dma_start3A_15 = arith.constant 1 : i32
    %dma_start3A_16 = arith.constant 0 : i32
    %dma_start3A_17 = arith.constant 0 : i32
    %dma_start3A_18 = tpu.memref_slice %arg6[%dma_start3A_15, %dma_start3A_16, %dma_start3A_17] : memref<6x128x128xf32, #tpu.memory_space<vmem>> -> memref<1x128x128xf32, #tpu.memory_space<vmem>>
    %dma_start3A_19 = tpu.memref_squeeze %dma_start3A_18 : memref<1x128x128xf32, #tpu.memory_space<vmem>> -> memref<128x128xf32, #tpu.memory_space<vmem>>
    %dma_start3A_20 = arith.constant 0 : i32
    %dma_start3A_21 = tpu.memref_slice %arg5[%dma_start3A_14, %dma_start3A_20] : memref<10x128xi32, #tpu.memory_space<vmem>> -> memref<1x128xi32, #tpu.memory_space<vmem>>
    %dma_start3A_22 = tpu.memref_squeeze %dma_start3A_21 : memref<1x128xi32, #tpu.memory_space<vmem>> -> memref<128xi32, #tpu.memory_space<vmem>>
    %dma_start3A_23 = arith.constant 0 : i32
    %dma_start3A_24 = arith.constant 0 : i32
    %dma_start3A_25 = tpu.memref_slice %arg3[%dma_start3A_23, %dma_start3A_24] : memref<1000000x128xf32, #tpu.memory_space<hbm>> -> memref<1000000x128xf32, #tpu.memory_space<hbm>>
    tpu.enqueue_indirect_dma source(%dma_start3A_25 : memref<1000000x128xf32, #tpu.memory_space<hbm>>) target(%dma_start3A_19 : memref<128x128xf32, #tpu.memory_space<vmem>>) offsets(%dma_start3A_22 : memref<128xi32, #tpu.memory_space<vmem>>) semaphore(%arg7 : memref<!tpu.dma_semaphore, #tpu.memory_space<semaphore_mem>>)
    %dma_start3A_26 = arith.constant 2 : i32
    %dma_start3A_27 = arith.constant 2 : i32
    %dma_start3A_28 = arith.constant 0 : i32
    %dma_start3A_29 = arith.constant 0 : i32
    %dma_start3A_30 = tpu.memref_slice %arg6[%dma_start3A_27, %dma_start3A_28, %dma_start3A_29] : memref<6x128x128xf32, #tpu.memory_space<vmem>> -> memref<1x128x128xf32, #tpu.memory_space<vmem>>
    %dma_start3A_31 = tpu.memref_squeeze %dma_start3A_30 : memref<1x128x128xf32, #tpu.memory_space<vmem>> -> memref<128x128xf32, #tpu.memory_space<vmem>>
    %dma_start3A_32 = arith.constant 0 : i32
    %dma_start3A_33 = tpu.memref_slice %arg5[%dma_start3A_26, %dma_start3A_32] : memref<10x128xi32, #tpu.memory_space<vmem>> -> memref<1x128xi32, #tpu.memory_space<vmem>>
    %dma_start3A_34 = tpu.memref_squeeze %dma_start3A_33 : memref<1x128xi32, #tpu.memory_space<vmem>> -> memref<128xi32, #tpu.memory_space<vmem>>
    %dma_start3A_35 = arith.constant 0 : i32
    %dma_start3A_36 = arith.constant 0 : i32
    %dma_start3A_37 = tpu.memref_slice %arg3[%dma_start3A_35, %dma_start3A_36] : memref<1000000x128xf32, #tpu.memory_space<hbm>> -> memref<1000000x128xf32, #tpu.memory_space<hbm>>
    tpu.enqueue_indirect_dma source(%dma_start3A_37 : memref<1000000x128xf32, #tpu.memory_space<hbm>>) target(%dma_start3A_31 : memref<128x128xf32, #tpu.memory_space<vmem>>) offsets(%dma_start3A_34 : memref<128xi32, #tpu.memory_space<vmem>>) semaphore(%arg7 : memref<!tpu.dma_semaphore, #tpu.memory_space<semaphore_mem>>)
    %dma_start3A_38 = arith.constant 3 : i32
    %dma_start3A_39 = arith.constant 3 : i32
    %dma_start3A_40 = arith.constant 0 : i32
    %dma_start3A_41 = arith.constant 0 : i32
    %dma_start3A_42 = tpu.memref_slice %arg6[%dma_start3A_39, %dma_start3A_40, %dma_start3A_41] : memref<6x128x128xf32, #tpu.memory_space<vmem>> -> memref<1x128x128xf32, #tpu.memory_space<vmem>>
    %dma_start3A_43 = tpu.memref_squeeze %dma_start3A_42 : memref<1x128x128xf32, #tpu.memory_space<vmem>> -> memref<128x128xf32, #tpu.memory_space<vmem>>
    %dma_start3A_44 = arith.constant 0 : i32
    %dma_start3A_45 = tpu.memref_slice %arg5[%dma_start3A_38, %dma_start3A_44] : memref<10x128xi32, #tpu.memory_space<vmem>> -> memref<1x128xi32, #tpu.memory_space<vmem>>
    %dma_start3A_46 = tpu.memref_squeeze %dma_start3A_45 : memref<1x128xi32, #tpu.memory_space<vmem>> -> memref<128xi32, #tpu.memory_space<vmem>>
    %dma_start3A_47 = arith.constant 0 : i32
    %dma_start3A_48 = arith.constant 0 : i32
    %dma_start3A_49 = tpu.memref_slice %arg3[%dma_start3A_47, %dma_start3A_48] : memref<1000000x128xf32, #tpu.memory_space<hbm>> -> memref<1000000x128xf32, #tpu.memory_space<hbm>>
    tpu.enqueue_indirect_dma source(%dma_start3A_49 : memref<1000000x128xf32, #tpu.memory_space<hbm>>) target(%dma_start3A_43 : memref<128x128xf32, #tpu.memory_space<vmem>>) offsets(%dma_start3A_46 : memref<128xi32, #tpu.memory_space<vmem>>) semaphore(%arg7 : memref<!tpu.dma_semaphore, #tpu.memory_space<semaphore_mem>>)
    %dma_start3A_50 = arith.constant 4 : i32
    %dma_start3A_51 = arith.constant 4 : i32
    %dma_start3A_52 = arith.constant 0 : i32
    %dma_start3A_53 = arith.constant 0 : i32
    %dma_start3A_54 = tpu.memref_slice %arg6[%dma_start3A_51, %dma_start3A_52, %dma_start3A_53] : memref<6x128x128xf32, #tpu.memory_space<vmem>> -> memref<1x128x128xf32, #tpu.memory_space<vmem>>
    %dma_start3A_55 = tpu.memref_squeeze %dma_start3A_54 : memref<1x128x128xf32, #tpu.memory_space<vmem>> -> memref<128x128xf32, #tpu.memory_space<vmem>>
    %dma_start3A_56 = arith.constant 0 : i32
    %dma_start3A_57 = tpu.memref_slice %arg5[%dma_start3A_50, %dma_start3A_56] : memref<10x128xi32, #tpu.memory_space<vmem>> -> memref<1x128xi32, #tpu.memory_space<vmem>>
    %dma_start3A_58 = tpu.memref_squeeze %dma_start3A_57 : memref<1x128xi32, #tpu.memory_space<vmem>> -> memref<128xi32, #tpu.memory_space<vmem>>
    %dma_start3A_59 = arith.constant 0 : i32
    %dma_start3A_60 = arith.constant 0 : i32
    %dma_start3A_61 = tpu.memref_slice %arg3[%dma_start3A_59, %dma_start3A_60] : memref<1000000x128xf32, #tpu.memory_space<hbm>> -> memref<1000000x128xf32, #tpu.memory_space<hbm>>
    tpu.enqueue_indirect_dma source(%dma_start3A_61 : memref<1000000x128xf32, #tpu.memory_space<hbm>>) target(%dma_start3A_55 : memref<128x128xf32, #tpu.memory_space<vmem>>) offsets(%dma_start3A_58 : memref<128xi32, #tpu.memory_space<vmem>>) semaphore(%arg7 : memref<!tpu.dma_semaphore, #tpu.memory_space<semaphore_mem>>)
    %dma_start3A_62 = arith.constant 5 : i32
    %dma_start3A_63 = arith.constant 5 : i32
    %dma_start3A_64 = arith.constant 0 : i32
    %dma_start3A_65 = arith.constant 0 : i32
    %dma_start3A_66 = tpu.memref_slice %arg6[%dma_start3A_63, %dma_start3A_64, %dma_start3A_65] : memref<6x128x128xf32, #tpu.memory_space<vmem>> -> memref<1x128x128xf32, #tpu.memory_space<vmem>>
    %dma_start3A_67 = tpu.memref_squeeze %dma_start3A_66 : memref<1x128x128xf32, #tpu.memory_space<vmem>> -> memref<128x128xf32, #tpu.memory_space<vmem>>
    %dma_start3A_68 = arith.constant 0 : i32
    %dma_start3A_69 = tpu.memref_slice %arg5[%dma_start3A_62, %dma_start3A_68] : memref<10x128xi32, #tpu.memory_space<vmem>> -> memref<1x128xi32, #tpu.memory_space<vmem>>
    %dma_start3A_70 = tpu.memref_squeeze %dma_start3A_69 : memref<1x128xi32, #tpu.memory_space<vmem>> -> memref<128xi32, #tpu.memory_space<vmem>>
    %dma_start3A_71 = arith.constant 0 : i32
    %dma_start3A_72 = arith.constant 0 : i32
    %dma_start3A_73 = tpu.memref_slice %arg3[%dma_start3A_71, %dma_start3A_72] : memref<1000000x128xf32, #tpu.memory_space<hbm>> -> memref<1000000x128xf32, #tpu.memory_space<hbm>>
    tpu.enqueue_indirect_dma source(%dma_start3A_73 : memref<1000000x128xf32, #tpu.memory_space<hbm>>) target(%dma_start3A_67 : memref<128x128xf32, #tpu.memory_space<vmem>>) offsets(%dma_start3A_70 : memref<128xi32, #tpu.memory_space<vmem>>) semaphore(%arg7 : memref<!tpu.dma_semaphore, #tpu.memory_space<semaphore_mem>>)
    %dma_wait3A = arith.constant 0 : i32
    %dma_wait3A_74 = arith.constant 0 : i32
    %dma_wait3A_75 = arith.constant 0 : i32
    %dma_wait3A_76 = arith.constant 0 : i32
    %dma_wait3A_77 = tpu.memref_slice %arg6[%dma_wait3A_74, %dma_wait3A_75, %dma_wait3A_76] : memref<6x128x128xf32, #tpu.memory_space<vmem>> -> memref<1x128x128xf32, #tpu.memory_space<vmem>>
    %dma_wait3A_78 = tpu.memref_squeeze %dma_wait3A_77 : memref<1x128x128xf32, #tpu.memory_space<vmem>> -> memref<128x128xf32, #tpu.memory_space<vmem>>
    %dma_wait3A_79 = arith.constant 0 : i32
    %dma_wait3A_80 = tpu.memref_slice %arg5[%dma_wait3A, %dma_wait3A_79] : memref<10x128xi32, #tpu.memory_space<vmem>> -> memref<1x128xi32, #tpu.memory_space<vmem>>
    %dma_wait3A_81 = tpu.memref_squeeze %dma_wait3A_80 : memref<1x128xi32, #tpu.memory_space<vmem>> -> memref<128xi32, #tpu.memory_space<vmem>>
    %dma_wait3A_82 = arith.constant 0 : i32
    %dma_wait3A_83 = arith.constant 0 : i32
    %dma_wait3A_84 = tpu.memref_slice %arg3[%dma_wait3A_82, %dma_wait3A_83] : memref<1000000x128xf32, #tpu.memory_space<hbm>> -> memref<1000000x128xf32, #tpu.memory_space<hbm>>
    tpu.wait_indirect_dma semaphore(%arg7 : memref<!tpu.dma_semaphore, #tpu.memory_space<semaphore_mem>>) src(%dma_wait3A_84 : memref<1000000x128xf32, #tpu.memory_space<hbm>>) dst(%dma_wait3A_78 : memref<128x128xf32, #tpu.memory_space<vmem>>)
    %add3A_85 = arith.constant 0 : i32
    %add3A_86 = arith.addi %mul3A_2, %add3A_85 : i32
    %dma_start3A_87 = arith.constant 0 : i32
    %dma_start3A_88 = arith.constant 0 : i32
    %dma_start3A_89 = arith.constant 0 : i32
    %dma_start3A_90 = tpu.memref_slice %arg6[%dma_start3A_87, %dma_start3A_88, %dma_start3A_89] : memref<6x128x128xf32, #tpu.memory_space<vmem>> -> memref<1x128x128xf32, #tpu.memory_space<vmem>>
    %dma_start3A_91 = tpu.memref_squeeze %dma_start3A_90 : memref<1x128x128xf32, #tpu.memory_space<vmem>> -> memref<128x128xf32, #tpu.memory_space<vmem>>
    %dma_start3A_92 = arith.constant 0 : i32
    %dma_start3A_93 = tpu.memref_slice %arg4[%add3A_86, %dma_start3A_92] : memref<40960x128xf32, #tpu.memory_space<hbm>> -> memref<128x128xf32, #tpu.memory_space<hbm>>
    %dma_start3A_94 = arith.constant 0 : i32
    %dma_start3A_95 = tpu.memref_slice %arg4[%add3A_86, %dma_start3A_94] : memref<40960x128xf32, #tpu.memory_space<hbm>> -> memref<128x128xf32, #tpu.memory_space<hbm>>
    %dma_start3A_96 = arith.constant 0 : i32
    %dma_start3A_97 = arith.constant 0 : i32
    %dma_start3A_98 = tpu.memref_slice %arg6[%dma_start3A_87, %dma_start3A_96, %dma_start3A_97] : memref<6x128x128xf32, #tpu.memory_space<vmem>> -> memref<1x128x128xf32, #tpu.memory_space<vmem>>
    %dma_start3A_99 = tpu.memref_squeeze %dma_start3A_98 : memref<1x128x128xf32, #tpu.memory_space<vmem>> -> memref<128x128xf32, #tpu.memory_space<vmem>>
    tpu.enqueue_dma source(%dma_start3A_99 : memref<128x128xf32, #tpu.memory_space<vmem>>) target(%dma_start3A_95 : memref<128x128xf32, #tpu.memory_space<hbm>>) target_semaphore(%arg8 : memref<!tpu.dma_semaphore, #tpu.memory_space<semaphore_mem>>)
    %dma_wait3A_100 = arith.constant 0 : i32
    %dma_wait3A_101 = arith.constant 0 : i32
    %dma_wait3A_102 = arith.constant 0 : i32
    %dma_wait3A_103 = tpu.memref_slice %arg6[%dma_wait3A_100, %dma_wait3A_101, %dma_wait3A_102] : memref<6x128x128xf32, #tpu.memory_space<vmem>> -> memref<1x128x128xf32, #tpu.memory_space<vmem>>
    %dma_wait3A_104 = tpu.memref_squeeze %dma_wait3A_103 : memref<1x128x128xf32, #tpu.memory_space<vmem>> -> memref<128x128xf32, #tpu.memory_space<vmem>>
    %dma_wait3A_105 = arith.constant 0 : i32
    %dma_wait3A_106 = tpu.memref_slice %arg4[%add3A_86, %dma_wait3A_105] : memref<40960x128xf32, #tpu.memory_space<hbm>> -> memref<128x128xf32, #tpu.memory_space<hbm>>
    %dma_wait3A_107 = arith.constant 0 : i32
    %dma_wait3A_108 = tpu.memref_slice %arg4[%add3A_86, %dma_wait3A_107] : memref<40960x128xf32, #tpu.memory_space<hbm>> -> memref<128x128xf32, #tpu.memory_space<hbm>>
    %dma_wait3A_109 = arith.constant 0 : i32
    %dma_wait3A_110 = arith.constant 0 : i32
    %dma_wait3A_111 = tpu.memref_slice %arg6[%dma_wait3A_100, %dma_wait3A_109, %dma_wait3A_110] : memref<6x128x128xf32, #tpu.memory_space<vmem>> -> memref<1x128x128xf32, #tpu.memory_space<vmem>>
    %dma_wait3A_112 = tpu.memref_squeeze %dma_wait3A_111 : memref<1x128x128xf32, #tpu.memory_space<vmem>> -> memref<128x128xf32, #tpu.memory_space<vmem>>
    tpu.wait_dma2 semaphore(%arg8 : memref<!tpu.dma_semaphore, #tpu.memory_space<semaphore_mem>>) src(%dma_wait3A_112 : memref<128x128xf32, #tpu.memory_space<vmem>>) dst(%dma_wait3A_108 : memref<128x128xf32, #tpu.memory_space<hbm>>)
    %dma_start3A_113 = arith.constant 6 : i32
    %dma_start3A_114 = arith.constant 0 : i32
    %dma_start3A_115 = arith.constant 0 : i32
    %dma_start3A_116 = arith.constant 0 : i32
    %dma_start3A_117 = tpu.memref_slice %arg6[%dma_start3A_114, %dma_start3A_115, %dma_start3A_116] : memref<6x128x128xf32, #tpu.memory_space<vmem>> -> memref<1x128x128xf32, #tpu.memory_space<vmem>>
    %dma_start3A_118 = tpu.memref_squeeze %dma_start3A_117 : memref<1x128x128xf32, #tpu.memory_space<vmem>> -> memref<128x128xf32, #tpu.memory_space<vmem>>
    %dma_start3A_119 = arith.constant 0 : i32
    %dma_start3A_120 = tpu.memref_slice %arg5[%dma_start3A_113, %dma_start3A_119] : memref<10x128xi32, #tpu.memory_space<vmem>> -> memref<1x128xi32, #tpu.memory_space<vmem>>
    %dma_start3A_121 = tpu.memref_squeeze %dma_start3A_120 : memref<1x128xi32, #tpu.memory_space<vmem>> -> memref<128xi32, #tpu.memory_space<vmem>>
    %dma_start3A_122 = arith.constant 0 : i32
    %dma_start3A_123 = arith.constant 0 : i32
    %dma_start3A_124 = tpu.memref_slice %arg3[%dma_start3A_122, %dma_start3A_123] : memref<1000000x128xf32, #tpu.memory_space<hbm>> -> memref<1000000x128xf32, #tpu.memory_space<hbm>>
    tpu.enqueue_indirect_dma source(%dma_start3A_124 : memref<1000000x128xf32, #tpu.memory_space<hbm>>) target(%dma_start3A_118 : memref<128x128xf32, #tpu.memory_space<vmem>>) offsets(%dma_start3A_121 : memref<128xi32, #tpu.memory_space<vmem>>) semaphore(%arg7 : memref<!tpu.dma_semaphore, #tpu.memory_space<semaphore_mem>>)
    %dma_wait3A_125 = arith.constant 1 : i32
    %dma_wait3A_126 = arith.constant 1 : i32
    %dma_wait3A_127 = arith.constant 0 : i32
    %dma_wait3A_128 = arith.constant 0 : i32
    %dma_wait3A_129 = tpu.memref_slice %arg6[%dma_wait3A_126, %dma_wait3A_127, %dma_wait3A_128] : memref<6x128x128xf32, #tpu.memory_space<vmem>> -> memref<1x128x128xf32, #tpu.memory_space<vmem>>
    %dma_wait3A_130 = tpu.memref_squeeze %dma_wait3A_129 : memref<1x128x128xf32, #tpu.memory_space<vmem>> -> memref<128x128xf32, #tpu.memory_space<vmem>>
    %dma_wait3A_131 = arith.constant 0 : i32
    %dma_wait3A_132 = tpu.memref_slice %arg5[%dma_wait3A_125, %dma_wait3A_131] : memref<10x128xi32, #tpu.memory_space<vmem>> -> memref<1x128xi32, #tpu.memory_space<vmem>>
    %dma_wait3A_133 = tpu.memref_squeeze %dma_wait3A_132 : memref<1x128xi32, #tpu.memory_space<vmem>> -> memref<128xi32, #tpu.memory_space<vmem>>
    %dma_wait3A_134 = arith.constant 0 : i32
    %dma_wait3A_135 = arith.constant 0 : i32
    %dma_wait3A_136 = tpu.memref_slice %arg3[%dma_wait3A_134, %dma_wait3A_135] : memref<1000000x128xf32, #tpu.memory_space<hbm>> -> memref<1000000x128xf32, #tpu.memory_space<hbm>>
    tpu.wait_indirect_dma semaphore(%arg7 : memref<!tpu.dma_semaphore, #tpu.memory_space<semaphore_mem>>) src(%dma_wait3A_136 : memref<1000000x128xf32, #tpu.memory_space<hbm>>) dst(%dma_wait3A_130 : memref<128x128xf32, #tpu.memory_space<vmem>>)
    %add3A_137 = arith.constant 128 : i32
    %add3A_138 = arith.addi %mul3A_2, %add3A_137 : i32
    %dma_start3A_139 = arith.constant 1 : i32
    %dma_start3A_140 = arith.constant 0 : i32
    %dma_start3A_141 = arith.constant 0 : i32
    %dma_start3A_142 = tpu.memref_slice %arg6[%dma_start3A_139, %dma_start3A_140, %dma_start3A_141] : memref<6x128x128xf32, #tpu.memory_space<vmem>> -> memref<1x128x128xf32, #tpu.memory_space<vmem>>
    %dma_start3A_143 = tpu.memref_squeeze %dma_start3A_142 : memref<1x128x128xf32, #tpu.memory_space<vmem>> -> memref<128x128xf32, #tpu.memory_space<vmem>>
    %dma_start3A_144 = arith.constant 0 : i32
    %dma_start3A_145 = tpu.memref_slice %arg4[%add3A_138, %dma_start3A_144] : memref<40960x128xf32, #tpu.memory_space<hbm>> -> memref<128x128xf32, #tpu.memory_space<hbm>>
    %dma_start3A_146 = arith.constant 0 : i32
    %dma_start3A_147 = tpu.memref_slice %arg4[%add3A_138, %dma_start3A_146] : memref<40960x128xf32, #tpu.memory_space<hbm>> -> memref<128x128xf32, #tpu.memory_space<hbm>>
    %dma_start3A_148 = arith.constant 0 : i32
    %dma_start3A_149 = arith.constant 0 : i32
    %dma_start3A_150 = tpu.memref_slice %arg6[%dma_start3A_139, %dma_start3A_148, %dma_start3A_149] : memref<6x128x128xf32, #tpu.memory_space<vmem>> -> memref<1x128x128xf32, #tpu.memory_space<vmem>>
    %dma_start3A_151 = tpu.memref_squeeze %dma_start3A_150 : memref<1x128x128xf32, #tpu.memory_space<vmem>> -> memref<128x128xf32, #tpu.memory_space<vmem>>
    tpu.enqueue_dma source(%dma_start3A_151 : memref<128x128xf32, #tpu.memory_space<vmem>>) target(%dma_start3A_147 : memref<128x128xf32, #tpu.memory_space<hbm>>) target_semaphore(%arg8 : memref<!tpu.dma_semaphore, #tpu.memory_space<semaphore_mem>>)
    %dma_wait3A_152 = arith.constant 1 : i32
    %dma_wait3A_153 = arith.constant 0 : i32
    %dma_wait3A_154 = arith.constant 0 : i32
    %dma_wait3A_155 = tpu.memref_slice %arg6[%dma_wait3A_152, %dma_wait3A_153, %dma_wait3A_154] : memref<6x128x128xf32, #tpu.memory_space<vmem>> -> memref<1x128x128xf32, #tpu.memory_space<vmem>>
    %dma_wait3A_156 = tpu.memref_squeeze %dma_wait3A_155 : memref<1x128x128xf32, #tpu.memory_space<vmem>> -> memref<128x128xf32, #tpu.memory_space<vmem>>
    %dma_wait3A_157 = arith.constant 0 : i32
    %dma_wait3A_158 = tpu.memref_slice %arg4[%add3A_138, %dma_wait3A_157] : memref<40960x128xf32, #tpu.memory_space<hbm>> -> memref<128x128xf32, #tpu.memory_space<hbm>>
    %dma_wait3A_159 = arith.constant 0 : i32
    %dma_wait3A_160 = tpu.memref_slice %arg4[%add3A_138, %dma_wait3A_159] : memref<40960x128xf32, #tpu.memory_space<hbm>> -> memref<128x128xf32, #tpu.memory_space<hbm>>
    %dma_wait3A_161 = arith.constant 0 : i32
    %dma_wait3A_162 = arith.constant 0 : i32
    %dma_wait3A_163 = tpu.memref_slice %arg6[%dma_wait3A_152, %dma_wait3A_161, %dma_wait3A_162] : memref<6x128x128xf32, #tpu.memory_space<vmem>> -> memref<1x128x128xf32, #tpu.memory_space<vmem>>
    %dma_wait3A_164 = tpu.memref_squeeze %dma_wait3A_163 : memref<1x128x128xf32, #tpu.memory_space<vmem>> -> memref<128x128xf32, #tpu.memory_space<vmem>>
    tpu.wait_dma2 semaphore(%arg8 : memref<!tpu.dma_semaphore, #tpu.memory_space<semaphore_mem>>) src(%dma_wait3A_164 : memref<128x128xf32, #tpu.memory_space<vmem>>) dst(%dma_wait3A_160 : memref<128x128xf32, #tpu.memory_space<hbm>>)
    %dma_start3A_165 = arith.constant 7 : i32
    %dma_start3A_166 = arith.constant 1 : i32
    %dma_start3A_167 = arith.constant 0 : i32
    %dma_start3A_168 = arith.constant 0 : i32
    %dma_start3A_169 = tpu.memref_slice %arg6[%dma_start3A_166, %dma_start3A_167, %dma_start3A_168] : memref<6x128x128xf32, #tpu.memory_space<vmem>> -> memref<1x128x128xf32, #tpu.memory_space<vmem>>
    %dma_start3A_170 = tpu.memref_squeeze %dma_start3A_169 : memref<1x128x128xf32, #tpu.memory_space<vmem>> -> memref<128x128xf32, #tpu.memory_space<vmem>>
    %dma_start3A_171 = arith.constant 0 : i32
    %dma_start3A_172 = tpu.memref_slice %arg5[%dma_start3A_165, %dma_start3A_171] : memref<10x128xi32, #tpu.memory_space<vmem>> -> memref<1x128xi32, #tpu.memory_space<vmem>>
    %dma_start3A_173 = tpu.memref_squeeze %dma_start3A_172 : memref<1x128xi32, #tpu.memory_space<vmem>> -> memref<128xi32, #tpu.memory_space<vmem>>
    %dma_start3A_174 = arith.constant 0 : i32
    %dma_start3A_175 = arith.constant 0 : i32
    %dma_start3A_176 = tpu.memref_slice %arg3[%dma_start3A_174, %dma_start3A_175] : memref<1000000x128xf32, #tpu.memory_space<hbm>> -> memref<1000000x128xf32, #tpu.memory_space<hbm>>
    tpu.enqueue_indirect_dma source(%dma_start3A_176 : memref<1000000x128xf32, #tpu.memory_space<hbm>>) target(%dma_start3A_170 : memref<128x128xf32, #tpu.memory_space<vmem>>) offsets(%dma_start3A_173 : memref<128xi32, #tpu.memory_space<vmem>>) semaphore(%arg7 : memref<!tpu.dma_semaphore, #tpu.memory_space<semaphore_mem>>)
    %dma_wait3A_177 = arith.constant 2 : i32
    %dma_wait3A_178 = arith.constant 2 : i32
    %dma_wait3A_179 = arith.constant 0 : i32
    %dma_wait3A_180 = arith.constant 0 : i32
    %dma_wait3A_181 = tpu.memref_slice %arg6[%dma_wait3A_178, %dma_wait3A_179, %dma_wait3A_180] : memref<6x128x128xf32, #tpu.memory_space<vmem>> -> memref<1x128x128xf32, #tpu.memory_space<vmem>>
    %dma_wait3A_182 = tpu.memref_squeeze %dma_wait3A_181 : memref<1x128x128xf32, #tpu.memory_space<vmem>> -> memref<128x128xf32, #tpu.memory_space<vmem>>
    %dma_wait3A_183 = arith.constant 0 : i32
    %dma_wait3A_184 = tpu.memref_slice %arg5[%dma_wait3A_177, %dma_wait3A_183] : memref<10x128xi32, #tpu.memory_space<vmem>> -> memref<1x128xi32, #tpu.memory_space<vmem>>
    %dma_wait3A_185 = tpu.memref_squeeze %dma_wait3A_184 : memref<1x128xi32, #tpu.memory_space<vmem>> -> memref<128xi32, #tpu.memory_space<vmem>>
    %dma_wait3A_186 = arith.constant 0 : i32
    %dma_wait3A_187 = arith.constant 0 : i32
    %dma_wait3A_188 = tpu.memref_slice %arg3[%dma_wait3A_186, %dma_wait3A_187] : memref<1000000x128xf32, #tpu.memory_space<hbm>> -> memref<1000000x128xf32, #tpu.memory_space<hbm>>
    tpu.wait_indirect_dma semaphore(%arg7 : memref<!tpu.dma_semaphore, #tpu.memory_space<semaphore_mem>>) src(%dma_wait3A_188 : memref<1000000x128xf32, #tpu.memory_space<hbm>>) dst(%dma_wait3A_182 : memref<128x128xf32, #tpu.memory_space<vmem>>)
    %add3A_189 = arith.constant 256 : i32
    %add3A_190 = arith.addi %mul3A_2, %add3A_189 : i32
    %dma_start3A_191 = arith.constant 2 : i32
    %dma_start3A_192 = arith.constant 0 : i32
    %dma_start3A_193 = arith.constant 0 : i32
    %dma_start3A_194 = tpu.memref_slice %arg6[%dma_start3A_191, %dma_start3A_192, %dma_start3A_193] : memref<6x128x128xf32, #tpu.memory_space<vmem>> -> memref<1x128x128xf32, #tpu.memory_space<vmem>>
    %dma_start3A_195 = tpu.memref_squeeze %dma_start3A_194 : memref<1x128x128xf32, #tpu.memory_space<vmem>> -> memref<128x128xf32, #tpu.memory_space<vmem>>
    %dma_start3A_196 = arith.constant 0 : i32
    %dma_start3A_197 = tpu.memref_slice %arg4[%add3A_190, %dma_start3A_196] : memref<40960x128xf32, #tpu.memory_space<hbm>> -> memref<128x128xf32, #tpu.memory_space<hbm>>
    %dma_start3A_198 = arith.constant 0 : i32
    %dma_start3A_199 = tpu.memref_slice %arg4[%add3A_190, %dma_start3A_198] : memref<40960x128xf32, #tpu.memory_space<hbm>> -> memref<128x128xf32, #tpu.memory_space<hbm>>
    %dma_start3A_200 = arith.constant 0 : i32
    %dma_start3A_201 = arith.constant 0 : i32
    %dma_start3A_202 = tpu.memref_slice %arg6[%dma_start3A_191, %dma_start3A_200, %dma_start3A_201] : memref<6x128x128xf32, #tpu.memory_space<vmem>> -> memref<1x128x128xf32, #tpu.memory_space<vmem>>
    %dma_start3A_203 = tpu.memref_squeeze %dma_start3A_202 : memref<1x128x128xf32, #tpu.memory_space<vmem>> -> memref<128x128xf32, #tpu.memory_space<vmem>>
    tpu.enqueue_dma source(%dma_start3A_203 : memref<128x128xf32, #tpu.memory_space<vmem>>) target(%dma_start3A_199 : memref<128x128xf32, #tpu.memory_space<hbm>>) target_semaphore(%arg8 : memref<!tpu.dma_semaphore, #tpu.memory_space<semaphore_mem>>)
    %dma_wait3A_204 = arith.constant 2 : i32
    %dma_wait3A_205 = arith.constant 0 : i32
    %dma_wait3A_206 = arith.constant 0 : i32
    %dma_wait3A_207 = tpu.memref_slice %arg6[%dma_wait3A_204, %dma_wait3A_205, %dma_wait3A_206] : memref<6x128x128xf32, #tpu.memory_space<vmem>> -> memref<1x128x128xf32, #tpu.memory_space<vmem>>
    %dma_wait3A_208 = tpu.memref_squeeze %dma_wait3A_207 : memref<1x128x128xf32, #tpu.memory_space<vmem>> -> memref<128x128xf32, #tpu.memory_space<vmem>>
    %dma_wait3A_209 = arith.constant 0 : i32
    %dma_wait3A_210 = tpu.memref_slice %arg4[%add3A_190, %dma_wait3A_209] : memref<40960x128xf32, #tpu.memory_space<hbm>> -> memref<128x128xf32, #tpu.memory_space<hbm>>
    %dma_wait3A_211 = arith.constant 0 : i32
    %dma_wait3A_212 = tpu.memref_slice %arg4[%add3A_190, %dma_wait3A_211] : memref<40960x128xf32, #tpu.memory_space<hbm>> -> memref<128x128xf32, #tpu.memory_space<hbm>>
    %dma_wait3A_213 = arith.constant 0 : i32
    %dma_wait3A_214 = arith.constant 0 : i32
    %dma_wait3A_215 = tpu.memref_slice %arg6[%dma_wait3A_204, %dma_wait3A_213, %dma_wait3A_214] : memref<6x128x128xf32, #tpu.memory_space<vmem>> -> memref<1x128x128xf32, #tpu.memory_space<vmem>>
    %dma_wait3A_216 = tpu.memref_squeeze %dma_wait3A_215 : memref<1x128x128xf32, #tpu.memory_space<vmem>> -> memref<128x128xf32, #tpu.memory_space<vmem>>
    tpu.wait_dma2 semaphore(%arg8 : memref<!tpu.dma_semaphore, #tpu.memory_space<semaphore_mem>>) src(%dma_wait3A_216 : memref<128x128xf32, #tpu.memory_space<vmem>>) dst(%dma_wait3A_212 : memref<128x128xf32, #tpu.memory_space<hbm>>)
    %dma_start3A_217 = arith.constant 8 : i32
    %dma_start3A_218 = arith.constant 2 : i32
    %dma_start3A_219 = arith.constant 0 : i32
    %dma_start3A_220 = arith.constant 0 : i32
    %dma_start3A_221 = tpu.memref_slice %arg6[%dma_start3A_218, %dma_start3A_219, %dma_start3A_220] : memref<6x128x128xf32, #tpu.memory_space<vmem>> -> memref<1x128x128xf32, #tpu.memory_space<vmem>>
    %dma_start3A_222 = tpu.memref_squeeze %dma_start3A_221 : memref<1x128x128xf32, #tpu.memory_space<vmem>> -> memref<128x128xf32, #tpu.memory_space<vmem>>
    %dma_start3A_223 = arith.constant 0 : i32
    %dma_start3A_224 = tpu.memref_slice %arg5[%dma_start3A_217, %dma_start3A_223] : memref<10x128xi32, #tpu.memory_space<vmem>> -> memref<1x128xi32, #tpu.memory_space<vmem>>
    %dma_start3A_225 = tpu.memref_squeeze %dma_start3A_224 : memref<1x128xi32, #tpu.memory_space<vmem>> -> memref<128xi32, #tpu.memory_space<vmem>>
    %dma_start3A_226 = arith.constant 0 : i32
    %dma_start3A_227 = arith.constant 0 : i32
    %dma_start3A_228 = tpu.memref_slice %arg3[%dma_start3A_226, %dma_start3A_227] : memref<1000000x128xf32, #tpu.memory_space<hbm>> -> memref<1000000x128xf32, #tpu.memory_space<hbm>>
    tpu.enqueue_indirect_dma source(%dma_start3A_228 : memref<1000000x128xf32, #tpu.memory_space<hbm>>) target(%dma_start3A_222 : memref<128x128xf32, #tpu.memory_space<vmem>>) offsets(%dma_start3A_225 : memref<128xi32, #tpu.memory_space<vmem>>) semaphore(%arg7 : memref<!tpu.dma_semaphore, #tpu.memory_space<semaphore_mem>>)
    %dma_wait3A_229 = arith.constant 3 : i32
    %dma_wait3A_230 = arith.constant 3 : i32
    %dma_wait3A_231 = arith.constant 0 : i32
    %dma_wait3A_232 = arith.constant 0 : i32
    %dma_wait3A_233 = tpu.memref_slice %arg6[%dma_wait3A_230, %dma_wait3A_231, %dma_wait3A_232] : memref<6x128x128xf32, #tpu.memory_space<vmem>> -> memref<1x128x128xf32, #tpu.memory_space<vmem>>
    %dma_wait3A_234 = tpu.memref_squeeze %dma_wait3A_233 : memref<1x128x128xf32, #tpu.memory_space<vmem>> -> memref<128x128xf32, #tpu.memory_space<vmem>>
    %dma_wait3A_235 = arith.constant 0 : i32
    %dma_wait3A_236 = tpu.memref_slice %arg5[%dma_wait3A_229, %dma_wait3A_235] : memref<10x128xi32, #tpu.memory_space<vmem>> -> memref<1x128xi32, #tpu.memory_space<vmem>>
    %dma_wait3A_237 = tpu.memref_squeeze %dma_wait3A_236 : memref<1x128xi32, #tpu.memory_space<vmem>> -> memref<128xi32, #tpu.memory_space<vmem>>
    %dma_wait3A_238 = arith.constant 0 : i32
    %dma_wait3A_239 = arith.constant 0 : i32
    %dma_wait3A_240 = tpu.memref_slice %arg3[%dma_wait3A_238, %dma_wait3A_239] : memref<1000000x128xf32, #tpu.memory_space<hbm>> -> memref<1000000x128xf32, #tpu.memory_space<hbm>>
    tpu.wait_indirect_dma semaphore(%arg7 : memref<!tpu.dma_semaphore, #tpu.memory_space<semaphore_mem>>) src(%dma_wait3A_240 : memref<1000000x128xf32, #tpu.memory_space<hbm>>) dst(%dma_wait3A_234 : memref<128x128xf32, #tpu.memory_space<vmem>>)
    %add3A_241 = arith.constant 384 : i32
    %add3A_242 = arith.addi %mul3A_2, %add3A_241 : i32
    %dma_start3A_243 = arith.constant 3 : i32
    %dma_start3A_244 = arith.constant 0 : i32
    %dma_start3A_245 = arith.constant 0 : i32
    %dma_start3A_246 = tpu.memref_slice %arg6[%dma_start3A_243, %dma_start3A_244, %dma_start3A_245] : memref<6x128x128xf32, #tpu.memory_space<vmem>> -> memref<1x128x128xf32, #tpu.memory_space<vmem>>
    %dma_start3A_247 = tpu.memref_squeeze %dma_start3A_246 : memref<1x128x128xf32, #tpu.memory_space<vmem>> -> memref<128x128xf32, #tpu.memory_space<vmem>>
    %dma_start3A_248 = arith.constant 0 : i32
    %dma_start3A_249 = tpu.memref_slice %arg4[%add3A_242, %dma_start3A_248] : memref<40960x128xf32, #tpu.memory_space<hbm>> -> memref<128x128xf32, #tpu.memory_space<hbm>>
    %dma_start3A_250 = arith.constant 0 : i32
    %dma_start3A_251 = tpu.memref_slice %arg4[%add3A_242, %dma_start3A_250] : memref<40960x128xf32, #tpu.memory_space<hbm>> -> memref<128x128xf32, #tpu.memory_space<hbm>>
    %dma_start3A_252 = arith.constant 0 : i32
    %dma_start3A_253 = arith.constant 0 : i32
    %dma_start3A_254 = tpu.memref_slice %arg6[%dma_start3A_243, %dma_start3A_252, %dma_start3A_253] : memref<6x128x128xf32, #tpu.memory_space<vmem>> -> memref<1x128x128xf32, #tpu.memory_space<vmem>>
    %dma_start3A_255 = tpu.memref_squeeze %dma_start3A_254 : memref<1x128x128xf32, #tpu.memory_space<vmem>> -> memref<128x128xf32, #tpu.memory_space<vmem>>
    tpu.enqueue_dma source(%dma_start3A_255 : memref<128x128xf32, #tpu.memory_space<vmem>>) target(%dma_start3A_251 : memref<128x128xf32, #tpu.memory_space<hbm>>) target_semaphore(%arg8 : memref<!tpu.dma_semaphore, #tpu.memory_space<semaphore_mem>>)
    %dma_wait3A_256 = arith.constant 3 : i32
    %dma_wait3A_257 = arith.constant 0 : i32
    %dma_wait3A_258 = arith.constant 0 : i32
    %dma_wait3A_259 = tpu.memref_slice %arg6[%dma_wait3A_256, %dma_wait3A_257, %dma_wait3A_258] : memref<6x128x128xf32, #tpu.memory_space<vmem>> -> memref<1x128x128xf32, #tpu.memory_space<vmem>>
    %dma_wait3A_260 = tpu.memref_squeeze %dma_wait3A_259 : memref<1x128x128xf32, #tpu.memory_space<vmem>> -> memref<128x128xf32, #tpu.memory_space<vmem>>
    %dma_wait3A_261 = arith.constant 0 : i32
    %dma_wait3A_262 = tpu.memref_slice %arg4[%add3A_242, %dma_wait3A_261] : memref<40960x128xf32, #tpu.memory_space<hbm>> -> memref<128x128xf32, #tpu.memory_space<hbm>>
    %dma_wait3A_263 = arith.constant 0 : i32
    %dma_wait3A_264 = tpu.memref_slice %arg4[%add3A_242, %dma_wait3A_263] : memref<40960x128xf32, #tpu.memory_space<hbm>> -> memref<128x128xf32, #tpu.memory_space<hbm>>
    %dma_wait3A_265 = arith.constant 0 : i32
    %dma_wait3A_266 = arith.constant 0 : i32
    %dma_wait3A_267 = tpu.memref_slice %arg6[%dma_wait3A_256, %dma_wait3A_265, %dma_wait3A_266] : memref<6x128x128xf32, #tpu.memory_space<vmem>> -> memref<1x128x128xf32, #tpu.memory_space<vmem>>
    %dma_wait3A_268 = tpu.memref_squeeze %dma_wait3A_267 : memref<1x128x128xf32, #tpu.memory_space<vmem>> -> memref<128x128xf32, #tpu.memory_space<vmem>>
    tpu.wait_dma2 semaphore(%arg8 : memref<!tpu.dma_semaphore, #tpu.memory_space<semaphore_mem>>) src(%dma_wait3A_268 : memref<128x128xf32, #tpu.memory_space<vmem>>) dst(%dma_wait3A_264 : memref<128x128xf32, #tpu.memory_space<hbm>>)
    %dma_start3A_269 = arith.constant 9 : i32
    %dma_start3A_270 = arith.constant 3 : i32
    %dma_start3A_271 = arith.constant 0 : i32
    %dma_start3A_272 = arith.constant 0 : i32
    %dma_start3A_273 = tpu.memref_slice %arg6[%dma_start3A_270, %dma_start3A_271, %dma_start3A_272] : memref<6x128x128xf32, #tpu.memory_space<vmem>> -> memref<1x128x128xf32, #tpu.memory_space<vmem>>
    %dma_start3A_274 = tpu.memref_squeeze %dma_start3A_273 : memref<1x128x128xf32, #tpu.memory_space<vmem>> -> memref<128x128xf32, #tpu.memory_space<vmem>>
    %dma_start3A_275 = arith.constant 0 : i32
    %dma_start3A_276 = tpu.memref_slice %arg5[%dma_start3A_269, %dma_start3A_275] : memref<10x128xi32, #tpu.memory_space<vmem>> -> memref<1x128xi32, #tpu.memory_space<vmem>>
    %dma_start3A_277 = tpu.memref_squeeze %dma_start3A_276 : memref<1x128xi32, #tpu.memory_space<vmem>> -> memref<128xi32, #tpu.memory_space<vmem>>
    %dma_start3A_278 = arith.constant 0 : i32
    %dma_start3A_279 = arith.constant 0 : i32
    %dma_start3A_280 = tpu.memref_slice %arg3[%dma_start3A_278, %dma_start3A_279] : memref<1000000x128xf32, #tpu.memory_space<hbm>> -> memref<1000000x128xf32, #tpu.memory_space<hbm>>
    tpu.enqueue_indirect_dma source(%dma_start3A_280 : memref<1000000x128xf32, #tpu.memory_space<hbm>>) target(%dma_start3A_274 : memref<128x128xf32, #tpu.memory_space<vmem>>) offsets(%dma_start3A_277 : memref<128xi32, #tpu.memory_space<vmem>>) semaphore(%arg7 : memref<!tpu.dma_semaphore, #tpu.memory_space<semaphore_mem>>)
    %dma_wait3A_281 = arith.constant 4 : i32
    %dma_wait3A_282 = arith.constant 4 : i32
    %dma_wait3A_283 = arith.constant 0 : i32
    %dma_wait3A_284 = arith.constant 0 : i32
    %dma_wait3A_285 = tpu.memref_slice %arg6[%dma_wait3A_282, %dma_wait3A_283, %dma_wait3A_284] : memref<6x128x128xf32, #tpu.memory_space<vmem>> -> memref<1x128x128xf32, #tpu.memory_space<vmem>>
    %dma_wait3A_286 = tpu.memref_squeeze %dma_wait3A_285 : memref<1x128x128xf32, #tpu.memory_space<vmem>> -> memref<128x128xf32, #tpu.memory_space<vmem>>
    %dma_wait3A_287 = arith.constant 0 : i32
    %dma_wait3A_288 = tpu.memref_slice %arg5[%dma_wait3A_281, %dma_wait3A_287] : memref<10x128xi32, #tpu.memory_space<vmem>> -> memref<1x128xi32, #tpu.memory_space<vmem>>
    %dma_wait3A_289 = tpu.memref_squeeze %dma_wait3A_288 : memref<1x128xi32, #tpu.memory_space<vmem>> -> memref<128xi32, #tpu.memory_space<vmem>>
    %dma_wait3A_290 = arith.constant 0 : i32
    %dma_wait3A_291 = arith.constant 0 : i32
    %dma_wait3A_292 = tpu.memref_slice %arg3[%dma_wait3A_290, %dma_wait3A_291] : memref<1000000x128xf32, #tpu.memory_space<hbm>> -> memref<1000000x128xf32, #tpu.memory_space<hbm>>
    tpu.wait_indirect_dma semaphore(%arg7 : memref<!tpu.dma_semaphore, #tpu.memory_space<semaphore_mem>>) src(%dma_wait3A_292 : memref<1000000x128xf32, #tpu.memory_space<hbm>>) dst(%dma_wait3A_286 : memref<128x128xf32, #tpu.memory_space<vmem>>)
    %add3A_293 = arith.constant 512 : i32
    %add3A_294 = arith.addi %mul3A_2, %add3A_293 : i32
    %dma_start3A_295 = arith.constant 4 : i32
    %dma_start3A_296 = arith.constant 0 : i32
    %dma_start3A_297 = arith.constant 0 : i32
    %dma_start3A_298 = tpu.memref_slice %arg6[%dma_start3A_295, %dma_start3A_296, %dma_start3A_297] : memref<6x128x128xf32, #tpu.memory_space<vmem>> -> memref<1x128x128xf32, #tpu.memory_space<vmem>>
    %dma_start3A_299 = tpu.memref_squeeze %dma_start3A_298 : memref<1x128x128xf32, #tpu.memory_space<vmem>> -> memref<128x128xf32, #tpu.memory_space<vmem>>
    %dma_start3A_300 = arith.constant 0 : i32
    %dma_start3A_301 = tpu.memref_slice %arg4[%add3A_294, %dma_start3A_300] : memref<40960x128xf32, #tpu.memory_space<hbm>> -> memref<128x128xf32, #tpu.memory_space<hbm>>
    %dma_start3A_302 = arith.constant 0 : i32
    %dma_start3A_303 = tpu.memref_slice %arg4[%add3A_294, %dma_start3A_302] : memref<40960x128xf32, #tpu.memory_space<hbm>> -> memref<128x128xf32, #tpu.memory_space<hbm>>
    %dma_start3A_304 = arith.constant 0 : i32
    %dma_start3A_305 = arith.constant 0 : i32
    %dma_start3A_306 = tpu.memref_slice %arg6[%dma_start3A_295, %dma_start3A_304, %dma_start3A_305] : memref<6x128x128xf32, #tpu.memory_space<vmem>> -> memref<1x128x128xf32, #tpu.memory_space<vmem>>
    %dma_start3A_307 = tpu.memref_squeeze %dma_start3A_306 : memref<1x128x128xf32, #tpu.memory_space<vmem>> -> memref<128x128xf32, #tpu.memory_space<vmem>>
    tpu.enqueue_dma source(%dma_start3A_307 : memref<128x128xf32, #tpu.memory_space<vmem>>) target(%dma_start3A_303 : memref<128x128xf32, #tpu.memory_space<hbm>>) target_semaphore(%arg8 : memref<!tpu.dma_semaphore, #tpu.memory_space<semaphore_mem>>)
    %dma_wait3A_308 = arith.constant 5 : i32
    %dma_wait3A_309 = arith.constant 5 : i32
    %dma_wait3A_310 = arith.constant 0 : i32
    %dma_wait3A_311 = arith.constant 0 : i32
    %dma_wait3A_312 = tpu.memref_slice %arg6[%dma_wait3A_309, %dma_wait3A_310, %dma_wait3A_311] : memref<6x128x128xf32, #tpu.memory_space<vmem>> -> memref<1x128x128xf32, #tpu.memory_space<vmem>>
    %dma_wait3A_313 = tpu.memref_squeeze %dma_wait3A_312 : memref<1x128x128xf32, #tpu.memory_space<vmem>> -> memref<128x128xf32, #tpu.memory_space<vmem>>
    %dma_wait3A_314 = arith.constant 0 : i32
    %dma_wait3A_315 = tpu.memref_slice %arg5[%dma_wait3A_308, %dma_wait3A_314] : memref<10x128xi32, #tpu.memory_space<vmem>> -> memref<1x128xi32, #tpu.memory_space<vmem>>
    %dma_wait3A_316 = tpu.memref_squeeze %dma_wait3A_315 : memref<1x128xi32, #tpu.memory_space<vmem>> -> memref<128xi32, #tpu.memory_space<vmem>>
    %dma_wait3A_317 = arith.constant 0 : i32
    %dma_wait3A_318 = arith.constant 0 : i32
    %dma_wait3A_319 = tpu.memref_slice %arg3[%dma_wait3A_317, %dma_wait3A_318] : memref<1000000x128xf32, #tpu.memory_space<hbm>> -> memref<1000000x128xf32, #tpu.memory_space<hbm>>
    tpu.wait_indirect_dma semaphore(%arg7 : memref<!tpu.dma_semaphore, #tpu.memory_space<semaphore_mem>>) src(%dma_wait3A_319 : memref<1000000x128xf32, #tpu.memory_space<hbm>>) dst(%dma_wait3A_313 : memref<128x128xf32, #tpu.memory_space<vmem>>)
    %add3A_320 = arith.constant 640 : i32
    %add3A_321 = arith.addi %mul3A_2, %add3A_320 : i32
    %dma_start3A_322 = arith.constant 5 : i32
    %dma_start3A_323 = arith.constant 0 : i32
    %dma_start3A_324 = arith.constant 0 : i32
    %dma_start3A_325 = tpu.memref_slice %arg6[%dma_start3A_322, %dma_start3A_323, %dma_start3A_324] : memref<6x128x128xf32, #tpu.memory_space<vmem>> -> memref<1x128x128xf32, #tpu.memory_space<vmem>>
    %dma_start3A_326 = tpu.memref_squeeze %dma_start3A_325 : memref<1x128x128xf32, #tpu.memory_space<vmem>> -> memref<128x128xf32, #tpu.memory_space<vmem>>
    %dma_start3A_327 = arith.constant 0 : i32
    %dma_start3A_328 = tpu.memref_slice %arg4[%add3A_321, %dma_start3A_327] : memref<40960x128xf32, #tpu.memory_space<hbm>> -> memref<128x128xf32, #tpu.memory_space<hbm>>
    %dma_start3A_329 = arith.constant 0 : i32
    %dma_start3A_330 = tpu.memref_slice %arg4[%add3A_321, %dma_start3A_329] : memref<40960x128xf32, #tpu.memory_space<hbm>> -> memref<128x128xf32, #tpu.memory_space<hbm>>
    %dma_start3A_331 = arith.constant 0 : i32
    %dma_start3A_332 = arith.constant 0 : i32
    %dma_start3A_333 = tpu.memref_slice %arg6[%dma_start3A_322, %dma_start3A_331, %dma_start3A_332] : memref<6x128x128xf32, #tpu.memory_space<vmem>> -> memref<1x128x128xf32, #tpu.memory_space<vmem>>
    %dma_start3A_334 = tpu.memref_squeeze %dma_start3A_333 : memref<1x128x128xf32, #tpu.memory_space<vmem>> -> memref<128x128xf32, #tpu.memory_space<vmem>>
    tpu.enqueue_dma source(%dma_start3A_334 : memref<128x128xf32, #tpu.memory_space<vmem>>) target(%dma_start3A_330 : memref<128x128xf32, #tpu.memory_space<hbm>>) target_semaphore(%arg8 : memref<!tpu.dma_semaphore, #tpu.memory_space<semaphore_mem>>)
    %dma_wait3A_335 = arith.constant 6 : i32
    %dma_wait3A_336 = arith.constant 0 : i32
    %dma_wait3A_337 = arith.constant 0 : i32
    %dma_wait3A_338 = arith.constant 0 : i32
    %dma_wait3A_339 = tpu.memref_slice %arg6[%dma_wait3A_336, %dma_wait3A_337, %dma_wait3A_338] : memref<6x128x128xf32, #tpu.memory_space<vmem>> -> memref<1x128x128xf32, #tpu.memory_space<vmem>>
    %dma_wait3A_340 = tpu.memref_squeeze %dma_wait3A_339 : memref<1x128x128xf32, #tpu.memory_space<vmem>> -> memref<128x128xf32, #tpu.memory_space<vmem>>
    %dma_wait3A_341 = arith.constant 0 : i32
    %dma_wait3A_342 = tpu.memref_slice %arg5[%dma_wait3A_335, %dma_wait3A_341] : memref<10x128xi32, #tpu.memory_space<vmem>> -> memref<1x128xi32, #tpu.memory_space<vmem>>
    %dma_wait3A_343 = tpu.memref_squeeze %dma_wait3A_342 : memref<1x128xi32, #tpu.memory_space<vmem>> -> memref<128xi32, #tpu.memory_space<vmem>>
    %dma_wait3A_344 = arith.constant 0 : i32
    %dma_wait3A_345 = arith.constant 0 : i32
    %dma_wait3A_346 = tpu.memref_slice %arg3[%dma_wait3A_344, %dma_wait3A_345] : memref<1000000x128xf32, #tpu.memory_space<hbm>> -> memref<1000000x128xf32, #tpu.memory_space<hbm>>
    tpu.wait_indirect_dma semaphore(%arg7 : memref<!tpu.dma_semaphore, #tpu.memory_space<semaphore_mem>>) src(%dma_wait3A_346 : memref<1000000x128xf32, #tpu.memory_space<hbm>>) dst(%dma_wait3A_340 : memref<128x128xf32, #tpu.memory_space<vmem>>)
    %add3A_347 = arith.constant 768 : i32
    %add3A_348 = arith.addi %mul3A_2, %add3A_347 : i32
    %dma_start3A_349 = arith.constant 0 : i32
    %dma_start3A_350 = arith.constant 0 : i32
    %dma_start3A_351 = arith.constant 0 : i32
    %dma_start3A_352 = tpu.memref_slice %arg6[%dma_start3A_349, %dma_start3A_350, %dma_start3A_351] : memref<6x128x128xf32, #tpu.memory_space<vmem>> -> memref<1x128x128xf32, #tpu.memory_space<vmem>>
    %dma_start3A_353 = tpu.memref_squeeze %dma_start3A_352 : memref<1x128x128xf32, #tpu.memory_space<vmem>> -> memref<128x128xf32, #tpu.memory_space<vmem>>
    %dma_start3A_354 = arith.constant 0 : i32
    %dma_start3A_355 = tpu.memref_slice %arg4[%add3A_348, %dma_start3A_354] : memref<40960x128xf32, #tpu.memory_space<hbm>> -> memref<128x128xf32, #tpu.memory_space<hbm>>
    %dma_start3A_356 = arith.constant 0 : i32
    %dma_start3A_357 = tpu.memref_slice %arg4[%add3A_348, %dma_start3A_356] : memref<40960x128xf32, #tpu.memory_space<hbm>> -> memref<128x128xf32, #tpu.memory_space<hbm>>
    %dma_start3A_358 = arith.constant 0 : i32
    %dma_start3A_359 = arith.constant 0 : i32
    %dma_start3A_360 = tpu.memref_slice %arg6[%dma_start3A_349, %dma_start3A_358, %dma_start3A_359] : memref<6x128x128xf32, #tpu.memory_space<vmem>> -> memref<1x128x128xf32, #tpu.memory_space<vmem>>
    %dma_start3A_361 = tpu.memref_squeeze %dma_start3A_360 : memref<1x128x128xf32, #tpu.memory_space<vmem>> -> memref<128x128xf32, #tpu.memory_space<vmem>>
    tpu.enqueue_dma source(%dma_start3A_361 : memref<128x128xf32, #tpu.memory_space<vmem>>) target(%dma_start3A_357 : memref<128x128xf32, #tpu.memory_space<hbm>>) target_semaphore(%arg8 : memref<!tpu.dma_semaphore, #tpu.memory_space<semaphore_mem>>)
    %dma_wait3A_362 = arith.constant 7 : i32
    %dma_wait3A_363 = arith.constant 1 : i32
    %dma_wait3A_364 = arith.constant 0 : i32
    %dma_wait3A_365 = arith.constant 0 : i32
    %dma_wait3A_366 = tpu.memref_slice %arg6[%dma_wait3A_363, %dma_wait3A_364, %dma_wait3A_365] : memref<6x128x128xf32, #tpu.memory_space<vmem>> -> memref<1x128x128xf32, #tpu.memory_space<vmem>>
    %dma_wait3A_367 = tpu.memref_squeeze %dma_wait3A_366 : memref<1x128x128xf32, #tpu.memory_space<vmem>> -> memref<128x128xf32, #tpu.memory_space<vmem>>
    %dma_wait3A_368 = arith.constant 0 : i32
    %dma_wait3A_369 = tpu.memref_slice %arg5[%dma_wait3A_362, %dma_wait3A_368] : memref<10x128xi32, #tpu.memory_space<vmem>> -> memref<1x128xi32, #tpu.memory_space<vmem>>
    %dma_wait3A_370 = tpu.memref_squeeze %dma_wait3A_369 : memref<1x128xi32, #tpu.memory_space<vmem>> -> memref<128xi32, #tpu.memory_space<vmem>>
    %dma_wait3A_371 = arith.constant 0 : i32
    %dma_wait3A_372 = arith.constant 0 : i32
    %dma_wait3A_373 = tpu.memref_slice %arg3[%dma_wait3A_371, %dma_wait3A_372] : memref<1000000x128xf32, #tpu.memory_space<hbm>> -> memref<1000000x128xf32, #tpu.memory_space<hbm>>
    tpu.wait_indirect_dma semaphore(%arg7 : memref<!tpu.dma_semaphore, #tpu.memory_space<semaphore_mem>>) src(%dma_wait3A_373 : memref<1000000x128xf32, #tpu.memory_space<hbm>>) dst(%dma_wait3A_367 : memref<128x128xf32, #tpu.memory_space<vmem>>)
    %add3A_374 = arith.constant 896 : i32
    %add3A_375 = arith.addi %mul3A_2, %add3A_374 : i32
    %dma_start3A_376 = arith.constant 1 : i32
    %dma_start3A_377 = arith.constant 0 : i32
    %dma_start3A_378 = arith.constant 0 : i32
    %dma_start3A_379 = tpu.memref_slice %arg6[%dma_start3A_376, %dma_start3A_377, %dma_start3A_378] : memref<6x128x128xf32, #tpu.memory_space<vmem>> -> memref<1x128x128xf32, #tpu.memory_space<vmem>>
    %dma_start3A_380 = tpu.memref_squeeze %dma_start3A_379 : memref<1x128x128xf32, #tpu.memory_space<vmem>> -> memref<128x128xf32, #tpu.memory_space<vmem>>
    %dma_start3A_381 = arith.constant 0 : i32
    %dma_start3A_382 = tpu.memref_slice %arg4[%add3A_375, %dma_start3A_381] : memref<40960x128xf32, #tpu.memory_space<hbm>> -> memref<128x128xf32, #tpu.memory_space<hbm>>
    %dma_start3A_383 = arith.constant 0 : i32
    %dma_start3A_384 = tpu.memref_slice %arg4[%add3A_375, %dma_start3A_383] : memref<40960x128xf32, #tpu.memory_space<hbm>> -> memref<128x128xf32, #tpu.memory_space<hbm>>
    %dma_start3A_385 = arith.constant 0 : i32
    %dma_start3A_386 = arith.constant 0 : i32
    %dma_start3A_387 = tpu.memref_slice %arg6[%dma_start3A_376, %dma_start3A_385, %dma_start3A_386] : memref<6x128x128xf32, #tpu.memory_space<vmem>> -> memref<1x128x128xf32, #tpu.memory_space<vmem>>
    %dma_start3A_388 = tpu.memref_squeeze %dma_start3A_387 : memref<1x128x128xf32, #tpu.memory_space<vmem>> -> memref<128x128xf32, #tpu.memory_space<vmem>>
    tpu.enqueue_dma source(%dma_start3A_388 : memref<128x128xf32, #tpu.memory_space<vmem>>) target(%dma_start3A_384 : memref<128x128xf32, #tpu.memory_space<hbm>>) target_semaphore(%arg8 : memref<!tpu.dma_semaphore, #tpu.memory_space<semaphore_mem>>)
    %dma_wait3A_389 = arith.constant 8 : i32
    %dma_wait3A_390 = arith.constant 2 : i32
    %dma_wait3A_391 = arith.constant 0 : i32
    %dma_wait3A_392 = arith.constant 0 : i32
    %dma_wait3A_393 = tpu.memref_slice %arg6[%dma_wait3A_390, %dma_wait3A_391, %dma_wait3A_392] : memref<6x128x128xf32, #tpu.memory_space<vmem>> -> memref<1x128x128xf32, #tpu.memory_space<vmem>>
    %dma_wait3A_394 = tpu.memref_squeeze %dma_wait3A_393 : memref<1x128x128xf32, #tpu.memory_space<vmem>> -> memref<128x128xf32, #tpu.memory_space<vmem>>
    %dma_wait3A_395 = arith.constant 0 : i32
    %dma_wait3A_396 = tpu.memref_slice %arg5[%dma_wait3A_389, %dma_wait3A_395] : memref<10x128xi32, #tpu.memory_space<vmem>> -> memref<1x128xi32, #tpu.memory_space<vmem>>
    %dma_wait3A_397 = tpu.memref_squeeze %dma_wait3A_396 : memref<1x128xi32, #tpu.memory_space<vmem>> -> memref<128xi32, #tpu.memory_space<vmem>>
    %dma_wait3A_398 = arith.constant 0 : i32
    %dma_wait3A_399 = arith.constant 0 : i32
    %dma_wait3A_400 = tpu.memref_slice %arg3[%dma_wait3A_398, %dma_wait3A_399] : memref<1000000x128xf32, #tpu.memory_space<hbm>> -> memref<1000000x128xf32, #tpu.memory_space<hbm>>
    tpu.wait_indirect_dma semaphore(%arg7 : memref<!tpu.dma_semaphore, #tpu.memory_space<semaphore_mem>>) src(%dma_wait3A_400 : memref<1000000x128xf32, #tpu.memory_space<hbm>>) dst(%dma_wait3A_394 : memref<128x128xf32, #tpu.memory_space<vmem>>)
    %add3A_401 = arith.constant 1024 : i32
    %add3A_402 = arith.addi %mul3A_2, %add3A_401 : i32
    %dma_start3A_403 = arith.constant 2 : i32
    %dma_start3A_404 = arith.constant 0 : i32
    %dma_start3A_405 = arith.constant 0 : i32
    %dma_start3A_406 = tpu.memref_slice %arg6[%dma_start3A_403, %dma_start3A_404, %dma_start3A_405] : memref<6x128x128xf32, #tpu.memory_space<vmem>> -> memref<1x128x128xf32, #tpu.memory_space<vmem>>
    %dma_start3A_407 = tpu.memref_squeeze %dma_start3A_406 : memref<1x128x128xf32, #tpu.memory_space<vmem>> -> memref<128x128xf32, #tpu.memory_space<vmem>>
    %dma_start3A_408 = arith.constant 0 : i32
    %dma_start3A_409 = tpu.memref_slice %arg4[%add3A_402, %dma_start3A_408] : memref<40960x128xf32, #tpu.memory_space<hbm>> -> memref<128x128xf32, #tpu.memory_space<hbm>>
    %dma_start3A_410 = arith.constant 0 : i32
    %dma_start3A_411 = tpu.memref_slice %arg4[%add3A_402, %dma_start3A_410] : memref<40960x128xf32, #tpu.memory_space<hbm>> -> memref<128x128xf32, #tpu.memory_space<hbm>>
    %dma_start3A_412 = arith.constant 0 : i32
    %dma_start3A_413 = arith.constant 0 : i32
    %dma_start3A_414 = tpu.memref_slice %arg6[%dma_start3A_403, %dma_start3A_412, %dma_start3A_413] : memref<6x128x128xf32, #tpu.memory_space<vmem>> -> memref<1x128x128xf32, #tpu.memory_space<vmem>>
    %dma_start3A_415 = tpu.memref_squeeze %dma_start3A_414 : memref<1x128x128xf32, #tpu.memory_space<vmem>> -> memref<128x128xf32, #tpu.memory_space<vmem>>
    tpu.enqueue_dma source(%dma_start3A_415 : memref<128x128xf32, #tpu.memory_space<vmem>>) target(%dma_start3A_411 : memref<128x128xf32, #tpu.memory_space<hbm>>) target_semaphore(%arg8 : memref<!tpu.dma_semaphore, #tpu.memory_space<semaphore_mem>>)
    %dma_wait3A_416 = arith.constant 9 : i32
    %dma_wait3A_417 = arith.constant 3 : i32
    %dma_wait3A_418 = arith.constant 0 : i32
    %dma_wait3A_419 = arith.constant 0 : i32
    %dma_wait3A_420 = tpu.memref_slice %arg6[%dma_wait3A_417, %dma_wait3A_418, %dma_wait3A_419] : memref<6x128x128xf32, #tpu.memory_space<vmem>> -> memref<1x128x128xf32, #tpu.memory_space<vmem>>
    %dma_wait3A_421 = tpu.memref_squeeze %dma_wait3A_420 : memref<1x128x128xf32, #tpu.memory_space<vmem>> -> memref<128x128xf32, #tpu.memory_space<vmem>>
    %dma_wait3A_422 = arith.constant 0 : i32
    %dma_wait3A_423 = tpu.memref_slice %arg5[%dma_wait3A_416, %dma_wait3A_422] : memref<10x128xi32, #tpu.memory_space<vmem>> -> memref<1x128xi32, #tpu.memory_space<vmem>>
    %dma_wait3A_424 = tpu.memref_squeeze %dma_wait3A_423 : memref<1x128xi32, #tpu.memory_space<vmem>> -> memref<128xi32, #tpu.memory_space<vmem>>
    %dma_wait3A_425 = arith.constant 0 : i32
    %dma_wait3A_426 = arith.constant 0 : i32
    %dma_wait3A_427 = tpu.memref_slice %arg3[%dma_wait3A_425, %dma_wait3A_426] : memref<1000000x128xf32, #tpu.memory_space<hbm>> -> memref<1000000x128xf32, #tpu.memory_space<hbm>>
    tpu.wait_indirect_dma semaphore(%arg7 : memref<!tpu.dma_semaphore, #tpu.memory_space<semaphore_mem>>) src(%dma_wait3A_427 : memref<1000000x128xf32, #tpu.memory_space<hbm>>) dst(%dma_wait3A_421 : memref<128x128xf32, #tpu.memory_space<vmem>>)
    %add3A_428 = arith.constant 1152 : i32
    %add3A_429 = arith.addi %mul3A_2, %add3A_428 : i32
    %dma_start3A_430 = arith.constant 3 : i32
    %dma_start3A_431 = arith.constant 0 : i32
    %dma_start3A_432 = arith.constant 0 : i32
    %dma_start3A_433 = tpu.memref_slice %arg6[%dma_start3A_430, %dma_start3A_431, %dma_start3A_432] : memref<6x128x128xf32, #tpu.memory_space<vmem>> -> memref<1x128x128xf32, #tpu.memory_space<vmem>>
    %dma_start3A_434 = tpu.memref_squeeze %dma_start3A_433 : memref<1x128x128xf32, #tpu.memory_space<vmem>> -> memref<128x128xf32, #tpu.memory_space<vmem>>
    %dma_start3A_435 = arith.constant 0 : i32
    %dma_start3A_436 = tpu.memref_slice %arg4[%add3A_429, %dma_start3A_435] : memref<40960x128xf32, #tpu.memory_space<hbm>> -> memref<128x128xf32, #tpu.memory_space<hbm>>
    %dma_start3A_437 = arith.constant 0 : i32
    %dma_start3A_438 = tpu.memref_slice %arg4[%add3A_429, %dma_start3A_437] : memref<40960x128xf32, #tpu.memory_space<hbm>> -> memref<128x128xf32, #tpu.memory_space<hbm>>
    %dma_start3A_439 = arith.constant 0 : i32
    %dma_start3A_440 = arith.constant 0 : i32
    %dma_start3A_441 = tpu.memref_slice %arg6[%dma_start3A_430, %dma_start3A_439, %dma_start3A_440] : memref<6x128x128xf32, #tpu.memory_space<vmem>> -> memref<1x128x128xf32, #tpu.memory_space<vmem>>
    %dma_start3A_442 = tpu.memref_squeeze %dma_start3A_441 : memref<1x128x128xf32, #tpu.memory_space<vmem>> -> memref<128x128xf32, #tpu.memory_space<vmem>>
    tpu.enqueue_dma source(%dma_start3A_442 : memref<128x128xf32, #tpu.memory_space<vmem>>) target(%dma_start3A_438 : memref<128x128xf32, #tpu.memory_space<hbm>>) target_semaphore(%arg8 : memref<!tpu.dma_semaphore, #tpu.memory_space<semaphore_mem>>)
    %dma_wait3A_443 = arith.constant 4 : i32
    %dma_wait3A_444 = arith.constant 0 : i32
    %dma_wait3A_445 = arith.constant 0 : i32
    %dma_wait3A_446 = tpu.memref_slice %arg6[%dma_wait3A_443, %dma_wait3A_444, %dma_wait3A_445] : memref<6x128x128xf32, #tpu.memory_space<vmem>> -> memref<1x128x128xf32, #tpu.memory_space<vmem>>
    %dma_wait3A_447 = tpu.memref_squeeze %dma_wait3A_446 : memref<1x128x128xf32, #tpu.memory_space<vmem>> -> memref<128x128xf32, #tpu.memory_space<vmem>>
    %dma_wait3A_448 = arith.constant 0 : i32
    %dma_wait3A_449 = tpu.memref_slice %arg4[%add3A_294, %dma_wait3A_448] : memref<40960x128xf32, #tpu.memory_space<hbm>> -> memref<128x128xf32, #tpu.memory_space<hbm>>
    %dma_wait3A_450 = arith.constant 0 : i32
    %dma_wait3A_451 = tpu.memref_slice %arg4[%add3A_294, %dma_wait3A_450] : memref<40960x128xf32, #tpu.memory_space<hbm>> -> memref<128x128xf32, #tpu.memory_space<hbm>>
    %dma_wait3A_452 = arith.constant 0 : i32
    %dma_wait3A_453 = arith.constant 0 : i32
    %dma_wait3A_454 = tpu.memref_slice %arg6[%dma_wait3A_443, %dma_wait3A_452, %dma_wait3A_453] : memref<6x128x128xf32, #tpu.memory_space<vmem>> -> memref<1x128x128xf32, #tpu.memory_space<vmem>>
    %dma_wait3A_455 = tpu.memref_squeeze %dma_wait3A_454 : memref<1x128x128xf32, #tpu.memory_space<vmem>> -> memref<128x128xf32, #tpu.memory_space<vmem>>
    tpu.wait_dma2 semaphore(%arg8 : memref<!tpu.dma_semaphore, #tpu.memory_space<semaphore_mem>>) src(%dma_wait3A_455 : memref<128x128xf32, #tpu.memory_space<vmem>>) dst(%dma_wait3A_451 : memref<128x128xf32, #tpu.memory_space<hbm>>)
    %dma_wait3A_456 = arith.constant 5 : i32
    %dma_wait3A_457 = arith.constant 0 : i32
    %dma_wait3A_458 = arith.constant 0 : i32
    %dma_wait3A_459 = tpu.memref_slice %arg6[%dma_wait3A_456, %dma_wait3A_457, %dma_wait3A_458] : memref<6x128x128xf32, #tpu.memory_space<vmem>> -> memref<1x128x128xf32, #tpu.memory_space<vmem>>
    %dma_wait3A_460 = tpu.memref_squeeze %dma_wait3A_459 : memref<1x128x128xf32, #tpu.memory_space<vmem>> -> memref<128x128xf32, #tpu.memory_space<vmem>>
    %dma_wait3A_461 = arith.constant 0 : i32
    %dma_wait3A_462 = tpu.memref_slice %arg4[%add3A_321, %dma_wait3A_461] : memref<40960x128xf32, #tpu.memory_space<hbm>> -> memref<128x128xf32, #tpu.memory_space<hbm>>
    %dma_wait3A_463 = arith.constant 0 : i32
    %dma_wait3A_464 = tpu.memref_slice %arg4[%add3A_321, %dma_wait3A_463] : memref<40960x128xf32, #tpu.memory_space<hbm>> -> memref<128x128xf32, #tpu.memory_space<hbm>>
    %dma_wait3A_465 = arith.constant 0 : i32
    %dma_wait3A_466 = arith.constant 0 : i32
    %dma_wait3A_467 = tpu.memref_slice %arg6[%dma_wait3A_456, %dma_wait3A_465, %dma_wait3A_466] : memref<6x128x128xf32, #tpu.memory_space<vmem>> -> memref<1x128x128xf32, #tpu.memory_space<vmem>>
    %dma_wait3A_468 = tpu.memref_squeeze %dma_wait3A_467 : memref<1x128x128xf32, #tpu.memory_space<vmem>> -> memref<128x128xf32, #tpu.memory_space<vmem>>
    tpu.wait_dma2 semaphore(%arg8 : memref<!tpu.dma_semaphore, #tpu.memory_space<semaphore_mem>>) src(%dma_wait3A_468 : memref<128x128xf32, #tpu.memory_space<vmem>>) dst(%dma_wait3A_464 : memref<128x128xf32, #tpu.memory_space<hbm>>)
    %dma_wait3A_469 = arith.constant 0 : i32
    %dma_wait3A_470 = arith.constant 0 : i32
    %dma_wait3A_471 = arith.constant 0 : i32
    %dma_wait3A_472 = tpu.memref_slice %arg6[%dma_wait3A_469, %dma_wait3A_470, %dma_wait3A_471] : memref<6x128x128xf32, #tpu.memory_space<vmem>> -> memref<1x128x128xf32, #tpu.memory_space<vmem>>
    %dma_wait3A_473 = tpu.memref_squeeze %dma_wait3A_472 : memref<1x128x128xf32, #tpu.memory_space<vmem>> -> memref<128x128xf32, #tpu.memory_space<vmem>>
    %dma_wait3A_474 = arith.constant 0 : i32
    %dma_wait3A_475 = tpu.memref_slice %arg4[%add3A_348, %dma_wait3A_474] : memref<40960x128xf32, #tpu.memory_space<hbm>> -> memref<128x128xf32, #tpu.memory_space<hbm>>
    %dma_wait3A_476 = arith.constant 0 : i32
    %dma_wait3A_477 = tpu.memref_slice %arg4[%add3A_348, %dma_wait3A_476] : memref<40960x128xf32, #tpu.memory_space<hbm>> -> memref<128x128xf32, #tpu.memory_space<hbm>>
    %dma_wait3A_478 = arith.constant 0 : i32
    %dma_wait3A_479 = arith.constant 0 : i32
    %dma_wait3A_480 = tpu.memref_slice %arg6[%dma_wait3A_469, %dma_wait3A_478, %dma_wait3A_479] : memref<6x128x128xf32, #tpu.memory_space<vmem>> -> memref<1x128x128xf32, #tpu.memory_space<vmem>>
    %dma_wait3A_481 = tpu.memref_squeeze %dma_wait3A_480 : memref<1x128x128xf32, #tpu.memory_space<vmem>> -> memref<128x128xf32, #tpu.memory_space<vmem>>
    tpu.wait_dma2 semaphore(%arg8 : memref<!tpu.dma_semaphore, #tpu.memory_space<semaphore_mem>>) src(%dma_wait3A_481 : memref<128x128xf32, #tpu.memory_space<vmem>>) dst(%dma_wait3A_477 : memref<128x128xf32, #tpu.memory_space<hbm>>)
    %dma_wait3A_482 = arith.constant 1 : i32
    %dma_wait3A_483 = arith.constant 0 : i32
    %dma_wait3A_484 = arith.constant 0 : i32
    %dma_wait3A_485 = tpu.memref_slice %arg6[%dma_wait3A_482, %dma_wait3A_483, %dma_wait3A_484] : memref<6x128x128xf32, #tpu.memory_space<vmem>> -> memref<1x128x128xf32, #tpu.memory_space<vmem>>
    %dma_wait3A_486 = tpu.memref_squeeze %dma_wait3A_485 : memref<1x128x128xf32, #tpu.memory_space<vmem>> -> memref<128x128xf32, #tpu.memory_space<vmem>>
    %dma_wait3A_487 = arith.constant 0 : i32
    %dma_wait3A_488 = tpu.memref_slice %arg4[%add3A_375, %dma_wait3A_487] : memref<40960x128xf32, #tpu.memory_space<hbm>> -> memref<128x128xf32, #tpu.memory_space<hbm>>
    %dma_wait3A_489 = arith.constant 0 : i32
    %dma_wait3A_490 = tpu.memref_slice %arg4[%add3A_375, %dma_wait3A_489] : memref<40960x128xf32, #tpu.memory_space<hbm>> -> memref<128x128xf32, #tpu.memory_space<hbm>>
    %dma_wait3A_491 = arith.constant 0 : i32
    %dma_wait3A_492 = arith.constant 0 : i32
    %dma_wait3A_493 = tpu.memref_slice %arg6[%dma_wait3A_482, %dma_wait3A_491, %dma_wait3A_492] : memref<6x128x128xf32, #tpu.memory_space<vmem>> -> memref<1x128x128xf32, #tpu.memory_space<vmem>>
    %dma_wait3A_494 = tpu.memref_squeeze %dma_wait3A_493 : memref<1x128x128xf32, #tpu.memory_space<vmem>> -> memref<128x128xf32, #tpu.memory_space<vmem>>
    tpu.wait_dma2 semaphore(%arg8 : memref<!tpu.dma_semaphore, #tpu.memory_space<semaphore_mem>>) src(%dma_wait3A_494 : memref<128x128xf32, #tpu.memory_space<vmem>>) dst(%dma_wait3A_490 : memref<128x128xf32, #tpu.memory_space<hbm>>)
    %dma_wait3A_495 = arith.constant 2 : i32
    %dma_wait3A_496 = arith.constant 0 : i32
    %dma_wait3A_497 = arith.constant 0 : i32
    %dma_wait3A_498 = tpu.memref_slice %arg6[%dma_wait3A_495, %dma_wait3A_496, %dma_wait3A_497] : memref<6x128x128xf32, #tpu.memory_space<vmem>> -> memref<1x128x128xf32, #tpu.memory_space<vmem>>
    %dma_wait3A_499 = tpu.memref_squeeze %dma_wait3A_498 : memref<1x128x128xf32, #tpu.memory_space<vmem>> -> memref<128x128xf32, #tpu.memory_space<vmem>>
    %dma_wait3A_500 = arith.constant 0 : i32
    %dma_wait3A_501 = tpu.memref_slice %arg4[%add3A_402, %dma_wait3A_500] : memref<40960x128xf32, #tpu.memory_space<hbm>> -> memref<128x128xf32, #tpu.memory_space<hbm>>
    %dma_wait3A_502 = arith.constant 0 : i32
    %dma_wait3A_503 = tpu.memref_slice %arg4[%add3A_402, %dma_wait3A_502] : memref<40960x128xf32, #tpu.memory_space<hbm>> -> memref<128x128xf32, #tpu.memory_space<hbm>>
    %dma_wait3A_504 = arith.constant 0 : i32
    %dma_wait3A_505 = arith.constant 0 : i32
    %dma_wait3A_506 = tpu.memref_slice %arg6[%dma_wait3A_495, %dma_wait3A_504, %dma_wait3A_505] : memref<6x128x128xf32, #tpu.memory_space<vmem>> -> memref<1x128x128xf32, #tpu.memory_space<vmem>>
    %dma_wait3A_507 = tpu.memref_squeeze %dma_wait3A_506 : memref<1x128x128xf32, #tpu.memory_space<vmem>> -> memref<128x128xf32, #tpu.memory_space<vmem>>
    tpu.wait_dma2 semaphore(%arg8 : memref<!tpu.dma_semaphore, #tpu.memory_space<semaphore_mem>>) src(%dma_wait3A_507 : memref<128x128xf32, #tpu.memory_space<vmem>>) dst(%dma_wait3A_503 : memref<128x128xf32, #tpu.memory_space<hbm>>)
    %dma_wait3A_508 = arith.constant 3 : i32
    %dma_wait3A_509 = arith.constant 0 : i32
    %dma_wait3A_510 = arith.constant 0 : i32
    %dma_wait3A_511 = tpu.memref_slice %arg6[%dma_wait3A_508, %dma_wait3A_509, %dma_wait3A_510] : memref<6x128x128xf32, #tpu.memory_space<vmem>> -> memref<1x128x128xf32, #tpu.memory_space<vmem>>
    %dma_wait3A_512 = tpu.memref_squeeze %dma_wait3A_511 : memref<1x128x128xf32, #tpu.memory_space<vmem>> -> memref<128x128xf32, #tpu.memory_space<vmem>>
    %dma_wait3A_513 = arith.constant 0 : i32
    %dma_wait3A_514 = tpu.memref_slice %arg4[%add3A_429, %dma_wait3A_513] : memref<40960x128xf32, #tpu.memory_space<hbm>> -> memref<128x128xf32, #tpu.memory_space<hbm>>
    %dma_wait3A_515 = arith.constant 0 : i32
    %dma_wait3A_516 = tpu.memref_slice %arg4[%add3A_429, %dma_wait3A_515] : memref<40960x128xf32, #tpu.memory_space<hbm>> -> memref<128x128xf32, #tpu.memory_space<hbm>>
    %dma_wait3A_517 = arith.constant 0 : i32
    %dma_wait3A_518 = arith.constant 0 : i32
    %dma_wait3A_519 = tpu.memref_slice %arg6[%dma_wait3A_508, %dma_wait3A_517, %dma_wait3A_518] : memref<6x128x128xf32, #tpu.memory_space<vmem>> -> memref<1x128x128xf32, #tpu.memory_space<vmem>>
    %dma_wait3A_520 = tpu.memref_squeeze %dma_wait3A_519 : memref<1x128x128xf32, #tpu.memory_space<vmem>> -> memref<128x128xf32, #tpu.memory_space<vmem>>
    tpu.wait_dma2 semaphore(%arg8 : memref<!tpu.dma_semaphore, #tpu.memory_space<semaphore_mem>>) src(%dma_wait3A_520 : memref<128x128xf32, #tpu.memory_space<vmem>>) dst(%dma_wait3A_516 : memref<128x128xf32, #tpu.memory_space<hbm>>)
    return
  }
}

#map = affine_map<(d0, d1) -> (0, 0, 0)>
#map1 = affine_map<(d0, d1) -> (0, 0)>
module attributes {stable_mosaic.version = 14 : i64} {
  func.func @_sc_gather(%arg0: i32, %arg1: i32, %arg2: memref<32x10x128xi32, #tpu.memory_space<hbm>>, %arg3: memref<1000000x128xf32, #tpu.memory_space<hbm>>, %arg4: memref<40960x128xf32, #tpu.memory_space<hbm>>, %arg5: memref<10x128xi32, #tpu.memory_space<vmem>>, %arg6: memref<6x128x128xf32, #tpu.memory_space<vmem>>, %arg7: memref<!tpu.dma_semaphore, #tpu.memory_space<semaphore_mem>>, %arg8: memref<!tpu.dma_semaphore, #tpu.memory_space<semaphore_mem>>) attributes {dimension_semantics = [#tpu.dimension_semantics<core_parallel>, #tpu.dimension_semantics<subcore_parallel>], iteration_bounds = array<i64: 2, 16>, scalar_prefetch = 0 : i64, scratch_operands = 4 : i64, tpu.core_type = #tpu.core_type<sc_vector_subcore>, window_params = [{transform_indices = #map}, {transform_indices = #map1}, {transform_indices = #map1}]} {
    %mul3A = arith.constant 2 : i32
    %mul3A_0 = arith.muli %arg1, %mul3A : i32
    %add3A = arith.addi %mul3A_0, %arg0 : i32
    %mul3A_1 = arith.constant 1280 : i32
    %mul3A_2 = arith.muli %add3A, %mul3A_1 : i32
    "tpu.region"() ({
      %run_scoped3A = tpu.sem_alloc : memref<!tpu.dma_semaphore, #tpu.memory_space<semaphore_mem>>
      %dma_start3A_521 = arith.constant 0 : i32
      %dma_start3A_522 = arith.constant 0 : i32
      %dma_start3A_523 = tpu.memref_slice %arg2[%add3A, %dma_start3A_521, %dma_start3A_522] : memref<32x10x128xi32, #tpu.memory_space<hbm>> -> memref<1x10x128xi32, #tpu.memory_space<hbm>>
      %dma_start3A_524 = tpu.memref_squeeze %dma_start3A_523 : memref<1x10x128xi32, #tpu.memory_space<hbm>> -> memref<10x128xi32, #tpu.memory_space<hbm>>
      %dma_start3A_525 = arith.constant 0 : i32
      %dma_start3A_526 = arith.constant 0 : i32
      %dma_start3A_527 = tpu.memref_slice %arg2[%add3A, %dma_start3A_525, %dma_start3A_526] : memref<32x10x128xi32, #tpu.memory_space<hbm>> -> memref<1x10x128xi32, #tpu.memory_space<hbm>>
      %dma_start3A_528 = tpu.memref_squeeze %dma_start3A_527 : memref<1x10x128xi32, #tpu.memory_space<hbm>> -> memref<10x128xi32, #tpu.memory_space<hbm>>
      tpu.enqueue_dma source(%dma_start3A_528 : memref<10x128xi32, #tpu.memory_space<hbm>>) target(%arg5 : memref<10x128xi32, #tpu.memory_space<vmem>>) target_semaphore(%run_scoped3A : memref<!tpu.dma_semaphore, #tpu.memory_space<semaphore_mem>>)
      %dma_wait3A_529 = arith.constant 0 : i32
      %dma_wait3A_530 = arith.constant 0 : i32
      %dma_wait3A_531 = tpu.memref_slice %arg2[%add3A, %dma_wait3A_529, %dma_wait3A_530] : memref<32x10x128xi32, #tpu.memory_space<hbm>> -> memref<1x10x128xi32, #tpu.memory_space<hbm>>
      %dma_wait3A_532 = tpu.memref_squeeze %dma_wait3A_531 : memref<1x10x128xi32, #tpu.memory_space<hbm>> -> memref<10x128xi32, #tpu.memory_space<hbm>>
      %dma_wait3A_533 = arith.constant 0 : i32
      %dma_wait3A_534 = arith.constant 0 : i32
      %dma_wait3A_535 = tpu.memref_slice %arg2[%add3A, %dma_wait3A_533, %dma_wait3A_534] : memref<32x10x128xi32, #tpu.memory_space<hbm>> -> memref<1x10x128xi32, #tpu.memory_space<hbm>>
      %dma_wait3A_536 = tpu.memref_squeeze %dma_wait3A_535 : memref<1x10x128xi32, #tpu.memory_space<hbm>> -> memref<10x128xi32, #tpu.memory_space<hbm>>
      tpu.wait_dma2 semaphore(%run_scoped3A : memref<!tpu.dma_semaphore, #tpu.memory_space<semaphore_mem>>) src(%dma_wait3A_536 : memref<10x128xi32, #tpu.memory_space<hbm>>) dst(%arg5 : memref<10x128xi32, #tpu.memory_space<vmem>>)
      tpu.yield
    }) : () -> ()
    %dma_start3A = arith.constant 0 : i32
    %dma_start3A_3 = arith.constant 0 : i32
    %dma_start3A_4 = arith.constant 0 : i32
    %dma_start3A_5 = arith.constant 0 : i32
    %dma_start3A_6 = tpu.memref_slice %arg6[%dma_start3A_3, %dma_start3A_4, %dma_start3A_5] : memref<6x128x128xf32, #tpu.memory_space<vmem>> -> memref<1x128x128xf32, #tpu.memory_space<vmem>>
    %dma_start3A_7 = tpu.memref_squeeze %dma_start3A_6 : memref<1x128x128xf32, #tpu.memory_space<vmem>> -> memref<128x128xf32, #tpu.memory_space<vmem>>
    %dma_start3A_8 = arith.constant 0 : i32
    %dma_start3A_9 = tpu.memref_slice %arg5[%dma_start3A, %dma_start3A_8] : memref<10x128xi32, #tpu.memory_space<vmem>> -> memref<1x128xi32, #tpu.memory_space<vmem>>
    %dma_start3A_10 = tpu.memref_squeeze %dma_start3A_9 : memref<1x128xi32, #tpu.memory_space<vmem>> -> memref<128xi32, #tpu.memory_space<vmem>>
    %dma_start3A_11 = arith.constant 0 : i32
    %dma_start3A_12 = arith.constant 0 : i32
    %dma_start3A_13 = tpu.memref_slice %arg3[%dma_start3A_11, %dma_start3A_12] : memref<1000000x128xf32, #tpu.memory_space<hbm>> -> memref<1000000x128xf32, #tpu.memory_space<hbm>>
    tpu.enqueue_indirect_dma source(%dma_start3A_13 : memref<1000000x128xf32, #tpu.memory_space<hbm>>) target(%dma_start3A_7 : memref<128x128xf32, #tpu.memory_space<vmem>>) offsets(%dma_start3A_10 : memref<128xi32, #tpu.memory_space<vmem>>) semaphore(%arg7 : memref<!tpu.dma_semaphore, #tpu.memory_space<semaphore_mem>>)
    %dma_start3A_14 = arith.constant 1 : i32
    %dma_start3A_15 = arith.constant 1 : i32
    %dma_start3A_16 = arith.constant 0 : i32
    %dma_start3A_17 = arith.constant 0 : i32
    %dma_start3A_18 = tpu.memref_slice %arg6[%dma_start3A_15, %dma_start3A_16, %dma_start3A_17] : memref<6x128x128xf32, #tpu.memory_space<vmem>> -> memref<1x128x128xf32, #tpu.memory_space<vmem>>
    %dma_start3A_19 = tpu.memref_squeeze %dma_start3A_18 : memref<1x128x128xf32, #tpu.memory_space<vmem>> -> memref<128x128xf32, #tpu.memory_space<vmem>>
    %dma_start3A_20 = arith.constant 0 : i32
    %dma_start3A_21 = tpu.memref_slice %arg5[%dma_start3A_14, %dma_start3A_20] : memref<10x128xi32, #tpu.memory_space<vmem>> -> memref<1x128xi32, #tpu.memory_space<vmem>>
    %dma_start3A_22 = tpu.memref_squeeze %dma_start3A_21 : memref<1x128xi32, #tpu.memory_space<vmem>> -> memref<128xi32, #tpu.memory_space<vmem>>
    %dma_start3A_23 = arith.constant 0 : i32
    %dma_start3A_24 = arith.constant 0 : i32
    %dma_start3A_25 = tpu.memref_slice %arg3[%dma_start3A_23, %dma_start3A_24] : memref<1000000x128xf32, #tpu.memory_space<hbm>> -> memref<1000000x128xf32, #tpu.memory_space<hbm>>
    tpu.enqueue_indirect_dma source(%dma_start3A_25 : memref<1000000x128xf32, #tpu.memory_space<hbm>>) target(%dma_start3A_19 : memref<128x128xf32, #tpu.memory_space<vmem>>) offsets(%dma_start3A_22 : memref<128xi32, #tpu.memory_space<vmem>>) semaphore(%arg7 : memref<!tpu.dma_semaphore, #tpu.memory_space<semaphore_mem>>)
    %dma_start3A_26 = arith.constant 2 : i32
    %dma_start3A_27 = arith.constant 2 : i32
    %dma_start3A_28 = arith.constant 0 : i32
    %dma_start3A_29 = arith.constant 0 : i32
    %dma_start3A_30 = tpu.memref_slice %arg6[%dma_start3A_27, %dma_start3A_28, %dma_start3A_29] : memref<6x128x128xf32, #tpu.memory_space<vmem>> -> memref<1x128x128xf32, #tpu.memory_space<vmem>>
    %dma_start3A_31 = tpu.memref_squeeze %dma_start3A_30 : memref<1x128x128xf32, #tpu.memory_space<vmem>> -> memref<128x128xf32, #tpu.memory_space<vmem>>
    %dma_start3A_32 = arith.constant 0 : i32
    %dma_start3A_33 = tpu.memref_slice %arg5[%dma_start3A_26, %dma_start3A_32] : memref<10x128xi32, #tpu.memory_space<vmem>> -> memref<1x128xi32, #tpu.memory_space<vmem>>
    %dma_start3A_34 = tpu.memref_squeeze %dma_start3A_33 : memref<1x128xi32, #tpu.memory_space<vmem>> -> memref<128xi32, #tpu.memory_space<vmem>>
    %dma_start3A_35 = arith.constant 0 : i32
    %dma_start3A_36 = arith.constant 0 : i32
    %dma_start3A_37 = tpu.memref_slice %arg3[%dma_start3A_35, %dma_start3A_36] : memref<1000000x128xf32, #tpu.memory_space<hbm>> -> memref<1000000x128xf32, #tpu.memory_space<hbm>>
    tpu.enqueue_indirect_dma source(%dma_start3A_37 : memref<1000000x128xf32, #tpu.memory_space<hbm>>) target(%dma_start3A_31 : memref<128x128xf32, #tpu.memory_space<vmem>>) offsets(%dma_start3A_34 : memref<128xi32, #tpu.memory_space<vmem>>) semaphore(%arg7 : memref<!tpu.dma_semaphore, #tpu.memory_space<semaphore_mem>>)
    %dma_start3A_38 = arith.constant 3 : i32
    %dma_start3A_39 = arith.constant 3 : i32
    %dma_start3A_40 = arith.constant 0 : i32
    %dma_start3A_41 = arith.constant 0 : i32
    %dma_start3A_42 = tpu.memref_slice %arg6[%dma_start3A_39, %dma_start3A_40, %dma_start3A_41] : memref<6x128x128xf32, #tpu.memory_space<vmem>> -> memref<1x128x128xf32, #tpu.memory_space<vmem>>
    %dma_start3A_43 = tpu.memref_squeeze %dma_start3A_42 : memref<1x128x128xf32, #tpu.memory_space<vmem>> -> memref<128x128xf32, #tpu.memory_space<vmem>>
    %dma_start3A_44 = arith.constant 0 : i32
    %dma_start3A_45 = tpu.memref_slice %arg5[%dma_start3A_38, %dma_start3A_44] : memref<10x128xi32, #tpu.memory_space<vmem>> -> memref<1x128xi32, #tpu.memory_space<vmem>>
    %dma_start3A_46 = tpu.memref_squeeze %dma_start3A_45 : memref<1x128xi32, #tpu.memory_space<vmem>> -> memref<128xi32, #tpu.memory_space<vmem>>
    %dma_start3A_47 = arith.constant 0 : i32
    %dma_start3A_48 = arith.constant 0 : i32
    %dma_start3A_49 = tpu.memref_slice %arg3[%dma_start3A_47, %dma_start3A_48] : memref<1000000x128xf32, #tpu.memory_space<hbm>> -> memref<1000000x128xf32, #tpu.memory_space<hbm>>
    tpu.enqueue_indirect_dma source(%dma_start3A_49 : memref<1000000x128xf32, #tpu.memory_space<hbm>>) target(%dma_start3A_43 : memref<128x128xf32, #tpu.memory_space<vmem>>) offsets(%dma_start3A_46 : memref<128xi32, #tpu.memory_space<vmem>>) semaphore(%arg7 : memref<!tpu.dma_semaphore, #tpu.memory_space<semaphore_mem>>)
    %dma_start3A_50 = arith.constant 4 : i32
    %dma_start3A_51 = arith.constant 4 : i32
    %dma_start3A_52 = arith.constant 0 : i32
    %dma_start3A_53 = arith.constant 0 : i32
    %dma_start3A_54 = tpu.memref_slice %arg6[%dma_start3A_51, %dma_start3A_52, %dma_start3A_53] : memref<6x128x128xf32, #tpu.memory_space<vmem>> -> memref<1x128x128xf32, #tpu.memory_space<vmem>>
    %dma_start3A_55 = tpu.memref_squeeze %dma_start3A_54 : memref<1x128x128xf32, #tpu.memory_space<vmem>> -> memref<128x128xf32, #tpu.memory_space<vmem>>
    %dma_start3A_56 = arith.constant 0 : i32
    %dma_start3A_57 = tpu.memref_slice %arg5[%dma_start3A_50, %dma_start3A_56] : memref<10x128xi32, #tpu.memory_space<vmem>> -> memref<1x128xi32, #tpu.memory_space<vmem>>
    %dma_start3A_58 = tpu.memref_squeeze %dma_start3A_57 : memref<1x128xi32, #tpu.memory_space<vmem>> -> memref<128xi32, #tpu.memory_space<vmem>>
    %dma_start3A_59 = arith.constant 0 : i32
    %dma_start3A_60 = arith.constant 0 : i32
    %dma_start3A_61 = tpu.memref_slice %arg3[%dma_start3A_59, %dma_start3A_60] : memref<1000000x128xf32, #tpu.memory_space<hbm>> -> memref<1000000x128xf32, #tpu.memory_space<hbm>>
    tpu.enqueue_indirect_dma source(%dma_start3A_61 : memref<1000000x128xf32, #tpu.memory_space<hbm>>) target(%dma_start3A_55 : memref<128x128xf32, #tpu.memory_space<vmem>>) offsets(%dma_start3A_58 : memref<128xi32, #tpu.memory_space<vmem>>) semaphore(%arg7 : memref<!tpu.dma_semaphore, #tpu.memory_space<semaphore_mem>>)
    %dma_start3A_62 = arith.constant 5 : i32
    %dma_start3A_63 = arith.constant 5 : i32
    %dma_start3A_64 = arith.constant 0 : i32
    %dma_start3A_65 = arith.constant 0 : i32
    %dma_start3A_66 = tpu.memref_slice %arg6[%dma_start3A_63, %dma_start3A_64, %dma_start3A_65] : memref<6x128x128xf32, #tpu.memory_space<vmem>> -> memref<1x128x128xf32, #tpu.memory_space<vmem>>
    %dma_start3A_67 = tpu.memref_squeeze %dma_start3A_66 : memref<1x128x128xf32, #tpu.memory_space<vmem>> -> memref<128x128xf32, #tpu.memory_space<vmem>>
    %dma_start3A_68 = arith.constant 0 : i32
    %dma_start3A_69 = tpu.memref_slice %arg5[%dma_start3A_62, %dma_start3A_68] : memref<10x128xi32, #tpu.memory_space<vmem>> -> memref<1x128xi32, #tpu.memory_space<vmem>>
    %dma_start3A_70 = tpu.memref_squeeze %dma_start3A_69 : memref<1x128xi32, #tpu.memory_space<vmem>> -> memref<128xi32, #tpu.memory_space<vmem>>
    %dma_start3A_71 = arith.constant 0 : i32
    %dma_start3A_72 = arith.constant 0 : i32
    %dma_start3A_73 = tpu.memref_slice %arg3[%dma_start3A_71, %dma_start3A_72] : memref<1000000x128xf32, #tpu.memory_space<hbm>> -> memref<1000000x128xf32, #tpu.memory_space<hbm>>
    tpu.enqueue_indirect_dma source(%dma_start3A_73 : memref<1000000x128xf32, #tpu.memory_space<hbm>>) target(%dma_start3A_67 : memref<128x128xf32, #tpu.memory_space<vmem>>) offsets(%dma_start3A_70 : memref<128xi32, #tpu.memory_space<vmem>>) semaphore(%arg7 : memref<!tpu.dma_semaphore, #tpu.memory_space<semaphore_mem>>)
    %dma_wait3A = arith.constant 0 : i32
    %dma_wait3A_74 = arith.constant 0 : i32
    %dma_wait3A_75 = arith.constant 0 : i32
    %dma_wait3A_76 = arith.constant 0 : i32
    %dma_wait3A_77 = tpu.memref_slice %arg6[%dma_wait3A_74, %dma_wait3A_75, %dma_wait3A_76] : memref<6x128x128xf32, #tpu.memory_space<vmem>> -> memref<1x128x128xf32, #tpu.memory_space<vmem>>
    %dma_wait3A_78 = tpu.memref_squeeze %dma_wait3A_77 : memref<1x128x128xf32, #tpu.memory_space<vmem>> -> memref<128x128xf32, #tpu.memory_space<vmem>>
    %dma_wait3A_79 = arith.constant 0 : i32
    %dma_wait3A_80 = tpu.memref_slice %arg5[%dma_wait3A, %dma_wait3A_79] : memref<10x128xi32, #tpu.memory_space<vmem>> -> memref<1x128xi32, #tpu.memory_space<vmem>>
    %dma_wait3A_81 = tpu.memref_squeeze %dma_wait3A_80 : memref<1x128xi32, #tpu.memory_space<vmem>> -> memref<128xi32, #tpu.memory_space<vmem>>
    %dma_wait3A_82 = arith.constant 0 : i32
    %dma_wait3A_83 = arith.constant 0 : i32
    %dma_wait3A_84 = tpu.memref_slice %arg3[%dma_wait3A_82, %dma_wait3A_83] : memref<1000000x128xf32, #tpu.memory_space<hbm>> -> memref<1000000x128xf32, #tpu.memory_space<hbm>>
    tpu.wait_indirect_dma semaphore(%arg7 : memref<!tpu.dma_semaphore, #tpu.memory_space<semaphore_mem>>) src(%dma_wait3A_84 : memref<1000000x128xf32, #tpu.memory_space<hbm>>) dst(%dma_wait3A_78 : memref<128x128xf32, #tpu.memory_space<vmem>>)
    %add3A_85 = arith.constant 0 : i32
    %add3A_86 = arith.addi %mul3A_2, %add3A_85 : i32
    %dma_start3A_87 = arith.constant 0 : i32
    %dma_start3A_88 = arith.constant 0 : i32
    %dma_start3A_89 = arith.constant 0 : i32
    %dma_start3A_90 = tpu.memref_slice %arg6[%dma_start3A_87, %dma_start3A_88, %dma_start3A_89] : memref<6x128x128xf32, #tpu.memory_space<vmem>> -> memref<1x128x128xf32, #tpu.memory_space<vmem>>
    %dma_start3A_91 = tpu.memref_squeeze %dma_start3A_90 : memref<1x128x128xf32, #tpu.memory_space<vmem>> -> memref<128x128xf32, #tpu.memory_space<vmem>>
    %dma_start3A_92 = arith.constant 0 : i32
    %dma_start3A_93 = tpu.memref_slice %arg4[%add3A_86, %dma_start3A_92] : memref<40960x128xf32, #tpu.memory_space<hbm>> -> memref<128x128xf32, #tpu.memory_space<hbm>>
    %dma_start3A_94 = arith.constant 0 : i32
    %dma_start3A_95 = tpu.memref_slice %arg4[%add3A_86, %dma_start3A_94] : memref<40960x128xf32, #tpu.memory_space<hbm>> -> memref<128x128xf32, #tpu.memory_space<hbm>>
    %dma_start3A_96 = arith.constant 0 : i32
    %dma_start3A_97 = arith.constant 0 : i32
    %dma_start3A_98 = tpu.memref_slice %arg6[%dma_start3A_87, %dma_start3A_96, %dma_start3A_97] : memref<6x128x128xf32, #tpu.memory_space<vmem>> -> memref<1x128x128xf32, #tpu.memory_space<vmem>>
    %dma_start3A_99 = tpu.memref_squeeze %dma_start3A_98 : memref<1x128x128xf32, #tpu.memory_space<vmem>> -> memref<128x128xf32, #tpu.memory_space<vmem>>
    tpu.enqueue_dma source(%dma_start3A_99 : memref<128x128xf32, #tpu.memory_space<vmem>>) target(%dma_start3A_95 : memref<128x128xf32, #tpu.memory_space<hbm>>) target_semaphore(%arg8 : memref<!tpu.dma_semaphore, #tpu.memory_space<semaphore_mem>>)
    %dma_wait3A_100 = arith.constant 0 : i32
    %dma_wait3A_101 = arith.constant 0 : i32
    %dma_wait3A_102 = arith.constant 0 : i32
    %dma_wait3A_103 = tpu.memref_slice %arg6[%dma_wait3A_100, %dma_wait3A_101, %dma_wait3A_102] : memref<6x128x128xf32, #tpu.memory_space<vmem>> -> memref<1x128x128xf32, #tpu.memory_space<vmem>>
    %dma_wait3A_104 = tpu.memref_squeeze %dma_wait3A_103 : memref<1x128x128xf32, #tpu.memory_space<vmem>> -> memref<128x128xf32, #tpu.memory_space<vmem>>
    %dma_wait3A_105 = arith.constant 0 : i32
    %dma_wait3A_106 = tpu.memref_slice %arg4[%add3A_86, %dma_wait3A_105] : memref<40960x128xf32, #tpu.memory_space<hbm>> -> memref<128x128xf32, #tpu.memory_space<hbm>>
    %dma_wait3A_107 = arith.constant 0 : i32
    %dma_wait3A_108 = tpu.memref_slice %arg4[%add3A_86, %dma_wait3A_107] : memref<40960x128xf32, #tpu.memory_space<hbm>> -> memref<128x128xf32, #tpu.memory_space<hbm>>
    %dma_wait3A_109 = arith.constant 0 : i32
    %dma_wait3A_110 = arith.constant 0 : i32
    %dma_wait3A_111 = tpu.memref_slice %arg6[%dma_wait3A_100, %dma_wait3A_109, %dma_wait3A_110] : memref<6x128x128xf32, #tpu.memory_space<vmem>> -> memref<1x128x128xf32, #tpu.memory_space<vmem>>
    %dma_wait3A_112 = tpu.memref_squeeze %dma_wait3A_111 : memref<1x128x128xf32, #tpu.memory_space<vmem>> -> memref<128x128xf32, #tpu.memory_space<vmem>>
    tpu.wait_dma2 semaphore(%arg8 : memref<!tpu.dma_semaphore, #tpu.memory_space<semaphore_mem>>) src(%dma_wait3A_112 : memref<128x128xf32, #tpu.memory_space<vmem>>) dst(%dma_wait3A_108 : memref<128x128xf32, #tpu.memory_space<hbm>>)
    %dma_start3A_113 = arith.constant 6 : i32
    %dma_start3A_114 = arith.constant 0 : i32
    %dma_start3A_115 = arith.constant 0 : i32
    %dma_start3A_116 = arith.constant 0 : i32
    %dma_start3A_117 = tpu.memref_slice %arg6[%dma_start3A_114, %dma_start3A_115, %dma_start3A_116] : memref<6x128x128xf32, #tpu.memory_space<vmem>> -> memref<1x128x128xf32, #tpu.memory_space<vmem>>
    %dma_start3A_118 = tpu.memref_squeeze %dma_start3A_117 : memref<1x128x128xf32, #tpu.memory_space<vmem>> -> memref<128x128xf32, #tpu.memory_space<vmem>>
    %dma_start3A_119 = arith.constant 0 : i32
    %dma_start3A_120 = tpu.memref_slice %arg5[%dma_start3A_113, %dma_start3A_119] : memref<10x128xi32, #tpu.memory_space<vmem>> -> memref<1x128xi32, #tpu.memory_space<vmem>>
    %dma_start3A_121 = tpu.memref_squeeze %dma_start3A_120 : memref<1x128xi32, #tpu.memory_space<vmem>> -> memref<128xi32, #tpu.memory_space<vmem>>
    %dma_start3A_122 = arith.constant 0 : i32
    %dma_start3A_123 = arith.constant 0 : i32
    %dma_start3A_124 = tpu.memref_slice %arg3[%dma_start3A_122, %dma_start3A_123] : memref<1000000x128xf32, #tpu.memory_space<hbm>> -> memref<1000000x128xf32, #tpu.memory_space<hbm>>
    tpu.enqueue_indirect_dma source(%dma_start3A_124 : memref<1000000x128xf32, #tpu.memory_space<hbm>>) target(%dma_start3A_118 : memref<128x128xf32, #tpu.memory_space<vmem>>) offsets(%dma_start3A_121 : memref<128xi32, #tpu.memory_space<vmem>>) semaphore(%arg7 : memref<!tpu.dma_semaphore, #tpu.memory_space<semaphore_mem>>)
    %dma_wait3A_125 = arith.constant 1 : i32
    %dma_wait3A_126 = arith.constant 1 : i32
    %dma_wait3A_127 = arith.constant 0 : i32
    %dma_wait3A_128 = arith.constant 0 : i32
    %dma_wait3A_129 = tpu.memref_slice %arg6[%dma_wait3A_126, %dma_wait3A_127, %dma_wait3A_128] : memref<6x128x128xf32, #tpu.memory_space<vmem>> -> memref<1x128x128xf32, #tpu.memory_space<vmem>>
    %dma_wait3A_130 = tpu.memref_squeeze %dma_wait3A_129 : memref<1x128x128xf32, #tpu.memory_space<vmem>> -> memref<128x128xf32, #tpu.memory_space<vmem>>
    %dma_wait3A_131 = arith.constant 0 : i32
    %dma_wait3A_132 = tpu.memref_slice %arg5[%dma_wait3A_125, %dma_wait3A_131] : memref<10x128xi32, #tpu.memory_space<vmem>> -> memref<1x128xi32, #tpu.memory_space<vmem>>
    %dma_wait3A_133 = tpu.memref_squeeze %dma_wait3A_132 : memref<1x128xi32, #tpu.memory_space<vmem>> -> memref<128xi32, #tpu.memory_space<vmem>>
    %dma_wait3A_134 = arith.constant 0 : i32
    %dma_wait3A_135 = arith.constant 0 : i32
    %dma_wait3A_136 = tpu.memref_slice %arg3[%dma_wait3A_134, %dma_wait3A_135] : memref<1000000x128xf32, #tpu.memory_space<hbm>> -> memref<1000000x128xf32, #tpu.memory_space<hbm>>
    tpu.wait_indirect_dma semaphore(%arg7 : memref<!tpu.dma_semaphore, #tpu.memory_space<semaphore_mem>>) src(%dma_wait3A_136 : memref<1000000x128xf32, #tpu.memory_space<hbm>>) dst(%dma_wait3A_130 : memref<128x128xf32, #tpu.memory_space<vmem>>)
    %add3A_137 = arith.constant 128 : i32
    %add3A_138 = arith.addi %mul3A_2, %add3A_137 : i32
    %dma_start3A_139 = arith.constant 1 : i32
    %dma_start3A_140 = arith.constant 0 : i32
    %dma_start3A_141 = arith.constant 0 : i32
    %dma_start3A_142 = tpu.memref_slice %arg6[%dma_start3A_139, %dma_start3A_140, %dma_start3A_141] : memref<6x128x128xf32, #tpu.memory_space<vmem>> -> memref<1x128x128xf32, #tpu.memory_space<vmem>>
    %dma_start3A_143 = tpu.memref_squeeze %dma_start3A_142 : memref<1x128x128xf32, #tpu.memory_space<vmem>> -> memref<128x128xf32, #tpu.memory_space<vmem>>
    %dma_start3A_144 = arith.constant 0 : i32
    %dma_start3A_145 = tpu.memref_slice %arg4[%add3A_138, %dma_start3A_144] : memref<40960x128xf32, #tpu.memory_space<hbm>> -> memref<128x128xf32, #tpu.memory_space<hbm>>
    %dma_start3A_146 = arith.constant 0 : i32
    %dma_start3A_147 = tpu.memref_slice %arg4[%add3A_138, %dma_start3A_146] : memref<40960x128xf32, #tpu.memory_space<hbm>> -> memref<128x128xf32, #tpu.memory_space<hbm>>
    %dma_start3A_148 = arith.constant 0 : i32
    %dma_start3A_149 = arith.constant 0 : i32
    %dma_start3A_150 = tpu.memref_slice %arg6[%dma_start3A_139, %dma_start3A_148, %dma_start3A_149] : memref<6x128x128xf32, #tpu.memory_space<vmem>> -> memref<1x128x128xf32, #tpu.memory_space<vmem>>
    %dma_start3A_151 = tpu.memref_squeeze %dma_start3A_150 : memref<1x128x128xf32, #tpu.memory_space<vmem>> -> memref<128x128xf32, #tpu.memory_space<vmem>>
    tpu.enqueue_dma source(%dma_start3A_151 : memref<128x128xf32, #tpu.memory_space<vmem>>) target(%dma_start3A_147 : memref<128x128xf32, #tpu.memory_space<hbm>>) target_semaphore(%arg8 : memref<!tpu.dma_semaphore, #tpu.memory_space<semaphore_mem>>)
    %dma_wait3A_152 = arith.constant 1 : i32
    %dma_wait3A_153 = arith.constant 0 : i32
    %dma_wait3A_154 = arith.constant 0 : i32
    %dma_wait3A_155 = tpu.memref_slice %arg6[%dma_wait3A_152, %dma_wait3A_153, %dma_wait3A_154] : memref<6x128x128xf32, #tpu.memory_space<vmem>> -> memref<1x128x128xf32, #tpu.memory_space<vmem>>
    %dma_wait3A_156 = tpu.memref_squeeze %dma_wait3A_155 : memref<1x128x128xf32, #tpu.memory_space<vmem>> -> memref<128x128xf32, #tpu.memory_space<vmem>>
    %dma_wait3A_157 = arith.constant 0 : i32
    %dma_wait3A_158 = tpu.memref_slice %arg4[%add3A_138, %dma_wait3A_157] : memref<40960x128xf32, #tpu.memory_space<hbm>> -> memref<128x128xf32, #tpu.memory_space<hbm>>
    %dma_wait3A_159 = arith.constant 0 : i32
    %dma_wait3A_160 = tpu.memref_slice %arg4[%add3A_138, %dma_wait3A_159] : memref<40960x128xf32, #tpu.memory_space<hbm>> -> memref<128x128xf32, #tpu.memory_space<hbm>>
    %dma_wait3A_161 = arith.constant 0 : i32
    %dma_wait3A_162 = arith.constant 0 : i32
    %dma_wait3A_163 = tpu.memref_slice %arg6[%dma_wait3A_152, %dma_wait3A_161, %dma_wait3A_162] : memref<6x128x128xf32, #tpu.memory_space<vmem>> -> memref<1x128x128xf32, #tpu.memory_space<vmem>>
    %dma_wait3A_164 = tpu.memref_squeeze %dma_wait3A_163 : memref<1x128x128xf32, #tpu.memory_space<vmem>> -> memref<128x128xf32, #tpu.memory_space<vmem>>
    tpu.wait_dma2 semaphore(%arg8 : memref<!tpu.dma_semaphore, #tpu.memory_space<semaphore_mem>>) src(%dma_wait3A_164 : memref<128x128xf32, #tpu.memory_space<vmem>>) dst(%dma_wait3A_160 : memref<128x128xf32, #tpu.memory_space<hbm>>)
    %dma_start3A_165 = arith.constant 7 : i32
    %dma_start3A_166 = arith.constant 1 : i32
    %dma_start3A_167 = arith.constant 0 : i32
    %dma_start3A_168 = arith.constant 0 : i32
    %dma_start3A_169 = tpu.memref_slice %arg6[%dma_start3A_166, %dma_start3A_167, %dma_start3A_168] : memref<6x128x128xf32, #tpu.memory_space<vmem>> -> memref<1x128x128xf32, #tpu.memory_space<vmem>>
    %dma_start3A_170 = tpu.memref_squeeze %dma_start3A_169 : memref<1x128x128xf32, #tpu.memory_space<vmem>> -> memref<128x128xf32, #tpu.memory_space<vmem>>
    %dma_start3A_171 = arith.constant 0 : i32
    %dma_start3A_172 = tpu.memref_slice %arg5[%dma_start3A_165, %dma_start3A_171] : memref<10x128xi32, #tpu.memory_space<vmem>> -> memref<1x128xi32, #tpu.memory_space<vmem>>
    %dma_start3A_173 = tpu.memref_squeeze %dma_start3A_172 : memref<1x128xi32, #tpu.memory_space<vmem>> -> memref<128xi32, #tpu.memory_space<vmem>>
    %dma_start3A_174 = arith.constant 0 : i32
    %dma_start3A_175 = arith.constant 0 : i32
    %dma_start3A_176 = tpu.memref_slice %arg3[%dma_start3A_174, %dma_start3A_175] : memref<1000000x128xf32, #tpu.memory_space<hbm>> -> memref<1000000x128xf32, #tpu.memory_space<hbm>>
    tpu.enqueue_indirect_dma source(%dma_start3A_176 : memref<1000000x128xf32, #tpu.memory_space<hbm>>) target(%dma_start3A_170 : memref<128x128xf32, #tpu.memory_space<vmem>>) offsets(%dma_start3A_173 : memref<128xi32, #tpu.memory_space<vmem>>) semaphore(%arg7 : memref<!tpu.dma_semaphore, #tpu.memory_space<semaphore_mem>>)
    %dma_wait3A_177 = arith.constant 2 : i32
    %dma_wait3A_178 = arith.constant 2 : i32
    %dma_wait3A_179 = arith.constant 0 : i32
    %dma_wait3A_180 = arith.constant 0 : i32
    %dma_wait3A_181 = tpu.memref_slice %arg6[%dma_wait3A_178, %dma_wait3A_179, %dma_wait3A_180] : memref<6x128x128xf32, #tpu.memory_space<vmem>> -> memref<1x128x128xf32, #tpu.memory_space<vmem>>
    %dma_wait3A_182 = tpu.memref_squeeze %dma_wait3A_181 : memref<1x128x128xf32, #tpu.memory_space<vmem>> -> memref<128x128xf32, #tpu.memory_space<vmem>>
    %dma_wait3A_183 = arith.constant 0 : i32
    %dma_wait3A_184 = tpu.memref_slice %arg5[%dma_wait3A_177, %dma_wait3A_183] : memref<10x128xi32, #tpu.memory_space<vmem>> -> memref<1x128xi32, #tpu.memory_space<vmem>>
    %dma_wait3A_185 = tpu.memref_squeeze %dma_wait3A_184 : memref<1x128xi32, #tpu.memory_space<vmem>> -> memref<128xi32, #tpu.memory_space<vmem>>
    %dma_wait3A_186 = arith.constant 0 : i32
    %dma_wait3A_187 = arith.constant 0 : i32
    %dma_wait3A_188 = tpu.memref_slice %arg3[%dma_wait3A_186, %dma_wait3A_187] : memref<1000000x128xf32, #tpu.memory_space<hbm>> -> memref<1000000x128xf32, #tpu.memory_space<hbm>>
    tpu.wait_indirect_dma semaphore(%arg7 : memref<!tpu.dma_semaphore, #tpu.memory_space<semaphore_mem>>) src(%dma_wait3A_188 : memref<1000000x128xf32, #tpu.memory_space<hbm>>) dst(%dma_wait3A_182 : memref<128x128xf32, #tpu.memory_space<vmem>>)
    %add3A_189 = arith.constant 256 : i32
    %add3A_190 = arith.addi %mul3A_2, %add3A_189 : i32
    %dma_start3A_191 = arith.constant 2 : i32
    %dma_start3A_192 = arith.constant 0 : i32
    %dma_start3A_193 = arith.constant 0 : i32
    %dma_start3A_194 = tpu.memref_slice %arg6[%dma_start3A_191, %dma_start3A_192, %dma_start3A_193] : memref<6x128x128xf32, #tpu.memory_space<vmem>> -> memref<1x128x128xf32, #tpu.memory_space<vmem>>
    %dma_start3A_195 = tpu.memref_squeeze %dma_start3A_194 : memref<1x128x128xf32, #tpu.memory_space<vmem>> -> memref<128x128xf32, #tpu.memory_space<vmem>>
    %dma_start3A_196 = arith.constant 0 : i32
    %dma_start3A_197 = tpu.memref_slice %arg4[%add3A_190, %dma_start3A_196] : memref<40960x128xf32, #tpu.memory_space<hbm>> -> memref<128x128xf32, #tpu.memory_space<hbm>>
    %dma_start3A_198 = arith.constant 0 : i32
    %dma_start3A_199 = tpu.memref_slice %arg4[%add3A_190, %dma_start3A_198] : memref<40960x128xf32, #tpu.memory_space<hbm>> -> memref<128x128xf32, #tpu.memory_space<hbm>>
    %dma_start3A_200 = arith.constant 0 : i32
    %dma_start3A_201 = arith.constant 0 : i32
    %dma_start3A_202 = tpu.memref_slice %arg6[%dma_start3A_191, %dma_start3A_200, %dma_start3A_201] : memref<6x128x128xf32, #tpu.memory_space<vmem>> -> memref<1x128x128xf32, #tpu.memory_space<vmem>>
    %dma_start3A_203 = tpu.memref_squeeze %dma_start3A_202 : memref<1x128x128xf32, #tpu.memory_space<vmem>> -> memref<128x128xf32, #tpu.memory_space<vmem>>
    tpu.enqueue_dma source(%dma_start3A_203 : memref<128x128xf32, #tpu.memory_space<vmem>>) target(%dma_start3A_199 : memref<128x128xf32, #tpu.memory_space<hbm>>) target_semaphore(%arg8 : memref<!tpu.dma_semaphore, #tpu.memory_space<semaphore_mem>>)
    %dma_wait3A_204 = arith.constant 2 : i32
    %dma_wait3A_205 = arith.constant 0 : i32
    %dma_wait3A_206 = arith.constant 0 : i32
    %dma_wait3A_207 = tpu.memref_slice %arg6[%dma_wait3A_204, %dma_wait3A_205, %dma_wait3A_206] : memref<6x128x128xf32, #tpu.memory_space<vmem>> -> memref<1x128x128xf32, #tpu.memory_space<vmem>>
    %dma_wait3A_208 = tpu.memref_squeeze %dma_wait3A_207 : memref<1x128x128xf32, #tpu.memory_space<vmem>> -> memref<128x128xf32, #tpu.memory_space<vmem>>
    %dma_wait3A_209 = arith.constant 0 : i32
    %dma_wait3A_210 = tpu.memref_slice %arg4[%add3A_190, %dma_wait3A_209] : memref<40960x128xf32, #tpu.memory_space<hbm>> -> memref<128x128xf32, #tpu.memory_space<hbm>>
    %dma_wait3A_211 = arith.constant 0 : i32
    %dma_wait3A_212 = tpu.memref_slice %arg4[%add3A_190, %dma_wait3A_211] : memref<40960x128xf32, #tpu.memory_space<hbm>> -> memref<128x128xf32, #tpu.memory_space<hbm>>
    %dma_wait3A_213 = arith.constant 0 : i32
    %dma_wait3A_214 = arith.constant 0 : i32
    %dma_wait3A_215 = tpu.memref_slice %arg6[%dma_wait3A_204, %dma_wait3A_213, %dma_wait3A_214] : memref<6x128x128xf32, #tpu.memory_space<vmem>> -> memref<1x128x128xf32, #tpu.memory_space<vmem>>
    %dma_wait3A_216 = tpu.memref_squeeze %dma_wait3A_215 : memref<1x128x128xf32, #tpu.memory_space<vmem>> -> memref<128x128xf32, #tpu.memory_space<vmem>>
    tpu.wait_dma2 semaphore(%arg8 : memref<!tpu.dma_semaphore, #tpu.memory_space<semaphore_mem>>) src(%dma_wait3A_216 : memref<128x128xf32, #tpu.memory_space<vmem>>) dst(%dma_wait3A_212 : memref<128x128xf32, #tpu.memory_space<hbm>>)
    %dma_start3A_217 = arith.constant 8 : i32
    %dma_start3A_218 = arith.constant 2 : i32
    %dma_start3A_219 = arith.constant 0 : i32
    %dma_start3A_220 = arith.constant 0 : i32
    %dma_start3A_221 = tpu.memref_slice %arg6[%dma_start3A_218, %dma_start3A_219, %dma_start3A_220] : memref<6x128x128xf32, #tpu.memory_space<vmem>> -> memref<1x128x128xf32, #tpu.memory_space<vmem>>
    %dma_start3A_222 = tpu.memref_squeeze %dma_start3A_221 : memref<1x128x128xf32, #tpu.memory_space<vmem>> -> memref<128x128xf32, #tpu.memory_space<vmem>>
    %dma_start3A_223 = arith.constant 0 : i32
    %dma_start3A_224 = tpu.memref_slice %arg5[%dma_start3A_217, %dma_start3A_223] : memref<10x128xi32, #tpu.memory_space<vmem>> -> memref<1x128xi32, #tpu.memory_space<vmem>>
    %dma_start3A_225 = tpu.memref_squeeze %dma_start3A_224 : memref<1x128xi32, #tpu.memory_space<vmem>> -> memref<128xi32, #tpu.memory_space<vmem>>
    %dma_start3A_226 = arith.constant 0 : i32
    %dma_start3A_227 = arith.constant 0 : i32
    %dma_start3A_228 = tpu.memref_slice %arg3[%dma_start3A_226, %dma_start3A_227] : memref<1000000x128xf32, #tpu.memory_space<hbm>> -> memref<1000000x128xf32, #tpu.memory_space<hbm>>
    tpu.enqueue_indirect_dma source(%dma_start3A_228 : memref<1000000x128xf32, #tpu.memory_space<hbm>>) target(%dma_start3A_222 : memref<128x128xf32, #tpu.memory_space<vmem>>) offsets(%dma_start3A_225 : memref<128xi32, #tpu.memory_space<vmem>>) semaphore(%arg7 : memref<!tpu.dma_semaphore, #tpu.memory_space<semaphore_mem>>)
    %dma_wait3A_229 = arith.constant 3 : i32
    %dma_wait3A_230 = arith.constant 3 : i32
    %dma_wait3A_231 = arith.constant 0 : i32
    %dma_wait3A_232 = arith.constant 0 : i32
    %dma_wait3A_233 = tpu.memref_slice %arg6[%dma_wait3A_230, %dma_wait3A_231, %dma_wait3A_232] : memref<6x128x128xf32, #tpu.memory_space<vmem>> -> memref<1x128x128xf32, #tpu.memory_space<vmem>>
    %dma_wait3A_234 = tpu.memref_squeeze %dma_wait3A_233 : memref<1x128x128xf32, #tpu.memory_space<vmem>> -> memref<128x128xf32, #tpu.memory_space<vmem>>
    %dma_wait3A_235 = arith.constant 0 : i32
    %dma_wait3A_236 = tpu.memref_slice %arg5[%dma_wait3A_229, %dma_wait3A_235] : memref<10x128xi32, #tpu.memory_space<vmem>> -> memref<1x128xi32, #tpu.memory_space<vmem>>
    %dma_wait3A_237 = tpu.memref_squeeze %dma_wait3A_236 : memref<1x128xi32, #tpu.memory_space<vmem>> -> memref<128xi32, #tpu.memory_space<vmem>>
    %dma_wait3A_238 = arith.constant 0 : i32
    %dma_wait3A_239 = arith.constant 0 : i32
    %dma_wait3A_240 = tpu.memref_slice %arg3[%dma_wait3A_238, %dma_wait3A_239] : memref<1000000x128xf32, #tpu.memory_space<hbm>> -> memref<1000000x128xf32, #tpu.memory_space<hbm>>
    tpu.wait_indirect_dma semaphore(%arg7 : memref<!tpu.dma_semaphore, #tpu.memory_space<semaphore_mem>>) src(%dma_wait3A_240 : memref<1000000x128xf32, #tpu.memory_space<hbm>>) dst(%dma_wait3A_234 : memref<128x128xf32, #tpu.memory_space<vmem>>)
    %add3A_241 = arith.constant 384 : i32
    %add3A_242 = arith.addi %mul3A_2, %add3A_241 : i32
    %dma_start3A_243 = arith.constant 3 : i32
    %dma_start3A_244 = arith.constant 0 : i32
    %dma_start3A_245 = arith.constant 0 : i32
    %dma_start3A_246 = tpu.memref_slice %arg6[%dma_start3A_243, %dma_start3A_244, %dma_start3A_245] : memref<6x128x128xf32, #tpu.memory_space<vmem>> -> memref<1x128x128xf32, #tpu.memory_space<vmem>>
    %dma_start3A_247 = tpu.memref_squeeze %dma_start3A_246 : memref<1x128x128xf32, #tpu.memory_space<vmem>> -> memref<128x128xf32, #tpu.memory_space<vmem>>
    %dma_start3A_248 = arith.constant 0 : i32
    %dma_start3A_249 = tpu.memref_slice %arg4[%add3A_242, %dma_start3A_248] : memref<40960x128xf32, #tpu.memory_space<hbm>> -> memref<128x128xf32, #tpu.memory_space<hbm>>
    %dma_start3A_250 = arith.constant 0 : i32
    %dma_start3A_251 = tpu.memref_slice %arg4[%add3A_242, %dma_start3A_250] : memref<40960x128xf32, #tpu.memory_space<hbm>> -> memref<128x128xf32, #tpu.memory_space<hbm>>
    %dma_start3A_252 = arith.constant 0 : i32
    %dma_start3A_253 = arith.constant 0 : i32
    %dma_start3A_254 = tpu.memref_slice %arg6[%dma_start3A_243, %dma_start3A_252, %dma_start3A_253] : memref<6x128x128xf32, #tpu.memory_space<vmem>> -> memref<1x128x128xf32, #tpu.memory_space<vmem>>
    %dma_start3A_255 = tpu.memref_squeeze %dma_start3A_254 : memref<1x128x128xf32, #tpu.memory_space<vmem>> -> memref<128x128xf32, #tpu.memory_space<vmem>>
    tpu.enqueue_dma source(%dma_start3A_255 : memref<128x128xf32, #tpu.memory_space<vmem>>) target(%dma_start3A_251 : memref<128x128xf32, #tpu.memory_space<hbm>>) target_semaphore(%arg8 : memref<!tpu.dma_semaphore, #tpu.memory_space<semaphore_mem>>)
    %dma_wait3A_256 = arith.constant 3 : i32
    %dma_wait3A_257 = arith.constant 0 : i32
    %dma_wait3A_258 = arith.constant 0 : i32
    %dma_wait3A_259 = tpu.memref_slice %arg6[%dma_wait3A_256, %dma_wait3A_257, %dma_wait3A_258] : memref<6x128x128xf32, #tpu.memory_space<vmem>> -> memref<1x128x128xf32, #tpu.memory_space<vmem>>
    %dma_wait3A_260 = tpu.memref_squeeze %dma_wait3A_259 : memref<1x128x128xf32, #tpu.memory_space<vmem>> -> memref<128x128xf32, #tpu.memory_space<vmem>>
    %dma_wait3A_261 = arith.constant 0 : i32
    %dma_wait3A_262 = tpu.memref_slice %arg4[%add3A_242, %dma_wait3A_261] : memref<40960x128xf32, #tpu.memory_space<hbm>> -> memref<128x128xf32, #tpu.memory_space<hbm>>
    %dma_wait3A_263 = arith.constant 0 : i32
    %dma_wait3A_264 = tpu.memref_slice %arg4[%add3A_242, %dma_wait3A_263] : memref<40960x128xf32, #tpu.memory_space<hbm>> -> memref<128x128xf32, #tpu.memory_space<hbm>>
    %dma_wait3A_265 = arith.constant 0 : i32
    %dma_wait3A_266 = arith.constant 0 : i32
    %dma_wait3A_267 = tpu.memref_slice %arg6[%dma_wait3A_256, %dma_wait3A_265, %dma_wait3A_266] : memref<6x128x128xf32, #tpu.memory_space<vmem>> -> memref<1x128x128xf32, #tpu.memory_space<vmem>>
    %dma_wait3A_268 = tpu.memref_squeeze %dma_wait3A_267 : memref<1x128x128xf32, #tpu.memory_space<vmem>> -> memref<128x128xf32, #tpu.memory_space<vmem>>
    tpu.wait_dma2 semaphore(%arg8 : memref<!tpu.dma_semaphore, #tpu.memory_space<semaphore_mem>>) src(%dma_wait3A_268 : memref<128x128xf32, #tpu.memory_space<vmem>>) dst(%dma_wait3A_264 : memref<128x128xf32, #tpu.memory_space<hbm>>)
    %dma_start3A_269 = arith.constant 9 : i32
    %dma_start3A_270 = arith.constant 3 : i32
    %dma_start3A_271 = arith.constant 0 : i32
    %dma_start3A_272 = arith.constant 0 : i32
    %dma_start3A_273 = tpu.memref_slice %arg6[%dma_start3A_270, %dma_start3A_271, %dma_start3A_272] : memref<6x128x128xf32, #tpu.memory_space<vmem>> -> memref<1x128x128xf32, #tpu.memory_space<vmem>>
    %dma_start3A_274 = tpu.memref_squeeze %dma_start3A_273 : memref<1x128x128xf32, #tpu.memory_space<vmem>> -> memref<128x128xf32, #tpu.memory_space<vmem>>
    %dma_start3A_275 = arith.constant 0 : i32
    %dma_start3A_276 = tpu.memref_slice %arg5[%dma_start3A_269, %dma_start3A_275] : memref<10x128xi32, #tpu.memory_space<vmem>> -> memref<1x128xi32, #tpu.memory_space<vmem>>
    %dma_start3A_277 = tpu.memref_squeeze %dma_start3A_276 : memref<1x128xi32, #tpu.memory_space<vmem>> -> memref<128xi32, #tpu.memory_space<vmem>>
    %dma_start3A_278 = arith.constant 0 : i32
    %dma_start3A_279 = arith.constant 0 : i32
    %dma_start3A_280 = tpu.memref_slice %arg3[%dma_start3A_278, %dma_start3A_279] : memref<1000000x128xf32, #tpu.memory_space<hbm>> -> memref<1000000x128xf32, #tpu.memory_space<hbm>>
    tpu.enqueue_indirect_dma source(%dma_start3A_280 : memref<1000000x128xf32, #tpu.memory_space<hbm>>) target(%dma_start3A_274 : memref<128x128xf32, #tpu.memory_space<vmem>>) offsets(%dma_start3A_277 : memref<128xi32, #tpu.memory_space<vmem>>) semaphore(%arg7 : memref<!tpu.dma_semaphore, #tpu.memory_space<semaphore_mem>>)
    %dma_wait3A_281 = arith.constant 4 : i32
    %dma_wait3A_282 = arith.constant 4 : i32
    %dma_wait3A_283 = arith.constant 0 : i32
    %dma_wait3A_284 = arith.constant 0 : i32
    %dma_wait3A_285 = tpu.memref_slice %arg6[%dma_wait3A_282, %dma_wait3A_283, %dma_wait3A_284] : memref<6x128x128xf32, #tpu.memory_space<vmem>> -> memref<1x128x128xf32, #tpu.memory_space<vmem>>
    %dma_wait3A_286 = tpu.memref_squeeze %dma_wait3A_285 : memref<1x128x128xf32, #tpu.memory_space<vmem>> -> memref<128x128xf32, #tpu.memory_space<vmem>>
    %dma_wait3A_287 = arith.constant 0 : i32
    %dma_wait3A_288 = tpu.memref_slice %arg5[%dma_wait3A_281, %dma_wait3A_287] : memref<10x128xi32, #tpu.memory_space<vmem>> -> memref<1x128xi32, #tpu.memory_space<vmem>>
    %dma_wait3A_289 = tpu.memref_squeeze %dma_wait3A_288 : memref<1x128xi32, #tpu.memory_space<vmem>> -> memref<128xi32, #tpu.memory_space<vmem>>
    %dma_wait3A_290 = arith.constant 0 : i32
    %dma_wait3A_291 = arith.constant 0 : i32
    %dma_wait3A_292 = tpu.memref_slice %arg3[%dma_wait3A_290, %dma_wait3A_291] : memref<1000000x128xf32, #tpu.memory_space<hbm>> -> memref<1000000x128xf32, #tpu.memory_space<hbm>>
    tpu.wait_indirect_dma semaphore(%arg7 : memref<!tpu.dma_semaphore, #tpu.memory_space<semaphore_mem>>) src(%dma_wait3A_292 : memref<1000000x128xf32, #tpu.memory_space<hbm>>) dst(%dma_wait3A_286 : memref<128x128xf32, #tpu.memory_space<vmem>>)
    %add3A_293 = arith.constant 512 : i32
    %add3A_294 = arith.addi %mul3A_2, %add3A_293 : i32
    %dma_start3A_295 = arith.constant 4 : i32
    %dma_start3A_296 = arith.constant 0 : i32
    %dma_start3A_297 = arith.constant 0 : i32
    %dma_start3A_298 = tpu.memref_slice %arg6[%dma_start3A_295, %dma_start3A_296, %dma_start3A_297] : memref<6x128x128xf32, #tpu.memory_space<vmem>> -> memref<1x128x128xf32, #tpu.memory_space<vmem>>
    %dma_start3A_299 = tpu.memref_squeeze %dma_start3A_298 : memref<1x128x128xf32, #tpu.memory_space<vmem>> -> memref<128x128xf32, #tpu.memory_space<vmem>>
    %dma_start3A_300 = arith.constant 0 : i32
    %dma_start3A_301 = tpu.memref_slice %arg4[%add3A_294, %dma_start3A_300] : memref<40960x128xf32, #tpu.memory_space<hbm>> -> memref<128x128xf32, #tpu.memory_space<hbm>>
    %dma_start3A_302 = arith.constant 0 : i32
    %dma_start3A_303 = tpu.memref_slice %arg4[%add3A_294, %dma_start3A_302] : memref<40960x128xf32, #tpu.memory_space<hbm>> -> memref<128x128xf32, #tpu.memory_space<hbm>>
    %dma_start3A_304 = arith.constant 0 : i32
    %dma_start3A_305 = arith.constant 0 : i32
    %dma_start3A_306 = tpu.memref_slice %arg6[%dma_start3A_295, %dma_start3A_304, %dma_start3A_305] : memref<6x128x128xf32, #tpu.memory_space<vmem>> -> memref<1x128x128xf32, #tpu.memory_space<vmem>>
    %dma_start3A_307 = tpu.memref_squeeze %dma_start3A_306 : memref<1x128x128xf32, #tpu.memory_space<vmem>> -> memref<128x128xf32, #tpu.memory_space<vmem>>
    tpu.enqueue_dma source(%dma_start3A_307 : memref<128x128xf32, #tpu.memory_space<vmem>>) target(%dma_start3A_303 : memref<128x128xf32, #tpu.memory_space<hbm>>) target_semaphore(%arg8 : memref<!tpu.dma_semaphore, #tpu.memory_space<semaphore_mem>>)
    %dma_wait3A_308 = arith.constant 5 : i32
    %dma_wait3A_309 = arith.constant 5 : i32
    %dma_wait3A_310 = arith.constant 0 : i32
    %dma_wait3A_311 = arith.constant 0 : i32
    %dma_wait3A_312 = tpu.memref_slice %arg6[%dma_wait3A_309, %dma_wait3A_310, %dma_wait3A_311] : memref<6x128x128xf32, #tpu.memory_space<vmem>> -> memref<1x128x128xf32, #tpu.memory_space<vmem>>
    %dma_wait3A_313 = tpu.memref_squeeze %dma_wait3A_312 : memref<1x128x128xf32, #tpu.memory_space<vmem>> -> memref<128x128xf32, #tpu.memory_space<vmem>>
    %dma_wait3A_314 = arith.constant 0 : i32
    %dma_wait3A_315 = tpu.memref_slice %arg5[%dma_wait3A_308, %dma_wait3A_314] : memref<10x128xi32, #tpu.memory_space<vmem>> -> memref<1x128xi32, #tpu.memory_space<vmem>>
    %dma_wait3A_316 = tpu.memref_squeeze %dma_wait3A_315 : memref<1x128xi32, #tpu.memory_space<vmem>> -> memref<128xi32, #tpu.memory_space<vmem>>
    %dma_wait3A_317 = arith.constant 0 : i32
    %dma_wait3A_318 = arith.constant 0 : i32
    %dma_wait3A_319 = tpu.memref_slice %arg3[%dma_wait3A_317, %dma_wait3A_318] : memref<1000000x128xf32, #tpu.memory_space<hbm>> -> memref<1000000x128xf32, #tpu.memory_space<hbm>>
    tpu.wait_indirect_dma semaphore(%arg7 : memref<!tpu.dma_semaphore, #tpu.memory_space<semaphore_mem>>) src(%dma_wait3A_319 : memref<1000000x128xf32, #tpu.memory_space<hbm>>) dst(%dma_wait3A_313 : memref<128x128xf32, #tpu.memory_space<vmem>>)
    %add3A_320 = arith.constant 640 : i32
    %add3A_321 = arith.addi %mul3A_2, %add3A_320 : i32
    %dma_start3A_322 = arith.constant 5 : i32
    %dma_start3A_323 = arith.constant 0 : i32
    %dma_start3A_324 = arith.constant 0 : i32
    %dma_start3A_325 = tpu.memref_slice %arg6[%dma_start3A_322, %dma_start3A_323, %dma_start3A_324] : memref<6x128x128xf32, #tpu.memory_space<vmem>> -> memref<1x128x128xf32, #tpu.memory_space<vmem>>
    %dma_start3A_326 = tpu.memref_squeeze %dma_start3A_325 : memref<1x128x128xf32, #tpu.memory_space<vmem>> -> memref<128x128xf32, #tpu.memory_space<vmem>>
    %dma_start3A_327 = arith.constant 0 : i32
    %dma_start3A_328 = tpu.memref_slice %arg4[%add3A_321, %dma_start3A_327] : memref<40960x128xf32, #tpu.memory_space<hbm>> -> memref<128x128xf32, #tpu.memory_space<hbm>>
    %dma_start3A_329 = arith.constant 0 : i32
    %dma_start3A_330 = tpu.memref_slice %arg4[%add3A_321, %dma_start3A_329] : memref<40960x128xf32, #tpu.memory_space<hbm>> -> memref<128x128xf32, #tpu.memory_space<hbm>>
    %dma_start3A_331 = arith.constant 0 : i32
    %dma_start3A_332 = arith.constant 0 : i32
    %dma_start3A_333 = tpu.memref_slice %arg6[%dma_start3A_322, %dma_start3A_331, %dma_start3A_332] : memref<6x128x128xf32, #tpu.memory_space<vmem>> -> memref<1x128x128xf32, #tpu.memory_space<vmem>>
    %dma_start3A_334 = tpu.memref_squeeze %dma_start3A_333 : memref<1x128x128xf32, #tpu.memory_space<vmem>> -> memref<128x128xf32, #tpu.memory_space<vmem>>
    tpu.enqueue_dma source(%dma_start3A_334 : memref<128x128xf32, #tpu.memory_space<vmem>>) target(%dma_start3A_330 : memref<128x128xf32, #tpu.memory_space<hbm>>) target_semaphore(%arg8 : memref<!tpu.dma_semaphore, #tpu.memory_space<semaphore_mem>>)
    %dma_wait3A_335 = arith.constant 6 : i32
    %dma_wait3A_336 = arith.constant 0 : i32
    %dma_wait3A_337 = arith.constant 0 : i32
    %dma_wait3A_338 = arith.constant 0 : i32
    %dma_wait3A_339 = tpu.memref_slice %arg6[%dma_wait3A_336, %dma_wait3A_337, %dma_wait3A_338] : memref<6x128x128xf32, #tpu.memory_space<vmem>> -> memref<1x128x128xf32, #tpu.memory_space<vmem>>
    %dma_wait3A_340 = tpu.memref_squeeze %dma_wait3A_339 : memref<1x128x128xf32, #tpu.memory_space<vmem>> -> memref<128x128xf32, #tpu.memory_space<vmem>>
    %dma_wait3A_341 = arith.constant 0 : i32
    %dma_wait3A_342 = tpu.memref_slice %arg5[%dma_wait3A_335, %dma_wait3A_341] : memref<10x128xi32, #tpu.memory_space<vmem>> -> memref<1x128xi32, #tpu.memory_space<vmem>>
    %dma_wait3A_343 = tpu.memref_squeeze %dma_wait3A_342 : memref<1x128xi32, #tpu.memory_space<vmem>> -> memref<128xi32, #tpu.memory_space<vmem>>
    %dma_wait3A_344 = arith.constant 0 : i32
    %dma_wait3A_345 = arith.constant 0 : i32
    %dma_wait3A_346 = tpu.memref_slice %arg3[%dma_wait3A_344, %dma_wait3A_345] : memref<1000000x128xf32, #tpu.memory_space<hbm>> -> memref<1000000x128xf32, #tpu.memory_space<hbm>>
    tpu.wait_indirect_dma semaphore(%arg7 : memref<!tpu.dma_semaphore, #tpu.memory_space<semaphore_mem>>) src(%dma_wait3A_346 : memref<1000000x128xf32, #tpu.memory_space<hbm>>) dst(%dma_wait3A_340 : memref<128x128xf32, #tpu.memory_space<vmem>>)
    %add3A_347 = arith.constant 768 : i32
    %add3A_348 = arith.addi %mul3A_2, %add3A_347 : i32
    %dma_start3A_349 = arith.constant 0 : i32
    %dma_start3A_350 = arith.constant 0 : i32
    %dma_start3A_351 = arith.constant 0 : i32
    %dma_start3A_352 = tpu.memref_slice %arg6[%dma_start3A_349, %dma_start3A_350, %dma_start3A_351] : memref<6x128x128xf32, #tpu.memory_space<vmem>> -> memref<1x128x128xf32, #tpu.memory_space<vmem>>
    %dma_start3A_353 = tpu.memref_squeeze %dma_start3A_352 : memref<1x128x128xf32, #tpu.memory_space<vmem>> -> memref<128x128xf32, #tpu.memory_space<vmem>>
    %dma_start3A_354 = arith.constant 0 : i32
    %dma_start3A_355 = tpu.memref_slice %arg4[%add3A_348, %dma_start3A_354] : memref<40960x128xf32, #tpu.memory_space<hbm>> -> memref<128x128xf32, #tpu.memory_space<hbm>>
    %dma_start3A_356 = arith.constant 0 : i32
    %dma_start3A_357 = tpu.memref_slice %arg4[%add3A_348, %dma_start3A_356] : memref<40960x128xf32, #tpu.memory_space<hbm>> -> memref<128x128xf32, #tpu.memory_space<hbm>>
    %dma_start3A_358 = arith.constant 0 : i32
    %dma_start3A_359 = arith.constant 0 : i32
    %dma_start3A_360 = tpu.memref_slice %arg6[%dma_start3A_349, %dma_start3A_358, %dma_start3A_359] : memref<6x128x128xf32, #tpu.memory_space<vmem>> -> memref<1x128x128xf32, #tpu.memory_space<vmem>>
    %dma_start3A_361 = tpu.memref_squeeze %dma_start3A_360 : memref<1x128x128xf32, #tpu.memory_space<vmem>> -> memref<128x128xf32, #tpu.memory_space<vmem>>
    tpu.enqueue_dma source(%dma_start3A_361 : memref<128x128xf32, #tpu.memory_space<vmem>>) target(%dma_start3A_357 : memref<128x128xf32, #tpu.memory_space<hbm>>) target_semaphore(%arg8 : memref<!tpu.dma_semaphore, #tpu.memory_space<semaphore_mem>>)
    %dma_wait3A_362 = arith.constant 7 : i32
    %dma_wait3A_363 = arith.constant 1 : i32
    %dma_wait3A_364 = arith.constant 0 : i32
    %dma_wait3A_365 = arith.constant 0 : i32
    %dma_wait3A_366 = tpu.memref_slice %arg6[%dma_wait3A_363, %dma_wait3A_364, %dma_wait3A_365] : memref<6x128x128xf32, #tpu.memory_space<vmem>> -> memref<1x128x128xf32, #tpu.memory_space<vmem>>
    %dma_wait3A_367 = tpu.memref_squeeze %dma_wait3A_366 : memref<1x128x128xf32, #tpu.memory_space<vmem>> -> memref<128x128xf32, #tpu.memory_space<vmem>>
    %dma_wait3A_368 = arith.constant 0 : i32
    %dma_wait3A_369 = tpu.memref_slice %arg5[%dma_wait3A_362, %dma_wait3A_368] : memref<10x128xi32, #tpu.memory_space<vmem>> -> memref<1x128xi32, #tpu.memory_space<vmem>>
    %dma_wait3A_370 = tpu.memref_squeeze %dma_wait3A_369 : memref<1x128xi32, #tpu.memory_space<vmem>> -> memref<128xi32, #tpu.memory_space<vmem>>
    %dma_wait3A_371 = arith.constant 0 : i32
    %dma_wait3A_372 = arith.constant 0 : i32
    %dma_wait3A_373 = tpu.memref_slice %arg3[%dma_wait3A_371, %dma_wait3A_372] : memref<1000000x128xf32, #tpu.memory_space<hbm>> -> memref<1000000x128xf32, #tpu.memory_space<hbm>>
    tpu.wait_indirect_dma semaphore(%arg7 : memref<!tpu.dma_semaphore, #tpu.memory_space<semaphore_mem>>) src(%dma_wait3A_373 : memref<1000000x128xf32, #tpu.memory_space<hbm>>) dst(%dma_wait3A_367 : memref<128x128xf32, #tpu.memory_space<vmem>>)
    %add3A_374 = arith.constant 896 : i32
    %add3A_375 = arith.addi %mul3A_2, %add3A_374 : i32
    %dma_start3A_376 = arith.constant 1 : i32
    %dma_start3A_377 = arith.constant 0 : i32
    %dma_start3A_378 = arith.constant 0 : i32
    %dma_start3A_379 = tpu.memref_slice %arg6[%dma_start3A_376, %dma_start3A_377, %dma_start3A_378] : memref<6x128x128xf32, #tpu.memory_space<vmem>> -> memref<1x128x128xf32, #tpu.memory_space<vmem>>
    %dma_start3A_380 = tpu.memref_squeeze %dma_start3A_379 : memref<1x128x128xf32, #tpu.memory_space<vmem>> -> memref<128x128xf32, #tpu.memory_space<vmem>>
    %dma_start3A_381 = arith.constant 0 : i32
    %dma_start3A_382 = tpu.memref_slice %arg4[%add3A_375, %dma_start3A_381] : memref<40960x128xf32, #tpu.memory_space<hbm>> -> memref<128x128xf32, #tpu.memory_space<hbm>>
    %dma_start3A_383 = arith.constant 0 : i32
    %dma_start3A_384 = tpu.memref_slice %arg4[%add3A_375, %dma_start3A_383] : memref<40960x128xf32, #tpu.memory_space<hbm>> -> memref<128x128xf32, #tpu.memory_space<hbm>>
    %dma_start3A_385 = arith.constant 0 : i32
    %dma_start3A_386 = arith.constant 0 : i32
    %dma_start3A_387 = tpu.memref_slice %arg6[%dma_start3A_376, %dma_start3A_385, %dma_start3A_386] : memref<6x128x128xf32, #tpu.memory_space<vmem>> -> memref<1x128x128xf32, #tpu.memory_space<vmem>>
    %dma_start3A_388 = tpu.memref_squeeze %dma_start3A_387 : memref<1x128x128xf32, #tpu.memory_space<vmem>> -> memref<128x128xf32, #tpu.memory_space<vmem>>
    tpu.enqueue_dma source(%dma_start3A_388 : memref<128x128xf32, #tpu.memory_space<vmem>>) target(%dma_start3A_384 : memref<128x128xf32, #tpu.memory_space<hbm>>) target_semaphore(%arg8 : memref<!tpu.dma_semaphore, #tpu.memory_space<semaphore_mem>>)
    %dma_wait3A_389 = arith.constant 8 : i32
    %dma_wait3A_390 = arith.constant 2 : i32
    %dma_wait3A_391 = arith.constant 0 : i32
    %dma_wait3A_392 = arith.constant 0 : i32
    %dma_wait3A_393 = tpu.memref_slice %arg6[%dma_wait3A_390, %dma_wait3A_391, %dma_wait3A_392] : memref<6x128x128xf32, #tpu.memory_space<vmem>> -> memref<1x128x128xf32, #tpu.memory_space<vmem>>
    %dma_wait3A_394 = tpu.memref_squeeze %dma_wait3A_393 : memref<1x128x128xf32, #tpu.memory_space<vmem>> -> memref<128x128xf32, #tpu.memory_space<vmem>>
    %dma_wait3A_395 = arith.constant 0 : i32
    %dma_wait3A_396 = tpu.memref_slice %arg5[%dma_wait3A_389, %dma_wait3A_395] : memref<10x128xi32, #tpu.memory_space<vmem>> -> memref<1x128xi32, #tpu.memory_space<vmem>>
    %dma_wait3A_397 = tpu.memref_squeeze %dma_wait3A_396 : memref<1x128xi32, #tpu.memory_space<vmem>> -> memref<128xi32, #tpu.memory_space<vmem>>
    %dma_wait3A_398 = arith.constant 0 : i32
    %dma_wait3A_399 = arith.constant 0 : i32
    %dma_wait3A_400 = tpu.memref_slice %arg3[%dma_wait3A_398, %dma_wait3A_399] : memref<1000000x128xf32, #tpu.memory_space<hbm>> -> memref<1000000x128xf32, #tpu.memory_space<hbm>>
    tpu.wait_indirect_dma semaphore(%arg7 : memref<!tpu.dma_semaphore, #tpu.memory_space<semaphore_mem>>) src(%dma_wait3A_400 : memref<1000000x128xf32, #tpu.memory_space<hbm>>) dst(%dma_wait3A_394 : memref<128x128xf32, #tpu.memory_space<vmem>>)
    %add3A_401 = arith.constant 1024 : i32
    %add3A_402 = arith.addi %mul3A_2, %add3A_401 : i32
    %dma_start3A_403 = arith.constant 2 : i32
    %dma_start3A_404 = arith.constant 0 : i32
    %dma_start3A_405 = arith.constant 0 : i32
    %dma_start3A_406 = tpu.memref_slice %arg6[%dma_start3A_403, %dma_start3A_404, %dma_start3A_405] : memref<6x128x128xf32, #tpu.memory_space<vmem>> -> memref<1x128x128xf32, #tpu.memory_space<vmem>>
    %dma_start3A_407 = tpu.memref_squeeze %dma_start3A_406 : memref<1x128x128xf32, #tpu.memory_space<vmem>> -> memref<128x128xf32, #tpu.memory_space<vmem>>
    %dma_start3A_408 = arith.constant 0 : i32
    %dma_start3A_409 = tpu.memref_slice %arg4[%add3A_402, %dma_start3A_408] : memref<40960x128xf32, #tpu.memory_space<hbm>> -> memref<128x128xf32, #tpu.memory_space<hbm>>
    %dma_start3A_410 = arith.constant 0 : i32
    %dma_start3A_411 = tpu.memref_slice %arg4[%add3A_402, %dma_start3A_410] : memref<40960x128xf32, #tpu.memory_space<hbm>> -> memref<128x128xf32, #tpu.memory_space<hbm>>
    %dma_start3A_412 = arith.constant 0 : i32
    %dma_start3A_413 = arith.constant 0 : i32
    %dma_start3A_414 = tpu.memref_slice %arg6[%dma_start3A_403, %dma_start3A_412, %dma_start3A_413] : memref<6x128x128xf32, #tpu.memory_space<vmem>> -> memref<1x128x128xf32, #tpu.memory_space<vmem>>
    %dma_start3A_415 = tpu.memref_squeeze %dma_start3A_414 : memref<1x128x128xf32, #tpu.memory_space<vmem>> -> memref<128x128xf32, #tpu.memory_space<vmem>>
    tpu.enqueue_dma source(%dma_start3A_415 : memref<128x128xf32, #tpu.memory_space<vmem>>) target(%dma_start3A_411 : memref<128x128xf32, #tpu.memory_space<hbm>>) target_semaphore(%arg8 : memref<!tpu.dma_semaphore, #tpu.memory_space<semaphore_mem>>)
    %dma_wait3A_416 = arith.constant 9 : i32
    %dma_wait3A_417 = arith.constant 3 : i32
    %dma_wait3A_418 = arith.constant 0 : i32
    %dma_wait3A_419 = arith.constant 0 : i32
    %dma_wait3A_420 = tpu.memref_slice %arg6[%dma_wait3A_417, %dma_wait3A_418, %dma_wait3A_419] : memref<6x128x128xf32, #tpu.memory_space<vmem>> -> memref<1x128x128xf32, #tpu.memory_space<vmem>>
    %dma_wait3A_421 = tpu.memref_squeeze %dma_wait3A_420 : memref<1x128x128xf32, #tpu.memory_space<vmem>> -> memref<128x128xf32, #tpu.memory_space<vmem>>
    %dma_wait3A_422 = arith.constant 0 : i32
    %dma_wait3A_423 = tpu.memref_slice %arg5[%dma_wait3A_416, %dma_wait3A_422] : memref<10x128xi32, #tpu.memory_space<vmem>> -> memref<1x128xi32, #tpu.memory_space<vmem>>
    %dma_wait3A_424 = tpu.memref_squeeze %dma_wait3A_423 : memref<1x128xi32, #tpu.memory_space<vmem>> -> memref<128xi32, #tpu.memory_space<vmem>>
    %dma_wait3A_425 = arith.constant 0 : i32
    %dma_wait3A_426 = arith.constant 0 : i32
    %dma_wait3A_427 = tpu.memref_slice %arg3[%dma_wait3A_425, %dma_wait3A_426] : memref<1000000x128xf32, #tpu.memory_space<hbm>> -> memref<1000000x128xf32, #tpu.memory_space<hbm>>
    tpu.wait_indirect_dma semaphore(%arg7 : memref<!tpu.dma_semaphore, #tpu.memory_space<semaphore_mem>>) src(%dma_wait3A_427 : memref<1000000x128xf32, #tpu.memory_space<hbm>>) dst(%dma_wait3A_421 : memref<128x128xf32, #tpu.memory_space<vmem>>)
    %add3A_428 = arith.constant 1152 : i32
    %add3A_429 = arith.addi %mul3A_2, %add3A_428 : i32
    %dma_start3A_430 = arith.constant 3 : i32
    %dma_start3A_431 = arith.constant 0 : i32
    %dma_start3A_432 = arith.constant 0 : i32
    %dma_start3A_433 = tpu.memref_slice %arg6[%dma_start3A_430, %dma_start3A_431, %dma_start3A_432] : memref<6x128x128xf32, #tpu.memory_space<vmem>> -> memref<1x128x128xf32, #tpu.memory_space<vmem>>
    %dma_start3A_434 = tpu.memref_squeeze %dma_start3A_433 : memref<1x128x128xf32, #tpu.memory_space<vmem>> -> memref<128x128xf32, #tpu.memory_space<vmem>>
    %dma_start3A_435 = arith.constant 0 : i32
    %dma_start3A_436 = tpu.memref_slice %arg4[%add3A_429, %dma_start3A_435] : memref<40960x128xf32, #tpu.memory_space<hbm>> -> memref<128x128xf32, #tpu.memory_space<hbm>>
    %dma_start3A_437 = arith.constant 0 : i32
    %dma_start3A_438 = tpu.memref_slice %arg4[%add3A_429, %dma_start3A_437] : memref<40960x128xf32, #tpu.memory_space<hbm>> -> memref<128x128xf32, #tpu.memory_space<hbm>>
    %dma_start3A_439 = arith.constant 0 : i32
    %dma_start3A_440 = arith.constant 0 : i32
    %dma_start3A_441 = tpu.memref_slice %arg6[%dma_start3A_430, %dma_start3A_439, %dma_start3A_440] : memref<6x128x128xf32, #tpu.memory_space<vmem>> -> memref<1x128x128xf32, #tpu.memory_space<vmem>>
    %dma_start3A_442 = tpu.memref_squeeze %dma_start3A_441 : memref<1x128x128xf32, #tpu.memory_space<vmem>> -> memref<128x128xf32, #tpu.memory_space<vmem>>
    tpu.enqueue_dma source(%dma_start3A_442 : memref<128x128xf32, #tpu.memory_space<vmem>>) target(%dma_start3A_438 : memref<128x128xf32, #tpu.memory_space<hbm>>) target_semaphore(%arg8 : memref<!tpu.dma_semaphore, #tpu.memory_space<semaphore_mem>>)
    %dma_wait3A_443 = arith.constant 4 : i32
    %dma_wait3A_444 = arith.constant 0 : i32
    %dma_wait3A_445 = arith.constant 0 : i32
    %dma_wait3A_446 = tpu.memref_slice %arg6[%dma_wait3A_443, %dma_wait3A_444, %dma_wait3A_445] : memref<6x128x128xf32, #tpu.memory_space<vmem>> -> memref<1x128x128xf32, #tpu.memory_space<vmem>>
    %dma_wait3A_447 = tpu.memref_squeeze %dma_wait3A_446 : memref<1x128x128xf32, #tpu.memory_space<vmem>> -> memref<128x128xf32, #tpu.memory_space<vmem>>
    %dma_wait3A_448 = arith.constant 0 : i32
    %dma_wait3A_449 = tpu.memref_slice %arg4[%add3A_294, %dma_wait3A_448] : memref<40960x128xf32, #tpu.memory_space<hbm>> -> memref<128x128xf32, #tpu.memory_space<hbm>>
    %dma_wait3A_450 = arith.constant 0 : i32
    %dma_wait3A_451 = tpu.memref_slice %arg4[%add3A_294, %dma_wait3A_450] : memref<40960x128xf32, #tpu.memory_space<hbm>> -> memref<128x128xf32, #tpu.memory_space<hbm>>
    %dma_wait3A_452 = arith.constant 0 : i32
    %dma_wait3A_453 = arith.constant 0 : i32
    %dma_wait3A_454 = tpu.memref_slice %arg6[%dma_wait3A_443, %dma_wait3A_452, %dma_wait3A_453] : memref<6x128x128xf32, #tpu.memory_space<vmem>> -> memref<1x128x128xf32, #tpu.memory_space<vmem>>
    %dma_wait3A_455 = tpu.memref_squeeze %dma_wait3A_454 : memref<1x128x128xf32, #tpu.memory_space<vmem>> -> memref<128x128xf32, #tpu.memory_space<vmem>>
    tpu.wait_dma2 semaphore(%arg8 : memref<!tpu.dma_semaphore, #tpu.memory_space<semaphore_mem>>) src(%dma_wait3A_455 : memref<128x128xf32, #tpu.memory_space<vmem>>) dst(%dma_wait3A_451 : memref<128x128xf32, #tpu.memory_space<hbm>>)
    %dma_wait3A_456 = arith.constant 5 : i32
    %dma_wait3A_457 = arith.constant 0 : i32
    %dma_wait3A_458 = arith.constant 0 : i32
    %dma_wait3A_459 = tpu.memref_slice %arg6[%dma_wait3A_456, %dma_wait3A_457, %dma_wait3A_458] : memref<6x128x128xf32, #tpu.memory_space<vmem>> -> memref<1x128x128xf32, #tpu.memory_space<vmem>>
    %dma_wait3A_460 = tpu.memref_squeeze %dma_wait3A_459 : memref<1x128x128xf32, #tpu.memory_space<vmem>> -> memref<128x128xf32, #tpu.memory_space<vmem>>
    %dma_wait3A_461 = arith.constant 0 : i32
    %dma_wait3A_462 = tpu.memref_slice %arg4[%add3A_321, %dma_wait3A_461] : memref<40960x128xf32, #tpu.memory_space<hbm>> -> memref<128x128xf32, #tpu.memory_space<hbm>>
    %dma_wait3A_463 = arith.constant 0 : i32
    %dma_wait3A_464 = tpu.memref_slice %arg4[%add3A_321, %dma_wait3A_463] : memref<40960x128xf32, #tpu.memory_space<hbm>> -> memref<128x128xf32, #tpu.memory_space<hbm>>
    %dma_wait3A_465 = arith.constant 0 : i32
    %dma_wait3A_466 = arith.constant 0 : i32
    %dma_wait3A_467 = tpu.memref_slice %arg6[%dma_wait3A_456, %dma_wait3A_465, %dma_wait3A_466] : memref<6x128x128xf32, #tpu.memory_space<vmem>> -> memref<1x128x128xf32, #tpu.memory_space<vmem>>
    %dma_wait3A_468 = tpu.memref_squeeze %dma_wait3A_467 : memref<1x128x128xf32, #tpu.memory_space<vmem>> -> memref<128x128xf32, #tpu.memory_space<vmem>>
    tpu.wait_dma2 semaphore(%arg8 : memref<!tpu.dma_semaphore, #tpu.memory_space<semaphore_mem>>) src(%dma_wait3A_468 : memref<128x128xf32, #tpu.memory_space<vmem>>) dst(%dma_wait3A_464 : memref<128x128xf32, #tpu.memory_space<hbm>>)
    %dma_wait3A_469 = arith.constant 0 : i32
    %dma_wait3A_470 = arith.constant 0 : i32
    %dma_wait3A_471 = arith.constant 0 : i32
    %dma_wait3A_472 = tpu.memref_slice %arg6[%dma_wait3A_469, %dma_wait3A_470, %dma_wait3A_471] : memref<6x128x128xf32, #tpu.memory_space<vmem>> -> memref<1x128x128xf32, #tpu.memory_space<vmem>>
    %dma_wait3A_473 = tpu.memref_squeeze %dma_wait3A_472 : memref<1x128x128xf32, #tpu.memory_space<vmem>> -> memref<128x128xf32, #tpu.memory_space<vmem>>
    %dma_wait3A_474 = arith.constant 0 : i32
    %dma_wait3A_475 = tpu.memref_slice %arg4[%add3A_348, %dma_wait3A_474] : memref<40960x128xf32, #tpu.memory_space<hbm>> -> memref<128x128xf32, #tpu.memory_space<hbm>>
    %dma_wait3A_476 = arith.constant 0 : i32
    %dma_wait3A_477 = tpu.memref_slice %arg4[%add3A_348, %dma_wait3A_476] : memref<40960x128xf32, #tpu.memory_space<hbm>> -> memref<128x128xf32, #tpu.memory_space<hbm>>
    %dma_wait3A_478 = arith.constant 0 : i32
    %dma_wait3A_479 = arith.constant 0 : i32
    %dma_wait3A_480 = tpu.memref_slice %arg6[%dma_wait3A_469, %dma_wait3A_478, %dma_wait3A_479] : memref<6x128x128xf32, #tpu.memory_space<vmem>> -> memref<1x128x128xf32, #tpu.memory_space<vmem>>
    %dma_wait3A_481 = tpu.memref_squeeze %dma_wait3A_480 : memref<1x128x128xf32, #tpu.memory_space<vmem>> -> memref<128x128xf32, #tpu.memory_space<vmem>>
    tpu.wait_dma2 semaphore(%arg8 : memref<!tpu.dma_semaphore, #tpu.memory_space<semaphore_mem>>) src(%dma_wait3A_481 : memref<128x128xf32, #tpu.memory_space<vmem>>) dst(%dma_wait3A_477 : memref<128x128xf32, #tpu.memory_space<hbm>>)
    %dma_wait3A_482 = arith.constant 1 : i32
    %dma_wait3A_483 = arith.constant 0 : i32
    %dma_wait3A_484 = arith.constant 0 : i32
    %dma_wait3A_485 = tpu.memref_slice %arg6[%dma_wait3A_482, %dma_wait3A_483, %dma_wait3A_484] : memref<6x128x128xf32, #tpu.memory_space<vmem>> -> memref<1x128x128xf32, #tpu.memory_space<vmem>>
    %dma_wait3A_486 = tpu.memref_squeeze %dma_wait3A_485 : memref<1x128x128xf32, #tpu.memory_space<vmem>> -> memref<128x128xf32, #tpu.memory_space<vmem>>
    %dma_wait3A_487 = arith.constant 0 : i32
    %dma_wait3A_488 = tpu.memref_slice %arg4[%add3A_375, %dma_wait3A_487] : memref<40960x128xf32, #tpu.memory_space<hbm>> -> memref<128x128xf32, #tpu.memory_space<hbm>>
    %dma_wait3A_489 = arith.constant 0 : i32
    %dma_wait3A_490 = tpu.memref_slice %arg4[%add3A_375, %dma_wait3A_489] : memref<40960x128xf32, #tpu.memory_space<hbm>> -> memref<128x128xf32, #tpu.memory_space<hbm>>
    %dma_wait3A_491 = arith.constant 0 : i32
    %dma_wait3A_492 = arith.constant 0 : i32
    %dma_wait3A_493 = tpu.memref_slice %arg6[%dma_wait3A_482, %dma_wait3A_491, %dma_wait3A_492] : memref<6x128x128xf32, #tpu.memory_space<vmem>> -> memref<1x128x128xf32, #tpu.memory_space<vmem>>
    %dma_wait3A_494 = tpu.memref_squeeze %dma_wait3A_493 : memref<1x128x128xf32, #tpu.memory_space<vmem>> -> memref<128x128xf32, #tpu.memory_space<vmem>>
    tpu.wait_dma2 semaphore(%arg8 : memref<!tpu.dma_semaphore, #tpu.memory_space<semaphore_mem>>) src(%dma_wait3A_494 : memref<128x128xf32, #tpu.memory_space<vmem>>) dst(%dma_wait3A_490 : memref<128x128xf32, #tpu.memory_space<hbm>>)
    %dma_wait3A_495 = arith.constant 2 : i32
    %dma_wait3A_496 = arith.constant 0 : i32
    %dma_wait3A_497 = arith.constant 0 : i32
    %dma_wait3A_498 = tpu.memref_slice %arg6[%dma_wait3A_495, %dma_wait3A_496, %dma_wait3A_497] : memref<6x128x128xf32, #tpu.memory_space<vmem>> -> memref<1x128x128xf32, #tpu.memory_space<vmem>>
    %dma_wait3A_499 = tpu.memref_squeeze %dma_wait3A_498 : memref<1x128x128xf32, #tpu.memory_space<vmem>> -> memref<128x128xf32, #tpu.memory_space<vmem>>
    %dma_wait3A_500 = arith.constant 0 : i32
    %dma_wait3A_501 = tpu.memref_slice %arg4[%add3A_402, %dma_wait3A_500] : memref<40960x128xf32, #tpu.memory_space<hbm>> -> memref<128x128xf32, #tpu.memory_space<hbm>>
    %dma_wait3A_502 = arith.constant 0 : i32
    %dma_wait3A_503 = tpu.memref_slice %arg4[%add3A_402, %dma_wait3A_502] : memref<40960x128xf32, #tpu.memory_space<hbm>> -> memref<128x128xf32, #tpu.memory_space<hbm>>
    %dma_wait3A_504 = arith.constant 0 : i32
    %dma_wait3A_505 = arith.constant 0 : i32
    %dma_wait3A_506 = tpu.memref_slice %arg6[%dma_wait3A_495, %dma_wait3A_504, %dma_wait3A_505] : memref<6x128x128xf32, #tpu.memory_space<vmem>> -> memref<1x128x128xf32, #tpu.memory_space<vmem>>
    %dma_wait3A_507 = tpu.memref_squeeze %dma_wait3A_506 : memref<1x128x128xf32, #tpu.memory_space<vmem>> -> memref<128x128xf32, #tpu.memory_space<vmem>>
    tpu.wait_dma2 semaphore(%arg8 : memref<!tpu.dma_semaphore, #tpu.memory_space<semaphore_mem>>) src(%dma_wait3A_507 : memref<128x128xf32, #tpu.memory_space<vmem>>) dst(%dma_wait3A_503 : memref<128x128xf32, #tpu.memory_space<hbm>>)
    %dma_wait3A_508 = arith.constant 3 : i32
    %dma_wait3A_509 = arith.constant 0 : i32
    %dma_wait3A_510 = arith.constant 0 : i32
    %dma_wait3A_511 = tpu.memref_slice %arg6[%dma_wait3A_508, %dma_wait3A_509, %dma_wait3A_510] : memref<6x128x128xf32, #tpu.memory_space<vmem>> -> memref<1x128x128xf32, #tpu.memory_space<vmem>>
    %dma_wait3A_512 = tpu.memref_squeeze %dma_wait3A_511 : memref<1x128x128xf32, #tpu.memory_space<vmem>> -> memref<128x128xf32, #tpu.memory_space<vmem>>
    %dma_wait3A_513 = arith.constant 0 : i32
    %dma_wait3A_514 = tpu.memref_slice %arg4[%add3A_429, %dma_wait3A_513] : memref<40960x128xf32, #tpu.memory_space<hbm>> -> memref<128x128xf32, #tpu.memory_space<hbm>>
    %dma_wait3A_515 = arith.constant 0 : i32
    %dma_wait3A_516 = tpu.memref_slice %arg4[%add3A_429, %dma_wait3A_515] : memref<40960x128xf32, #tpu.memory_space<hbm>> -> memref<128x128xf32, #tpu.memory_space<hbm>>
    %dma_wait3A_517 = arith.constant 0 : i32
    %dma_wait3A_518 = arith.constant 0 : i32
    %dma_wait3A_519 = tpu.memref_slice %arg6[%dma_wait3A_508, %dma_wait3A_517, %dma_wait3A_518] : memref<6x128x128xf32, #tpu.memory_space<vmem>> -> memref<1x128x128xf32, #tpu.memory_space<vmem>>
    %dma_wait3A_520 = tpu.memref_squeeze %dma_wait3A_519 : memref<1x128x128xf32, #tpu.memory_space<vmem>> -> memref<128x128xf32, #tpu.memory_space<vmem>>
    tpu.wait_dma2 semaphore(%arg8 : memref<!tpu.dma_semaphore, #tpu.memory_space<semaphore_mem>>) src(%dma_wait3A_520 : memref<128x128xf32, #tpu.memory_space<vmem>>) dst(%dma_wait3A_516 : memref<128x128xf32, #tpu.memory_space<hbm>>)
    return
  }
}

module attributes {stable_mosaic.version = 14 : i64} {
  func.func @_mm_body(%arg0: i32, %arg1: memref<204800x128xf32, #tpu.memory_space<any>>, %arg2: memref<4096x128xf32, #tpu.memory_space<vmem>>, %arg3: memref<128x128xbf16, #tpu.memory_space<vmem>>, %arg4: memref<1x128xf32, #tpu.memory_space<vmem>>, %arg5: memref<4096x128xf32, #tpu.memory_space<vmem>>) attributes {dimension_semantics = [#tpu.dimension_semantics<arbitrary>], iteration_bounds = array<i64: 10>, scalar_prefetch = 0 : i64, scratch_operands = 0 : i64, tpu.core_type = #tpu.core_type<tc>, window_params = [{}, {transform_indices = @transform_1, window_bounds = array<i64: 4096, 128>}, {pipeline_mode = #tpu.pipeline_mode<synchronous>, transform_indices = @transform_2, window_bounds = array<i64: 128, 128>}, {pipeline_mode = #tpu.pipeline_mode<synchronous>, transform_indices = @transform_3, window_bounds = array<i64: 1, 128>}, {transform_indices = @transform_4, window_bounds = array<i64: 4096, 128>}]} {
    %get3A = arith.constant 0 : index
    %get3A_0 = arith.constant 0 : index
    %get3A_1 = vector.load %arg2[%get3A, %get3A_0] : memref<4096x128xf32, #tpu.memory_space<vmem>>, vector<4096x128xf32>
    %convert_element_type3A = arith.truncf %get3A_1 : vector<4096x128xf32> to vector<4096x128xbf16>
    %get3A_2 = arith.constant 0 : index
    %get3A_3 = arith.constant 0 : index
    %get3A_4 = vector.load %arg3[%get3A_2, %get3A_3] : memref<128x128xbf16, #tpu.memory_space<vmem>>, vector<128x128xbf16>
    %dot_general3A = arith.constant dense<0.000000e+00> : vector<4096x128xf32>
    %dot_general3A_5 = tpu.matmul %convert_element_type3A, %get3A_4, %dot_general3A {dimension_numbers = #tpu.dot_dimension_numbers<[1], [0], [0], [1], [0, 0, 1, 1], [], []>, transpose_lhs_hint = false} : vector<4096x128xbf16>, vector<128x128xbf16>, vector<4096x128xf32> -> vector<4096x128xf32>
    %get3A_6 = arith.constant 0 : index
    %get3A_7 = arith.constant 0 : index
    %get3A_8 = vector.load %arg4[%get3A_6, %get3A_7] : memref<1x128xf32, #tpu.memory_space<vmem>>, vector<1x128xf32>
    %add3A = vector.broadcast %get3A_8 : vector<1x128xf32> to vector<4096x128xf32>
    %add3A_9 = arith.addf %dot_general3A_5, %add3A : vector<4096x128xf32>
    %swap3A = arith.constant 0 : index
    %swap3A_10 = arith.constant 0 : index
    %swap3A_11 = vector.load %arg5[%swap3A, %swap3A_10] : memref<4096x128xf32, #tpu.memory_space<vmem>>, vector<4096x128xf32>
    tpu.vector_store %arg5[%swap3A, %swap3A_10], %add3A_9 {strides = array<i32>} : memref<4096x128xf32, #tpu.memory_space<vmem>>, vector<4096x128xf32>,
    return
  }
  func.func @transform_1(%arg0: i32) -> (i32, i32) {
    %c0_i32 = arith.constant 0 : i32
    %c0_i32_0 = arith.constant 0 : i32
    return %arg0, %c0_i32 : i32, i32
  }
  func.func @transform_2(%arg0: i32) -> (i32, i32) {
    %c0_i32 = arith.constant 0 : i32
    %c0_i32_0 = arith.constant 0 : i32
    %c0_i32_1 = arith.constant 0 : i32
    return %c0_i32, %c0_i32_0 : i32, i32
  }
  func.func @transform_3(%arg0: i32) -> (i32, i32) {
    %c0_i32 = arith.constant 0 : i32
    %c0_i32_0 = arith.constant 0 : i32
    %c0_i32_1 = arith.constant 0 : i32
    return %c0_i32, %c0_i32_0 : i32, i32
  }
  func.func @transform_4(%arg0: i32) -> (i32, i32) {
    %add3A = arith.constant 20 : i32
    %add3A_0 = arith.addi %add3A, %arg0 : i32
    %c0_i32 = arith.constant 0 : i32
    %c0_i32_1 = arith.constant 0 : i32
    return %add3A_0, %c0_i32 : i32, i32
  }
}

module attributes {stable_mosaic.version = 14 : i64} {
  func.func @_mm_body(%arg0: i32, %arg1: memref<204800x128xf32, #tpu.memory_space<any>>, %arg2: memref<4096x128xf32, #tpu.memory_space<vmem>>, %arg3: memref<128x128xbf16, #tpu.memory_space<vmem>>, %arg4: memref<1x128xf32, #tpu.memory_space<vmem>>, %arg5: memref<4096x128xf32, #tpu.memory_space<vmem>>) attributes {dimension_semantics = [#tpu.dimension_semantics<arbitrary>], iteration_bounds = array<i64: 10>, scalar_prefetch = 0 : i64, scratch_operands = 0 : i64, tpu.core_type = #tpu.core_type<tc>, window_params = [{}, {transform_indices = @transform_1, window_bounds = array<i64: 4096, 128>}, {pipeline_mode = #tpu.pipeline_mode<synchronous>, transform_indices = @transform_2, window_bounds = array<i64: 128, 128>}, {pipeline_mode = #tpu.pipeline_mode<synchronous>, transform_indices = @transform_3, window_bounds = array<i64: 1, 128>}, {transform_indices = @transform_4, window_bounds = array<i64: 4096, 128>}]} {
    %get3A = arith.constant 0 : index
    %get3A_0 = arith.constant 0 : index
    %get3A_1 = vector.load %arg2[%get3A, %get3A_0] : memref<4096x128xf32, #tpu.memory_space<vmem>>, vector<4096x128xf32>
    %convert_element_type3A = arith.truncf %get3A_1 : vector<4096x128xf32> to vector<4096x128xbf16>
    %get3A_2 = arith.constant 0 : index
    %get3A_3 = arith.constant 0 : index
    %get3A_4 = vector.load %arg3[%get3A_2, %get3A_3] : memref<128x128xbf16, #tpu.memory_space<vmem>>, vector<128x128xbf16>
    %dot_general3A = arith.constant dense<0.000000e+00> : vector<4096x128xf32>
    %dot_general3A_5 = tpu.matmul %convert_element_type3A, %get3A_4, %dot_general3A {dimension_numbers = #tpu.dot_dimension_numbers<[1], [0], [0], [1], [0, 0, 1, 1], [], []>, transpose_lhs_hint = false} : vector<4096x128xbf16>, vector<128x128xbf16>, vector<4096x128xf32> -> vector<4096x128xf32>
    %get3A_6 = arith.constant 0 : index
    %get3A_7 = arith.constant 0 : index
    %get3A_8 = vector.load %arg4[%get3A_6, %get3A_7] : memref<1x128xf32, #tpu.memory_space<vmem>>, vector<1x128xf32>
    %add3A = vector.broadcast %get3A_8 : vector<1x128xf32> to vector<4096x128xf32>
    %add3A_9 = arith.addf %dot_general3A_5, %add3A : vector<4096x128xf32>
    %swap3A = arith.constant 0 : index
    %swap3A_10 = arith.constant 0 : index
    %swap3A_11 = vector.load %arg5[%swap3A, %swap3A_10] : memref<4096x128xf32, #tpu.memory_space<vmem>>, vector<4096x128xf32>
    tpu.vector_store %arg5[%swap3A, %swap3A_10], %add3A_9 {strides = array<i32>} : memref<4096x128xf32, #tpu.memory_space<vmem>>, vector<4096x128xf32>,
    return
  }
  func.func @transform_1(%arg0: i32) -> (i32, i32) {
    %c0_i32 = arith.constant 0 : i32
    %c0_i32_0 = arith.constant 0 : i32
    return %arg0, %c0_i32 : i32, i32
  }
  func.func @transform_2(%arg0: i32) -> (i32, i32) {
    %c0_i32 = arith.constant 0 : i32
    %c0_i32_0 = arith.constant 0 : i32
    %c0_i32_1 = arith.constant 0 : i32
    return %c0_i32, %c0_i32_0 : i32, i32
  }
  func.func @transform_3(%arg0: i32) -> (i32, i32) {
    %c0_i32 = arith.constant 0 : i32
    %c0_i32_0 = arith.constant 0 : i32
    %c0_i32_1 = arith.constant 0 : i32
    return %c0_i32, %c0_i32_0 : i32, i32
  }
  func.func @transform_4(%arg0: i32) -> (i32, i32) {
    %add3A = arith.constant 10 : i32
    %add3A_0 = arith.addi %add3A, %arg0 : i32
    %c0_i32 = arith.constant 0 : i32
    %c0_i32_1 = arith.constant 0 : i32
    return %add3A_0, %c0_i32 : i32, i32
  }
}

module attributes {stable_mosaic.version = 14 : i64} {
  func.func @_mm_first_body(%arg0: i32, %arg1: memref<4096x128xf32, #tpu.memory_space<vmem>>, %arg2: memref<128x128xbf16, #tpu.memory_space<vmem>>, %arg3: memref<1x128xf32, #tpu.memory_space<vmem>>, %arg4: memref<4096x128xf32, #tpu.memory_space<vmem>>) attributes {dimension_semantics = [#tpu.dimension_semantics<arbitrary>], iteration_bounds = array<i64: 10>, scalar_prefetch = 0 : i64, scratch_operands = 0 : i64, tpu.core_type = #tpu.core_type<tc>, window_params = [{transform_indices = @transform_0, window_bounds = array<i64: 4096, 128>}, {pipeline_mode = #tpu.pipeline_mode<synchronous>, transform_indices = @transform_1, window_bounds = array<i64: 128, 128>}, {pipeline_mode = #tpu.pipeline_mode<synchronous>, transform_indices = @transform_2, window_bounds = array<i64: 1, 128>}, {transform_indices = @transform_3, window_bounds = array<i64: 4096, 128>}]} {
    %get3A = arith.constant 0 : index
    %get3A_0 = arith.constant 0 : index
    %get3A_1 = vector.load %arg1[%get3A, %get3A_0] : memref<4096x128xf32, #tpu.memory_space<vmem>>, vector<4096x128xf32>
    %convert_element_type3A = arith.truncf %get3A_1 : vector<4096x128xf32> to vector<4096x128xbf16>
    %get3A_2 = arith.constant 0 : index
    %get3A_3 = arith.constant 0 : index
    %get3A_4 = vector.load %arg2[%get3A_2, %get3A_3] : memref<128x128xbf16, #tpu.memory_space<vmem>>, vector<128x128xbf16>
    %dot_general3A = arith.constant dense<0.000000e+00> : vector<4096x128xf32>
    %dot_general3A_5 = tpu.matmul %convert_element_type3A, %get3A_4, %dot_general3A {dimension_numbers = #tpu.dot_dimension_numbers<[1], [0], [0], [1], [0, 0, 1, 1], [], []>, transpose_lhs_hint = false} : vector<4096x128xbf16>, vector<128x128xbf16>, vector<4096x128xf32> -> vector<4096x128xf32>
    %get3A_6 = arith.constant 0 : index
    %get3A_7 = arith.constant 0 : index
    %get3A_8 = vector.load %arg3[%get3A_6, %get3A_7] : memref<1x128xf32, #tpu.memory_space<vmem>>, vector<1x128xf32>
    %add3A = vector.broadcast %get3A_8 : vector<1x128xf32> to vector<4096x128xf32>
    %add3A_9 = arith.addf %dot_general3A_5, %add3A : vector<4096x128xf32>
    %swap3A = arith.constant 0 : index
    %swap3A_10 = arith.constant 0 : index
    %swap3A_11 = vector.load %arg4[%swap3A, %swap3A_10] : memref<4096x128xf32, #tpu.memory_space<vmem>>, vector<4096x128xf32>
    tpu.vector_store %arg4[%swap3A, %swap3A_10], %add3A_9 {strides = array<i32>} : memref<4096x128xf32, #tpu.memory_space<vmem>>, vector<4096x128xf32>,
    return
  }
  func.func @transform_0(%arg0: i32) -> (i32, i32) {
    %c0_i32 = arith.constant 0 : i32
    %c0_i32_0 = arith.constant 0 : i32
    return %arg0, %c0_i32 : i32, i32
  }
  func.func @transform_1(%arg0: i32) -> (i32, i32) {
    %c0_i32 = arith.constant 0 : i32
    %c0_i32_0 = arith.constant 0 : i32
    %c0_i32_1 = arith.constant 0 : i32
    return %c0_i32, %c0_i32_0 : i32, i32
  }
  func.func @transform_2(%arg0: i32) -> (i32, i32) {
    %c0_i32 = arith.constant 0 : i32
    %c0_i32_0 = arith.constant 0 : i32
    %c0_i32_1 = arith.constant 0 : i32
    return %c0_i32, %c0_i32_0 : i32, i32
  }
  func.func @transform_3(%arg0: i32) -> (i32, i32) {
    %c0_i32 = arith.constant 0 : i32
    %c0_i32_0 = arith.constant 0 : i32
    return %arg0, %c0_i32 : i32, i32
  }
}

module attributes {stable_mosaic.version = 14 : i64} {
  func.func @_mm_body(%arg0: i32, %arg1: memref<204800x128xf32, #tpu.memory_space<any>>, %arg2: memref<4096x128xf32, #tpu.memory_space<vmem>>, %arg3: memref<128x128xbf16, #tpu.memory_space<vmem>>, %arg4: memref<1x128xf32, #tpu.memory_space<vmem>>, %arg5: memref<4096x128xf32, #tpu.memory_space<vmem>>) attributes {dimension_semantics = [#tpu.dimension_semantics<arbitrary>], iteration_bounds = array<i64: 10>, scalar_prefetch = 0 : i64, scratch_operands = 0 : i64, tpu.core_type = #tpu.core_type<tc>, window_params = [{}, {transform_indices = @transform_1, window_bounds = array<i64: 4096, 128>}, {pipeline_mode = #tpu.pipeline_mode<synchronous>, transform_indices = @transform_2, window_bounds = array<i64: 128, 128>}, {pipeline_mode = #tpu.pipeline_mode<synchronous>, transform_indices = @transform_3, window_bounds = array<i64: 1, 128>}, {transform_indices = @transform_4, window_bounds = array<i64: 4096, 128>}]} {
    %get3A = arith.constant 0 : index
    %get3A_0 = arith.constant 0 : index
    %get3A_1 = vector.load %arg2[%get3A, %get3A_0] : memref<4096x128xf32, #tpu.memory_space<vmem>>, vector<4096x128xf32>
    %convert_element_type3A = arith.truncf %get3A_1 : vector<4096x128xf32> to vector<4096x128xbf16>
    %get3A_2 = arith.constant 0 : index
    %get3A_3 = arith.constant 0 : index
    %get3A_4 = vector.load %arg3[%get3A_2, %get3A_3] : memref<128x128xbf16, #tpu.memory_space<vmem>>, vector<128x128xbf16>
    %dot_general3A = arith.constant dense<0.000000e+00> : vector<4096x128xf32>
    %dot_general3A_5 = tpu.matmul %convert_element_type3A, %get3A_4, %dot_general3A {dimension_numbers = #tpu.dot_dimension_numbers<[1], [0], [0], [1], [0, 0, 1, 1], [], []>, transpose_lhs_hint = false} : vector<4096x128xbf16>, vector<128x128xbf16>, vector<4096x128xf32> -> vector<4096x128xf32>
    %get3A_6 = arith.constant 0 : index
    %get3A_7 = arith.constant 0 : index
    %get3A_8 = vector.load %arg4[%get3A_6, %get3A_7] : memref<1x128xf32, #tpu.memory_space<vmem>>, vector<1x128xf32>
    %add3A = vector.broadcast %get3A_8 : vector<1x128xf32> to vector<4096x128xf32>
    %add3A_9 = arith.addf %dot_general3A_5, %add3A : vector<4096x128xf32>
    %swap3A = arith.constant 0 : index
    %swap3A_10 = arith.constant 0 : index
    %swap3A_11 = vector.load %arg5[%swap3A, %swap3A_10] : memref<4096x128xf32, #tpu.memory_space<vmem>>, vector<4096x128xf32>
    tpu.vector_store %arg5[%swap3A, %swap3A_10], %add3A_9 {strides = array<i32>} : memref<4096x128xf32, #tpu.memory_space<vmem>>, vector<4096x128xf32>,
    return
  }
  func.func @transform_1(%arg0: i32) -> (i32, i32) {
    %c0_i32 = arith.constant 0 : i32
    %c0_i32_0 = arith.constant 0 : i32
    return %arg0, %c0_i32 : i32, i32
  }
  func.func @transform_2(%arg0: i32) -> (i32, i32) {
    %c0_i32 = arith.constant 0 : i32
    %c0_i32_0 = arith.constant 0 : i32
    %c0_i32_1 = arith.constant 0 : i32
    return %c0_i32, %c0_i32_0 : i32, i32
  }
  func.func @transform_3(%arg0: i32) -> (i32, i32) {
    %c0_i32 = arith.constant 0 : i32
    %c0_i32_0 = arith.constant 0 : i32
    %c0_i32_1 = arith.constant 0 : i32
    return %c0_i32, %c0_i32_0 : i32, i32
  }
  func.func @transform_4(%arg0: i32) -> (i32, i32) {
    %add3A = arith.constant 30 : i32
    %add3A_0 = arith.addi %add3A, %arg0 : i32
    %c0_i32 = arith.constant 0 : i32
    %c0_i32_1 = arith.constant 0 : i32
    return %add3A_0, %c0_i32 : i32, i32
  }
}

module attributes {stable_mosaic.version = 14 : i64} {
  func.func @_mm_body(%arg0: i32, %arg1: memref<204800x128xf32, #tpu.memory_space<any>>, %arg2: memref<4096x128xf32, #tpu.memory_space<vmem>>, %arg3: memref<128x128xbf16, #tpu.memory_space<vmem>>, %arg4: memref<1x128xf32, #tpu.memory_space<vmem>>, %arg5: memref<4096x128xf32, #tpu.memory_space<vmem>>) attributes {dimension_semantics = [#tpu.dimension_semantics<arbitrary>], iteration_bounds = array<i64: 10>, scalar_prefetch = 0 : i64, scratch_operands = 0 : i64, tpu.core_type = #tpu.core_type<tc>, window_params = [{}, {transform_indices = @transform_1, window_bounds = array<i64: 4096, 128>}, {pipeline_mode = #tpu.pipeline_mode<synchronous>, transform_indices = @transform_2, window_bounds = array<i64: 128, 128>}, {pipeline_mode = #tpu.pipeline_mode<synchronous>, transform_indices = @transform_3, window_bounds = array<i64: 1, 128>}, {transform_indices = @transform_4, window_bounds = array<i64: 4096, 128>}]} {
    %get3A = arith.constant 0 : index
    %get3A_0 = arith.constant 0 : index
    %get3A_1 = vector.load %arg2[%get3A, %get3A_0] : memref<4096x128xf32, #tpu.memory_space<vmem>>, vector<4096x128xf32>
    %convert_element_type3A = arith.truncf %get3A_1 : vector<4096x128xf32> to vector<4096x128xbf16>
    %get3A_2 = arith.constant 0 : index
    %get3A_3 = arith.constant 0 : index
    %get3A_4 = vector.load %arg3[%get3A_2, %get3A_3] : memref<128x128xbf16, #tpu.memory_space<vmem>>, vector<128x128xbf16>
    %dot_general3A = arith.constant dense<0.000000e+00> : vector<4096x128xf32>
    %dot_general3A_5 = tpu.matmul %convert_element_type3A, %get3A_4, %dot_general3A {dimension_numbers = #tpu.dot_dimension_numbers<[1], [0], [0], [1], [0, 0, 1, 1], [], []>, transpose_lhs_hint = false} : vector<4096x128xbf16>, vector<128x128xbf16>, vector<4096x128xf32> -> vector<4096x128xf32>
    %get3A_6 = arith.constant 0 : index
    %get3A_7 = arith.constant 0 : index
    %get3A_8 = vector.load %arg4[%get3A_6, %get3A_7] : memref<1x128xf32, #tpu.memory_space<vmem>>, vector<1x128xf32>
    %add3A = vector.broadcast %get3A_8 : vector<1x128xf32> to vector<4096x128xf32>
    %add3A_9 = arith.addf %dot_general3A_5, %add3A : vector<4096x128xf32>
    %swap3A = arith.constant 0 : index
    %swap3A_10 = arith.constant 0 : index
    %swap3A_11 = vector.load %arg5[%swap3A, %swap3A_10] : memref<4096x128xf32, #tpu.memory_space<vmem>>, vector<4096x128xf32>
    tpu.vector_store %arg5[%swap3A, %swap3A_10], %add3A_9 {strides = array<i32>} : memref<4096x128xf32, #tpu.memory_space<vmem>>, vector<4096x128xf32>,
    return
  }
  func.func @transform_1(%arg0: i32) -> (i32, i32) {
    %c0_i32 = arith.constant 0 : i32
    %c0_i32_0 = arith.constant 0 : i32
    return %arg0, %c0_i32 : i32, i32
  }
  func.func @transform_2(%arg0: i32) -> (i32, i32) {
    %c0_i32 = arith.constant 0 : i32
    %c0_i32_0 = arith.constant 0 : i32
    %c0_i32_1 = arith.constant 0 : i32
    return %c0_i32, %c0_i32_0 : i32, i32
  }
  func.func @transform_3(%arg0: i32) -> (i32, i32) {
    %c0_i32 = arith.constant 0 : i32
    %c0_i32_0 = arith.constant 0 : i32
    %c0_i32_1 = arith.constant 0 : i32
    return %c0_i32, %c0_i32_0 : i32, i32
  }
  func.func @transform_4(%arg0: i32) -> (i32, i32) {
    %add3A = arith.constant 40 : i32
    %add3A_0 = arith.addi %add3A, %arg0 : i32
    %c0_i32 = arith.constant 0 : i32
    %c0_i32_1 = arith.constant 0 : i32
    return %add3A_0, %c0_i32 : i32, i32
  }
}

</mosaic_0001>

<sc_bundles>
// kernel: kernel.12.cloned.1.call-start
scs
__scs_entry_jumppad:
0x0: {  	(pc) =	sbr.rel $0x88, $3  }
0x1: {  	(tag) =	ssettag $0x0;
	lr =	simm.s32 $0x1  }
0x2: {  	[smem:$0x3F9D] =	sst lr;
	_ =	strace $0xD0000000  }
0x3: {  	_ = 	snop  }
0x4: {  	_ = 	snop  }
0x5: {  	_ = 	snop  }
0x6: {  	_ = 	snop  }
0x7: {  	_ = 	snop  }
__scs_overlays_trampoline_lowered:
0x8: {  	[smem:$0x3FAC] =	sst s0  }
0x9: {  	[smem:$0x3FAD] =	sst s1  }
0xa: {  	[smem:$0x3FAE] =	sst s2  }
0xb: {  	[smem:$0x3FAF] =	sst s3  }
0xc: {  	[smem:$0x3FB0] =	sst s4  }
0xd: {  	[smem:$0x3FB1] =	sst s5  }
0xe: {  	[smem:$0x3FB2] =	sst s6  }
0xf: {  	[smem:$0x3FB3] =	sst s7  }
0x10: {  	[smem:$0x3FB4] =	sst s8  }
0x11: {  	[smem:$0x3FB5] =	sst s9;
	s0 =	simm.s32 @!p0 $0x0  }
0x12: {  	s1 =	sld [smem:$0x3F9B];
	s0 =	simm.s32 @p0 $0x1  }
0x13: {  	[smem:$0x3FB6] =	sst s0;
	s0 =	simm.s32 @!p1 $0x0  }
0x14: {  	s2 =	sld [smem:$0x3F9A];
	s0 =	simm.s32 @p1 $0x1  }
0x15: {  	[smem:$0x3FB7] =	sst s0;
	s0 =	simm.s32 @!p2 $0x0  }
0x16: {  	s3 =	sld [smem:$0x3FDB];
	s0 =	simm.s32 @p2 $0x1  }
0x17: {  	s4 =	simm.s32 $0x1BF5;
	[smem:$0x3FB9] =	sst s0  }
0x18: {  	s0 =	sld [smem:$0x3F9C];
	_ =	swait.ge [sflag:s4], $0x0  }
0x19: {  	s7 =	sld [smem:$0x3F9D]  }
0x1a: {  	s8 =	sadd.s32 $0xFFFFE003, lr  }
0x1b: {  	s9 =	sadd.s32 $0xFFFFFEF7, lr;
	s5 =	simm.s32 $0xFFFFFFFF;
	p2 =	slt.u32 s8, $0xFFFFF086  }
0x1c: {  	p1 =	slt.u32 s9, $0xF7A;
	s5 =	simm.s32 @!p2 $0x0  }
0x1d: {  	s5 =	simm.s32 @p1 $0x1;
	p0 =	seq.s32 s7, s2  }
0x1e: {  	s7 =	smul.u32 @!p0 $0xF7A, s2;
	p2 =	seq.s32 @!p0 s5, $0x0  }
0x1f: {  	s9 =	smul.u32 $0xF7A, s1;
	s8 =	simm.s32 @!p0 $0x1BF5;
	p2 =	por !p2, p0  }
0x20: {  	[sflag:s8] =	ssyncset.s32 @!p0 $0xFFFFF086;
	s6 =	sadd.s32 @!p0 s3, s7;
	s7 =	simm.s32 @!p0 $0x108  }
0x21: {  	s3 =	sadd.s32 s3, s9;
	s6 =	sadd.s32 @!p0 $0x88, s6;
	s7 =	simm.s32 @p2 $0x1082  }
0x22: {  	[simem:s7], [sflag:s8] =	dma.local @!p0 [hbm:s6], $0xF7A  }
0x23: {  	s9 =	sor.u32 $0xD0000000, s2;
	s6 =	simm.s32 $0x108;
	_ =	swait.ge @!p0 [sflag:s8], $0x0  }
0x24: {  	s3 =	sadd.s32 $0x88, s3;
	s6 =	simm.s32 @!p1 $0x1082;
	[sflag:s4] =	ssyncset.s32 $0xFFFFF086  }
0x25: {  	[simem:s6], [sflag:s4] =	dma.local [hbm:s3], $0xF7A  }
0x26: {  	[smem:$0x3F9D] =	sst s1;
	(tag) =	ssettag s2;
	_ =	strace s9  }
0x27: {  	s1 =	sld [smem:$0x3FAD]  }
0x28: {  	s2 =	sld [smem:$0x3FAE]  }
0x29: {  	s4 =	sld [smem:$0x3FB0]  }
0x2a: {  	p0 =	seq.s32 s5, $0x0;
	s5 =	sld [smem:$0x3FB1]  }
0x2b: {  	s6 =	sld [smem:$0x3FB2]  }
0x2c: {  	s7 =	sld [smem:$0x3FB3]  }
0x2d: {  	s3 =	simm.s32 $0x108;
	s8 =	sld [smem:$0x3FB4]  }
0x2e: {  	s3 =	simm.s32 @!p0 $0x1082;
	s9 =	sld [smem:$0x3FB5]  }
0x2f: {  	lr =	sadd.s32 s0, s3;
	s0 =	sld [smem:$0x3FAC]  }
0x30: {  	s3 =	sld [smem:$0x3FAF]  }
0x31: {  	[smem:$0x3FB8] =	sst s10  }
0x32: {  	s10 =	sld [smem:$0x3FB6];
	_ =	sdelay $0x3  }
0x33: {  	p0 =	seq.s32 s10, $0x1;
	s10 =	sld [smem:$0x3FB8];
	_ =	sdelay $0x3  }
0x34: {  	[smem:$0x3FB8] =	sst s10  }
0x35: {  	s10 =	sld [smem:$0x3FB7];
	_ =	sdelay $0x3  }
0x36: {  	p1 =	seq.s32 s10, $0x1;
	s10 =	sld [smem:$0x3FB8];
	_ =	sdelay $0x3  }
0x37: {  	[smem:$0x3FB8] =	sst s10  }
0x38: {  	s10 =	sld [smem:$0x3FB9]  }
0x39: {  	_ = 	snop;
	(pc) =	sbr.ind lr, $3  }
0x3a: {  	_ = 	snop  }
0x3b: {  	_ = 	snop  }
0x3c: {  	p2 =	seq.s32 s10, $0x1;
	s10 =	sld [smem:$0x3FB8]  }
0x3d: {  	_ =	shalt  }
0x3e: {  	_ =	shalt  }
0x3f: {  	_ =	shalt  }
0x40: {  	_ =	shalt  }
0x41: {  	_ =	shalt  }
0x42: {  	_ =	shalt  }
0x43: {  	_ =	shalt  }
0x44: {  	_ =	shalt  }
0x45: {  	_ =	shalt  }
0x46: {  	_ =	shalt  }
0x47: {  	_ =	shalt  }
0x48: {  	_ =	shalt  }
0x49: {  	_ =	shalt  }
0x4a: {  	_ =	shalt  }
0x4b: {  	_ =	shalt  }
0x4c: {  	_ =	shalt  }
0x4d: {  	_ =	shalt  }
0x4e: {  	_ =	shalt  }
0x4f: {  	_ =	shalt  }
0x50: {  	_ =	shalt  }
0x51: {  	_ =	shalt  }
0x52: {  	_ =	shalt  }
0x53: {  	_ =	shalt  }
0x54: {  	_ =	shalt  }
0x55: {  	_ =	shalt  }
0x56: {  	_ =	shalt  }
0x57: {  	_ =	shalt  }
0x58: {  	_ =	shalt  }
0x59: {  	_ =	shalt  }
0x5a: {  	_ =	shalt  }
0x5b: {  	_ =	shalt  }
0x5c: {  	_ =	shalt  }
0x5d: {  	_ =	shalt  }
0x5e: {  	_ =	shalt  }
0x5f: {  	_ =	shalt  }
0x60: {  	_ =	shalt  }
0x61: {  	_ =	shalt  }
0x62: {  	_ =	shalt  }
0x63: {  	_ =	shalt  }
0x64: {  	_ =	shalt  }
0x65: {  	_ =	shalt  }
0x66: {  	_ =	shalt  }
0x67: {  	_ =	shalt  }
0x68: {  	_ =	shalt  }
0x69: {  	_ =	shalt  }
0x6a: {  	_ =	shalt  }
0x6b: {  	_ =	shalt  }
0x6c: {  	_ =	shalt  }
0x6d: {  	_ =	shalt  }
0x6e: {  	_ =	shalt  }
0x6f: {  	_ =	shalt  }
0x70: {  	_ =	shalt  }
0x71: {  	_ =	shalt  }
0x72: {  	_ =	shalt  }
0x73: {  	_ =	shalt  }
0x74: {  	_ =	shalt  }
0x75: {  	_ =	shalt  }
0x76: {  	_ =	shalt  }
0x77: {  	_ =	shalt  }
0x78: {  	_ =	shalt  }
0x79: {  	_ =	shalt  }
0x7a: {  	_ =	shalt  }
0x7b: {  	_ =	shalt  }
0x7c: {  	_ =	shalt  }
0x7d: {  	_ =	shalt  }
0x7e: {  	_ =	shalt  }
0x7f: {  	_ =	shalt  }
0x80: {  	_ =	shalt  }
0x81: {  	_ =	shalt  }
0x82: {  	_ =	shalt  }
0x83: {  	_ =	shalt  }
0x84: {  	_ =	shalt  }
0x85: {  	_ =	shalt  }
0x86: {  	_ =	shalt  }
0x87: {  	_ =	shalt  }
.Lfunc_end0:
.L_simem_size_0:
called_computation_lowered:
.L_overlay_start_0:
0x88: {  	s2 =	sld [smem:$0x3FD9]  }
0x89: {  	s3 =	sld [smem:$0x3FFE];
	_ =	sdelay $0x1  }
0x8a: {  	s1 =	srdreg.scid  }
0x8b: {  	s0 =	sand.u32 $0x1, s1  }
0x8c: {  	s17 =	sshll.u32 s0, $0xA;
	s2 =	sadd.s32 s3, s2  }
0x8d: {  	s2 =	sadd.s32 s2, s17  }
0x8e: {  	[smem:$0x3FC4] =	sst s2  }
0x8f: {  	_ = 	snop  }
0x90: {  	s2 =	sld [smem:$0x3FC8]  }
0x91: {  	s18 =	sld [smem:$0x3FD0];
	(tm) =	ssettm $0x1  }
0x92: {  	s4 =	sld [smem:$0x3FFB];
	_ =	sdelay $0x3  }
0x93: {  	_ =	strace s4  }
0x94: {  	s4 =	sld [smem:$0x3FFC];
	_ =	sdelay $0x3  }
0x95: {  	_ =	strace s4  }
0x96: {  	s4 =	sld [smem:$0x3FFD];
	_ =	sdelay $0x3  }
0x97: {  	_ =	strace s4  }
0x98: {  	_ =	strace $0x8FFFFFFF  }
0x99: {  	s19 =	sld [smem:$0x3FDB];
	_ =	sdelay $0x1  }
0x9a: {  	s5 =	simm.s32 $_scs_section_size  }
0x9b: {  	s6 =	simm.s32 $_size__tile_overlayer_lowered;
	s7 =	simm.s32 $_tile_overlayer_lowered  }
0x9c: {  	s22 =	simm.s32 $0x1BFF;
	s21 =	sshll.u32 s7, $0x1;
	s4 =	sadd.s32 s5, s19  }
0x9d: {  	s8 =	simm.s32 $0x0;
	s20 =	sshll.u32 s6, $0x1;
	s6 =	sadd.s32 s21, s4  }
0x9e: {  	[timem:s8], [sflag:s22] =	dma.local [hbm:s6], s20  }
0x9f: {  	_ =	swait.ge [sflag:s22], s20  }
0xa0: {  	s5 =	ssub.s32 $0x0, s20;
	[sflag:s22] =	ssyncset.done $0x0  }
0xa1: {  	[sflag:s22] =	ssyncadd.s32 s5;
	_ =	sdelay $0x1  }
0xa2: {  	s23 =	simm.s32 $0x1B8B  }
0xa3: {  	_ =	swait.ge [sflag:s23], $0x1  }
0xa4: {  	[sflag:s23] =	ssyncset.done $0x0  }
0xa5: {  	s25 =	simm.s32 $0x1B8E;
	s24 =	sld [smem:$0x3FFE];
	[sflag:s23] =	ssyncadd.s32 $0xFFFFFFFF  }
0xa6: {  	s26 =	simm.s32 $execute0_lowered;
	[smem:$0x3FD2] =	sst s25  }
0xa7: {  	s6 =	sshll.u32 s26, $0x1;
	_ =	strace $0x80000046;
	[dreg:$0x1] =	wrdreg $0xFFFFFFFF  }
0xa8: {  	s28 =	simm.s32 $_size_execute0_lowered;
	s4 =	sadd.s32 s4, s6;
	[dreg:$0x0] =	wrdreg $0x0  }
0xa9: {  	s6 =	sshll.u32 s28, $0x1;
	[dreg:$0x2] =	wrdreg s4  }
0xaa: {  	[dreg:$0x3] =	wrdreg s6  }
0xab: {  	[dreg:$0x4] =	wrdreg $0xC0  }
0xac: {  	_ =	task [dreg:s8], $0x5FFFF  }
0xad: {  	[dreg:$0x1] =	wrdreg $0xFFFFFFFF  }
0xae: {  	[dreg:$0x0] =	wrdreg $0x60  }
0xaf: {  	[dreg:$0x2] =	wrdreg s24  }
0xb0: {  	[dreg:$0x3] =	wrdreg s2  }
0xb1: {  	[dreg:$0x4] =	wrdreg s18  }
0xb2: {  	[dreg:$0x5] =	wrdreg $0x9  }
0xb3: {  	_ =	task.clear_ibuf [dreg:s8], $0x6FFFF;
	_ =	strace $0x90000046  }
0xb4: {  	s29 =	simm.s32 $0x9;
	_ =	strace $0x80000048  }
0xb5: {  	_ =	swait.ge [sflag:s29], $0x1  }
0xb6: {  	[sflag:s29] =	ssyncadd.s32 $0xFFFFFFFF  }
0xb7: {  	_ =	strace $0x90000048  }
0xb8: {  	_ =	sfence  }
0xb9: {  	s30 =	sld [smem:$0x0];
	_ =	sdelay $0x2  }
0xba: {  	s31 =	sshll.u32 s1, $0xD;
	s1 =	sshrl.u32 s1, $0x2  }
0xbb: {  	s3 =	sand.u32 $0x4000, s31;
	s1 =	sadd.s32 s1, s30  }
0xbc: {  	s0 =	sor.u32 s3, s0;
	s1 =	sshll.u32 s1, $0x11  }
0xbd: {  	s0 =	sor.u32 s1, s0  }
0xbe: {  	s0 =	sadd.s32 $0x8F2B, s0  }
0xbf: {  	[sflag:s0] =	ssyncadd.remote.s32 $0x1  }
0xc0: {  	_ =	sfence.sel $0xFFFF  }
0xc1: {  	[dreg:$0x0] =	wrdreg $0xFFFFFFFF;
	(pc) =	sbr.abs _section_cstart, $3  }
0xc2: {  	[dreg:$0x1] =	wrdreg $0xFFFFFFFF  }
0xc3: {  	_ =	task.clear_ibuf [dreg:s8], $0x2FFFF;
	_ =	strace $0x9FFFFFFF  }
0xc4: {  	(tm) =	ssettm $0x7FFFFFFF  }
0xc5: {  	_ =	shalt  }
tec
execute0_lowered:
.L_overlay_start_1:
0x0: {  	(tag) =	ssettag $0x1  }
0x1: {  	s1 =	srdreg.scid;
	s0 =	stileid.u32  }
0x2: {  	s4 =	rddreg [dreg:$0x0];
	s1 =	sand.u32 $0x1, s1;
	s3 =	sshll.u32 s0, $0x1  }
0x3: {  	s2 =	rddreg [dreg:$0x1];
	s20 =	sor.u32 s1, s3  }
0x4: {  	s21 =	rddreg [dreg:$0x2];
	s5 =	sshll.u32 s20, $0x8  }
0x5: {  	s3 =	simm.s32 $0x0;
	s25 =	smul.u32 $0x5000, s20;
	s4 =	sadd.s32 s5, s4  }
0x6: {  	[smem:$0x7FF] =	sst s3;
	s4 =	sadd.s32 $0x2600, s4  }
0x7: {  	_ =	strace $0x80000047;
	[dreg:$0x4] =	wrdreg s4;
	s4 =	sadd.s32 s21, s25  }
0x8: {  	s6 =	rddreg [dreg:$0x4];
	s5 =	sadd.s32 $0x800, s4  }
0x9: {  	[dreg:$0x5] =	wrdreg s5;
	s5 =	simm.s32 $0x3  }
0xa: {  	[tilespmem:s3], [sflag:$0x3] =	stream.linear.gather [hbm4b:s6+s3], $0x500, $0x38;
	[tilespmem:$0x18800] =	vst v63  }
0xb: {  	_ =	swait.ge [sflag:s5], $0x500  }
0xc: {  	[sflag:s5] =	ssyncset.done $0x0  }
0xd: {  	s7 =	simm.s32 $0x800;
	s6 =	simm.s32 $0x80;
	[sflag:s5] =	ssyncadd.s32 $0xFFFFFB00  }
0xe: {  	[tilespmem:s7], [sflag:$0x1] =	stream.indirect.gather [hbm4b:s2+s6], $0x80, s3, s6, $0xb8;
	[tilespmem:$0x18800] =	vst v63  }
0xf: {  	s8 =	simm.s32 $0x4800  }
0x10: {  	[tilespmem:s8], [sflag:$0x1] =	stream.indirect.gather [hbm4b:s2+s6], $0x80, s6, s6, $0xb8;
	[tilespmem:$0x18800] =	vst v63  }
0x11: {  	s9 =	simm.s32 $0x100;
	s10 =	simm.s32 $0x8800  }
0x12: {  	[tilespmem:s10], [sflag:$0x1] =	stream.indirect.gather [hbm4b:s2+s6], $0x80, s9, s6, $0xb8;
	[tilespmem:$0x18800] =	vst v63  }
0x13: {  	s11 =	simm.s32 $0x180;
	s12 =	simm.s32 $0xC800  }
0x14: {  	[tilespmem:s12], [sflag:$0x1] =	stream.indirect.gather [hbm4b:s2+s6], $0x80, s11, s6, $0xb8;
	[tilespmem:$0x18800] =	vst v63  }
0x15: {  	s13 =	simm.s32 $0x200;
	s14 =	simm.s32 $0x10800  }
0x16: {  	[tilespmem:s14], [sflag:$0x1] =	stream.indirect.gather [hbm4b:s2+s6], $0x80, s13, s6, $0xb8;
	[tilespmem:$0x18800] =	vst v63  }
0x17: {  	s15 =	simm.s32 $0x280;
	s16 =	simm.s32 $0x14800;
	s17 =	simm.s32 $0x1  }
0x18: {  	[tilespmem:s16], [sflag:$0x1] =	stream.indirect.gather [hbm4b:s2+s6], $0x80, s15, s6, $0xb8;
	[tilespmem:$0x18800] =	vst v63  }
0x19: {  	_ =	swait.ge [sflag:s17], $0x4000  }
0x1a: {  	[sflag:s17] =	ssyncset.done $0x0  }
0x1b: {  	s18 =	simm.s32 $0x2;
	[sflag:s17] =	ssyncadd.s32 $0xFFFFC000  }
0x1c: {  	[hbm4b:s4+s3] =	stream.linear.scatter [tilespmem:s7], [sflag:$0x2], $0x4000, $0x38;
	[tilespmem:$0x18800] =	vst v63  }
0x1d: {  	_ =	swait.ge [sflag:s18], $0x4000  }
0x1e: {  	[sflag:s18] =	ssyncset.done $0x0  }
0x1f: {  	s19 =	simm.s32 $0x300;
	[sflag:s18] =	ssyncadd.s32 $0xFFFFC000  }
0x20: {  	[tilespmem:s7], [sflag:$0x1] =	stream.indirect.gather [hbm4b:s2+s6], $0x80, s19, s6, $0xb8;
	[tilespmem:$0x18800] =	vst v63  }
0x21: {  	_ =	swait.ge [sflag:s17], $0x4000  }
0x22: {  	[sflag:s17] =	ssyncset.done $0x0  }
0x23: {  	s22 =	rddreg [dreg:$0x5];
	[sflag:s17] =	ssyncadd.s32 $0xFFFFC000  }
0x24: {  	[hbm4b:s22+s3] =	stream.linear.scatter [tilespmem:s8], [sflag:$0x2], $0x4000, $0x38;
	[tilespmem:$0x18800] =	vst v63  }
0x25: {  	_ =	swait.ge [sflag:s18], $0x4000  }
0x26: {  	[sflag:s18] =	ssyncset.done $0x0  }
0x27: {  	s26 =	smul.u32 $0x28000, s20;
	s20 =	simm.s32 $0x380;
	[sflag:s18] =	ssyncadd.s32 $0xFFFFC000  }
0x28: {  	[tilespmem:s8], [sflag:$0x1] =	stream.indirect.gather [hbm4b:s2+s6], $0x80, s20, s6, $0xb8;
	[tilespmem:$0x18800] =	vst v63  }
0x29: {  	s22 =	sshrl.u32 s26, $0x3;
	_ =	swait.ge [sflag:s17], $0x4000  }
0x2a: {  	s31 =	sadd.s32 s21, s22;
	[sflag:s17] =	ssyncset.done $0x0  }
0x2b: {  	s21 =	sadd.s32 $0x1000, s31;
	[sflag:s17] =	ssyncadd.s32 $0xFFFFC000  }
0x2c: {  	[hbm4b:s21+s3] =	stream.linear.scatter [tilespmem:s10], [sflag:$0x2], $0x4000, $0x38;
	[tilespmem:$0x18800] =	vst v63  }
0x2d: {  	_ =	swait.ge [sflag:s18], $0x4000  }
0x2e: {  	[sflag:s18] =	ssyncset.done $0x0  }
0x2f: {  	s22 =	simm.s32 $0x400;
	[sflag:s18] =	ssyncadd.s32 $0xFFFFC000  }
0x30: {  	[tilespmem:s10], [sflag:$0x1] =	stream.indirect.gather [hbm4b:s2+s6], $0x80, s22, s6, $0xb8;
	[tilespmem:$0x18800] =	vst v63  }
0x31: {  	_ =	swait.ge [sflag:s17], $0x4000  }
0x32: {  	[sflag:s17] =	ssyncset.done $0x0  }
0x33: {  	s23 =	sadd.s32 $0x1800, s31;
	[sflag:s17] =	ssyncadd.s32 $0xFFFFC000  }
0x34: {  	[hbm4b:s23+s3] =	stream.linear.scatter [tilespmem:s12], [sflag:$0x2], $0x4000, $0x38;
	[tilespmem:$0x18800] =	vst v63  }
0x35: {  	_ =	swait.ge [sflag:s18], $0x4000  }
0x36: {  	[sflag:s18] =	ssyncset.done $0x0  }
0x37: {  	s24 =	simm.s32 $0x480;
	[sflag:s18] =	ssyncadd.s32 $0xFFFFC000  }
0x38: {  	[tilespmem:s12], [sflag:$0x1] =	stream.indirect.gather [hbm4b:s2+s6], $0x80, s24, s6, $0xb8;
	[tilespmem:$0x18800] =	vst v63  }
0x39: {  	_ =	swait.ge [sflag:s17], $0x4000  }
0x3a: {  	[sflag:s17] =	ssyncset.done $0x0  }
0x3b: {  	s25 =	sadd.s32 $0x2000, s31;
	[sflag:s17] =	ssyncadd.s32 $0xFFFFC000  }
0x3c: {  	[hbm4b:s25+s3] =	stream.linear.scatter [tilespmem:s14], [sflag:$0x2], $0x4000, $0x38;
	[tilespmem:$0x18800] =	vst v63  }
0x3d: {  	_ =	swait.ge [sflag:s17], $0x4000  }
0x3e: {  	[sflag:s17] =	ssyncset.done $0x0  }
0x3f: {  	s26 =	sadd.s32 $0x2800, s31;
	[sflag:s17] =	ssyncadd.s32 $0xFFFFC000  }
0x40: {  	[hbm4b:s26+s3] =	stream.linear.scatter [tilespmem:s16], [sflag:$0x2], $0x4000, $0x38;
	[tilespmem:$0x18800] =	vst v63  }
0x41: {  	_ =	swait.ge [sflag:s17], $0x4000  }
0x42: {  	[sflag:s17] =	ssyncset.done $0x0  }
0x43: {  	s28 =	sadd.s32 $0x3000, s31;
	[sflag:s17] =	ssyncadd.s32 $0xFFFFC000  }
0x44: {  	[hbm4b:s28+s3] =	stream.linear.scatter [tilespmem:s7], [sflag:$0x2], $0x4000, $0x38;
	[tilespmem:$0x18800] =	vst v63  }
0x45: {  	_ =	swait.ge [sflag:s17], $0x4000  }
0x46: {  	[sflag:s17] =	ssyncset.done $0x0  }
0x47: {  	s29 =	sadd.s32 $0x3800, s31;
	[sflag:s17] =	ssyncadd.s32 $0xFFFFC000  }
0x48: {  	[hbm4b:s29+s3] =	stream.linear.scatter [tilespmem:s8], [sflag:$0x2], $0x4000, $0x38;
	[tilespmem:$0x18800] =	vst v63  }
0x49: {  	_ =	swait.ge [sflag:s17], $0x4000  }
0x4a: {  	[sflag:s17] =	ssyncset.done $0x0  }
0x4b: {  	s30 =	sadd.s32 $0x4000, s31;
	[sflag:s17] =	ssyncadd.s32 $0xFFFFC000  }
0x4c: {  	[hbm4b:s30+s3] =	stream.linear.scatter [tilespmem:s10], [sflag:$0x2], $0x4000, $0x38;
	[tilespmem:$0x18800] =	vst v63  }
0x4d: {  	_ =	swait.ge [sflag:s17], $0x4000  }
0x4e: {  	[sflag:s17] =	ssyncset.done $0x0  }
0x4f: {  	s31 =	sadd.s32 $0x4800, s31;
	[sflag:s17] =	ssyncadd.s32 $0xFFFFC000  }
0x50: {  	[hbm4b:s31+s3] =	stream.linear.scatter [tilespmem:s12], [sflag:$0x2], $0x4000, $0x38;
	[tilespmem:$0x18800] =	vst v63  }
0x51: {  	_ =	swait.ge [sflag:s18], $0x4000  }
0x52: {  	[sflag:s18] =	ssyncset.done $0x0  }
0x53: {  	[sflag:s18] =	ssyncadd.s32 $0xFFFFC000  }
0x54: {  	_ =	swait.ge [sflag:s18], $0x4000  }
0x55: {  	[sflag:s18] =	ssyncset.done $0x0  }
0x56: {  	[sflag:s18] =	ssyncadd.s32 $0xFFFFC000  }
0x57: {  	s1 =	ssub.s32 $0x2, s1;
	_ =	swait.ge [sflag:s18], $0x4000  }
0x58: {  	s0 =	sshrl.u32 s1, $0x1;
	[sflag:s18] =	ssyncset.done $0x0  }
0x59: {  	s0 =	ssub.s32 s1, s0;
	[sflag:s18] =	ssyncadd.s32 $0xFFFFC000  }
0x5a: {  	s0 =	smax.u32 s0, $0x1;
	_ =	swait.ge [sflag:s18], $0x4000  }
0x5b: {  	p0 =	sne.s32 s0, $0x1;
	[sflag:s18] =	ssyncset.done $0x0  }
.Ltmp0:
0x5c: {  	[sflag:s18] =	ssyncadd.s32 $0xFFFFC000;
	(pc) =	sbr.rel @!p0 .LBB2_2-.Ltmp0, $4  }
0x5d: {  	_ =	swait.ge [sflag:s18], $0x4000  }
0x5e: {  	[sflag:s18] =	ssyncset.done $0x0  }
0x5f: {  	[sflag:s18] =	ssyncadd.s32 $0xFFFFC000  }
0x60: {  	s1 =	sadd.s32 $0xFFFFFFFF, s0;
	_ =	swait.ge [sflag:s18], $0x4000  }
.LBB2_1:
0x61: {  	[sflag:s18] =	ssyncset.done $0x0  }
0x62: {  	s0 =	rddreg [dreg:$0x4];
	[sflag:s18] =	ssyncadd.s32 $0xFFFFC000  }
0x63: {  	[tilespmem:s3], [sflag:$0x3] =	stream.linear.gather [hbm4b:s0+s3], $0x500, $0x38;
	[tilespmem:$0x18800] =	vst v63  }
0x64: {  	_ =	swait.ge [sflag:s5], $0x500  }
0x65: {  	[sflag:s5] =	ssyncset.done $0x0  }
0x66: {  	[sflag:s5] =	ssyncadd.s32 $0xFFFFFB00  }
0x67: {  	[tilespmem:s7], [sflag:$0x1] =	stream.indirect.gather [hbm4b:s2+s6], $0x80, s3, s6, $0xb8;
	[tilespmem:$0x18800] =	vst v63  }
0x68: {  	_ = 	snop  }
0x69: {  	[tilespmem:s8], [sflag:$0x1] =	stream.indirect.gather [hbm4b:s2+s6], $0x80, s6, s6, $0xb8;
	[tilespmem:$0x18800] =	vst v63  }
0x6a: {  	_ = 	snop  }
0x6b: {  	[tilespmem:s10], [sflag:$0x1] =	stream.indirect.gather [hbm4b:s2+s6], $0x80, s9, s6, $0xb8;
	[tilespmem:$0x18800] =	vst v63  }
0x6c: {  	_ = 	snop  }
0x6d: {  	[tilespmem:s12], [sflag:$0x1] =	stream.indirect.gather [hbm4b:s2+s6], $0x80, s11, s6, $0xb8;
	[tilespmem:$0x18800] =	vst v63  }
0x6e: {  	_ = 	snop  }
0x6f: {  	[tilespmem:s14], [sflag:$0x1] =	stream.indirect.gather [hbm4b:s2+s6], $0x80, s13, s6, $0xb8;
	[tilespmem:$0x18800] =	vst v63  }
0x70: {  	_ = 	snop  }
0x71: {  	[tilespmem:s16], [sflag:$0x1] =	stream.indirect.gather [hbm4b:s2+s6], $0x80, s15, s6, $0xb8;
	[tilespmem:$0x18800] =	vst v63  }
0x72: {  	_ =	swait.ge [sflag:s17], $0x4000  }
0x73: {  	[sflag:s17] =	ssyncset.done $0x0  }
0x74: {  	[sflag:s17] =	ssyncadd.s32 $0xFFFFC000  }
0x75: {  	[hbm4b:s4+s3] =	stream.linear.scatter [tilespmem:s7], [sflag:$0x2], $0x4000, $0x38;
	[tilespmem:$0x18800] =	vst v63  }
0x76: {  	_ =	swait.ge [sflag:s18], $0x4000  }
0x77: {  	[sflag:s18] =	ssyncset.done $0x0  }
0x78: {  	[sflag:s18] =	ssyncadd.s32 $0xFFFFC000  }
0x79: {  	[tilespmem:s7], [sflag:$0x1] =	stream.indirect.gather [hbm4b:s2+s6], $0x80, s19, s6, $0xb8;
	[tilespmem:$0x18800] =	vst v63  }
0x7a: {  	_ =	swait.ge [sflag:s17], $0x4000  }
0x7b: {  	[sflag:s17] =	ssyncset.done $0x0  }
0x7c: {  	s0 =	rddreg [dreg:$0x5];
	[sflag:s17] =	ssyncadd.s32 $0xFFFFC000  }
0x7d: {  	[hbm4b:s0+s3] =	stream.linear.scatter [tilespmem:s8], [sflag:$0x2], $0x4000, $0x38;
	[tilespmem:$0x18800] =	vst v63  }
0x7e: {  	_ =	swait.ge [sflag:s18], $0x4000  }
0x7f: {  	[sflag:s18] =	ssyncset.done $0x0  }
0x80: {  	[sflag:s18] =	ssyncadd.s32 $0xFFFFC000  }
0x81: {  	[tilespmem:s8], [sflag:$0x1] =	stream.indirect.gather [hbm4b:s2+s6], $0x80, s20, s6, $0xb8;
	[tilespmem:$0x18800] =	vst v63  }
0x82: {  	_ =	swait.ge [sflag:s17], $0x4000  }
0x83: {  	[sflag:s17] =	ssyncset.done $0x0  }
0x84: {  	[sflag:s17] =	ssyncadd.s32 $0xFFFFC000  }
0x85: {  	[hbm4b:s21+s3] =	stream.linear.scatter [tilespmem:s10], [sflag:$0x2], $0x4000, $0x38;
	[tilespmem:$0x18800] =	vst v63  }
0x86: {  	_ =	swait.ge [sflag:s18], $0x4000  }
0x87: {  	[sflag:s18] =	ssyncset.done $0x0  }
0x88: {  	[sflag:s18] =	ssyncadd.s32 $0xFFFFC000  }
0x89: {  	[tilespmem:s10], [sflag:$0x1] =	stream.indirect.gather [hbm4b:s2+s6], $0x80, s22, s6, $0xb8;
	[tilespmem:$0x18800] =	vst v63  }
0x8a: {  	_ =	swait.ge [sflag:s17], $0x4000  }
0x8b: {  	[sflag:s17] =	ssyncset.done $0x0  }
0x8c: {  	[sflag:s17] =	ssyncadd.s32 $0xFFFFC000  }
0x8d: {  	[hbm4b:s23+s3] =	stream.linear.scatter [tilespmem:s12], [sflag:$0x2], $0x4000, $0x38;
	[tilespmem:$0x18800] =	vst v63  }
0x8e: {  	_ =	swait.ge [sflag:s18], $0x4000  }
0x8f: {  	[sflag:s18] =	ssyncset.done $0x0  }
0x90: {  	[sflag:s18] =	ssyncadd.s32 $0xFFFFC000  }
0x91: {  	[tilespmem:s12], [sflag:$0x1] =	stream.indirect.gather [hbm4b:s2+s6], $0x80, s24, s6, $0xb8;
	[tilespmem:$0x18800] =	vst v63  }
0x92: {  	_ =	swait.ge [sflag:s17], $0x4000  }
0x93: {  	[sflag:s17] =	ssyncset.done $0x0  }
0x94: {  	[sflag:s17] =	ssyncadd.s32 $0xFFFFC000  }
0x95: {  	[hbm4b:s25+s3] =	stream.linear.scatter [tilespmem:s14], [sflag:$0x2], $0x4000, $0x38;
	[tilespmem:$0x18800] =	vst v63  }
0x96: {  	_ =	swait.ge [sflag:s17], $0x4000  }
0x97: {  	[sflag:s17] =	ssyncset.done $0x0  }
0x98: {  	[sflag:s17] =	ssyncadd.s32 $0xFFFFC000  }
0x99: {  	[hbm4b:s26+s3] =	stream.linear.scatter [tilespmem:s16], [sflag:$0x2], $0x4000, $0x38;
	[tilespmem:$0x18800] =	vst v63  }
0x9a: {  	_ =	swait.ge [sflag:s17], $0x4000  }
0x9b: {  	[sflag:s17] =	ssyncset.done $0x0  }
0x9c: {  	[sflag:s17] =	ssyncadd.s32 $0xFFFFC000  }
0x9d: {  	[hbm4b:s28+s3] =	stream.linear.scatter [tilespmem:s7], [sflag:$0x2], $0x4000, $0x38;
	[tilespmem:$0x18800] =	vst v63  }
0x9e: {  	_ =	swait.ge [sflag:s17], $0x4000  }
0x9f: {  	[sflag:s17] =	ssyncset.done $0x0  }
0xa0: {  	[sflag:s17] =	ssyncadd.s32 $0xFFFFC000  }
0xa1: {  	[hbm4b:s29+s3] =	stream.linear.scatter [tilespmem:s8], [sflag:$0x2], $0x4000, $0x38;
	[tilespmem:$0x18800] =	vst v63  }
0xa2: {  	_ =	swait.ge [sflag:s17], $0x4000  }
0xa3: {  	[sflag:s17] =	ssyncset.done $0x0  }
0xa4: {  	[sflag:s17] =	ssyncadd.s32 $0xFFFFC000  }
0xa5: {  	[hbm4b:s30+s3] =	stream.linear.scatter [tilespmem:s10], [sflag:$0x2], $0x4000, $0x38;
	[tilespmem:$0x18800] =	vst v63  }
0xa6: {  	_ =	swait.ge [sflag:s17], $0x4000  }
0xa7: {  	[sflag:s17] =	ssyncset.done $0x0  }
0xa8: {  	[sflag:s17] =	ssyncadd.s32 $0xFFFFC000  }
0xa9: {  	[hbm4b:s31+s3] =	stream.linear.scatter [tilespmem:s12], [sflag:$0x2], $0x4000, $0x38;
	[tilespmem:$0x18800] =	vst v63  }
0xaa: {  	_ =	swait.ge [sflag:s18], $0x4000  }
0xab: {  	[sflag:s18] =	ssyncset.done $0x0  }
0xac: {  	[sflag:s18] =	ssyncadd.s32 $0xFFFFC000  }
0xad: {  	_ =	swait.ge [sflag:s18], $0x4000  }
0xae: {  	[sflag:s18] =	ssyncset.done $0x0  }
0xaf: {  	[sflag:s18] =	ssyncadd.s32 $0xFFFFC000  }
0xb0: {  	_ =	swait.ge [sflag:s18], $0x4000  }
0xb1: {  	[sflag:s18] =	ssyncset.done $0x0  }
0xb2: {  	[sflag:s18] =	ssyncadd.s32 $0xFFFFC000  }
0xb3: {  	_ =	swait.ge [sflag:s18], $0x4000  }
0xb4: {  	p0 =	sne.s32 s1, $0x1;
	[sflag:s18] =	ssyncset.done $0x0  }
.Ltmp1:
0xb5: {  	[sflag:s18] =	ssyncadd.s32 $0xFFFFC000;
	(pc) =	sbr.rel @p0 .LBB2_1-.Ltmp1, $4  }
0xb6: {  	_ =	swait.ge [sflag:s18], $0x4000  }
0xb7: {  	[sflag:s18] =	ssyncset.done $0x0  }
0xb8: {  	[sflag:s18] =	ssyncadd.s32 $0xFFFFC000  }
0xb9: {  	s1 =	sadd.s32 $0xFFFFFFFF, s1;
	_ =	swait.ge [sflag:s18], $0x4000  }
.LBB2_2:
0xba: {  	[sflag:s18] =	ssyncset.done $0x0  }
0xbb: {  	[sflag:s18] =	ssyncadd.s32 $0xFFFFC000  }
0xbc: {  	_ =	sfence.sel $0x180000  }
0xbd: {  	[bflag:$0x0] =	sbarrier.arrive $0xFFFF  }
0xbe: {  	_ =	strace $0x90000047  }
0xbf: {  	s0 =	stileid.u32;
	[bflag:$0x2] =	sbarrier.arrive $0xFFFF  }
0xc0: {  	p0 =	sne.s32 s0, $0x0;
	s0 =	rddreg [dreg:$0x3]  }
0xc1: {  	s0 =	sadd.s32 @!p0 $0x100000, s0  }
0xc2: {  	[sflag:s0] =	ssyncadd.tile.s32 @!p0 $0x1;
	_ =	shalt  }
.Lfunc_end2:
_tile_overlayer_lowered:
.L_overlay_start_2:
0xc3: {  	(tag) =	ssettag $0x2  }
0xc4: {  	s0 =	rddreg [dreg:$0x0];
	s2 =	stileid.u32  }
0xc5: {  	s1 =	rddreg [dreg:$0x1];
	p0 =	sne.s32 s2, $0x0  }
0xc6: {  	s3 =	rddreg [dreg:$0x2];
	[bflag:$0x3] =	sbarrier.arrive $0xFFFF;
	s2 =	simm.s32 @!p0 $0x1C03  }
0xc7: {  	[timem:s3], [sflag:s2] =	dma.local @!p0 [hbm:s0], s1  }
0xc8: {  	s0 =	simm.s32 @!p0 $0x3  }
0xc9: {  	_ =	swait.ge @!p0 [sflag:s0], s1  }
0xca: {  	s1 =	ssub.s32 @!p0 $0x0, s1;
	[sflag:s0] =	ssyncset.done @!p0 $0x0  }
0xcb: {  	[sflag:s0] =	ssyncadd.s32 @!p0 s1  }
0xcc: {  	[bflag:$0x3] =	sbarrier.arrive $0xFFFF  }
0xcd: {  	_ =	shalt  }

// kernel: kernel.15.cloned.1.call-start
scs
__scs_entry_jumppad:
0x0: {  	(pc) =	sbr.rel $0x88, $3  }
0x1: {  	(tag) =	ssettag $0x0;
	lr =	simm.s32 $0x1  }
0x2: {  	[smem:$0x3F9D] =	sst lr;
	_ =	strace $0xD0000000  }
0x3: {  	_ = 	snop  }
0x4: {  	_ = 	snop  }
0x5: {  	_ = 	snop  }
0x6: {  	_ = 	snop  }
0x7: {  	_ = 	snop  }
__scs_overlays_trampoline_lowered:
0x8: {  	[smem:$0x3FAC] =	sst s0  }
0x9: {  	[smem:$0x3FAD] =	sst s1  }
0xa: {  	[smem:$0x3FAE] =	sst s2  }
0xb: {  	[smem:$0x3FAF] =	sst s3  }
0xc: {  	[smem:$0x3FB0] =	sst s4  }
0xd: {  	[smem:$0x3FB1] =	sst s5  }
0xe: {  	[smem:$0x3FB2] =	sst s6  }
0xf: {  	[smem:$0x3FB3] =	sst s7  }
0x10: {  	[smem:$0x3FB4] =	sst s8  }
0x11: {  	[smem:$0x3FB5] =	sst s9;
	s0 =	simm.s32 @!p0 $0x0  }
0x12: {  	s1 =	sld [smem:$0x3F9B];
	s0 =	simm.s32 @p0 $0x1  }
0x13: {  	[smem:$0x3FB6] =	sst s0;
	s0 =	simm.s32 @!p1 $0x0  }
0x14: {  	s2 =	sld [smem:$0x3F9A];
	s0 =	simm.s32 @p1 $0x1  }
0x15: {  	[smem:$0x3FB7] =	sst s0;
	s0 =	simm.s32 @!p2 $0x0  }
0x16: {  	s3 =	sld [smem:$0x3FDB];
	s0 =	simm.s32 @p2 $0x1  }
0x17: {  	s4 =	simm.s32 $0x1BF5;
	[smem:$0x3FB9] =	sst s0  }
0x18: {  	s0 =	sld [smem:$0x3F9C];
	_ =	swait.ge [sflag:s4], $0x0  }
0x19: {  	s7 =	sld [smem:$0x3F9D]  }
0x1a: {  	s8 =	sadd.s32 $0xFFFFE003, lr  }
0x1b: {  	s9 =	sadd.s32 $0xFFFFFEF7, lr;
	s5 =	simm.s32 $0xFFFFFFFF;
	p2 =	slt.u32 s8, $0xFFFFF086  }
0x1c: {  	p1 =	slt.u32 s9, $0xF7A;
	s5 =	simm.s32 @!p2 $0x0  }
0x1d: {  	s5 =	simm.s32 @p1 $0x1;
	p0 =	seq.s32 s7, s2  }
0x1e: {  	s7 =	smul.u32 @!p0 $0xF7A, s2;
	p2 =	seq.s32 @!p0 s5, $0x0  }
0x1f: {  	s9 =	smul.u32 $0xF7A, s1;
	s8 =	simm.s32 @!p0 $0x1BF5;
	p2 =	por !p2, p0  }
0x20: {  	[sflag:s8] =	ssyncset.s32 @!p0 $0xFFFFF086;
	s6 =	sadd.s32 @!p0 s3, s7;
	s7 =	simm.s32 @!p0 $0x108  }
0x21: {  	s3 =	sadd.s32 s3, s9;
	s6 =	sadd.s32 @!p0 $0x88, s6;
	s7 =	simm.s32 @p2 $0x1082  }
0x22: {  	[simem:s7], [sflag:s8] =	dma.local @!p0 [hbm:s6], $0xF7A  }
0x23: {  	s9 =	sor.u32 $0xD0000000, s2;
	s6 =	simm.s32 $0x108;
	_ =	swait.ge @!p0 [sflag:s8], $0x0  }
0x24: {  	s3 =	sadd.s32 $0x88, s3;
	s6 =	simm.s32 @!p1 $0x1082;
	[sflag:s4] =	ssyncset.s32 $0xFFFFF086  }
0x25: {  	[simem:s6], [sflag:s4] =	dma.local [hbm:s3], $0xF7A  }
0x26: {  	[smem:$0x3F9D] =	sst s1;
	(tag) =	ssettag s2;
	_ =	strace s9  }
0x27: {  	s1 =	sld [smem:$0x3FAD]  }
0x28: {  	s2 =	sld [smem:$0x3FAE]  }
0x29: {  	s4 =	sld [smem:$0x3FB0]  }
0x2a: {  	p0 =	seq.s32 s5, $0x0;
	s5 =	sld [smem:$0x3FB1]  }
0x2b: {  	s6 =	sld [smem:$0x3FB2]  }
0x2c: {  	s7 =	sld [smem:$0x3FB3]  }
0x2d: {  	s3 =	simm.s32 $0x108;
	s8 =	sld [smem:$0x3FB4]  }
0x2e: {  	s3 =	simm.s32 @!p0 $0x1082;
	s9 =	sld [smem:$0x3FB5]  }
0x2f: {  	lr =	sadd.s32 s0, s3;
	s0 =	sld [smem:$0x3FAC]  }
0x30: {  	s3 =	sld [smem:$0x3FAF]  }
0x31: {  	[smem:$0x3FB8] =	sst s10  }
0x32: {  	s10 =	sld [smem:$0x3FB6];
	_ =	sdelay $0x3  }
0x33: {  	p0 =	seq.s32 s10, $0x1;
	s10 =	sld [smem:$0x3FB8];
	_ =	sdelay $0x3  }
0x34: {  	[smem:$0x3FB8] =	sst s10  }
0x35: {  	s10 =	sld [smem:$0x3FB7];
	_ =	sdelay $0x3  }
0x36: {  	p1 =	seq.s32 s10, $0x1;
	s10 =	sld [smem:$0x3FB8];
	_ =	sdelay $0x3  }
0x37: {  	[smem:$0x3FB8] =	sst s10  }
0x38: {  	s10 =	sld [smem:$0x3FB9]  }
0x39: {  	_ = 	snop;
	(pc) =	sbr.ind lr, $3  }
0x3a: {  	_ = 	snop  }
0x3b: {  	_ = 	snop  }
0x3c: {  	p2 =	seq.s32 s10, $0x1;
	s10 =	sld [smem:$0x3FB8]  }
0x3d: {  	_ =	shalt  }
0x3e: {  	_ =	shalt  }
0x3f: {  	_ =	shalt  }
0x40: {  	_ =	shalt  }
0x41: {  	_ =	shalt  }
0x42: {  	_ =	shalt  }
0x43: {  	_ =	shalt  }
0x44: {  	_ =	shalt  }
0x45: {  	_ =	shalt  }
0x46: {  	_ =	shalt  }
0x47: {  	_ =	shalt  }
0x48: {  	_ =	shalt  }
0x49: {  	_ =	shalt  }
0x4a: {  	_ =	shalt  }
0x4b: {  	_ =	shalt  }
0x4c: {  	_ =	shalt  }
0x4d: {  	_ =	shalt  }
0x4e: {  	_ =	shalt  }
0x4f: {  	_ =	shalt  }
0x50: {  	_ =	shalt  }
0x51: {  	_ =	shalt  }
0x52: {  	_ =	shalt  }
0x53: {  	_ =	shalt  }
0x54: {  	_ =	shalt  }
0x55: {  	_ =	shalt  }
0x56: {  	_ =	shalt  }
0x57: {  	_ =	shalt  }
0x58: {  	_ =	shalt  }
0x59: {  	_ =	shalt  }
0x5a: {  	_ =	shalt  }
0x5b: {  	_ =	shalt  }
0x5c: {  	_ =	shalt  }
0x5d: {  	_ =	shalt  }
0x5e: {  	_ =	shalt  }
0x5f: {  	_ =	shalt  }
0x60: {  	_ =	shalt  }
0x61: {  	_ =	shalt  }
0x62: {  	_ =	shalt  }
0x63: {  	_ =	shalt  }
0x64: {  	_ =	shalt  }
0x65: {  	_ =	shalt  }
0x66: {  	_ =	shalt  }
0x67: {  	_ =	shalt  }
0x68: {  	_ =	shalt  }
0x69: {  	_ =	shalt  }
0x6a: {  	_ =	shalt  }
0x6b: {  	_ =	shalt  }
0x6c: {  	_ =	shalt  }
0x6d: {  	_ =	shalt  }
0x6e: {  	_ =	shalt  }
0x6f: {  	_ =	shalt  }
0x70: {  	_ =	shalt  }
0x71: {  	_ =	shalt  }
0x72: {  	_ =	shalt  }
0x73: {  	_ =	shalt  }
0x74: {  	_ =	shalt  }
0x75: {  	_ =	shalt  }
0x76: {  	_ =	shalt  }
0x77: {  	_ =	shalt  }
0x78: {  	_ =	shalt  }
0x79: {  	_ =	shalt  }
0x7a: {  	_ =	shalt  }
0x7b: {  	_ =	shalt  }
0x7c: {  	_ =	shalt  }
0x7d: {  	_ =	shalt  }
0x7e: {  	_ =	shalt  }
0x7f: {  	_ =	shalt  }
0x80: {  	_ =	shalt  }
0x81: {  	_ =	shalt  }
0x82: {  	_ =	shalt  }
0x83: {  	_ =	shalt  }
0x84: {  	_ =	shalt  }
0x85: {  	_ =	shalt  }
0x86: {  	_ =	shalt  }
0x87: {  	_ =	shalt  }
.Lfunc_end0:
.L_simem_size_0:
called_computation.1_lowered:
.L_overlay_start_0:
0x88: {  	s2 =	sld [smem:$0x3FD9]  }
0x89: {  	s3 =	sld [smem:$0x3FFE];
	_ =	sdelay $0x1  }
0x8a: {  	s1 =	srdreg.scid  }
0x8b: {  	s0 =	sand.u32 $0x1, s1  }
0x8c: {  	s17 =	sshll.u32 s0, $0xA;
	s2 =	sadd.s32 s3, s2  }
0x8d: {  	s2 =	sadd.s32 s2, s17  }
0x8e: {  	[smem:$0x3FC4] =	sst s2  }
0x8f: {  	_ = 	snop  }
0x90: {  	s18 =	sld [smem:$0x3FC8];
	(tm) =	ssettm $0x1  }
0x91: {  	s19 =	sld [smem:$0x3FFB];
	_ =	sdelay $0x3  }
0x92: {  	_ =	strace s19  }
0x93: {  	s2 =	sld [smem:$0x3FFC];
	_ =	sdelay $0x3  }
0x94: {  	_ =	strace s2  }
0x95: {  	s2 =	sld [smem:$0x3FFD];
	_ =	sdelay $0x3  }
0x96: {  	_ =	strace s2  }
0x97: {  	_ =	strace $0x8FFFFFFF  }
0x98: {  	s20 =	sld [smem:$0x3FDB];
	_ =	sdelay $0x1  }
0x99: {  	s4 =	simm.s32 $_scs_section_size  }
0x9a: {  	s5 =	simm.s32 $_size__tile_overlayer_lowered;
	s6 =	simm.s32 $_tile_overlayer_lowered  }
0x9b: {  	s7 =	simm.s32 $0x1BFF;
	s21 =	sshll.u32 s6, $0x1;
	s4 =	sadd.s32 s4, s20  }
0x9c: {  	s22 =	simm.s32 $0x0;
	s5 =	sshll.u32 s5, $0x1;
	s6 =	sadd.s32 s21, s4  }
0x9d: {  	[timem:s22], [sflag:s7] =	dma.local [hbm:s6], s5  }
0x9e: {  	_ =	swait.ge [sflag:s7], s5  }
0x9f: {  	s5 =	ssub.s32 $0x0, s5;
	[sflag:s7] =	ssyncset.done $0x0  }
0xa0: {  	[sflag:s7] =	ssyncadd.s32 s5;
	_ =	sdelay $0x1  }
0xa1: {  	s23 =	simm.s32 $0x1B8B  }
0xa2: {  	_ =	swait.ge [sflag:s23], $0x1  }
0xa3: {  	[sflag:s23] =	ssyncset.done $0x0  }
0xa4: {  	[sflag:s23] =	ssyncadd.s32 $0xFFFFFFFF  }
0xa5: {  	s5 =	sld [smem:$0x0]  }
0xa6: {  	s6 =	sand.u32 $0xFFFFFFFE, s1  }
0xa7: {  	p0 =	sne.s32 s1, s6  }
0xa8: {  	s6 =	sshll.u32 @p0 s6, $0xE  }
0xa9: {  	s6 =	sadd.s32 @p0 $0x11B8D, s6;
	s7 =	sshll.u32 @p0 s5, $0x11  }
0xaa: {  	s6 =	sor.u32 @p0 s7, s6  }
0xab: {  	[sflag:s6] =	ssyncadd.remote.s32 @p0 $0x1;
	_ =	sdelay $0x1  }
0xac: {  	s6 =	simm.s32 @p0 $0x1B8D  }
0xad: {  	_ =	swait.eq @p0 [sflag:s6], $0x1  }
0xae: {  	[sflag:s6] =	ssyncadd.s32 @p0 $0xFFFFFFFF  }
0xaf: {  	s7 =	sshll.u32 @!p0 s1, $0xE  }
0xb0: {  	s7 =	sor.u32 @!p0 $0x4000, s7;
	s6 =	simm.s32 @!p0 $0x1B8D  }
0xb1: {  	s5 =	sshll.u32 @!p0 s5, $0x11;
	s7 =	sadd.s32 @!p0 $0x11B8D, s7;
	_ =	swait.eq @!p0 [sflag:s6], $0x1  }
0xb2: {  	s5 =	sor.u32 @!p0 s5, s7;
	[sflag:s6] =	ssyncadd.s32 @!p0 $0xFFFFFFFF  }
0xb3: {  	s25 =	simm.s32 $0x1B8E;
	s24 =	sld [smem:$0x3FFE];
	[sflag:s5] =	ssyncadd.remote.s32 @!p0 $0x1  }
0xb4: {  	s26 =	simm.s32 $execute0_lowered;
	[smem:$0x3FD2] =	sst s25  }
0xb5: {  	s6 =	sshll.u32 s26, $0x1;
	_ =	strace $0x80000049;
	[dreg:$0x1] =	wrdreg $0xFFFFFFFF  }
0xb6: {  	s28 =	simm.s32 $_size_execute0_lowered;
	s4 =	sadd.s32 s4, s6;
	[dreg:$0x0] =	wrdreg $0x0  }
0xb7: {  	s6 =	sshll.u32 s28, $0x1;
	[dreg:$0x2] =	wrdreg s4  }
0xb8: {  	[dreg:$0x3] =	wrdreg s6  }
0xb9: {  	[dreg:$0x4] =	wrdreg $0xC0  }
0xba: {  	_ =	task [dreg:s22], $0x5FFFF  }
0xbb: {  	[dreg:$0x1] =	wrdreg $0xFFFFFFFF  }
0xbc: {  	[dreg:$0x0] =	wrdreg $0x60  }
0xbd: {  	[dreg:$0x2] =	wrdreg s24  }
0xbe: {  	[dreg:$0x3] =	wrdreg s18  }
0xbf: {  	[dreg:$0x4] =	wrdreg $0xA  }
0xc0: {  	_ =	task.clear_ibuf [dreg:s22], $0x5FFFF;
	_ =	strace $0x90000049  }
0xc1: {  	s29 =	simm.s32 $0xA;
	_ =	strace $0x8000004B  }
0xc2: {  	_ =	swait.ge [sflag:s29], $0x1  }
0xc3: {  	[sflag:s29] =	ssyncadd.s32 $0xFFFFFFFF  }
0xc4: {  	_ =	strace $0x9000004B  }
0xc5: {  	_ =	sfence  }
0xc6: {  	s30 =	sld [smem:$0x0];
	_ =	sdelay $0x2  }
0xc7: {  	s31 =	sshll.u32 s1, $0xD;
	s1 =	sshrl.u32 s1, $0x2  }
0xc8: {  	s4 =	sand.u32 $0x4000, s31;
	s1 =	sadd.s32 s1, s30  }
0xc9: {  	s0 =	sor.u32 s4, s0;
	s1 =	sshll.u32 s1, $0x11  }
0xca: {  	s0 =	sor.u32 s1, s0  }
0xcb: {  	s0 =	sadd.s32 $0x8F2B, s0  }
0xcc: {  	[sflag:s0] =	ssyncadd.remote.s32 $0x1  }
0xcd: {  	_ =	sfence.sel $0xFFFF  }
0xce: {  	[dreg:$0x0] =	wrdreg $0xFFFFFFFF;
	(pc) =	sbr.abs _section_cstart, $3  }
0xcf: {  	[dreg:$0x1] =	wrdreg $0xFFFFFFFF  }
0xd0: {  	_ =	task.clear_ibuf [dreg:s22], $0x2FFFF;
	_ =	strace $0x9FFFFFFF  }
0xd1: {  	(tm) =	ssettm $0x7FFFFFFF  }
tec
execute0_lowered:
.L_overlay_start_1:
0x0: {  	(tag) =	ssettag $0x1  }
0x1: {  	s1 =	srdreg.scid;
	s0 =	stileid.u32  }
0x2: {  	s1 =	sand.u32 $0x1, s1;
	s3 =	sshll.u32 s0, $0x1  }
0x3: {  	s4 =	rddreg [dreg:$0x0];
	s20 =	sor.u32 s1, s3  }
0x4: {  	s2 =	rddreg [dreg:$0x1];
	s5 =	sshll.u32 s20, $0x8  }
0x5: {  	s3 =	simm.s32 $0x0;
	s6 =	smul.u32 $0x5000, s20;
	s5 =	sadd.s32 s5, s4  }
0x6: {  	s21 =	sadd.s32 $0xC600, s4;
	[smem:$0x7FF] =	sst s3;
	s5 =	sadd.s32 $0x4600, s5  }
0x7: {  	_ =	strace $0x8000004A;
	s4 =	sadd.s32 s21, s6;
	[dreg:$0x3] =	wrdreg s5  }
0x8: {  	s25 =	sadd.s32 $0x800, s4;
	s24 =	rddreg [dreg:$0x3]  }
0x9: {  	s5 =	simm.s32 $0x3;
	[dreg:$0x4] =	wrdreg s25  }
0xa: {  	[tilespmem:s3], [sflag:$0x3] =	stream.linear.gather [hbm4b:s24+s3], $0x500, $0x38;
	[tilespmem:$0x18800] =	vst v63  }
0xb: {  	_ =	swait.ge [sflag:s5], $0x500  }
0xc: {  	[sflag:s5] =	ssyncset.done $0x0  }
0xd: {  	s7 =	simm.s32 $0x800;
	s6 =	simm.s32 $0x80;
	[sflag:s5] =	ssyncadd.s32 $0xFFFFFB00  }
0xe: {  	[tilespmem:s7], [sflag:$0x1] =	stream.indirect.gather [hbm4b:s2+s6], $0x80, s3, s6, $0xb8;
	[tilespmem:$0x18800] =	vst v63  }
0xf: {  	s8 =	simm.s32 $0x4800  }
0x10: {  	[tilespmem:s8], [sflag:$0x1] =	stream.indirect.gather [hbm4b:s2+s6], $0x80, s6, s6, $0xb8;
	[tilespmem:$0x18800] =	vst v63  }
0x11: {  	s9 =	simm.s32 $0x100;
	s10 =	simm.s32 $0x8800  }
0x12: {  	[tilespmem:s10], [sflag:$0x1] =	stream.indirect.gather [hbm4b:s2+s6], $0x80, s9, s6, $0xb8;
	[tilespmem:$0x18800] =	vst v63  }
0x13: {  	s11 =	simm.s32 $0x180;
	s12 =	simm.s32 $0xC800  }
0x14: {  	[tilespmem:s12], [sflag:$0x1] =	stream.indirect.gather [hbm4b:s2+s6], $0x80, s11, s6, $0xb8;
	[tilespmem:$0x18800] =	vst v63  }
0x15: {  	s13 =	simm.s32 $0x200;
	s14 =	simm.s32 $0x10800  }
0x16: {  	[tilespmem:s14], [sflag:$0x1] =	stream.indirect.gather [hbm4b:s2+s6], $0x80, s13, s6, $0xb8;
	[tilespmem:$0x18800] =	vst v63  }
0x17: {  	s15 =	simm.s32 $0x280;
	s16 =	simm.s32 $0x14800;
	s17 =	simm.s32 $0x1  }
0x18: {  	[tilespmem:s16], [sflag:$0x1] =	stream.indirect.gather [hbm4b:s2+s6], $0x80, s15, s6, $0xb8;
	[tilespmem:$0x18800] =	vst v63  }
0x19: {  	_ =	swait.ge [sflag:s17], $0x4000  }
0x1a: {  	[sflag:s17] =	ssyncset.done $0x0  }
0x1b: {  	s18 =	simm.s32 $0x2;
	[sflag:s17] =	ssyncadd.s32 $0xFFFFC000  }
0x1c: {  	[hbm4b:s4+s3] =	stream.linear.scatter [tilespmem:s7], [sflag:$0x2], $0x4000, $0x38;
	[tilespmem:$0x18800] =	vst v63  }
0x1d: {  	_ =	swait.ge [sflag:s18], $0x4000  }
0x1e: {  	[sflag:s18] =	ssyncset.done $0x0  }
0x1f: {  	s19 =	simm.s32 $0x300;
	[sflag:s18] =	ssyncadd.s32 $0xFFFFC000  }
0x20: {  	[tilespmem:s7], [sflag:$0x1] =	stream.indirect.gather [hbm4b:s2+s6], $0x80, s19, s6, $0xb8;
	[tilespmem:$0x18800] =	vst v63  }
0x21: {  	_ =	swait.ge [sflag:s17], $0x4000  }
0x22: {  	[sflag:s17] =	ssyncset.done $0x0  }
0x23: {  	s22 =	rddreg [dreg:$0x4];
	[sflag:s17] =	ssyncadd.s32 $0xFFFFC000  }
0x24: {  	[hbm4b:s22+s3] =	stream.linear.scatter [tilespmem:s8], [sflag:$0x2], $0x4000, $0x38;
	[tilespmem:$0x18800] =	vst v63  }
0x25: {  	_ =	swait.ge [sflag:s18], $0x4000  }
0x26: {  	[sflag:s18] =	ssyncset.done $0x0  }
0x27: {  	s26 =	smul.u32 $0x28000, s20;
	s20 =	simm.s32 $0x380;
	[sflag:s18] =	ssyncadd.s32 $0xFFFFC000  }
0x28: {  	[tilespmem:s8], [sflag:$0x1] =	stream.indirect.gather [hbm4b:s2+s6], $0x80, s20, s6, $0xb8;
	[tilespmem:$0x18800] =	vst v63  }
0x29: {  	s22 =	sshrl.u32 s26, $0x3;
	_ =	swait.ge [sflag:s17], $0x4000  }
0x2a: {  	s31 =	sadd.s32 s21, s22;
	[sflag:s17] =	ssyncset.done $0x0  }
0x2b: {  	s21 =	sadd.s32 $0x1000, s31;
	[sflag:s17] =	ssyncadd.s32 $0xFFFFC000  }
0x2c: {  	[hbm4b:s21+s3] =	stream.linear.scatter [tilespmem:s10], [sflag:$0x2], $0x4000, $0x38;
	[tilespmem:$0x18800] =	vst v63  }
0x2d: {  	_ =	swait.ge [sflag:s18], $0x4000  }
0x2e: {  	[sflag:s18] =	ssyncset.done $0x0  }
0x2f: {  	s22 =	simm.s32 $0x400;
	[sflag:s18] =	ssyncadd.s32 $0xFFFFC000  }
0x30: {  	[tilespmem:s10], [sflag:$0x1] =	stream.indirect.gather [hbm4b:s2+s6], $0x80, s22, s6, $0xb8;
	[tilespmem:$0x18800] =	vst v63  }
0x31: {  	_ =	swait.ge [sflag:s17], $0x4000  }
0x32: {  	[sflag:s17] =	ssyncset.done $0x0  }
0x33: {  	s23 =	sadd.s32 $0x1800, s31;
	[sflag:s17] =	ssyncadd.s32 $0xFFFFC000  }
0x34: {  	[hbm4b:s23+s3] =	stream.linear.scatter [tilespmem:s12], [sflag:$0x2], $0x4000, $0x38;
	[tilespmem:$0x18800] =	vst v63  }
0x35: {  	_ =	swait.ge [sflag:s18], $0x4000  }
0x36: {  	[sflag:s18] =	ssyncset.done $0x0  }
0x37: {  	s24 =	simm.s32 $0x480;
	[sflag:s18] =	ssyncadd.s32 $0xFFFFC000  }
0x38: {  	[tilespmem:s12], [sflag:$0x1] =	stream.indirect.gather [hbm4b:s2+s6], $0x80, s24, s6, $0xb8;
	[tilespmem:$0x18800] =	vst v63  }
0x39: {  	_ =	swait.ge [sflag:s17], $0x4000  }
0x3a: {  	[sflag:s17] =	ssyncset.done $0x0  }
0x3b: {  	s25 =	sadd.s32 $0x2000, s31;
	[sflag:s17] =	ssyncadd.s32 $0xFFFFC000  }
0x3c: {  	[hbm4b:s25+s3] =	stream.linear.scatter [tilespmem:s14], [sflag:$0x2], $0x4000, $0x38;
	[tilespmem:$0x18800] =	vst v63  }
0x3d: {  	_ =	swait.ge [sflag:s17], $0x4000  }
0x3e: {  	[sflag:s17] =	ssyncset.done $0x0  }
0x3f: {  	s26 =	sadd.s32 $0x2800, s31;
	[sflag:s17] =	ssyncadd.s32 $0xFFFFC000  }
0x40: {  	[hbm4b:s26+s3] =	stream.linear.scatter [tilespmem:s16], [sflag:$0x2], $0x4000, $0x38;
	[tilespmem:$0x18800] =	vst v63  }
0x41: {  	_ =	swait.ge [sflag:s17], $0x4000  }
0x42: {  	[sflag:s17] =	ssyncset.done $0x0  }
0x43: {  	s28 =	sadd.s32 $0x3000, s31;
	[sflag:s17] =	ssyncadd.s32 $0xFFFFC000  }
0x44: {  	[hbm4b:s28+s3] =	stream.linear.scatter [tilespmem:s7], [sflag:$0x2], $0x4000, $0x38;
	[tilespmem:$0x18800] =	vst v63  }
0x45: {  	_ =	swait.ge [sflag:s17], $0x4000  }
0x46: {  	[sflag:s17] =	ssyncset.done $0x0  }
0x47: {  	s29 =	sadd.s32 $0x3800, s31;
	[sflag:s17] =	ssyncadd.s32 $0xFFFFC000  }
0x48: {  	[hbm4b:s29+s3] =	stream.linear.scatter [tilespmem:s8], [sflag:$0x2], $0x4000, $0x38;
	[tilespmem:$0x18800] =	vst v63  }
0x49: {  	_ =	swait.ge [sflag:s17], $0x4000  }
0x4a: {  	[sflag:s17] =	ssyncset.done $0x0  }
0x4b: {  	s30 =	sadd.s32 $0x4000, s31;
	[sflag:s17] =	ssyncadd.s32 $0xFFFFC000  }
0x4c: {  	[hbm4b:s30+s3] =	stream.linear.scatter [tilespmem:s10], [sflag:$0x2], $0x4000, $0x38;
	[tilespmem:$0x18800] =	vst v63  }
0x4d: {  	_ =	swait.ge [sflag:s17], $0x4000  }
0x4e: {  	[sflag:s17] =	ssyncset.done $0x0  }
0x4f: {  	s31 =	sadd.s32 $0x4800, s31;
	[sflag:s17] =	ssyncadd.s32 $0xFFFFC000  }
0x50: {  	[hbm4b:s31+s3] =	stream.linear.scatter [tilespmem:s12], [sflag:$0x2], $0x4000, $0x38;
	[tilespmem:$0x18800] =	vst v63  }
0x51: {  	_ =	swait.ge [sflag:s18], $0x4000  }
0x52: {  	[sflag:s18] =	ssyncset.done $0x0  }
0x53: {  	[sflag:s18] =	ssyncadd.s32 $0xFFFFC000  }
0x54: {  	_ =	swait.ge [sflag:s18], $0x4000  }
0x55: {  	[sflag:s18] =	ssyncset.done $0x0  }
0x56: {  	[sflag:s18] =	ssyncadd.s32 $0xFFFFC000  }
0x57: {  	s1 =	ssub.s32 $0x2, s1;
	_ =	swait.ge [sflag:s18], $0x4000  }
0x58: {  	s0 =	sshrl.u32 s1, $0x1;
	[sflag:s18] =	ssyncset.done $0x0  }
0x59: {  	s0 =	ssub.s32 s1, s0;
	[sflag:s18] =	ssyncadd.s32 $0xFFFFC000  }
0x5a: {  	s0 =	smax.u32 s0, $0x1;
	_ =	swait.ge [sflag:s18], $0x4000  }
0x5b: {  	p0 =	sne.s32 s0, $0x1;
	[sflag:s18] =	ssyncset.done $0x0  }
.Ltmp0:
0x5c: {  	[sflag:s18] =	ssyncadd.s32 $0xFFFFC000;
	(pc) =	sbr.rel @!p0 .LBB2_2-.Ltmp0, $4  }
0x5d: {  	_ =	swait.ge [sflag:s18], $0x4000  }
0x5e: {  	[sflag:s18] =	ssyncset.done $0x0  }
0x5f: {  	[sflag:s18] =	ssyncadd.s32 $0xFFFFC000  }
0x60: {  	s1 =	sadd.s32 $0xFFFFFFFF, s0;
	_ =	swait.ge [sflag:s18], $0x4000  }
.LBB2_1:
0x61: {  	[sflag:s18] =	ssyncset.done $0x0  }
0x62: {  	s0 =	rddreg [dreg:$0x3];
	[sflag:s18] =	ssyncadd.s32 $0xFFFFC000  }
0x63: {  	[tilespmem:s3], [sflag:$0x3] =	stream.linear.gather [hbm4b:s0+s3], $0x500, $0x38;
	[tilespmem:$0x18800] =	vst v63  }
0x64: {  	_ =	swait.ge [sflag:s5], $0x500  }
0x65: {  	[sflag:s5] =	ssyncset.done $0x0  }
0x66: {  	[sflag:s5] =	ssyncadd.s32 $0xFFFFFB00  }
0x67: {  	[tilespmem:s7], [sflag:$0x1] =	stream.indirect.gather [hbm4b:s2+s6], $0x80, s3, s6, $0xb8;
	[tilespmem:$0x18800] =	vst v63  }
0x68: {  	_ = 	snop  }
0x69: {  	[tilespmem:s8], [sflag:$0x1] =	stream.indirect.gather [hbm4b:s2+s6], $0x80, s6, s6, $0xb8;
	[tilespmem:$0x18800] =	vst v63  }
0x6a: {  	_ = 	snop  }
0x6b: {  	[tilespmem:s10], [sflag:$0x1] =	stream.indirect.gather [hbm4b:s2+s6], $0x80, s9, s6, $0xb8;
	[tilespmem:$0x18800] =	vst v63  }
0x6c: {  	_ = 	snop  }
0x6d: {  	[tilespmem:s12], [sflag:$0x1] =	stream.indirect.gather [hbm4b:s2+s6], $0x80, s11, s6, $0xb8;
	[tilespmem:$0x18800] =	vst v63  }
0x6e: {  	_ = 	snop  }
0x6f: {  	[tilespmem:s14], [sflag:$0x1] =	stream.indirect.gather [hbm4b:s2+s6], $0x80, s13, s6, $0xb8;
	[tilespmem:$0x18800] =	vst v63  }
0x70: {  	_ = 	snop  }
0x71: {  	[tilespmem:s16], [sflag:$0x1] =	stream.indirect.gather [hbm4b:s2+s6], $0x80, s15, s6, $0xb8;
	[tilespmem:$0x18800] =	vst v63  }
0x72: {  	_ =	swait.ge [sflag:s17], $0x4000  }
0x73: {  	[sflag:s17] =	ssyncset.done $0x0  }
0x74: {  	[sflag:s17] =	ssyncadd.s32 $0xFFFFC000  }
0x75: {  	[hbm4b:s4+s3] =	stream.linear.scatter [tilespmem:s7], [sflag:$0x2], $0x4000, $0x38;
	[tilespmem:$0x18800] =	vst v63  }
0x76: {  	_ =	swait.ge [sflag:s18], $0x4000  }
0x77: {  	[sflag:s18] =	ssyncset.done $0x0  }
0x78: {  	[sflag:s18] =	ssyncadd.s32 $0xFFFFC000  }
0x79: {  	[tilespmem:s7], [sflag:$0x1] =	stream.indirect.gather [hbm4b:s2+s6], $0x80, s19, s6, $0xb8;
	[tilespmem:$0x18800] =	vst v63  }
0x7a: {  	_ =	swait.ge [sflag:s17], $0x4000  }
0x7b: {  	[sflag:s17] =	ssyncset.done $0x0  }
0x7c: {  	s0 =	rddreg [dreg:$0x4];
	[sflag:s17] =	ssyncadd.s32 $0xFFFFC000  }
0x7d: {  	[hbm4b:s0+s3] =	stream.linear.scatter [tilespmem:s8], [sflag:$0x2], $0x4000, $0x38;
	[tilespmem:$0x18800] =	vst v63  }
0x7e: {  	_ =	swait.ge [sflag:s18], $0x4000  }
0x7f: {  	[sflag:s18] =	ssyncset.done $0x0  }
0x80: {  	[sflag:s18] =	ssyncadd.s32 $0xFFFFC000  }
0x81: {  	[tilespmem:s8], [sflag:$0x1] =	stream.indirect.gather [hbm4b:s2+s6], $0x80, s20, s6, $0xb8;
	[tilespmem:$0x18800] =	vst v63  }
0x82: {  	_ =	swait.ge [sflag:s17], $0x4000  }
0x83: {  	[sflag:s17] =	ssyncset.done $0x0  }
0x84: {  	[sflag:s17] =	ssyncadd.s32 $0xFFFFC000  }
0x85: {  	[hbm4b:s21+s3] =	stream.linear.scatter [tilespmem:s10], [sflag:$0x2], $0x4000, $0x38;
	[tilespmem:$0x18800] =	vst v63  }
0x86: {  	_ =	swait.ge [sflag:s18], $0x4000  }
0x87: {  	[sflag:s18] =	ssyncset.done $0x0  }
0x88: {  	[sflag:s18] =	ssyncadd.s32 $0xFFFFC000  }
0x89: {  	[tilespmem:s10], [sflag:$0x1] =	stream.indirect.gather [hbm4b:s2+s6], $0x80, s22, s6, $0xb8;
	[tilespmem:$0x18800] =	vst v63  }
0x8a: {  	_ =	swait.ge [sflag:s17], $0x4000  }
0x8b: {  	[sflag:s17] =	ssyncset.done $0x0  }
0x8c: {  	[sflag:s17] =	ssyncadd.s32 $0xFFFFC000  }
0x8d: {  	[hbm4b:s23+s3] =	stream.linear.scatter [tilespmem:s12], [sflag:$0x2], $0x4000, $0x38;
	[tilespmem:$0x18800] =	vst v63  }
0x8e: {  	_ =	swait.ge [sflag:s18], $0x4000  }
0x8f: {  	[sflag:s18] =	ssyncset.done $0x0  }
0x90: {  	[sflag:s18] =	ssyncadd.s32 $0xFFFFC000  }
0x91: {  	[tilespmem:s12], [sflag:$0x1] =	stream.indirect.gather [hbm4b:s2+s6], $0x80, s24, s6, $0xb8;
	[tilespmem:$0x18800] =	vst v63  }
0x92: {  	_ =	swait.ge [sflag:s17], $0x4000  }
0x93: {  	[sflag:s17] =	ssyncset.done $0x0  }
0x94: {  	[sflag:s17] =	ssyncadd.s32 $0xFFFFC000  }
0x95: {  	[hbm4b:s25+s3] =	stream.linear.scatter [tilespmem:s14], [sflag:$0x2], $0x4000, $0x38;
	[tilespmem:$0x18800] =	vst v63  }
0x96: {  	_ =	swait.ge [sflag:s17], $0x4000  }
0x97: {  	[sflag:s17] =	ssyncset.done $0x0  }
0x98: {  	[sflag:s17] =	ssyncadd.s32 $0xFFFFC000  }
0x99: {  	[hbm4b:s26+s3] =	stream.linear.scatter [tilespmem:s16], [sflag:$0x2], $0x4000, $0x38;
	[tilespmem:$0x18800] =	vst v63  }
0x9a: {  	_ =	swait.ge [sflag:s17], $0x4000  }
0x9b: {  	[sflag:s17] =	ssyncset.done $0x0  }
0x9c: {  	[sflag:s17] =	ssyncadd.s32 $0xFFFFC000  }
0x9d: {  	[hbm4b:s28+s3] =	stream.linear.scatter [tilespmem:s7], [sflag:$0x2], $0x4000, $0x38;
	[tilespmem:$0x18800] =	vst v63  }
0x9e: {  	_ =	swait.ge [sflag:s17], $0x4000  }
0x9f: {  	[sflag:s17] =	ssyncset.done $0x0  }
0xa0: {  	[sflag:s17] =	ssyncadd.s32 $0xFFFFC000  }
0xa1: {  	[hbm4b:s29+s3] =	stream.linear.scatter [tilespmem:s8], [sflag:$0x2], $0x4000, $0x38;
	[tilespmem:$0x18800] =	vst v63  }
0xa2: {  	_ =	swait.ge [sflag:s17], $0x4000  }
0xa3: {  	[sflag:s17] =	ssyncset.done $0x0  }
0xa4: {  	[sflag:s17] =	ssyncadd.s32 $0xFFFFC000  }
0xa5: {  	[hbm4b:s30+s3] =	stream.linear.scatter [tilespmem:s10], [sflag:$0x2], $0x4000, $0x38;
	[tilespmem:$0x18800] =	vst v63  }
0xa6: {  	_ =	swait.ge [sflag:s17], $0x4000  }
0xa7: {  	[sflag:s17] =	ssyncset.done $0x0  }
0xa8: {  	[sflag:s17] =	ssyncadd.s32 $0xFFFFC000  }
0xa9: {  	[hbm4b:s31+s3] =	stream.linear.scatter [tilespmem:s12], [sflag:$0x2], $0x4000, $0x38;
	[tilespmem:$0x18800] =	vst v63  }
0xaa: {  	_ =	swait.ge [sflag:s18], $0x4000  }
0xab: {  	[sflag:s18] =	ssyncset.done $0x0  }
0xac: {  	[sflag:s18] =	ssyncadd.s32 $0xFFFFC000  }
0xad: {  	_ =	swait.ge [sflag:s18], $0x4000  }
0xae: {  	[sflag:s18] =	ssyncset.done $0x0  }
0xaf: {  	[sflag:s18] =	ssyncadd.s32 $0xFFFFC000  }
0xb0: {  	_ =	swait.ge [sflag:s18], $0x4000  }
0xb1: {  	[sflag:s18] =	ssyncset.done $0x0  }
0xb2: {  	[sflag:s18] =	ssyncadd.s32 $0xFFFFC000  }
0xb3: {  	_ =	swait.ge [sflag:s18], $0x4000  }
0xb4: {  	p0 =	sne.s32 s1, $0x1;
	[sflag:s18] =	ssyncset.done $0x0  }
.Ltmp1:
0xb5: {  	[sflag:s18] =	ssyncadd.s32 $0xFFFFC000;
	(pc) =	sbr.rel @p0 .LBB2_1-.Ltmp1, $4  }
0xb6: {  	_ =	swait.ge [sflag:s18], $0x4000  }
0xb7: {  	[sflag:s18] =	ssyncset.done $0x0  }
0xb8: {  	[sflag:s18] =	ssyncadd.s32 $0xFFFFC000  }
0xb9: {  	s1 =	sadd.s32 $0xFFFFFFFF, s1;
	_ =	swait.ge [sflag:s18], $0x4000  }
.LBB2_2:
0xba: {  	[sflag:s18] =	ssyncset.done $0x0  }
0xbb: {  	[sflag:s18] =	ssyncadd.s32 $0xFFFFC000  }
0xbc: {  	_ =	sfence.sel $0x180000  }
0xbd: {  	[bflag:$0x0] =	sbarrier.arrive $0xFFFF  }
0xbe: {  	_ =	strace $0x9000004A  }
0xbf: {  	s0 =	stileid.u32;
	[bflag:$0x2] =	sbarrier.arrive $0xFFFF  }
0xc0: {  	p0 =	sne.s32 s0, $0x0;
	s0 =	rddreg [dreg:$0x2]  }
0xc1: {  	s0 =	sadd.s32 @!p0 $0x100000, s0  }
0xc2: {  	[sflag:s0] =	ssyncadd.tile.s32 @!p0 $0x1;
	_ =	shalt  }
.Lfunc_end2:
_tile_overlayer_lowered:
.L_overlay_start_2:
0xc3: {  	(tag) =	ssettag $0x2  }
0xc4: {  	s0 =	rddreg [dreg:$0x0];
	s2 =	stileid.u32  }
0xc5: {  	s1 =	rddreg [dreg:$0x1];
	p0 =	sne.s32 s2, $0x0  }
0xc6: {  	s3 =	rddreg [dreg:$0x2];
	[bflag:$0x3] =	sbarrier.arrive $0xFFFF;
	s2 =	simm.s32 @!p0 $0x1C03  }
0xc7: {  	[timem:s3], [sflag:s2] =	dma.local @!p0 [hbm:s0], s1  }
0xc8: {  	s0 =	simm.s32 @!p0 $0x3  }
0xc9: {  	_ =	swait.ge @!p0 [sflag:s0], s1  }
0xca: {  	s1 =	ssub.s32 @!p0 $0x0, s1;
	[sflag:s0] =	ssyncset.done @!p0 $0x0  }
0xcb: {  	[sflag:s0] =	ssyncadd.s32 @!p0 s1  }
0xcc: {  	[bflag:$0x3] =	sbarrier.arrive $0xFFFF  }
0xcd: {  	_ =	shalt  }

// kernel: kernel.18.cloned.1.call-start
scs
__scs_entry_jumppad:
0x0: {  	(pc) =	sbr.rel $0x88, $3  }
0x1: {  	(tag) =	ssettag $0x0;
	lr =	simm.s32 $0x1  }
0x2: {  	[smem:$0x3F9D] =	sst lr;
	_ =	strace $0xD0000000  }
0x3: {  	_ = 	snop  }
0x4: {  	_ = 	snop  }
0x5: {  	_ = 	snop  }
0x6: {  	_ = 	snop  }
0x7: {  	_ = 	snop  }
__scs_overlays_trampoline_lowered:
0x8: {  	[smem:$0x3FAC] =	sst s0  }
0x9: {  	[smem:$0x3FAD] =	sst s1  }
0xa: {  	[smem:$0x3FAE] =	sst s2  }
0xb: {  	[smem:$0x3FAF] =	sst s3  }
0xc: {  	[smem:$0x3FB0] =	sst s4  }
0xd: {  	[smem:$0x3FB1] =	sst s5  }
0xe: {  	[smem:$0x3FB2] =	sst s6  }
0xf: {  	[smem:$0x3FB3] =	sst s7  }
0x10: {  	[smem:$0x3FB4] =	sst s8  }
0x11: {  	[smem:$0x3FB5] =	sst s9;
	s0 =	simm.s32 @!p0 $0x0  }
0x12: {  	s1 =	sld [smem:$0x3F9B];
	s0 =	simm.s32 @p0 $0x1  }
0x13: {  	[smem:$0x3FB6] =	sst s0;
	s0 =	simm.s32 @!p1 $0x0  }
0x14: {  	s2 =	sld [smem:$0x3F9A];
	s0 =	simm.s32 @p1 $0x1  }
0x15: {  	[smem:$0x3FB7] =	sst s0;
	s0 =	simm.s32 @!p2 $0x0  }
0x16: {  	s3 =	sld [smem:$0x3FDB];
	s0 =	simm.s32 @p2 $0x1  }
0x17: {  	s4 =	simm.s32 $0x1BF5;
	[smem:$0x3FB9] =	sst s0  }
0x18: {  	s0 =	sld [smem:$0x3F9C];
	_ =	swait.ge [sflag:s4], $0x0  }
0x19: {  	s7 =	sld [smem:$0x3F9D]  }
0x1a: {  	s8 =	sadd.s32 $0xFFFFE003, lr  }
0x1b: {  	s9 =	sadd.s32 $0xFFFFFEF7, lr;
	s5 =	simm.s32 $0xFFFFFFFF;
	p2 =	slt.u32 s8, $0xFFFFF086  }
0x1c: {  	p1 =	slt.u32 s9, $0xF7A;
	s5 =	simm.s32 @!p2 $0x0  }
0x1d: {  	s5 =	simm.s32 @p1 $0x1;
	p0 =	seq.s32 s7, s2  }
0x1e: {  	s7 =	smul.u32 @!p0 $0xF7A, s2;
	p2 =	seq.s32 @!p0 s5, $0x0  }
0x1f: {  	s9 =	smul.u32 $0xF7A, s1;
	s8 =	simm.s32 @!p0 $0x1BF5;
	p2 =	por !p2, p0  }
0x20: {  	[sflag:s8] =	ssyncset.s32 @!p0 $0xFFFFF086;
	s6 =	sadd.s32 @!p0 s3, s7;
	s7 =	simm.s32 @!p0 $0x108  }
0x21: {  	s3 =	sadd.s32 s3, s9;
	s6 =	sadd.s32 @!p0 $0x88, s6;
	s7 =	simm.s32 @p2 $0x1082  }
0x22: {  	[simem:s7], [sflag:s8] =	dma.local @!p0 [hbm:s6], $0xF7A  }
0x23: {  	s9 =	sor.u32 $0xD0000000, s2;
	s6 =	simm.s32 $0x108;
	_ =	swait.ge @!p0 [sflag:s8], $0x0  }
0x24: {  	s3 =	sadd.s32 $0x88, s3;
	s6 =	simm.s32 @!p1 $0x1082;
	[sflag:s4] =	ssyncset.s32 $0xFFFFF086  }
0x25: {  	[simem:s6], [sflag:s4] =	dma.local [hbm:s3], $0xF7A  }
0x26: {  	[smem:$0x3F9D] =	sst s1;
	(tag) =	ssettag s2;
	_ =	strace s9  }
0x27: {  	s1 =	sld [smem:$0x3FAD]  }
0x28: {  	s2 =	sld [smem:$0x3FAE]  }
0x29: {  	s4 =	sld [smem:$0x3FB0]  }
0x2a: {  	p0 =	seq.s32 s5, $0x0;
	s5 =	sld [smem:$0x3FB1]  }
0x2b: {  	s6 =	sld [smem:$0x3FB2]  }
0x2c: {  	s7 =	sld [smem:$0x3FB3]  }
0x2d: {  	s3 =	simm.s32 $0x108;
	s8 =	sld [smem:$0x3FB4]  }
0x2e: {  	s3 =	simm.s32 @!p0 $0x1082;
	s9 =	sld [smem:$0x3FB5]  }
0x2f: {  	lr =	sadd.s32 s0, s3;
	s0 =	sld [smem:$0x3FAC]  }
0x30: {  	s3 =	sld [smem:$0x3FAF]  }
0x31: {  	[smem:$0x3FB8] =	sst s10  }
0x32: {  	s10 =	sld [smem:$0x3FB6];
	_ =	sdelay $0x3  }
0x33: {  	p0 =	seq.s32 s10, $0x1;
	s10 =	sld [smem:$0x3FB8];
	_ =	sdelay $0x3  }
0x34: {  	[smem:$0x3FB8] =	sst s10  }
0x35: {  	s10 =	sld [smem:$0x3FB7];
	_ =	sdelay $0x3  }
0x36: {  	p1 =	seq.s32 s10, $0x1;
	s10 =	sld [smem:$0x3FB8];
	_ =	sdelay $0x3  }
0x37: {  	[smem:$0x3FB8] =	sst s10  }
0x38: {  	s10 =	sld [smem:$0x3FB9]  }
0x39: {  	_ = 	snop;
	(pc) =	sbr.ind lr, $3  }
0x3a: {  	_ = 	snop  }
0x3b: {  	_ = 	snop  }
0x3c: {  	p2 =	seq.s32 s10, $0x1;
	s10 =	sld [smem:$0x3FB8]  }
0x3d: {  	_ =	shalt  }
0x3e: {  	_ =	shalt  }
0x3f: {  	_ =	shalt  }
0x40: {  	_ =	shalt  }
0x41: {  	_ =	shalt  }
0x42: {  	_ =	shalt  }
0x43: {  	_ =	shalt  }
0x44: {  	_ =	shalt  }
0x45: {  	_ =	shalt  }
0x46: {  	_ =	shalt  }
0x47: {  	_ =	shalt  }
0x48: {  	_ =	shalt  }
0x49: {  	_ =	shalt  }
0x4a: {  	_ =	shalt  }
0x4b: {  	_ =	shalt  }
0x4c: {  	_ =	shalt  }
0x4d: {  	_ =	shalt  }
0x4e: {  	_ =	shalt  }
0x4f: {  	_ =	shalt  }
0x50: {  	_ =	shalt  }
0x51: {  	_ =	shalt  }
0x52: {  	_ =	shalt  }
0x53: {  	_ =	shalt  }
0x54: {  	_ =	shalt  }
0x55: {  	_ =	shalt  }
0x56: {  	_ =	shalt  }
0x57: {  	_ =	shalt  }
0x58: {  	_ =	shalt  }
0x59: {  	_ =	shalt  }
0x5a: {  	_ =	shalt  }
0x5b: {  	_ =	shalt  }
0x5c: {  	_ =	shalt  }
0x5d: {  	_ =	shalt  }
0x5e: {  	_ =	shalt  }
0x5f: {  	_ =	shalt  }
0x60: {  	_ =	shalt  }
0x61: {  	_ =	shalt  }
0x62: {  	_ =	shalt  }
0x63: {  	_ =	shalt  }
0x64: {  	_ =	shalt  }
0x65: {  	_ =	shalt  }
0x66: {  	_ =	shalt  }
0x67: {  	_ =	shalt  }
0x68: {  	_ =	shalt  }
0x69: {  	_ =	shalt  }
0x6a: {  	_ =	shalt  }
0x6b: {  	_ =	shalt  }
0x6c: {  	_ =	shalt  }
0x6d: {  	_ =	shalt  }
0x6e: {  	_ =	shalt  }
0x6f: {  	_ =	shalt  }
0x70: {  	_ =	shalt  }
0x71: {  	_ =	shalt  }
0x72: {  	_ =	shalt  }
0x73: {  	_ =	shalt  }
0x74: {  	_ =	shalt  }
0x75: {  	_ =	shalt  }
0x76: {  	_ =	shalt  }
0x77: {  	_ =	shalt  }
0x78: {  	_ =	shalt  }
0x79: {  	_ =	shalt  }
0x7a: {  	_ =	shalt  }
0x7b: {  	_ =	shalt  }
0x7c: {  	_ =	shalt  }
0x7d: {  	_ =	shalt  }
0x7e: {  	_ =	shalt  }
0x7f: {  	_ =	shalt  }
0x80: {  	_ =	shalt  }
0x81: {  	_ =	shalt  }
0x82: {  	_ =	shalt  }
0x83: {  	_ =	shalt  }
0x84: {  	_ =	shalt  }
0x85: {  	_ =	shalt  }
0x86: {  	_ =	shalt  }
0x87: {  	_ =	shalt  }
.Lfunc_end0:
.L_simem_size_0:
called_computation.2_lowered:
.L_overlay_start_0:
0x88: {  	s2 =	sld [smem:$0x3FD9]  }
0x89: {  	s3 =	sld [smem:$0x3FFE];
	_ =	sdelay $0x1  }
0x8a: {  	s1 =	srdreg.scid  }
0x8b: {  	s0 =	sand.u32 $0x1, s1  }
0x8c: {  	s17 =	sshll.u32 s0, $0xA;
	s2 =	sadd.s32 s3, s2  }
0x8d: {  	s2 =	sadd.s32 s2, s17  }
0x8e: {  	[smem:$0x3FC4] =	sst s2  }
0x8f: {  	_ = 	snop  }
0x90: {  	s18 =	sld [smem:$0x3FC8];
	(tm) =	ssettm $0x1  }
0x91: {  	s19 =	sld [smem:$0x3FFB];
	_ =	sdelay $0x3  }
0x92: {  	_ =	strace s19  }
0x93: {  	s2 =	sld [smem:$0x3FFC];
	_ =	sdelay $0x3  }
0x94: {  	_ =	strace s2  }
0x95: {  	s2 =	sld [smem:$0x3FFD];
	_ =	sdelay $0x3  }
0x96: {  	_ =	strace s2  }
0x97: {  	_ =	strace $0x8FFFFFFF  }
0x98: {  	s20 =	sld [smem:$0x3FDB];
	_ =	sdelay $0x1  }
0x99: {  	s4 =	simm.s32 $_scs_section_size  }
0x9a: {  	s5 =	simm.s32 $_size__tile_overlayer_lowered;
	s6 =	simm.s32 $_tile_overlayer_lowered  }
0x9b: {  	s7 =	simm.s32 $0x1BFF;
	s21 =	sshll.u32 s6, $0x1;
	s4 =	sadd.s32 s4, s20  }
0x9c: {  	s22 =	simm.s32 $0x0;
	s5 =	sshll.u32 s5, $0x1;
	s6 =	sadd.s32 s21, s4  }
0x9d: {  	[timem:s22], [sflag:s7] =	dma.local [hbm:s6], s5  }
0x9e: {  	_ =	swait.ge [sflag:s7], s5  }
0x9f: {  	s5 =	ssub.s32 $0x0, s5;
	[sflag:s7] =	ssyncset.done $0x0  }
0xa0: {  	[sflag:s7] =	ssyncadd.s32 s5;
	_ =	sdelay $0x1  }
0xa1: {  	s23 =	simm.s32 $0x1B8B  }
0xa2: {  	_ =	swait.ge [sflag:s23], $0x1  }
0xa3: {  	[sflag:s23] =	ssyncset.done $0x0  }
0xa4: {  	[sflag:s23] =	ssyncadd.s32 $0xFFFFFFFF  }
0xa5: {  	s5 =	sld [smem:$0x0]  }
0xa6: {  	s6 =	sand.u32 $0xFFFFFFFE, s1  }
0xa7: {  	p0 =	sne.s32 s1, s6  }
0xa8: {  	s6 =	sshll.u32 @p0 s6, $0xE  }
0xa9: {  	s6 =	sadd.s32 @p0 $0x11B8D, s6;
	s7 =	sshll.u32 @p0 s5, $0x11  }
0xaa: {  	s6 =	sor.u32 @p0 s7, s6  }
0xab: {  	[sflag:s6] =	ssyncadd.remote.s32 @p0 $0x1;
	_ =	sdelay $0x1  }
0xac: {  	s6 =	simm.s32 @p0 $0x1B8D  }
0xad: {  	_ =	swait.eq @p0 [sflag:s6], $0x1  }
0xae: {  	[sflag:s6] =	ssyncadd.s32 @p0 $0xFFFFFFFF  }
0xaf: {  	s7 =	sshll.u32 @!p0 s1, $0xE  }
0xb0: {  	s7 =	sor.u32 @!p0 $0x4000, s7;
	s6 =	simm.s32 @!p0 $0x1B8D  }
0xb1: {  	s5 =	sshll.u32 @!p0 s5, $0x11;
	s7 =	sadd.s32 @!p0 $0x11B8D, s7;
	_ =	swait.eq @!p0 [sflag:s6], $0x1  }
0xb2: {  	s5 =	sor.u32 @!p0 s5, s7;
	[sflag:s6] =	ssyncadd.s32 @!p0 $0xFFFFFFFF  }
0xb3: {  	s25 =	simm.s32 $0x1B8E;
	s24 =	sld [smem:$0x3FFE];
	[sflag:s5] =	ssyncadd.remote.s32 @!p0 $0x1  }
0xb4: {  	s26 =	simm.s32 $execute0_lowered;
	[smem:$0x3FD2] =	sst s25  }
0xb5: {  	s6 =	sshll.u32 s26, $0x1;
	_ =	strace $0x8000004C;
	[dreg:$0x1] =	wrdreg $0xFFFFFFFF  }
0xb6: {  	s28 =	simm.s32 $_size_execute0_lowered;
	s4 =	sadd.s32 s4, s6;
	[dreg:$0x0] =	wrdreg $0x0  }
0xb7: {  	s6 =	sshll.u32 s28, $0x1;
	[dreg:$0x2] =	wrdreg s4  }
0xb8: {  	[dreg:$0x3] =	wrdreg s6  }
0xb9: {  	[dreg:$0x4] =	wrdreg $0xC0  }
0xba: {  	_ =	task [dreg:s22], $0x5FFFF  }
0xbb: {  	[dreg:$0x1] =	wrdreg $0xFFFFFFFF  }
0xbc: {  	[dreg:$0x0] =	wrdreg $0x60  }
0xbd: {  	[dreg:$0x2] =	wrdreg s24  }
0xbe: {  	[dreg:$0x3] =	wrdreg s18  }
0xbf: {  	[dreg:$0x4] =	wrdreg $0xB  }
0xc0: {  	_ =	task.clear_ibuf [dreg:s22], $0x5FFFF;
	_ =	strace $0x9000004C  }
0xc1: {  	s29 =	simm.s32 $0xB;
	_ =	strace $0x8000004E  }
0xc2: {  	_ =	swait.ge [sflag:s29], $0x1  }
0xc3: {  	[sflag:s29] =	ssyncadd.s32 $0xFFFFFFFF  }
0xc4: {  	_ =	strace $0x9000004E  }
0xc5: {  	_ =	sfence  }
0xc6: {  	s30 =	sld [smem:$0x0];
	_ =	sdelay $0x2  }
0xc7: {  	s31 =	sshll.u32 s1, $0xD;
	s1 =	sshrl.u32 s1, $0x2  }
0xc8: {  	s4 =	sand.u32 $0x4000, s31;
	s1 =	sadd.s32 s1, s30  }
0xc9: {  	s0 =	sor.u32 s4, s0;
	s1 =	sshll.u32 s1, $0x11  }
0xca: {  	s0 =	sor.u32 s1, s0  }
0xcb: {  	s0 =	sadd.s32 $0x8F2B, s0  }
0xcc: {  	[sflag:s0] =	ssyncadd.remote.s32 $0x1  }
0xcd: {  	_ =	sfence.sel $0xFFFF  }
0xce: {  	[dreg:$0x0] =	wrdreg $0xFFFFFFFF;
	(pc) =	sbr.abs _section_cstart, $3  }
0xcf: {  	[dreg:$0x1] =	wrdreg $0xFFFFFFFF  }
0xd0: {  	_ =	task.clear_ibuf [dreg:s22], $0x2FFFF;
	_ =	strace $0x9FFFFFFF  }
0xd1: {  	(tm) =	ssettm $0x7FFFFFFF  }
tec
execute0_lowered:
.L_overlay_start_1:
0x0: {  	(tag) =	ssettag $0x1  }
0x1: {  	s1 =	srdreg.scid;
	s0 =	stileid.u32  }
0x2: {  	s1 =	sand.u32 $0x1, s1;
	s3 =	sshll.u32 s0, $0x1  }
0x3: {  	s4 =	rddreg [dreg:$0x0];
	s20 =	sor.u32 s1, s3  }
0x4: {  	s2 =	rddreg [dreg:$0x1];
	s5 =	sshll.u32 s20, $0x8  }
0x5: {  	s3 =	simm.s32 $0x0;
	s6 =	smul.u32 $0x5000, s20;
	s5 =	sadd.s32 s5, s4  }
0x6: {  	s21 =	sadd.s32 $0xAC600, s4;
	[smem:$0x7FF] =	sst s3;
	s5 =	sadd.s32 $0x6600, s5  }
0x7: {  	_ =	strace $0x8000004D;
	s4 =	sadd.s32 s21, s6;
	[dreg:$0x3] =	wrdreg s5  }
0x8: {  	s25 =	sadd.s32 $0x800, s4;
	s24 =	rddreg [dreg:$0x3]  }
0x9: {  	s5 =	simm.s32 $0x3;
	[dreg:$0x4] =	wrdreg s25  }
0xa: {  	[tilespmem:s3], [sflag:$0x3] =	stream.linear.gather [hbm4b:s24+s3], $0x500, $0x38;
	[tilespmem:$0x18800] =	vst v63  }
0xb: {  	_ =	swait.ge [sflag:s5], $0x500  }
0xc: {  	[sflag:s5] =	ssyncset.done $0x0  }
0xd: {  	s7 =	simm.s32 $0x800;
	s6 =	simm.s32 $0x80;
	[sflag:s5] =	ssyncadd.s32 $0xFFFFFB00  }
0xe: {  	[tilespmem:s7], [sflag:$0x1] =	stream.indirect.gather [hbm4b:s2+s6], $0x80, s3, s6, $0xb8;
	[tilespmem:$0x18800] =	vst v63  }
0xf: {  	s8 =	simm.s32 $0x4800  }
0x10: {  	[tilespmem:s8], [sflag:$0x1] =	stream.indirect.gather [hbm4b:s2+s6], $0x80, s6, s6, $0xb8;
	[tilespmem:$0x18800] =	vst v63  }
0x11: {  	s9 =	simm.s32 $0x100;
	s10 =	simm.s32 $0x8800  }
0x12: {  	[tilespmem:s10], [sflag:$0x1] =	stream.indirect.gather [hbm4b:s2+s6], $0x80, s9, s6, $0xb8;
	[tilespmem:$0x18800] =	vst v63  }
0x13: {  	s11 =	simm.s32 $0x180;
	s12 =	simm.s32 $0xC800  }
0x14: {  	[tilespmem:s12], [sflag:$0x1] =	stream.indirect.gather [hbm4b:s2+s6], $0x80, s11, s6, $0xb8;
	[tilespmem:$0x18800] =	vst v63  }
0x15: {  	s13 =	simm.s32 $0x200;
	s14 =	simm.s32 $0x10800  }
0x16: {  	[tilespmem:s14], [sflag:$0x1] =	stream.indirect.gather [hbm4b:s2+s6], $0x80, s13, s6, $0xb8;
	[tilespmem:$0x18800] =	vst v63  }
0x17: {  	s15 =	simm.s32 $0x280;
	s16 =	simm.s32 $0x14800;
	s17 =	simm.s32 $0x1  }
0x18: {  	[tilespmem:s16], [sflag:$0x1] =	stream.indirect.gather [hbm4b:s2+s6], $0x80, s15, s6, $0xb8;
	[tilespmem:$0x18800] =	vst v63  }
0x19: {  	_ =	swait.ge [sflag:s17], $0x4000  }
0x1a: {  	[sflag:s17] =	ssyncset.done $0x0  }
0x1b: {  	s18 =	simm.s32 $0x2;
	[sflag:s17] =	ssyncadd.s32 $0xFFFFC000  }
0x1c: {  	[hbm4b:s4+s3] =	stream.linear.scatter [tilespmem:s7], [sflag:$0x2], $0x4000, $0x38;
	[tilespmem:$0x18800] =	vst v63  }
0x1d: {  	_ =	swait.ge [sflag:s18], $0x4000  }
0x1e: {  	[sflag:s18] =	ssyncset.done $0x0  }
0x1f: {  	s19 =	simm.s32 $0x300;
	[sflag:s18] =	ssyncadd.s32 $0xFFFFC000  }
0x20: {  	[tilespmem:s7], [sflag:$0x1] =	stream.indirect.gather [hbm4b:s2+s6], $0x80, s19, s6, $0xb8;
	[tilespmem:$0x18800] =	vst v63  }
0x21: {  	_ =	swait.ge [sflag:s17], $0x4000  }
0x22: {  	[sflag:s17] =	ssyncset.done $0x0  }
0x23: {  	s22 =	rddreg [dreg:$0x4];
	[sflag:s17] =	ssyncadd.s32 $0xFFFFC000  }
0x24: {  	[hbm4b:s22+s3] =	stream.linear.scatter [tilespmem:s8], [sflag:$0x2], $0x4000, $0x38;
	[tilespmem:$0x18800] =	vst v63  }
0x25: {  	_ =	swait.ge [sflag:s18], $0x4000  }
0x26: {  	[sflag:s18] =	ssyncset.done $0x0  }
0x27: {  	s26 =	smul.u32 $0x28000, s20;
	s20 =	simm.s32 $0x380;
	[sflag:s18] =	ssyncadd.s32 $0xFFFFC000  }
0x28: {  	[tilespmem:s8], [sflag:$0x1] =	stream.indirect.gather [hbm4b:s2+s6], $0x80, s20, s6, $0xb8;
	[tilespmem:$0x18800] =	vst v63  }
0x29: {  	s22 =	sshrl.u32 s26, $0x3;
	_ =	swait.ge [sflag:s17], $0x4000  }
0x2a: {  	s31 =	sadd.s32 s21, s22;
	[sflag:s17] =	ssyncset.done $0x0  }
0x2b: {  	s21 =	sadd.s32 $0x1000, s31;
	[sflag:s17] =	ssyncadd.s32 $0xFFFFC000  }
0x2c: {  	[hbm4b:s21+s3] =	stream.linear.scatter [tilespmem:s10], [sflag:$0x2], $0x4000, $0x38;
	[tilespmem:$0x18800] =	vst v63  }
0x2d: {  	_ =	swait.ge [sflag:s18], $0x4000  }
0x2e: {  	[sflag:s18] =	ssyncset.done $0x0  }
0x2f: {  	s22 =	simm.s32 $0x400;
	[sflag:s18] =	ssyncadd.s32 $0xFFFFC000  }
0x30: {  	[tilespmem:s10], [sflag:$0x1] =	stream.indirect.gather [hbm4b:s2+s6], $0x80, s22, s6, $0xb8;
	[tilespmem:$0x18800] =	vst v63  }
0x31: {  	_ =	swait.ge [sflag:s17], $0x4000  }
0x32: {  	[sflag:s17] =	ssyncset.done $0x0  }
0x33: {  	s23 =	sadd.s32 $0x1800, s31;
	[sflag:s17] =	ssyncadd.s32 $0xFFFFC000  }
0x34: {  	[hbm4b:s23+s3] =	stream.linear.scatter [tilespmem:s12], [sflag:$0x2], $0x4000, $0x38;
	[tilespmem:$0x18800] =	vst v63  }
0x35: {  	_ =	swait.ge [sflag:s18], $0x4000  }
0x36: {  	[sflag:s18] =	ssyncset.done $0x0  }
0x37: {  	s24 =	simm.s32 $0x480;
	[sflag:s18] =	ssyncadd.s32 $0xFFFFC000  }
0x38: {  	[tilespmem:s12], [sflag:$0x1] =	stream.indirect.gather [hbm4b:s2+s6], $0x80, s24, s6, $0xb8;
	[tilespmem:$0x18800] =	vst v63  }
0x39: {  	_ =	swait.ge [sflag:s17], $0x4000  }
0x3a: {  	[sflag:s17] =	ssyncset.done $0x0  }
0x3b: {  	s25 =	sadd.s32 $0x2000, s31;
	[sflag:s17] =	ssyncadd.s32 $0xFFFFC000  }
0x3c: {  	[hbm4b:s25+s3] =	stream.linear.scatter [tilespmem:s14], [sflag:$0x2], $0x4000, $0x38;
	[tilespmem:$0x18800] =	vst v63  }
0x3d: {  	_ =	swait.ge [sflag:s17], $0x4000  }
0x3e: {  	[sflag:s17] =	ssyncset.done $0x0  }
0x3f: {  	s26 =	sadd.s32 $0x2800, s31;
	[sflag:s17] =	ssyncadd.s32 $0xFFFFC000  }
0x40: {  	[hbm4b:s26+s3] =	stream.linear.scatter [tilespmem:s16], [sflag:$0x2], $0x4000, $0x38;
	[tilespmem:$0x18800] =	vst v63  }
0x41: {  	_ =	swait.ge [sflag:s17], $0x4000  }
0x42: {  	[sflag:s17] =	ssyncset.done $0x0  }
0x43: {  	s28 =	sadd.s32 $0x3000, s31;
	[sflag:s17] =	ssyncadd.s32 $0xFFFFC000  }
0x44: {  	[hbm4b:s28+s3] =	stream.linear.scatter [tilespmem:s7], [sflag:$0x2], $0x4000, $0x38;
	[tilespmem:$0x18800] =	vst v63  }
0x45: {  	_ =	swait.ge [sflag:s17], $0x4000  }
0x46: {  	[sflag:s17] =	ssyncset.done $0x0  }
0x47: {  	s29 =	sadd.s32 $0x3800, s31;
	[sflag:s17] =	ssyncadd.s32 $0xFFFFC000  }
0x48: {  	[hbm4b:s29+s3] =	stream.linear.scatter [tilespmem:s8], [sflag:$0x2], $0x4000, $0x38;
	[tilespmem:$0x18800] =	vst v63  }
0x49: {  	_ =	swait.ge [sflag:s17], $0x4000  }
0x4a: {  	[sflag:s17] =	ssyncset.done $0x0  }
0x4b: {  	s30 =	sadd.s32 $0x4000, s31;
	[sflag:s17] =	ssyncadd.s32 $0xFFFFC000  }
0x4c: {  	[hbm4b:s30+s3] =	stream.linear.scatter [tilespmem:s10], [sflag:$0x2], $0x4000, $0x38;
	[tilespmem:$0x18800] =	vst v63  }
0x4d: {  	_ =	swait.ge [sflag:s17], $0x4000  }
0x4e: {  	[sflag:s17] =	ssyncset.done $0x0  }
0x4f: {  	s31 =	sadd.s32 $0x4800, s31;
	[sflag:s17] =	ssyncadd.s32 $0xFFFFC000  }
0x50: {  	[hbm4b:s31+s3] =	stream.linear.scatter [tilespmem:s12], [sflag:$0x2], $0x4000, $0x38;
	[tilespmem:$0x18800] =	vst v63  }
0x51: {  	_ =	swait.ge [sflag:s18], $0x4000  }
0x52: {  	[sflag:s18] =	ssyncset.done $0x0  }
0x53: {  	[sflag:s18] =	ssyncadd.s32 $0xFFFFC000  }
0x54: {  	_ =	swait.ge [sflag:s18], $0x4000  }
0x55: {  	[sflag:s18] =	ssyncset.done $0x0  }
0x56: {  	[sflag:s18] =	ssyncadd.s32 $0xFFFFC000  }
0x57: {  	s1 =	ssub.s32 $0x2, s1;
	_ =	swait.ge [sflag:s18], $0x4000  }
0x58: {  	s0 =	sshrl.u32 s1, $0x1;
	[sflag:s18] =	ssyncset.done $0x0  }
0x59: {  	s0 =	ssub.s32 s1, s0;
	[sflag:s18] =	ssyncadd.s32 $0xFFFFC000  }
0x5a: {  	s0 =	smax.u32 s0, $0x1;
	_ =	swait.ge [sflag:s18], $0x4000  }
0x5b: {  	p0 =	sne.s32 s0, $0x1;
	[sflag:s18] =	ssyncset.done $0x0  }
.Ltmp0:
0x5c: {  	[sflag:s18] =	ssyncadd.s32 $0xFFFFC000;
	(pc) =	sbr.rel @!p0 .LBB2_2-.Ltmp0, $4  }
0x5d: {  	_ =	swait.ge [sflag:s18], $0x4000  }
0x5e: {  	[sflag:s18] =	ssyncset.done $0x0  }
0x5f: {  	[sflag:s18] =	ssyncadd.s32 $0xFFFFC000  }
0x60: {  	s1 =	sadd.s32 $0xFFFFFFFF, s0;
	_ =	swait.ge [sflag:s18], $0x4000  }
.LBB2_1:
0x61: {  	[sflag:s18] =	ssyncset.done $0x0  }
0x62: {  	s0 =	rddreg [dreg:$0x3];
	[sflag:s18] =	ssyncadd.s32 $0xFFFFC000  }
0x63: {  	[tilespmem:s3], [sflag:$0x3] =	stream.linear.gather [hbm4b:s0+s3], $0x500, $0x38;
	[tilespmem:$0x18800] =	vst v63  }
0x64: {  	_ =	swait.ge [sflag:s5], $0x500  }
0x65: {  	[sflag:s5] =	ssyncset.done $0x0  }
0x66: {  	[sflag:s5] =	ssyncadd.s32 $0xFFFFFB00  }
0x67: {  	[tilespmem:s7], [sflag:$0x1] =	stream.indirect.gather [hbm4b:s2+s6], $0x80, s3, s6, $0xb8;
	[tilespmem:$0x18800] =	vst v63  }
0x68: {  	_ = 	snop  }
0x69: {  	[tilespmem:s8], [sflag:$0x1] =	stream.indirect.gather [hbm4b:s2+s6], $0x80, s6, s6, $0xb8;
	[tilespmem:$0x18800] =	vst v63  }
0x6a: {  	_ = 	snop  }
0x6b: {  	[tilespmem:s10], [sflag:$0x1] =	stream.indirect.gather [hbm4b:s2+s6], $0x80, s9, s6, $0xb8;
	[tilespmem:$0x18800] =	vst v63  }
0x6c: {  	_ = 	snop  }
0x6d: {  	[tilespmem:s12], [sflag:$0x1] =	stream.indirect.gather [hbm4b:s2+s6], $0x80, s11, s6, $0xb8;
	[tilespmem:$0x18800] =	vst v63  }
0x6e: {  	_ = 	snop  }
0x6f: {  	[tilespmem:s14], [sflag:$0x1] =	stream.indirect.gather [hbm4b:s2+s6], $0x80, s13, s6, $0xb8;
	[tilespmem:$0x18800] =	vst v63  }
0x70: {  	_ = 	snop  }
0x71: {  	[tilespmem:s16], [sflag:$0x1] =	stream.indirect.gather [hbm4b:s2+s6], $0x80, s15, s6, $0xb8;
	[tilespmem:$0x18800] =	vst v63  }
0x72: {  	_ =	swait.ge [sflag:s17], $0x4000  }
0x73: {  	[sflag:s17] =	ssyncset.done $0x0  }
0x74: {  	[sflag:s17] =	ssyncadd.s32 $0xFFFFC000  }
0x75: {  	[hbm4b:s4+s3] =	stream.linear.scatter [tilespmem:s7], [sflag:$0x2], $0x4000, $0x38;
	[tilespmem:$0x18800] =	vst v63  }
0x76: {  	_ =	swait.ge [sflag:s18], $0x4000  }
0x77: {  	[sflag:s18] =	ssyncset.done $0x0  }
0x78: {  	[sflag:s18] =	ssyncadd.s32 $0xFFFFC000  }
0x79: {  	[tilespmem:s7], [sflag:$0x1] =	stream.indirect.gather [hbm4b:s2+s6], $0x80, s19, s6, $0xb8;
	[tilespmem:$0x18800] =	vst v63  }
0x7a: {  	_ =	swait.ge [sflag:s17], $0x4000  }
0x7b: {  	[sflag:s17] =	ssyncset.done $0x0  }
0x7c: {  	s0 =	rddreg [dreg:$0x4];
	[sflag:s17] =	ssyncadd.s32 $0xFFFFC000  }
0x7d: {  	[hbm4b:s0+s3] =	stream.linear.scatter [tilespmem:s8], [sflag:$0x2], $0x4000, $0x38;
	[tilespmem:$0x18800] =	vst v63  }
0x7e: {  	_ =	swait.ge [sflag:s18], $0x4000  }
0x7f: {  	[sflag:s18] =	ssyncset.done $0x0  }
0x80: {  	[sflag:s18] =	ssyncadd.s32 $0xFFFFC000  }
0x81: {  	[tilespmem:s8], [sflag:$0x1] =	stream.indirect.gather [hbm4b:s2+s6], $0x80, s20, s6, $0xb8;
	[tilespmem:$0x18800] =	vst v63  }
0x82: {  	_ =	swait.ge [sflag:s17], $0x4000  }
0x83: {  	[sflag:s17] =	ssyncset.done $0x0  }
0x84: {  	[sflag:s17] =	ssyncadd.s32 $0xFFFFC000  }
0x85: {  	[hbm4b:s21+s3] =	stream.linear.scatter [tilespmem:s10], [sflag:$0x2], $0x4000, $0x38;
	[tilespmem:$0x18800] =	vst v63  }
0x86: {  	_ =	swait.ge [sflag:s18], $0x4000  }
0x87: {  	[sflag:s18] =	ssyncset.done $0x0  }
0x88: {  	[sflag:s18] =	ssyncadd.s32 $0xFFFFC000  }
0x89: {  	[tilespmem:s10], [sflag:$0x1] =	stream.indirect.gather [hbm4b:s2+s6], $0x80, s22, s6, $0xb8;
	[tilespmem:$0x18800] =	vst v63  }
0x8a: {  	_ =	swait.ge [sflag:s17], $0x4000  }
0x8b: {  	[sflag:s17] =	ssyncset.done $0x0  }
0x8c: {  	[sflag:s17] =	ssyncadd.s32 $0xFFFFC000  }
0x8d: {  	[hbm4b:s23+s3] =	stream.linear.scatter [tilespmem:s12], [sflag:$0x2], $0x4000, $0x38;
	[tilespmem:$0x18800] =	vst v63  }
0x8e: {  	_ =	swait.ge [sflag:s18], $0x4000  }
0x8f: {  	[sflag:s18] =	ssyncset.done $0x0  }
0x90: {  	[sflag:s18] =	ssyncadd.s32 $0xFFFFC000  }
0x91: {  	[tilespmem:s12], [sflag:$0x1] =	stream.indirect.gather [hbm4b:s2+s6], $0x80, s24, s6, $0xb8;
	[tilespmem:$0x18800] =	vst v63  }
0x92: {  	_ =	swait.ge [sflag:s17], $0x4000  }
0x93: {  	[sflag:s17] =	ssyncset.done $0x0  }
0x94: {  	[sflag:s17] =	ssyncadd.s32 $0xFFFFC000  }
0x95: {  	[hbm4b:s25+s3] =	stream.linear.scatter [tilespmem:s14], [sflag:$0x2], $0x4000, $0x38;
	[tilespmem:$0x18800] =	vst v63  }
0x96: {  	_ =	swait.ge [sflag:s17], $0x4000  }
0x97: {  	[sflag:s17] =	ssyncset.done $0x0  }
0x98: {  	[sflag:s17] =	ssyncadd.s32 $0xFFFFC000  }
0x99: {  	[hbm4b:s26+s3] =	stream.linear.scatter [tilespmem:s16], [sflag:$0x2], $0x4000, $0x38;
	[tilespmem:$0x18800] =	vst v63  }
0x9a: {  	_ =	swait.ge [sflag:s17], $0x4000  }
0x9b: {  	[sflag:s17] =	ssyncset.done $0x0  }
0x9c: {  	[sflag:s17] =	ssyncadd.s32 $0xFFFFC000  }
0x9d: {  	[hbm4b:s28+s3] =	stream.linear.scatter [tilespmem:s7], [sflag:$0x2], $0x4000, $0x38;
	[tilespmem:$0x18800] =	vst v63  }
0x9e: {  	_ =	swait.ge [sflag:s17], $0x4000  }
0x9f: {  	[sflag:s17] =	ssyncset.done $0x0  }
0xa0: {  	[sflag:s17] =	ssyncadd.s32 $0xFFFFC000  }
0xa1: {  	[hbm4b:s29+s3] =	stream.linear.scatter [tilespmem:s8], [sflag:$0x2], $0x4000, $0x38;
	[tilespmem:$0x18800] =	vst v63  }
0xa2: {  	_ =	swait.ge [sflag:s17], $0x4000  }
0xa3: {  	[sflag:s17] =	ssyncset.done $0x0  }
0xa4: {  	[sflag:s17] =	ssyncadd.s32 $0xFFFFC000  }
0xa5: {  	[hbm4b:s30+s3] =	stream.linear.scatter [tilespmem:s10], [sflag:$0x2], $0x4000, $0x38;
	[tilespmem:$0x18800] =	vst v63  }
0xa6: {  	_ =	swait.ge [sflag:s17], $0x4000  }
0xa7: {  	[sflag:s17] =	ssyncset.done $0x0  }
0xa8: {  	[sflag:s17] =	ssyncadd.s32 $0xFFFFC000  }
0xa9: {  	[hbm4b:s31+s3] =	stream.linear.scatter [tilespmem:s12], [sflag:$0x2], $0x4000, $0x38;
	[tilespmem:$0x18800] =	vst v63  }
0xaa: {  	_ =	swait.ge [sflag:s18], $0x4000  }
0xab: {  	[sflag:s18] =	ssyncset.done $0x0  }
0xac: {  	[sflag:s18] =	ssyncadd.s32 $0xFFFFC000  }
0xad: {  	_ =	swait.ge [sflag:s18], $0x4000  }
0xae: {  	[sflag:s18] =	ssyncset.done $0x0  }
0xaf: {  	[sflag:s18] =	ssyncadd.s32 $0xFFFFC000  }
0xb0: {  	_ =	swait.ge [sflag:s18], $0x4000  }
0xb1: {  	[sflag:s18] =	ssyncset.done $0x0  }
0xb2: {  	[sflag:s18] =	ssyncadd.s32 $0xFFFFC000  }
0xb3: {  	_ =	swait.ge [sflag:s18], $0x4000  }
0xb4: {  	p0 =	sne.s32 s1, $0x1;
	[sflag:s18] =	ssyncset.done $0x0  }
.Ltmp1:
0xb5: {  	[sflag:s18] =	ssyncadd.s32 $0xFFFFC000;
	(pc) =	sbr.rel @p0 .LBB2_1-.Ltmp1, $4  }
0xb6: {  	_ =	swait.ge [sflag:s18], $0x4000  }
0xb7: {  	[sflag:s18] =	ssyncset.done $0x0  }
0xb8: {  	[sflag:s18] =	ssyncadd.s32 $0xFFFFC000  }
0xb9: {  	s1 =	sadd.s32 $0xFFFFFFFF, s1;
	_ =	swait.ge [sflag:s18], $0x4000  }
.LBB2_2:
0xba: {  	[sflag:s18] =	ssyncset.done $0x0  }
0xbb: {  	[sflag:s18] =	ssyncadd.s32 $0xFFFFC000  }
0xbc: {  	_ =	sfence.sel $0x180000  }
0xbd: {  	[bflag:$0x0] =	sbarrier.arrive $0xFFFF  }
0xbe: {  	_ =	strace $0x9000004D  }
0xbf: {  	s0 =	stileid.u32;
	[bflag:$0x2] =	sbarrier.arrive $0xFFFF  }
0xc0: {  	p0 =	sne.s32 s0, $0x0;
	s0 =	rddreg [dreg:$0x2]  }
0xc1: {  	s0 =	sadd.s32 @!p0 $0x100000, s0  }
0xc2: {  	[sflag:s0] =	ssyncadd.tile.s32 @!p0 $0x1;
	_ =	shalt  }
.Lfunc_end2:
_tile_overlayer_lowered:
.L_overlay_start_2:
0xc3: {  	(tag) =	ssettag $0x2  }
0xc4: {  	s0 =	rddreg [dreg:$0x0];
	s2 =	stileid.u32  }
0xc5: {  	s1 =	rddreg [dreg:$0x1];
	p0 =	sne.s32 s2, $0x0  }
0xc6: {  	s3 =	rddreg [dreg:$0x2];
	[bflag:$0x3] =	sbarrier.arrive $0xFFFF;
	s2 =	simm.s32 @!p0 $0x1C03  }
0xc7: {  	[timem:s3], [sflag:s2] =	dma.local @!p0 [hbm:s0], s1  }
0xc8: {  	s0 =	simm.s32 @!p0 $0x3  }
0xc9: {  	_ =	swait.ge @!p0 [sflag:s0], s1  }
0xca: {  	s1 =	ssub.s32 @!p0 $0x0, s1;
	[sflag:s0] =	ssyncset.done @!p0 $0x0  }
0xcb: {  	[sflag:s0] =	ssyncadd.s32 @!p0 s1  }
0xcc: {  	[bflag:$0x3] =	sbarrier.arrive $0xFFFF  }
0xcd: {  	_ =	shalt  }

// kernel: kernel.21.cloned.1.call-start
scs
__scs_entry_jumppad:
0x0: {  	(pc) =	sbr.rel $0x88, $3  }
0x1: {  	(tag) =	ssettag $0x0;
	lr =	simm.s32 $0x1  }
0x2: {  	[smem:$0x3F9D] =	sst lr;
	_ =	strace $0xD0000000  }
0x3: {  	_ = 	snop  }
0x4: {  	_ = 	snop  }
0x5: {  	_ = 	snop  }
0x6: {  	_ = 	snop  }
0x7: {  	_ = 	snop  }
__scs_overlays_trampoline_lowered:
0x8: {  	[smem:$0x3FAC] =	sst s0  }
0x9: {  	[smem:$0x3FAD] =	sst s1  }
0xa: {  	[smem:$0x3FAE] =	sst s2  }
0xb: {  	[smem:$0x3FAF] =	sst s3  }
0xc: {  	[smem:$0x3FB0] =	sst s4  }
0xd: {  	[smem:$0x3FB1] =	sst s5  }
0xe: {  	[smem:$0x3FB2] =	sst s6  }
0xf: {  	[smem:$0x3FB3] =	sst s7  }
0x10: {  	[smem:$0x3FB4] =	sst s8  }
0x11: {  	[smem:$0x3FB5] =	sst s9;
	s0 =	simm.s32 @!p0 $0x0  }
0x12: {  	s1 =	sld [smem:$0x3F9B];
	s0 =	simm.s32 @p0 $0x1  }
0x13: {  	[smem:$0x3FB6] =	sst s0;
	s0 =	simm.s32 @!p1 $0x0  }
0x14: {  	s2 =	sld [smem:$0x3F9A];
	s0 =	simm.s32 @p1 $0x1  }
0x15: {  	[smem:$0x3FB7] =	sst s0;
	s0 =	simm.s32 @!p2 $0x0  }
0x16: {  	s3 =	sld [smem:$0x3FDB];
	s0 =	simm.s32 @p2 $0x1  }
0x17: {  	s4 =	simm.s32 $0x1BF5;
	[smem:$0x3FB9] =	sst s0  }
0x18: {  	s0 =	sld [smem:$0x3F9C];
	_ =	swait.ge [sflag:s4], $0x0  }
0x19: {  	s7 =	sld [smem:$0x3F9D]  }
0x1a: {  	s8 =	sadd.s32 $0xFFFFE003, lr  }
0x1b: {  	s9 =	sadd.s32 $0xFFFFFEF7, lr;
	s5 =	simm.s32 $0xFFFFFFFF;
	p2 =	slt.u32 s8, $0xFFFFF086  }
0x1c: {  	p1 =	slt.u32 s9, $0xF7A;
	s5 =	simm.s32 @!p2 $0x0  }
0x1d: {  	s5 =	simm.s32 @p1 $0x1;
	p0 =	seq.s32 s7, s2  }
0x1e: {  	s7 =	smul.u32 @!p0 $0xF7A, s2;
	p2 =	seq.s32 @!p0 s5, $0x0  }
0x1f: {  	s9 =	smul.u32 $0xF7A, s1;
	s8 =	simm.s32 @!p0 $0x1BF5;
	p2 =	por !p2, p0  }
0x20: {  	[sflag:s8] =	ssyncset.s32 @!p0 $0xFFFFF086;
	s6 =	sadd.s32 @!p0 s3, s7;
	s7 =	simm.s32 @!p0 $0x108  }
0x21: {  	s3 =	sadd.s32 s3, s9;
	s6 =	sadd.s32 @!p0 $0x88, s6;
	s7 =	simm.s32 @p2 $0x1082  }
0x22: {  	[simem:s7], [sflag:s8] =	dma.local @!p0 [hbm:s6], $0xF7A  }
0x23: {  	s9 =	sor.u32 $0xD0000000, s2;
	s6 =	simm.s32 $0x108;
	_ =	swait.ge @!p0 [sflag:s8], $0x0  }
0x24: {  	s3 =	sadd.s32 $0x88, s3;
	s6 =	simm.s32 @!p1 $0x1082;
	[sflag:s4] =	ssyncset.s32 $0xFFFFF086  }
0x25: {  	[simem:s6], [sflag:s4] =	dma.local [hbm:s3], $0xF7A  }
0x26: {  	[smem:$0x3F9D] =	sst s1;
	(tag) =	ssettag s2;
	_ =	strace s9  }
0x27: {  	s1 =	sld [smem:$0x3FAD]  }
0x28: {  	s2 =	sld [smem:$0x3FAE]  }
0x29: {  	s4 =	sld [smem:$0x3FB0]  }
0x2a: {  	p0 =	seq.s32 s5, $0x0;
	s5 =	sld [smem:$0x3FB1]  }
0x2b: {  	s6 =	sld [smem:$0x3FB2]  }
0x2c: {  	s7 =	sld [smem:$0x3FB3]  }
0x2d: {  	s3 =	simm.s32 $0x108;
	s8 =	sld [smem:$0x3FB4]  }
0x2e: {  	s3 =	simm.s32 @!p0 $0x1082;
	s9 =	sld [smem:$0x3FB5]  }
0x2f: {  	lr =	sadd.s32 s0, s3;
	s0 =	sld [smem:$0x3FAC]  }
0x30: {  	s3 =	sld [smem:$0x3FAF]  }
0x31: {  	[smem:$0x3FB8] =	sst s10  }
0x32: {  	s10 =	sld [smem:$0x3FB6];
	_ =	sdelay $0x3  }
0x33: {  	p0 =	seq.s32 s10, $0x1;
	s10 =	sld [smem:$0x3FB8];
	_ =	sdelay $0x3  }
0x34: {  	[smem:$0x3FB8] =	sst s10  }
0x35: {  	s10 =	sld [smem:$0x3FB7];
	_ =	sdelay $0x3  }
0x36: {  	p1 =	seq.s32 s10, $0x1;
	s10 =	sld [smem:$0x3FB8];
	_ =	sdelay $0x3  }
0x37: {  	[smem:$0x3FB8] =	sst s10  }
0x38: {  	s10 =	sld [smem:$0x3FB9]  }
0x39: {  	_ = 	snop;
	(pc) =	sbr.ind lr, $3  }
0x3a: {  	_ = 	snop  }
0x3b: {  	_ = 	snop  }
0x3c: {  	p2 =	seq.s32 s10, $0x1;
	s10 =	sld [smem:$0x3FB8]  }
0x3d: {  	_ =	shalt  }
0x3e: {  	_ =	shalt  }
0x3f: {  	_ =	shalt  }
0x40: {  	_ =	shalt  }
0x41: {  	_ =	shalt  }
0x42: {  	_ =	shalt  }
0x43: {  	_ =	shalt  }
0x44: {  	_ =	shalt  }
0x45: {  	_ =	shalt  }
0x46: {  	_ =	shalt  }
0x47: {  	_ =	shalt  }
0x48: {  	_ =	shalt  }
0x49: {  	_ =	shalt  }
0x4a: {  	_ =	shalt  }
0x4b: {  	_ =	shalt  }
0x4c: {  	_ =	shalt  }
0x4d: {  	_ =	shalt  }
0x4e: {  	_ =	shalt  }
0x4f: {  	_ =	shalt  }
0x50: {  	_ =	shalt  }
0x51: {  	_ =	shalt  }
0x52: {  	_ =	shalt  }
0x53: {  	_ =	shalt  }
0x54: {  	_ =	shalt  }
0x55: {  	_ =	shalt  }
0x56: {  	_ =	shalt  }
0x57: {  	_ =	shalt  }
0x58: {  	_ =	shalt  }
0x59: {  	_ =	shalt  }
0x5a: {  	_ =	shalt  }
0x5b: {  	_ =	shalt  }
0x5c: {  	_ =	shalt  }
0x5d: {  	_ =	shalt  }
0x5e: {  	_ =	shalt  }
0x5f: {  	_ =	shalt  }
0x60: {  	_ =	shalt  }
0x61: {  	_ =	shalt  }
0x62: {  	_ =	shalt  }
0x63: {  	_ =	shalt  }
0x64: {  	_ =	shalt  }
0x65: {  	_ =	shalt  }
0x66: {  	_ =	shalt  }
0x67: {  	_ =	shalt  }
0x68: {  	_ =	shalt  }
0x69: {  	_ =	shalt  }
0x6a: {  	_ =	shalt  }
0x6b: {  	_ =	shalt  }
0x6c: {  	_ =	shalt  }
0x6d: {  	_ =	shalt  }
0x6e: {  	_ =	shalt  }
0x6f: {  	_ =	shalt  }
0x70: {  	_ =	shalt  }
0x71: {  	_ =	shalt  }
0x72: {  	_ =	shalt  }
0x73: {  	_ =	shalt  }
0x74: {  	_ =	shalt  }
0x75: {  	_ =	shalt  }
0x76: {  	_ =	shalt  }
0x77: {  	_ =	shalt  }
0x78: {  	_ =	shalt  }
0x79: {  	_ =	shalt  }
0x7a: {  	_ =	shalt  }
0x7b: {  	_ =	shalt  }
0x7c: {  	_ =	shalt  }
0x7d: {  	_ =	shalt  }
0x7e: {  	_ =	shalt  }
0x7f: {  	_ =	shalt  }
0x80: {  	_ =	shalt  }
0x81: {  	_ =	shalt  }
0x82: {  	_ =	shalt  }
0x83: {  	_ =	shalt  }
0x84: {  	_ =	shalt  }
0x85: {  	_ =	shalt  }
0x86: {  	_ =	shalt  }
0x87: {  	_ =	shalt  }
.Lfunc_end0:
.L_simem_size_0:
called_computation.3_lowered:
.L_overlay_start_0:
0x88: {  	s2 =	sld [smem:$0x3FD9]  }
0x89: {  	s3 =	sld [smem:$0x3FFE];
	_ =	sdelay $0x1  }
0x8a: {  	s1 =	srdreg.scid  }
0x8b: {  	s0 =	sand.u32 $0x1, s1  }
0x8c: {  	s17 =	sshll.u32 s0, $0xA;
	s2 =	sadd.s32 s3, s2  }
0x8d: {  	s2 =	sadd.s32 s2, s17  }
0x8e: {  	[smem:$0x3FC4] =	sst s2  }
0x8f: {  	_ = 	snop  }
0x90: {  	s18 =	sld [smem:$0x3FC8];
	(tm) =	ssettm $0x1  }
0x91: {  	s19 =	sld [smem:$0x3FFB];
	_ =	sdelay $0x3  }
0x92: {  	_ =	strace s19  }
0x93: {  	s2 =	sld [smem:$0x3FFC];
	_ =	sdelay $0x3  }
0x94: {  	_ =	strace s2  }
0x95: {  	s2 =	sld [smem:$0x3FFD];
	_ =	sdelay $0x3  }
0x96: {  	_ =	strace s2  }
0x97: {  	_ =	strace $0x8FFFFFFF  }
0x98: {  	s20 =	sld [smem:$0x3FDB];
	_ =	sdelay $0x1  }
0x99: {  	s4 =	simm.s32 $_scs_section_size  }
0x9a: {  	s5 =	simm.s32 $_size__tile_overlayer_lowered;
	s6 =	simm.s32 $_tile_overlayer_lowered  }
0x9b: {  	s7 =	simm.s32 $0x1BFF;
	s21 =	sshll.u32 s6, $0x1;
	s4 =	sadd.s32 s4, s20  }
0x9c: {  	s22 =	simm.s32 $0x0;
	s5 =	sshll.u32 s5, $0x1;
	s6 =	sadd.s32 s21, s4  }
0x9d: {  	[timem:s22], [sflag:s7] =	dma.local [hbm:s6], s5  }
0x9e: {  	_ =	swait.ge [sflag:s7], s5  }
0x9f: {  	s5 =	ssub.s32 $0x0, s5;
	[sflag:s7] =	ssyncset.done $0x0  }
0xa0: {  	[sflag:s7] =	ssyncadd.s32 s5;
	_ =	sdelay $0x1  }
0xa1: {  	s23 =	simm.s32 $0x1B8B  }
0xa2: {  	_ =	swait.ge [sflag:s23], $0x1  }
0xa3: {  	[sflag:s23] =	ssyncset.done $0x0  }
0xa4: {  	[sflag:s23] =	ssyncadd.s32 $0xFFFFFFFF  }
0xa5: {  	s5 =	sld [smem:$0x0]  }
0xa6: {  	s6 =	sand.u32 $0xFFFFFFFE, s1  }
0xa7: {  	p0 =	sne.s32 s1, s6  }
0xa8: {  	s6 =	sshll.u32 @p0 s6, $0xE  }
0xa9: {  	s6 =	sadd.s32 @p0 $0x11B8D, s6;
	s7 =	sshll.u32 @p0 s5, $0x11  }
0xaa: {  	s6 =	sor.u32 @p0 s7, s6  }
0xab: {  	[sflag:s6] =	ssyncadd.remote.s32 @p0 $0x1;
	_ =	sdelay $0x1  }
0xac: {  	s6 =	simm.s32 @p0 $0x1B8D  }
0xad: {  	_ =	swait.eq @p0 [sflag:s6], $0x1  }
0xae: {  	[sflag:s6] =	ssyncadd.s32 @p0 $0xFFFFFFFF  }
0xaf: {  	s7 =	sshll.u32 @!p0 s1, $0xE  }
0xb0: {  	s7 =	sor.u32 @!p0 $0x4000, s7;
	s6 =	simm.s32 @!p0 $0x1B8D  }
0xb1: {  	s5 =	sshll.u32 @!p0 s5, $0x11;
	s7 =	sadd.s32 @!p0 $0x11B8D, s7;
	_ =	swait.eq @!p0 [sflag:s6], $0x1  }
0xb2: {  	s5 =	sor.u32 @!p0 s5, s7;
	[sflag:s6] =	ssyncadd.s32 @!p0 $0xFFFFFFFF  }
0xb3: {  	s25 =	simm.s32 $0x1B8E;
	s24 =	sld [smem:$0x3FFE];
	[sflag:s5] =	ssyncadd.remote.s32 @!p0 $0x1  }
0xb4: {  	s26 =	simm.s32 $execute0_lowered;
	[smem:$0x3FD2] =	sst s25  }
0xb5: {  	s6 =	sshll.u32 s26, $0x1;
	_ =	strace $0x8000004F;
	[dreg:$0x1] =	wrdreg $0xFFFFFFFF  }
0xb6: {  	s28 =	simm.s32 $_size_execute0_lowered;
	s4 =	sadd.s32 s4, s6;
	[dreg:$0x0] =	wrdreg $0x0  }
0xb7: {  	s6 =	sshll.u32 s28, $0x1;
	[dreg:$0x2] =	wrdreg s4  }
0xb8: {  	[dreg:$0x3] =	wrdreg s6  }
0xb9: {  	[dreg:$0x4] =	wrdreg $0xC0  }
0xba: {  	_ =	task [dreg:s22], $0x5FFFF  }
0xbb: {  	[dreg:$0x1] =	wrdreg $0xFFFFFFFF  }
0xbc: {  	[dreg:$0x0] =	wrdreg $0x60  }
0xbd: {  	[dreg:$0x2] =	wrdreg s24  }
0xbe: {  	[dreg:$0x3] =	wrdreg s18  }
0xbf: {  	[dreg:$0x4] =	wrdreg $0xC  }
0xc0: {  	_ =	task.clear_ibuf [dreg:s22], $0x5FFFF;
	_ =	strace $0x9000004F  }
0xc1: {  	s29 =	simm.s32 $0xC;
	_ =	strace $0x80000051  }
0xc2: {  	_ =	swait.ge [sflag:s29], $0x1  }
0xc3: {  	[sflag:s29] =	ssyncadd.s32 $0xFFFFFFFF  }
0xc4: {  	_ =	strace $0x90000051  }
0xc5: {  	_ =	sfence  }
0xc6: {  	s30 =	sld [smem:$0x0];
	_ =	sdelay $0x2  }
0xc7: {  	s31 =	sshll.u32 s1, $0xD;
	s1 =	sshrl.u32 s1, $0x2  }
0xc8: {  	s4 =	sand.u32 $0x4000, s31;
	s1 =	sadd.s32 s1, s30  }
0xc9: {  	s0 =	sor.u32 s4, s0;
	s1 =	sshll.u32 s1, $0x11  }
0xca: {  	s0 =	sor.u32 s1, s0  }
0xcb: {  	s0 =	sadd.s32 $0x8F2B, s0  }
0xcc: {  	[sflag:s0] =	ssyncadd.remote.s32 $0x1  }
0xcd: {  	_ =	sfence.sel $0xFFFF  }
0xce: {  	[dreg:$0x0] =	wrdreg $0xFFFFFFFF;
	(pc) =	sbr.abs _section_cstart, $3  }
0xcf: {  	[dreg:$0x1] =	wrdreg $0xFFFFFFFF  }
0xd0: {  	_ =	task.clear_ibuf [dreg:s22], $0x2FFFF;
	_ =	strace $0x9FFFFFFF  }
0xd1: {  	(tm) =	ssettm $0x7FFFFFFF  }
tec
execute0_lowered:
.L_overlay_start_1:
0x0: {  	(tag) =	ssettag $0x1  }
0x1: {  	s1 =	srdreg.scid;
	s0 =	stileid.u32  }
0x2: {  	s1 =	sand.u32 $0x1, s1;
	s3 =	sshll.u32 s0, $0x1  }
0x3: {  	s4 =	rddreg [dreg:$0x0];
	s20 =	sor.u32 s1, s3  }
0x4: {  	s2 =	rddreg [dreg:$0x1];
	s5 =	sshll.u32 s20, $0x8  }
0x5: {  	s3 =	simm.s32 $0x0;
	s6 =	smul.u32 $0x5000, s20;
	s5 =	sadd.s32 s5, s4  }
0x6: {  	s21 =	sadd.s32 $0x14C600, s4;
	[smem:$0x7FF] =	sst s3;
	s5 =	sadd.s32 $0x8600, s5  }
0x7: {  	_ =	strace $0x80000050;
	s4 =	sadd.s32 s21, s6;
	[dreg:$0x3] =	wrdreg s5  }
0x8: {  	s25 =	sadd.s32 $0x800, s4;
	s24 =	rddreg [dreg:$0x3]  }
0x9: {  	s5 =	simm.s32 $0x3;
	[dreg:$0x4] =	wrdreg s25  }
0xa: {  	[tilespmem:s3], [sflag:$0x3] =	stream.linear.gather [hbm4b:s24+s3], $0x500, $0x38;
	[tilespmem:$0x18800] =	vst v63  }
0xb: {  	_ =	swait.ge [sflag:s5], $0x500  }
0xc: {  	[sflag:s5] =	ssyncset.done $0x0  }
0xd: {  	s7 =	simm.s32 $0x800;
	s6 =	simm.s32 $0x80;
	[sflag:s5] =	ssyncadd.s32 $0xFFFFFB00  }
0xe: {  	[tilespmem:s7], [sflag:$0x1] =	stream.indirect.gather [hbm4b:s2+s6], $0x80, s3, s6, $0xb8;
	[tilespmem:$0x18800] =	vst v63  }
0xf: {  	s8 =	simm.s32 $0x4800  }
0x10: {  	[tilespmem:s8], [sflag:$0x1] =	stream.indirect.gather [hbm4b:s2+s6], $0x80, s6, s6, $0xb8;
	[tilespmem:$0x18800] =	vst v63  }
0x11: {  	s9 =	simm.s32 $0x100;
	s10 =	simm.s32 $0x8800  }
0x12: {  	[tilespmem:s10], [sflag:$0x1] =	stream.indirect.gather [hbm4b:s2+s6], $0x80, s9, s6, $0xb8;
	[tilespmem:$0x18800] =	vst v63  }
0x13: {  	s11 =	simm.s32 $0x180;
	s12 =	simm.s32 $0xC800  }
0x14: {  	[tilespmem:s12], [sflag:$0x1] =	stream.indirect.gather [hbm4b:s2+s6], $0x80, s11, s6, $0xb8;
	[tilespmem:$0x18800] =	vst v63  }
0x15: {  	s13 =	simm.s32 $0x200;
	s14 =	simm.s32 $0x10800  }
0x16: {  	[tilespmem:s14], [sflag:$0x1] =	stream.indirect.gather [hbm4b:s2+s6], $0x80, s13, s6, $0xb8;
	[tilespmem:$0x18800] =	vst v63  }
0x17: {  	s15 =	simm.s32 $0x280;
	s16 =	simm.s32 $0x14800;
	s17 =	simm.s32 $0x1  }
0x18: {  	[tilespmem:s16], [sflag:$0x1] =	stream.indirect.gather [hbm4b:s2+s6], $0x80, s15, s6, $0xb8;
	[tilespmem:$0x18800] =	vst v63  }
0x19: {  	_ =	swait.ge [sflag:s17], $0x4000  }
0x1a: {  	[sflag:s17] =	ssyncset.done $0x0  }
0x1b: {  	s18 =	simm.s32 $0x2;
	[sflag:s17] =	ssyncadd.s32 $0xFFFFC000  }
0x1c: {  	[hbm4b:s4+s3] =	stream.linear.scatter [tilespmem:s7], [sflag:$0x2], $0x4000, $0x38;
	[tilespmem:$0x18800] =	vst v63  }
0x1d: {  	_ =	swait.ge [sflag:s18], $0x4000  }
0x1e: {  	[sflag:s18] =	ssyncset.done $0x0  }
0x1f: {  	s19 =	simm.s32 $0x300;
	[sflag:s18] =	ssyncadd.s32 $0xFFFFC000  }
0x20: {  	[tilespmem:s7], [sflag:$0x1] =	stream.indirect.gather [hbm4b:s2+s6], $0x80, s19, s6, $0xb8;
	[tilespmem:$0x18800] =	vst v63  }
0x21: {  	_ =	swait.ge [sflag:s17], $0x4000  }
0x22: {  	[sflag:s17] =	ssyncset.done $0x0  }
0x23: {  	s22 =	rddreg [dreg:$0x4];
	[sflag:s17] =	ssyncadd.s32 $0xFFFFC000  }
0x24: {  	[hbm4b:s22+s3] =	stream.linear.scatter [tilespmem:s8], [sflag:$0x2], $0x4000, $0x38;
	[tilespmem:$0x18800] =	vst v63  }
0x25: {  	_ =	swait.ge [sflag:s18], $0x4000  }
0x26: {  	[sflag:s18] =	ssyncset.done $0x0  }
0x27: {  	s26 =	smul.u32 $0x28000, s20;
	s20 =	simm.s32 $0x380;
	[sflag:s18] =	ssyncadd.s32 $0xFFFFC000  }
0x28: {  	[tilespmem:s8], [sflag:$0x1] =	stream.indirect.gather [hbm4b:s2+s6], $0x80, s20, s6, $0xb8;
	[tilespmem:$0x18800] =	vst v63  }
0x29: {  	s22 =	sshrl.u32 s26, $0x3;
	_ =	swait.ge [sflag:s17], $0x4000  }
0x2a: {  	s31 =	sadd.s32 s21, s22;
	[sflag:s17] =	ssyncset.done $0x0  }
0x2b: {  	s21 =	sadd.s32 $0x1000, s31;
	[sflag:s17] =	ssyncadd.s32 $0xFFFFC000  }
0x2c: {  	[hbm4b:s21+s3] =	stream.linear.scatter [tilespmem:s10], [sflag:$0x2], $0x4000, $0x38;
	[tilespmem:$0x18800] =	vst v63  }
0x2d: {  	_ =	swait.ge [sflag:s18], $0x4000  }
0x2e: {  	[sflag:s18] =	ssyncset.done $0x0  }
0x2f: {  	s22 =	simm.s32 $0x400;
	[sflag:s18] =	ssyncadd.s32 $0xFFFFC000  }
0x30: {  	[tilespmem:s10], [sflag:$0x1] =	stream.indirect.gather [hbm4b:s2+s6], $0x80, s22, s6, $0xb8;
	[tilespmem:$0x18800] =	vst v63  }
0x31: {  	_ =	swait.ge [sflag:s17], $0x4000  }
0x32: {  	[sflag:s17] =	ssyncset.done $0x0  }
0x33: {  	s23 =	sadd.s32 $0x1800, s31;
	[sflag:s17] =	ssyncadd.s32 $0xFFFFC000  }
0x34: {  	[hbm4b:s23+s3] =	stream.linear.scatter [tilespmem:s12], [sflag:$0x2], $0x4000, $0x38;
	[tilespmem:$0x18800] =	vst v63  }
0x35: {  	_ =	swait.ge [sflag:s18], $0x4000  }
0x36: {  	[sflag:s18] =	ssyncset.done $0x0  }
0x37: {  	s24 =	simm.s32 $0x480;
	[sflag:s18] =	ssyncadd.s32 $0xFFFFC000  }
0x38: {  	[tilespmem:s12], [sflag:$0x1] =	stream.indirect.gather [hbm4b:s2+s6], $0x80, s24, s6, $0xb8;
	[tilespmem:$0x18800] =	vst v63  }
0x39: {  	_ =	swait.ge [sflag:s17], $0x4000  }
0x3a: {  	[sflag:s17] =	ssyncset.done $0x0  }
0x3b: {  	s25 =	sadd.s32 $0x2000, s31;
	[sflag:s17] =	ssyncadd.s32 $0xFFFFC000  }
0x3c: {  	[hbm4b:s25+s3] =	stream.linear.scatter [tilespmem:s14], [sflag:$0x2], $0x4000, $0x38;
	[tilespmem:$0x18800] =	vst v63  }
0x3d: {  	_ =	swait.ge [sflag:s17], $0x4000  }
0x3e: {  	[sflag:s17] =	ssyncset.done $0x0  }
0x3f: {  	s26 =	sadd.s32 $0x2800, s31;
	[sflag:s17] =	ssyncadd.s32 $0xFFFFC000  }
0x40: {  	[hbm4b:s26+s3] =	stream.linear.scatter [tilespmem:s16], [sflag:$0x2], $0x4000, $0x38;
	[tilespmem:$0x18800] =	vst v63  }
0x41: {  	_ =	swait.ge [sflag:s17], $0x4000  }
0x42: {  	[sflag:s17] =	ssyncset.done $0x0  }
0x43: {  	s28 =	sadd.s32 $0x3000, s31;
	[sflag:s17] =	ssyncadd.s32 $0xFFFFC000  }
0x44: {  	[hbm4b:s28+s3] =	stream.linear.scatter [tilespmem:s7], [sflag:$0x2], $0x4000, $0x38;
	[tilespmem:$0x18800] =	vst v63  }
0x45: {  	_ =	swait.ge [sflag:s17], $0x4000  }
0x46: {  	[sflag:s17] =	ssyncset.done $0x0  }
0x47: {  	s29 =	sadd.s32 $0x3800, s31;
	[sflag:s17] =	ssyncadd.s32 $0xFFFFC000  }
0x48: {  	[hbm4b:s29+s3] =	stream.linear.scatter [tilespmem:s8], [sflag:$0x2], $0x4000, $0x38;
	[tilespmem:$0x18800] =	vst v63  }
0x49: {  	_ =	swait.ge [sflag:s17], $0x4000  }
0x4a: {  	[sflag:s17] =	ssyncset.done $0x0  }
0x4b: {  	s30 =	sadd.s32 $0x4000, s31;
	[sflag:s17] =	ssyncadd.s32 $0xFFFFC000  }
0x4c: {  	[hbm4b:s30+s3] =	stream.linear.scatter [tilespmem:s10], [sflag:$0x2], $0x4000, $0x38;
	[tilespmem:$0x18800] =	vst v63  }
0x4d: {  	_ =	swait.ge [sflag:s17], $0x4000  }
0x4e: {  	[sflag:s17] =	ssyncset.done $0x0  }
0x4f: {  	s31 =	sadd.s32 $0x4800, s31;
	[sflag:s17] =	ssyncadd.s32 $0xFFFFC000  }
0x50: {  	[hbm4b:s31+s3] =	stream.linear.scatter [tilespmem:s12], [sflag:$0x2], $0x4000, $0x38;
	[tilespmem:$0x18800] =	vst v63  }
0x51: {  	_ =	swait.ge [sflag:s18], $0x4000  }
0x52: {  	[sflag:s18] =	ssyncset.done $0x0  }
0x53: {  	[sflag:s18] =	ssyncadd.s32 $0xFFFFC000  }
0x54: {  	_ =	swait.ge [sflag:s18], $0x4000  }
0x55: {  	[sflag:s18] =	ssyncset.done $0x0  }
0x56: {  	[sflag:s18] =	ssyncadd.s32 $0xFFFFC000  }
0x57: {  	s1 =	ssub.s32 $0x2, s1;
	_ =	swait.ge [sflag:s18], $0x4000  }
0x58: {  	s0 =	sshrl.u32 s1, $0x1;
	[sflag:s18] =	ssyncset.done $0x0  }
0x59: {  	s0 =	ssub.s32 s1, s0;
	[sflag:s18] =	ssyncadd.s32 $0xFFFFC000  }
0x5a: {  	s0 =	smax.u32 s0, $0x1;
	_ =	swait.ge [sflag:s18], $0x4000  }
0x5b: {  	p0 =	sne.s32 s0, $0x1;
	[sflag:s18] =	ssyncset.done $0x0  }
.Ltmp0:
0x5c: {  	[sflag:s18] =	ssyncadd.s32 $0xFFFFC000;
	(pc) =	sbr.rel @!p0 .LBB2_2-.Ltmp0, $4  }
0x5d: {  	_ =	swait.ge [sflag:s18], $0x4000  }
0x5e: {  	[sflag:s18] =	ssyncset.done $0x0  }
0x5f: {  	[sflag:s18] =	ssyncadd.s32 $0xFFFFC000  }
0x60: {  	s1 =	sadd.s32 $0xFFFFFFFF, s0;
	_ =	swait.ge [sflag:s18], $0x4000  }
.LBB2_1:
0x61: {  	[sflag:s18] =	ssyncset.done $0x0  }
0x62: {  	s0 =	rddreg [dreg:$0x3];
	[sflag:s18] =	ssyncadd.s32 $0xFFFFC000  }
0x63: {  	[tilespmem:s3], [sflag:$0x3] =	stream.linear.gather [hbm4b:s0+s3], $0x500, $0x38;
	[tilespmem:$0x18800] =	vst v63  }
0x64: {  	_ =	swait.ge [sflag:s5], $0x500  }
0x65: {  	[sflag:s5] =	ssyncset.done $0x0  }
0x66: {  	[sflag:s5] =	ssyncadd.s32 $0xFFFFFB00  }
0x67: {  	[tilespmem:s7], [sflag:$0x1] =	stream.indirect.gather [hbm4b:s2+s6], $0x80, s3, s6, $0xb8;
	[tilespmem:$0x18800] =	vst v63  }
0x68: {  	_ = 	snop  }
0x69: {  	[tilespmem:s8], [sflag:$0x1] =	stream.indirect.gather [hbm4b:s2+s6], $0x80, s6, s6, $0xb8;
	[tilespmem:$0x18800] =	vst v63  }
0x6a: {  	_ = 	snop  }
0x6b: {  	[tilespmem:s10], [sflag:$0x1] =	stream.indirect.gather [hbm4b:s2+s6], $0x80, s9, s6, $0xb8;
	[tilespmem:$0x18800] =	vst v63  }
0x6c: {  	_ = 	snop  }
0x6d: {  	[tilespmem:s12], [sflag:$0x1] =	stream.indirect.gather [hbm4b:s2+s6], $0x80, s11, s6, $0xb8;
	[tilespmem:$0x18800] =	vst v63  }
0x6e: {  	_ = 	snop  }
0x6f: {  	[tilespmem:s14], [sflag:$0x1] =	stream.indirect.gather [hbm4b:s2+s6], $0x80, s13, s6, $0xb8;
	[tilespmem:$0x18800] =	vst v63  }
0x70: {  	_ = 	snop  }
0x71: {  	[tilespmem:s16], [sflag:$0x1] =	stream.indirect.gather [hbm4b:s2+s6], $0x80, s15, s6, $0xb8;
	[tilespmem:$0x18800] =	vst v63  }
0x72: {  	_ =	swait.ge [sflag:s17], $0x4000  }
0x73: {  	[sflag:s17] =	ssyncset.done $0x0  }
0x74: {  	[sflag:s17] =	ssyncadd.s32 $0xFFFFC000  }
0x75: {  	[hbm4b:s4+s3] =	stream.linear.scatter [tilespmem:s7], [sflag:$0x2], $0x4000, $0x38;
	[tilespmem:$0x18800] =	vst v63  }
0x76: {  	_ =	swait.ge [sflag:s18], $0x4000  }
0x77: {  	[sflag:s18] =	ssyncset.done $0x0  }
0x78: {  	[sflag:s18] =	ssyncadd.s32 $0xFFFFC000  }
0x79: {  	[tilespmem:s7], [sflag:$0x1] =	stream.indirect.gather [hbm4b:s2+s6], $0x80, s19, s6, $0xb8;
	[tilespmem:$0x18800] =	vst v63  }
0x7a: {  	_ =	swait.ge [sflag:s17], $0x4000  }
0x7b: {  	[sflag:s17] =	ssyncset.done $0x0  }
0x7c: {  	s0 =	rddreg [dreg:$0x4];
	[sflag:s17] =	ssyncadd.s32 $0xFFFFC000  }
0x7d: {  	[hbm4b:s0+s3] =	stream.linear.scatter [tilespmem:s8], [sflag:$0x2], $0x4000, $0x38;
	[tilespmem:$0x18800] =	vst v63  }
0x7e: {  	_ =	swait.ge [sflag:s18], $0x4000  }
0x7f: {  	[sflag:s18] =	ssyncset.done $0x0  }
0x80: {  	[sflag:s18] =	ssyncadd.s32 $0xFFFFC000  }
0x81: {  	[tilespmem:s8], [sflag:$0x1] =	stream.indirect.gather [hbm4b:s2+s6], $0x80, s20, s6, $0xb8;
	[tilespmem:$0x18800] =	vst v63  }
0x82: {  	_ =	swait.ge [sflag:s17], $0x4000  }
0x83: {  	[sflag:s17] =	ssyncset.done $0x0  }
0x84: {  	[sflag:s17] =	ssyncadd.s32 $0xFFFFC000  }
0x85: {  	[hbm4b:s21+s3] =	stream.linear.scatter [tilespmem:s10], [sflag:$0x2], $0x4000, $0x38;
	[tilespmem:$0x18800] =	vst v63  }
0x86: {  	_ =	swait.ge [sflag:s18], $0x4000  }
0x87: {  	[sflag:s18] =	ssyncset.done $0x0  }
0x88: {  	[sflag:s18] =	ssyncadd.s32 $0xFFFFC000  }
0x89: {  	[tilespmem:s10], [sflag:$0x1] =	stream.indirect.gather [hbm4b:s2+s6], $0x80, s22, s6, $0xb8;
	[tilespmem:$0x18800] =	vst v63  }
0x8a: {  	_ =	swait.ge [sflag:s17], $0x4000  }
0x8b: {  	[sflag:s17] =	ssyncset.done $0x0  }
0x8c: {  	[sflag:s17] =	ssyncadd.s32 $0xFFFFC000  }
0x8d: {  	[hbm4b:s23+s3] =	stream.linear.scatter [tilespmem:s12], [sflag:$0x2], $0x4000, $0x38;
	[tilespmem:$0x18800] =	vst v63  }
0x8e: {  	_ =	swait.ge [sflag:s18], $0x4000  }
0x8f: {  	[sflag:s18] =	ssyncset.done $0x0  }
0x90: {  	[sflag:s18] =	ssyncadd.s32 $0xFFFFC000  }
0x91: {  	[tilespmem:s12], [sflag:$0x1] =	stream.indirect.gather [hbm4b:s2+s6], $0x80, s24, s6, $0xb8;
	[tilespmem:$0x18800] =	vst v63  }
0x92: {  	_ =	swait.ge [sflag:s17], $0x4000  }
0x93: {  	[sflag:s17] =	ssyncset.done $0x0  }
0x94: {  	[sflag:s17] =	ssyncadd.s32 $0xFFFFC000  }
0x95: {  	[hbm4b:s25+s3] =	stream.linear.scatter [tilespmem:s14], [sflag:$0x2], $0x4000, $0x38;
	[tilespmem:$0x18800] =	vst v63  }
0x96: {  	_ =	swait.ge [sflag:s17], $0x4000  }
0x97: {  	[sflag:s17] =	ssyncset.done $0x0  }
0x98: {  	[sflag:s17] =	ssyncadd.s32 $0xFFFFC000  }
0x99: {  	[hbm4b:s26+s3] =	stream.linear.scatter [tilespmem:s16], [sflag:$0x2], $0x4000, $0x38;
	[tilespmem:$0x18800] =	vst v63  }
0x9a: {  	_ =	swait.ge [sflag:s17], $0x4000  }
0x9b: {  	[sflag:s17] =	ssyncset.done $0x0  }
0x9c: {  	[sflag:s17] =	ssyncadd.s32 $0xFFFFC000  }
0x9d: {  	[hbm4b:s28+s3] =	stream.linear.scatter [tilespmem:s7], [sflag:$0x2], $0x4000, $0x38;
	[tilespmem:$0x18800] =	vst v63  }
0x9e: {  	_ =	swait.ge [sflag:s17], $0x4000  }
0x9f: {  	[sflag:s17] =	ssyncset.done $0x0  }
0xa0: {  	[sflag:s17] =	ssyncadd.s32 $0xFFFFC000  }
0xa1: {  	[hbm4b:s29+s3] =	stream.linear.scatter [tilespmem:s8], [sflag:$0x2], $0x4000, $0x38;
	[tilespmem:$0x18800] =	vst v63  }
0xa2: {  	_ =	swait.ge [sflag:s17], $0x4000  }
0xa3: {  	[sflag:s17] =	ssyncset.done $0x0  }
0xa4: {  	[sflag:s17] =	ssyncadd.s32 $0xFFFFC000  }
0xa5: {  	[hbm4b:s30+s3] =	stream.linear.scatter [tilespmem:s10], [sflag:$0x2], $0x4000, $0x38;
	[tilespmem:$0x18800] =	vst v63  }
0xa6: {  	_ =	swait.ge [sflag:s17], $0x4000  }
0xa7: {  	[sflag:s17] =	ssyncset.done $0x0  }
0xa8: {  	[sflag:s17] =	ssyncadd.s32 $0xFFFFC000  }
0xa9: {  	[hbm4b:s31+s3] =	stream.linear.scatter [tilespmem:s12], [sflag:$0x2], $0x4000, $0x38;
	[tilespmem:$0x18800] =	vst v63  }
0xaa: {  	_ =	swait.ge [sflag:s18], $0x4000  }
0xab: {  	[sflag:s18] =	ssyncset.done $0x0  }
0xac: {  	[sflag:s18] =	ssyncadd.s32 $0xFFFFC000  }
0xad: {  	_ =	swait.ge [sflag:s18], $0x4000  }
0xae: {  	[sflag:s18] =	ssyncset.done $0x0  }
0xaf: {  	[sflag:s18] =	ssyncadd.s32 $0xFFFFC000  }
0xb0: {  	_ =	swait.ge [sflag:s18], $0x4000  }
0xb1: {  	[sflag:s18] =	ssyncset.done $0x0  }
0xb2: {  	[sflag:s18] =	ssyncadd.s32 $0xFFFFC000  }
0xb3: {  	_ =	swait.ge [sflag:s18], $0x4000  }
0xb4: {  	p0 =	sne.s32 s1, $0x1;
	[sflag:s18] =	ssyncset.done $0x0  }
.Ltmp1:
0xb5: {  	[sflag:s18] =	ssyncadd.s32 $0xFFFFC000;
	(pc) =	sbr.rel @p0 .LBB2_1-.Ltmp1, $4  }
0xb6: {  	_ =	swait.ge [sflag:s18], $0x4000  }
0xb7: {  	[sflag:s18] =	ssyncset.done $0x0  }
0xb8: {  	[sflag:s18] =	ssyncadd.s32 $0xFFFFC000  }
0xb9: {  	s1 =	sadd.s32 $0xFFFFFFFF, s1;
	_ =	swait.ge [sflag:s18], $0x4000  }
.LBB2_2:
0xba: {  	[sflag:s18] =	ssyncset.done $0x0  }
0xbb: {  	[sflag:s18] =	ssyncadd.s32 $0xFFFFC000  }
0xbc: {  	_ =	sfence.sel $0x180000  }
0xbd: {  	[bflag:$0x0] =	sbarrier.arrive $0xFFFF  }
0xbe: {  	_ =	strace $0x90000050  }
0xbf: {  	s0 =	stileid.u32;
	[bflag:$0x2] =	sbarrier.arrive $0xFFFF  }
0xc0: {  	p0 =	sne.s32 s0, $0x0;
	s0 =	rddreg [dreg:$0x2]  }
0xc1: {  	s0 =	sadd.s32 @!p0 $0x100000, s0  }
0xc2: {  	[sflag:s0] =	ssyncadd.tile.s32 @!p0 $0x1;
	_ =	shalt  }
.Lfunc_end2:
_tile_overlayer_lowered:
.L_overlay_start_2:
0xc3: {  	(tag) =	ssettag $0x2  }
0xc4: {  	s0 =	rddreg [dreg:$0x0];
	s2 =	stileid.u32  }
0xc5: {  	s1 =	rddreg [dreg:$0x1];
	p0 =	sne.s32 s2, $0x0  }
0xc6: {  	s3 =	rddreg [dreg:$0x2];
	[bflag:$0x3] =	sbarrier.arrive $0xFFFF;
	s2 =	simm.s32 @!p0 $0x1C03  }
0xc7: {  	[timem:s3], [sflag:s2] =	dma.local @!p0 [hbm:s0], s1  }
0xc8: {  	s0 =	simm.s32 @!p0 $0x3  }
0xc9: {  	_ =	swait.ge @!p0 [sflag:s0], s1  }
0xca: {  	s1 =	ssub.s32 @!p0 $0x0, s1;
	[sflag:s0] =	ssyncset.done @!p0 $0x0  }
0xcb: {  	[sflag:s0] =	ssyncadd.s32 @!p0 s1  }
0xcc: {  	[bflag:$0x3] =	sbarrier.arrive $0xFFFF  }
0xcd: {  	_ =	shalt  }

// kernel: kernel.24.cloned.1.call-start
scs
__scs_entry_jumppad:
0x0: {  	(pc) =	sbr.rel $0x88, $3  }
0x1: {  	(tag) =	ssettag $0x0;
	lr =	simm.s32 $0x1  }
0x2: {  	[smem:$0x3F9D] =	sst lr;
	_ =	strace $0xD0000000  }
0x3: {  	_ = 	snop  }
0x4: {  	_ = 	snop  }
0x5: {  	_ = 	snop  }
0x6: {  	_ = 	snop  }
0x7: {  	_ = 	snop  }
__scs_overlays_trampoline_lowered:
0x8: {  	[smem:$0x3FAC] =	sst s0  }
0x9: {  	[smem:$0x3FAD] =	sst s1  }
0xa: {  	[smem:$0x3FAE] =	sst s2  }
0xb: {  	[smem:$0x3FAF] =	sst s3  }
0xc: {  	[smem:$0x3FB0] =	sst s4  }
0xd: {  	[smem:$0x3FB1] =	sst s5  }
0xe: {  	[smem:$0x3FB2] =	sst s6  }
0xf: {  	[smem:$0x3FB3] =	sst s7  }
0x10: {  	[smem:$0x3FB4] =	sst s8  }
0x11: {  	[smem:$0x3FB5] =	sst s9;
	s0 =	simm.s32 @!p0 $0x0  }
0x12: {  	s1 =	sld [smem:$0x3F9B];
	s0 =	simm.s32 @p0 $0x1  }
0x13: {  	[smem:$0x3FB6] =	sst s0;
	s0 =	simm.s32 @!p1 $0x0  }
0x14: {  	s2 =	sld [smem:$0x3F9A];
	s0 =	simm.s32 @p1 $0x1  }
0x15: {  	[smem:$0x3FB7] =	sst s0;
	s0 =	simm.s32 @!p2 $0x0  }
0x16: {  	s3 =	sld [smem:$0x3FDB];
	s0 =	simm.s32 @p2 $0x1  }
0x17: {  	s4 =	simm.s32 $0x1BF5;
	[smem:$0x3FB9] =	sst s0  }
0x18: {  	s0 =	sld [smem:$0x3F9C];
	_ =	swait.ge [sflag:s4], $0x0  }
0x19: {  	s7 =	sld [smem:$0x3F9D]  }
0x1a: {  	s8 =	sadd.s32 $0xFFFFE003, lr  }
0x1b: {  	s9 =	sadd.s32 $0xFFFFFEF7, lr;
	s5 =	simm.s32 $0xFFFFFFFF;
	p2 =	slt.u32 s8, $0xFFFFF086  }
0x1c: {  	p1 =	slt.u32 s9, $0xF7A;
	s5 =	simm.s32 @!p2 $0x0  }
0x1d: {  	s5 =	simm.s32 @p1 $0x1;
	p0 =	seq.s32 s7, s2  }
0x1e: {  	s7 =	smul.u32 @!p0 $0xF7A, s2;
	p2 =	seq.s32 @!p0 s5, $0x0  }
0x1f: {  	s9 =	smul.u32 $0xF7A, s1;
	s8 =	simm.s32 @!p0 $0x1BF5;
	p2 =	por !p2, p0  }
0x20: {  	[sflag:s8] =	ssyncset.s32 @!p0 $0xFFFFF086;
	s6 =	sadd.s32 @!p0 s3, s7;
	s7 =	simm.s32 @!p0 $0x108  }
0x21: {  	s3 =	sadd.s32 s3, s9;
	s6 =	sadd.s32 @!p0 $0x88, s6;
	s7 =	simm.s32 @p2 $0x1082  }
0x22: {  	[simem:s7], [sflag:s8] =	dma.local @!p0 [hbm:s6], $0xF7A  }
0x23: {  	s9 =	sor.u32 $0xD0000000, s2;
	s6 =	simm.s32 $0x108;
	_ =	swait.ge @!p0 [sflag:s8], $0x0  }
0x24: {  	s3 =	sadd.s32 $0x88, s3;
	s6 =	simm.s32 @!p1 $0x1082;
	[sflag:s4] =	ssyncset.s32 $0xFFFFF086  }
0x25: {  	[simem:s6], [sflag:s4] =	dma.local [hbm:s3], $0xF7A  }
0x26: {  	[smem:$0x3F9D] =	sst s1;
	(tag) =	ssettag s2;
	_ =	strace s9  }
0x27: {  	s1 =	sld [smem:$0x3FAD]  }
0x28: {  	s2 =	sld [smem:$0x3FAE]  }
0x29: {  	s4 =	sld [smem:$0x3FB0]  }
0x2a: {  	p0 =	seq.s32 s5, $0x0;
	s5 =	sld [smem:$0x3FB1]  }
0x2b: {  	s6 =	sld [smem:$0x3FB2]  }
0x2c: {  	s7 =	sld [smem:$0x3FB3]  }
0x2d: {  	s3 =	simm.s32 $0x108;
	s8 =	sld [smem:$0x3FB4]  }
0x2e: {  	s3 =	simm.s32 @!p0 $0x1082;
	s9 =	sld [smem:$0x3FB5]  }
0x2f: {  	lr =	sadd.s32 s0, s3;
	s0 =	sld [smem:$0x3FAC]  }
0x30: {  	s3 =	sld [smem:$0x3FAF]  }
0x31: {  	[smem:$0x3FB8] =	sst s10  }
0x32: {  	s10 =	sld [smem:$0x3FB6];
	_ =	sdelay $0x3  }
0x33: {  	p0 =	seq.s32 s10, $0x1;
	s10 =	sld [smem:$0x3FB8];
	_ =	sdelay $0x3  }
0x34: {  	[smem:$0x3FB8] =	sst s10  }
0x35: {  	s10 =	sld [smem:$0x3FB7];
	_ =	sdelay $0x3  }
0x36: {  	p1 =	seq.s32 s10, $0x1;
	s10 =	sld [smem:$0x3FB8];
	_ =	sdelay $0x3  }
0x37: {  	[smem:$0x3FB8] =	sst s10  }
0x38: {  	s10 =	sld [smem:$0x3FB9]  }
0x39: {  	_ = 	snop;
	(pc) =	sbr.ind lr, $3  }
0x3a: {  	_ = 	snop  }
0x3b: {  	_ = 	snop  }
0x3c: {  	p2 =	seq.s32 s10, $0x1;
	s10 =	sld [smem:$0x3FB8]  }
0x3d: {  	_ =	shalt  }
0x3e: {  	_ =	shalt  }
0x3f: {  	_ =	shalt  }
0x40: {  	_ =	shalt  }
0x41: {  	_ =	shalt  }
0x42: {  	_ =	shalt  }
0x43: {  	_ =	shalt  }
0x44: {  	_ =	shalt  }
0x45: {  	_ =	shalt  }
0x46: {  	_ =	shalt  }
0x47: {  	_ =	shalt  }
0x48: {  	_ =	shalt  }
0x49: {  	_ =	shalt  }
0x4a: {  	_ =	shalt  }
0x4b: {  	_ =	shalt  }
0x4c: {  	_ =	shalt  }
0x4d: {  	_ =	shalt  }
0x4e: {  	_ =	shalt  }
0x4f: {  	_ =	shalt  }
0x50: {  	_ =	shalt  }
0x51: {  	_ =	shalt  }
0x52: {  	_ =	shalt  }
0x53: {  	_ =	shalt  }
0x54: {  	_ =	shalt  }
0x55: {  	_ =	shalt  }
0x56: {  	_ =	shalt  }
0x57: {  	_ =	shalt  }
0x58: {  	_ =	shalt  }
0x59: {  	_ =	shalt  }
0x5a: {  	_ =	shalt  }
0x5b: {  	_ =	shalt  }
0x5c: {  	_ =	shalt  }
0x5d: {  	_ =	shalt  }
0x5e: {  	_ =	shalt  }
0x5f: {  	_ =	shalt  }
0x60: {  	_ =	shalt  }
0x61: {  	_ =	shalt  }
0x62: {  	_ =	shalt  }
0x63: {  	_ =	shalt  }
0x64: {  	_ =	shalt  }
0x65: {  	_ =	shalt  }
0x66: {  	_ =	shalt  }
0x67: {  	_ =	shalt  }
0x68: {  	_ =	shalt  }
0x69: {  	_ =	shalt  }
0x6a: {  	_ =	shalt  }
0x6b: {  	_ =	shalt  }
0x6c: {  	_ =	shalt  }
0x6d: {  	_ =	shalt  }
0x6e: {  	_ =	shalt  }
0x6f: {  	_ =	shalt  }
0x70: {  	_ =	shalt  }
0x71: {  	_ =	shalt  }
0x72: {  	_ =	shalt  }
0x73: {  	_ =	shalt  }
0x74: {  	_ =	shalt  }
0x75: {  	_ =	shalt  }
0x76: {  	_ =	shalt  }
0x77: {  	_ =	shalt  }
0x78: {  	_ =	shalt  }
0x79: {  	_ =	shalt  }
0x7a: {  	_ =	shalt  }
0x7b: {  	_ =	shalt  }
0x7c: {  	_ =	shalt  }
0x7d: {  	_ =	shalt  }
0x7e: {  	_ =	shalt  }
0x7f: {  	_ =	shalt  }
0x80: {  	_ =	shalt  }
0x81: {  	_ =	shalt  }
0x82: {  	_ =	shalt  }
0x83: {  	_ =	shalt  }
0x84: {  	_ =	shalt  }
0x85: {  	_ =	shalt  }
0x86: {  	_ =	shalt  }
0x87: {  	_ =	shalt  }
.Lfunc_end0:
.L_simem_size_0:
called_computation.4_lowered:
.L_overlay_start_0:
0x88: {  	s2 =	sld [smem:$0x3FD9]  }
0x89: {  	s3 =	sld [smem:$0x3FFE];
	_ =	sdelay $0x1  }
0x8a: {  	s1 =	srdreg.scid  }
0x8b: {  	s0 =	sand.u32 $0x1, s1  }
0x8c: {  	s17 =	sshll.u32 s0, $0xA;
	s2 =	sadd.s32 s3, s2  }
0x8d: {  	s2 =	sadd.s32 s2, s17  }
0x8e: {  	[smem:$0x3FC4] =	sst s2  }
0x8f: {  	_ = 	snop  }
0x90: {  	s18 =	sld [smem:$0x3FC8];
	(tm) =	ssettm $0x1  }
0x91: {  	s19 =	sld [smem:$0x3FFB];
	_ =	sdelay $0x3  }
0x92: {  	_ =	strace s19  }
0x93: {  	s2 =	sld [smem:$0x3FFC];
	_ =	sdelay $0x3  }
0x94: {  	_ =	strace s2  }
0x95: {  	s2 =	sld [smem:$0x3FFD];
	_ =	sdelay $0x3  }
0x96: {  	_ =	strace s2  }
0x97: {  	_ =	strace $0x8FFFFFFF  }
0x98: {  	s20 =	sld [smem:$0x3FDB];
	_ =	sdelay $0x1  }
0x99: {  	s4 =	simm.s32 $_scs_section_size  }
0x9a: {  	s5 =	simm.s32 $_size__tile_overlayer_lowered;
	s6 =	simm.s32 $_tile_overlayer_lowered  }
0x9b: {  	s7 =	simm.s32 $0x1BFF;
	s21 =	sshll.u32 s6, $0x1;
	s4 =	sadd.s32 s4, s20  }
0x9c: {  	s22 =	simm.s32 $0x0;
	s5 =	sshll.u32 s5, $0x1;
	s6 =	sadd.s32 s21, s4  }
0x9d: {  	[timem:s22], [sflag:s7] =	dma.local [hbm:s6], s5  }
0x9e: {  	_ =	swait.ge [sflag:s7], s5  }
0x9f: {  	s5 =	ssub.s32 $0x0, s5;
	[sflag:s7] =	ssyncset.done $0x0  }
0xa0: {  	[sflag:s7] =	ssyncadd.s32 s5;
	_ =	sdelay $0x1  }
0xa1: {  	s23 =	simm.s32 $0x1B8B  }
0xa2: {  	_ =	swait.ge [sflag:s23], $0x1  }
0xa3: {  	[sflag:s23] =	ssyncset.done $0x0  }
0xa4: {  	[sflag:s23] =	ssyncadd.s32 $0xFFFFFFFF  }
0xa5: {  	s5 =	sld [smem:$0x0]  }
0xa6: {  	s6 =	sand.u32 $0xFFFFFFFE, s1  }
0xa7: {  	p0 =	sne.s32 s1, s6  }
0xa8: {  	s6 =	sshll.u32 @p0 s6, $0xE  }
0xa9: {  	s6 =	sadd.s32 @p0 $0x11B8D, s6;
	s7 =	sshll.u32 @p0 s5, $0x11  }
0xaa: {  	s6 =	sor.u32 @p0 s7, s6  }
0xab: {  	[sflag:s6] =	ssyncadd.remote.s32 @p0 $0x1;
	_ =	sdelay $0x1  }
0xac: {  	s6 =	simm.s32 @p0 $0x1B8D  }
0xad: {  	_ =	swait.eq @p0 [sflag:s6], $0x1  }
0xae: {  	[sflag:s6] =	ssyncadd.s32 @p0 $0xFFFFFFFF  }
0xaf: {  	s7 =	sshll.u32 @!p0 s1, $0xE  }
0xb0: {  	s7 =	sor.u32 @!p0 $0x4000, s7;
	s6 =	simm.s32 @!p0 $0x1B8D  }
0xb1: {  	s5 =	sshll.u32 @!p0 s5, $0x11;
	s7 =	sadd.s32 @!p0 $0x11B8D, s7;
	_ =	swait.eq @!p0 [sflag:s6], $0x1  }
0xb2: {  	s5 =	sor.u32 @!p0 s5, s7;
	[sflag:s6] =	ssyncadd.s32 @!p0 $0xFFFFFFFF  }
0xb3: {  	s25 =	simm.s32 $0x1B8E;
	s24 =	sld [smem:$0x3FFE];
	[sflag:s5] =	ssyncadd.remote.s32 @!p0 $0x1  }
0xb4: {  	s26 =	simm.s32 $execute0_lowered;
	[smem:$0x3FD2] =	sst s25  }
0xb5: {  	s6 =	sshll.u32 s26, $0x1;
	_ =	strace $0x80000052;
	[dreg:$0x1] =	wrdreg $0xFFFFFFFF  }
0xb6: {  	s28 =	simm.s32 $_size_execute0_lowered;
	s4 =	sadd.s32 s4, s6;
	[dreg:$0x0] =	wrdreg $0x0  }
0xb7: {  	s6 =	sshll.u32 s28, $0x1;
	[dreg:$0x2] =	wrdreg s4  }
0xb8: {  	[dreg:$0x3] =	wrdreg s6  }
0xb9: {  	[dreg:$0x4] =	wrdreg $0xC0  }
0xba: {  	_ =	task [dreg:s22], $0x5FFFF  }
0xbb: {  	[dreg:$0x1] =	wrdreg $0xFFFFFFFF  }
0xbc: {  	[dreg:$0x0] =	wrdreg $0x60  }
0xbd: {  	[dreg:$0x2] =	wrdreg s24  }
0xbe: {  	[dreg:$0x3] =	wrdreg s18  }
0xbf: {  	[dreg:$0x4] =	wrdreg $0xD  }
0xc0: {  	_ =	task.clear_ibuf [dreg:s22], $0x5FFFF;
	_ =	strace $0x90000052  }
0xc1: {  	s29 =	simm.s32 $0xD;
	_ =	strace $0x80000054  }
0xc2: {  	_ =	swait.ge [sflag:s29], $0x1  }
0xc3: {  	[sflag:s29] =	ssyncadd.s32 $0xFFFFFFFF  }
0xc4: {  	_ =	strace $0x90000054  }
0xc5: {  	_ =	sfence  }
0xc6: {  	s30 =	sld [smem:$0x0];
	_ =	sdelay $0x2  }
0xc7: {  	s31 =	sshll.u32 s1, $0xD;
	s1 =	sshrl.u32 s1, $0x2  }
0xc8: {  	s4 =	sand.u32 $0x4000, s31;
	s1 =	sadd.s32 s1, s30  }
0xc9: {  	s0 =	sor.u32 s4, s0;
	s1 =	sshll.u32 s1, $0x11  }
0xca: {  	s0 =	sor.u32 s1, s0  }
0xcb: {  	s0 =	sadd.s32 $0x8F2B, s0  }
0xcc: {  	[sflag:s0] =	ssyncadd.remote.s32 $0x1  }
0xcd: {  	_ =	sfence.sel $0xFFFF  }
0xce: {  	[dreg:$0x0] =	wrdreg $0xFFFFFFFF;
	(pc) =	sbr.abs _section_cstart, $3  }
0xcf: {  	[dreg:$0x1] =	wrdreg $0xFFFFFFFF  }
0xd0: {  	_ =	task.clear_ibuf [dreg:s22], $0x2FFFF;
	_ =	strace $0x9FFFFFFF  }
0xd1: {  	(tm) =	ssettm $0x7FFFFFFF  }
tec
execute0_lowered:
.L_overlay_start_1:
0x0: {  	(tag) =	ssettag $0x1  }
0x1: {  	s1 =	srdreg.scid;
	s0 =	stileid.u32  }
0x2: {  	s1 =	sand.u32 $0x1, s1;
	s3 =	sshll.u32 s0, $0x1  }
0x3: {  	s4 =	rddreg [dreg:$0x0];
	s20 =	sor.u32 s1, s3  }
0x4: {  	s2 =	rddreg [dreg:$0x1];
	s5 =	sshll.u32 s20, $0x8  }
0x5: {  	s3 =	simm.s32 $0x0;
	s6 =	smul.u32 $0x5000, s20;
	s5 =	sadd.s32 s5, s4  }
0x6: {  	s21 =	sadd.s32 $0x1EC600, s4;
	[smem:$0x7FF] =	sst s3;
	s5 =	sadd.s32 $0xA600, s5  }
0x7: {  	_ =	strace $0x80000053;
	s4 =	sadd.s32 s21, s6;
	[dreg:$0x3] =	wrdreg s5  }
0x8: {  	s25 =	sadd.s32 $0x800, s4;
	s24 =	rddreg [dreg:$0x3]  }
0x9: {  	s5 =	simm.s32 $0x3;
	[dreg:$0x4] =	wrdreg s25  }
0xa: {  	[tilespmem:s3], [sflag:$0x3] =	stream.linear.gather [hbm4b:s24+s3], $0x500, $0x38;
	[tilespmem:$0x18800] =	vst v63  }
0xb: {  	_ =	swait.ge [sflag:s5], $0x500  }
0xc: {  	[sflag:s5] =	ssyncset.done $0x0  }
0xd: {  	s7 =	simm.s32 $0x800;
	s6 =	simm.s32 $0x80;
	[sflag:s5] =	ssyncadd.s32 $0xFFFFFB00  }
0xe: {  	[tilespmem:s7], [sflag:$0x1] =	stream.indirect.gather [hbm4b:s2+s6], $0x80, s3, s6, $0xb8;
	[tilespmem:$0x18800] =	vst v63  }
0xf: {  	s8 =	simm.s32 $0x4800  }
0x10: {  	[tilespmem:s8], [sflag:$0x1] =	stream.indirect.gather [hbm4b:s2+s6], $0x80, s6, s6, $0xb8;
	[tilespmem:$0x18800] =	vst v63  }
0x11: {  	s9 =	simm.s32 $0x100;
	s10 =	simm.s32 $0x8800  }
0x12: {  	[tilespmem:s10], [sflag:$0x1] =	stream.indirect.gather [hbm4b:s2+s6], $0x80, s9, s6, $0xb8;
	[tilespmem:$0x18800] =	vst v63  }
0x13: {  	s11 =	simm.s32 $0x180;
	s12 =	simm.s32 $0xC800  }
0x14: {  	[tilespmem:s12], [sflag:$0x1] =	stream.indirect.gather [hbm4b:s2+s6], $0x80, s11, s6, $0xb8;
	[tilespmem:$0x18800] =	vst v63  }
0x15: {  	s13 =	simm.s32 $0x200;
	s14 =	simm.s32 $0x10800  }
0x16: {  	[tilespmem:s14], [sflag:$0x1] =	stream.indirect.gather [hbm4b:s2+s6], $0x80, s13, s6, $0xb8;
	[tilespmem:$0x18800] =	vst v63  }
0x17: {  	s15 =	simm.s32 $0x280;
	s16 =	simm.s32 $0x14800;
	s17 =	simm.s32 $0x1  }
0x18: {  	[tilespmem:s16], [sflag:$0x1] =	stream.indirect.gather [hbm4b:s2+s6], $0x80, s15, s6, $0xb8;
	[tilespmem:$0x18800] =	vst v63  }
0x19: {  	_ =	swait.ge [sflag:s17], $0x4000  }
0x1a: {  	[sflag:s17] =	ssyncset.done $0x0  }
0x1b: {  	s18 =	simm.s32 $0x2;
	[sflag:s17] =	ssyncadd.s32 $0xFFFFC000  }
0x1c: {  	[hbm4b:s4+s3] =	stream.linear.scatter [tilespmem:s7], [sflag:$0x2], $0x4000, $0x38;
	[tilespmem:$0x18800] =	vst v63  }
0x1d: {  	_ =	swait.ge [sflag:s18], $0x4000  }
0x1e: {  	[sflag:s18] =	ssyncset.done $0x0  }
0x1f: {  	s19 =	simm.s32 $0x300;
	[sflag:s18] =	ssyncadd.s32 $0xFFFFC000  }
0x20: {  	[tilespmem:s7], [sflag:$0x1] =	stream.indirect.gather [hbm4b:s2+s6], $0x80, s19, s6, $0xb8;
	[tilespmem:$0x18800] =	vst v63  }
0x21: {  	_ =	swait.ge [sflag:s17], $0x4000  }
0x22: {  	[sflag:s17] =	ssyncset.done $0x0  }
0x23: {  	s22 =	rddreg [dreg:$0x4];
	[sflag:s17] =	ssyncadd.s32 $0xFFFFC000  }
0x24: {  	[hbm4b:s22+s3] =	stream.linear.scatter [tilespmem:s8], [sflag:$0x2], $0x4000, $0x38;
	[tilespmem:$0x18800] =	vst v63  }
0x25: {  	_ =	swait.ge [sflag:s18], $0x4000  }
0x26: {  	[sflag:s18] =	ssyncset.done $0x0  }
0x27: {  	s26 =	smul.u32 $0x28000, s20;
	s20 =	simm.s32 $0x380;
	[sflag:s18] =	ssyncadd.s32 $0xFFFFC000  }
0x28: {  	[tilespmem:s8], [sflag:$0x1] =	stream.indirect.gather [hbm4b:s2+s6], $0x80, s20, s6, $0xb8;
	[tilespmem:$0x18800] =	vst v63  }
0x29: {  	s22 =	sshrl.u32 s26, $0x3;
	_ =	swait.ge [sflag:s17], $0x4000  }
0x2a: {  	s31 =	sadd.s32 s21, s22;
	[sflag:s17] =	ssyncset.done $0x0  }
0x2b: {  	s21 =	sadd.s32 $0x1000, s31;
	[sflag:s17] =	ssyncadd.s32 $0xFFFFC000  }
0x2c: {  	[hbm4b:s21+s3] =	stream.linear.scatter [tilespmem:s10], [sflag:$0x2], $0x4000, $0x38;
	[tilespmem:$0x18800] =	vst v63  }
0x2d: {  	_ =	swait.ge [sflag:s18], $0x4000  }
0x2e: {  	[sflag:s18] =	ssyncset.done $0x0  }
0x2f: {  	s22 =	simm.s32 $0x400;
	[sflag:s18] =	ssyncadd.s32 $0xFFFFC000  }
0x30: {  	[tilespmem:s10], [sflag:$0x1] =	stream.indirect.gather [hbm4b:s2+s6], $0x80, s22, s6, $0xb8;
	[tilespmem:$0x18800] =	vst v63  }
0x31: {  	_ =	swait.ge [sflag:s17], $0x4000  }
0x32: {  	[sflag:s17] =	ssyncset.done $0x0  }
0x33: {  	s23 =	sadd.s32 $0x1800, s31;
	[sflag:s17] =	ssyncadd.s32 $0xFFFFC000  }
0x34: {  	[hbm4b:s23+s3] =	stream.linear.scatter [tilespmem:s12], [sflag:$0x2], $0x4000, $0x38;
	[tilespmem:$0x18800] =	vst v63  }
0x35: {  	_ =	swait.ge [sflag:s18], $0x4000  }
0x36: {  	[sflag:s18] =	ssyncset.done $0x0  }
0x37: {  	s24 =	simm.s32 $0x480;
	[sflag:s18] =	ssyncadd.s32 $0xFFFFC000  }
0x38: {  	[tilespmem:s12], [sflag:$0x1] =	stream.indirect.gather [hbm4b:s2+s6], $0x80, s24, s6, $0xb8;
	[tilespmem:$0x18800] =	vst v63  }
0x39: {  	_ =	swait.ge [sflag:s17], $0x4000  }
0x3a: {  	[sflag:s17] =	ssyncset.done $0x0  }
0x3b: {  	s25 =	sadd.s32 $0x2000, s31;
	[sflag:s17] =	ssyncadd.s32 $0xFFFFC000  }
0x3c: {  	[hbm4b:s25+s3] =	stream.linear.scatter [tilespmem:s14], [sflag:$0x2], $0x4000, $0x38;
	[tilespmem:$0x18800] =	vst v63  }
0x3d: {  	_ =	swait.ge [sflag:s17], $0x4000  }
0x3e: {  	[sflag:s17] =	ssyncset.done $0x0  }
0x3f: {  	s26 =	sadd.s32 $0x2800, s31;
	[sflag:s17] =	ssyncadd.s32 $0xFFFFC000  }
0x40: {  	[hbm4b:s26+s3] =	stream.linear.scatter [tilespmem:s16], [sflag:$0x2], $0x4000, $0x38;
	[tilespmem:$0x18800] =	vst v63  }
0x41: {  	_ =	swait.ge [sflag:s17], $0x4000  }
0x42: {  	[sflag:s17] =	ssyncset.done $0x0  }
0x43: {  	s28 =	sadd.s32 $0x3000, s31;
	[sflag:s17] =	ssyncadd.s32 $0xFFFFC000  }
0x44: {  	[hbm4b:s28+s3] =	stream.linear.scatter [tilespmem:s7], [sflag:$0x2], $0x4000, $0x38;
	[tilespmem:$0x18800] =	vst v63  }
0x45: {  	_ =	swait.ge [sflag:s17], $0x4000  }
0x46: {  	[sflag:s17] =	ssyncset.done $0x0  }
0x47: {  	s29 =	sadd.s32 $0x3800, s31;
	[sflag:s17] =	ssyncadd.s32 $0xFFFFC000  }
0x48: {  	[hbm4b:s29+s3] =	stream.linear.scatter [tilespmem:s8], [sflag:$0x2], $0x4000, $0x38;
	[tilespmem:$0x18800] =	vst v63  }
0x49: {  	_ =	swait.ge [sflag:s17], $0x4000  }
0x4a: {  	[sflag:s17] =	ssyncset.done $0x0  }
0x4b: {  	s30 =	sadd.s32 $0x4000, s31;
	[sflag:s17] =	ssyncadd.s32 $0xFFFFC000  }
0x4c: {  	[hbm4b:s30+s3] =	stream.linear.scatter [tilespmem:s10], [sflag:$0x2], $0x4000, $0x38;
	[tilespmem:$0x18800] =	vst v63  }
0x4d: {  	_ =	swait.ge [sflag:s17], $0x4000  }
0x4e: {  	[sflag:s17] =	ssyncset.done $0x0  }
0x4f: {  	s31 =	sadd.s32 $0x4800, s31;
	[sflag:s17] =	ssyncadd.s32 $0xFFFFC000  }
0x50: {  	[hbm4b:s31+s3] =	stream.linear.scatter [tilespmem:s12], [sflag:$0x2], $0x4000, $0x38;
	[tilespmem:$0x18800] =	vst v63  }
0x51: {  	_ =	swait.ge [sflag:s18], $0x4000  }
0x52: {  	[sflag:s18] =	ssyncset.done $0x0  }
0x53: {  	[sflag:s18] =	ssyncadd.s32 $0xFFFFC000  }
0x54: {  	_ =	swait.ge [sflag:s18], $0x4000  }
0x55: {  	[sflag:s18] =	ssyncset.done $0x0  }
0x56: {  	[sflag:s18] =	ssyncadd.s32 $0xFFFFC000  }
0x57: {  	s1 =	ssub.s32 $0x2, s1;
	_ =	swait.ge [sflag:s18], $0x4000  }
0x58: {  	s0 =	sshrl.u32 s1, $0x1;
	[sflag:s18] =	ssyncset.done $0x0  }
0x59: {  	s0 =	ssub.s32 s1, s0;
	[sflag:s18] =	ssyncadd.s32 $0xFFFFC000  }
0x5a: {  	s0 =	smax.u32 s0, $0x1;
	_ =	swait.ge [sflag:s18], $0x4000  }
0x5b: {  	p0 =	sne.s32 s0, $0x1;
	[sflag:s18] =	ssyncset.done $0x0  }
.Ltmp0:
0x5c: {  	[sflag:s18] =	ssyncadd.s32 $0xFFFFC000;
	(pc) =	sbr.rel @!p0 .LBB2_2-.Ltmp0, $4  }
0x5d: {  	_ =	swait.ge [sflag:s18], $0x4000  }
0x5e: {  	[sflag:s18] =	ssyncset.done $0x0  }
0x5f: {  	[sflag:s18] =	ssyncadd.s32 $0xFFFFC000  }
0x60: {  	s1 =	sadd.s32 $0xFFFFFFFF, s0;
	_ =	swait.ge [sflag:s18], $0x4000  }
.LBB2_1:
0x61: {  	[sflag:s18] =	ssyncset.done $0x0  }
0x62: {  	s0 =	rddreg [dreg:$0x3];
	[sflag:s18] =	ssyncadd.s32 $0xFFFFC000  }
0x63: {  	[tilespmem:s3], [sflag:$0x3] =	stream.linear.gather [hbm4b:s0+s3], $0x500, $0x38;
	[tilespmem:$0x18800] =	vst v63  }
0x64: {  	_ =	swait.ge [sflag:s5], $0x500  }
0x65: {  	[sflag:s5] =	ssyncset.done $0x0  }
0x66: {  	[sflag:s5] =	ssyncadd.s32 $0xFFFFFB00  }
0x67: {  	[tilespmem:s7], [sflag:$0x1] =	stream.indirect.gather [hbm4b:s2+s6], $0x80, s3, s6, $0xb8;
	[tilespmem:$0x18800] =	vst v63  }
0x68: {  	_ = 	snop  }
0x69: {  	[tilespmem:s8], [sflag:$0x1] =	stream.indirect.gather [hbm4b:s2+s6], $0x80, s6, s6, $0xb8;
	[tilespmem:$0x18800] =	vst v63  }
0x6a: {  	_ = 	snop  }
0x6b: {  	[tilespmem:s10], [sflag:$0x1] =	stream.indirect.gather [hbm4b:s2+s6], $0x80, s9, s6, $0xb8;
	[tilespmem:$0x18800] =	vst v63  }
0x6c: {  	_ = 	snop  }
0x6d: {  	[tilespmem:s12], [sflag:$0x1] =	stream.indirect.gather [hbm4b:s2+s6], $0x80, s11, s6, $0xb8;
	[tilespmem:$0x18800] =	vst v63  }
0x6e: {  	_ = 	snop  }
0x6f: {  	[tilespmem:s14], [sflag:$0x1] =	stream.indirect.gather [hbm4b:s2+s6], $0x80, s13, s6, $0xb8;
	[tilespmem:$0x18800] =	vst v63  }
0x70: {  	_ = 	snop  }
0x71: {  	[tilespmem:s16], [sflag:$0x1] =	stream.indirect.gather [hbm4b:s2+s6], $0x80, s15, s6, $0xb8;
	[tilespmem:$0x18800] =	vst v63  }
0x72: {  	_ =	swait.ge [sflag:s17], $0x4000  }
0x73: {  	[sflag:s17] =	ssyncset.done $0x0  }
0x74: {  	[sflag:s17] =	ssyncadd.s32 $0xFFFFC000  }
0x75: {  	[hbm4b:s4+s3] =	stream.linear.scatter [tilespmem:s7], [sflag:$0x2], $0x4000, $0x38;
	[tilespmem:$0x18800] =	vst v63  }
0x76: {  	_ =	swait.ge [sflag:s18], $0x4000  }
0x77: {  	[sflag:s18] =	ssyncset.done $0x0  }
0x78: {  	[sflag:s18] =	ssyncadd.s32 $0xFFFFC000  }
0x79: {  	[tilespmem:s7], [sflag:$0x1] =	stream.indirect.gather [hbm4b:s2+s6], $0x80, s19, s6, $0xb8;
	[tilespmem:$0x18800] =	vst v63  }
0x7a: {  	_ =	swait.ge [sflag:s17], $0x4000  }
0x7b: {  	[sflag:s17] =	ssyncset.done $0x0  }
0x7c: {  	s0 =	rddreg [dreg:$0x4];
	[sflag:s17] =	ssyncadd.s32 $0xFFFFC000  }
0x7d: {  	[hbm4b:s0+s3] =	stream.linear.scatter [tilespmem:s8], [sflag:$0x2], $0x4000, $0x38;
	[tilespmem:$0x18800] =	vst v63  }
0x7e: {  	_ =	swait.ge [sflag:s18], $0x4000  }
0x7f: {  	[sflag:s18] =	ssyncset.done $0x0  }
0x80: {  	[sflag:s18] =	ssyncadd.s32 $0xFFFFC000  }
0x81: {  	[tilespmem:s8], [sflag:$0x1] =	stream.indirect.gather [hbm4b:s2+s6], $0x80, s20, s6, $0xb8;
	[tilespmem:$0x18800] =	vst v63  }
0x82: {  	_ =	swait.ge [sflag:s17], $0x4000  }
0x83: {  	[sflag:s17] =	ssyncset.done $0x0  }
0x84: {  	[sflag:s17] =	ssyncadd.s32 $0xFFFFC000  }
0x85: {  	[hbm4b:s21+s3] =	stream.linear.scatter [tilespmem:s10], [sflag:$0x2], $0x4000, $0x38;
	[tilespmem:$0x18800] =	vst v63  }
0x86: {  	_ =	swait.ge [sflag:s18], $0x4000  }
0x87: {  	[sflag:s18] =	ssyncset.done $0x0  }
0x88: {  	[sflag:s18] =	ssyncadd.s32 $0xFFFFC000  }
0x89: {  	[tilespmem:s10], [sflag:$0x1] =	stream.indirect.gather [hbm4b:s2+s6], $0x80, s22, s6, $0xb8;
	[tilespmem:$0x18800] =	vst v63  }
0x8a: {  	_ =	swait.ge [sflag:s17], $0x4000  }
0x8b: {  	[sflag:s17] =	ssyncset.done $0x0  }
0x8c: {  	[sflag:s17] =	ssyncadd.s32 $0xFFFFC000  }
0x8d: {  	[hbm4b:s23+s3] =	stream.linear.scatter [tilespmem:s12], [sflag:$0x2], $0x4000, $0x38;
	[tilespmem:$0x18800] =	vst v63  }
0x8e: {  	_ =	swait.ge [sflag:s18], $0x4000  }
0x8f: {  	[sflag:s18] =	ssyncset.done $0x0  }
0x90: {  	[sflag:s18] =	ssyncadd.s32 $0xFFFFC000  }
0x91: {  	[tilespmem:s12], [sflag:$0x1] =	stream.indirect.gather [hbm4b:s2+s6], $0x80, s24, s6, $0xb8;
	[tilespmem:$0x18800] =	vst v63  }
0x92: {  	_ =	swait.ge [sflag:s17], $0x4000  }
0x93: {  	[sflag:s17] =	ssyncset.done $0x0  }
0x94: {  	[sflag:s17] =	ssyncadd.s32 $0xFFFFC000  }
0x95: {  	[hbm4b:s25+s3] =	stream.linear.scatter [tilespmem:s14], [sflag:$0x2], $0x4000, $0x38;
	[tilespmem:$0x18800] =	vst v63  }
0x96: {  	_ =	swait.ge [sflag:s17], $0x4000  }
0x97: {  	[sflag:s17] =	ssyncset.done $0x0  }
0x98: {  	[sflag:s17] =	ssyncadd.s32 $0xFFFFC000  }
0x99: {  	[hbm4b:s26+s3] =	stream.linear.scatter [tilespmem:s16], [sflag:$0x2], $0x4000, $0x38;
	[tilespmem:$0x18800] =	vst v63  }
0x9a: {  	_ =	swait.ge [sflag:s17], $0x4000  }
0x9b: {  	[sflag:s17] =	ssyncset.done $0x0  }
0x9c: {  	[sflag:s17] =	ssyncadd.s32 $0xFFFFC000  }
0x9d: {  	[hbm4b:s28+s3] =	stream.linear.scatter [tilespmem:s7], [sflag:$0x2], $0x4000, $0x38;
	[tilespmem:$0x18800] =	vst v63  }
0x9e: {  	_ =	swait.ge [sflag:s17], $0x4000  }
0x9f: {  	[sflag:s17] =	ssyncset.done $0x0  }
0xa0: {  	[sflag:s17] =	ssyncadd.s32 $0xFFFFC000  }
0xa1: {  	[hbm4b:s29+s3] =	stream.linear.scatter [tilespmem:s8], [sflag:$0x2], $0x4000, $0x38;
	[tilespmem:$0x18800] =	vst v63  }
0xa2: {  	_ =	swait.ge [sflag:s17], $0x4000  }
0xa3: {  	[sflag:s17] =	ssyncset.done $0x0  }
0xa4: {  	[sflag:s17] =	ssyncadd.s32 $0xFFFFC000  }
0xa5: {  	[hbm4b:s30+s3] =	stream.linear.scatter [tilespmem:s10], [sflag:$0x2], $0x4000, $0x38;
	[tilespmem:$0x18800] =	vst v63  }
0xa6: {  	_ =	swait.ge [sflag:s17], $0x4000  }
0xa7: {  	[sflag:s17] =	ssyncset.done $0x0  }
0xa8: {  	[sflag:s17] =	ssyncadd.s32 $0xFFFFC000  }
0xa9: {  	[hbm4b:s31+s3] =	stream.linear.scatter [tilespmem:s12], [sflag:$0x2], $0x4000, $0x38;
	[tilespmem:$0x18800] =	vst v63  }
0xaa: {  	_ =	swait.ge [sflag:s18], $0x4000  }
0xab: {  	[sflag:s18] =	ssyncset.done $0x0  }
0xac: {  	[sflag:s18] =	ssyncadd.s32 $0xFFFFC000  }
0xad: {  	_ =	swait.ge [sflag:s18], $0x4000  }
0xae: {  	[sflag:s18] =	ssyncset.done $0x0  }
0xaf: {  	[sflag:s18] =	ssyncadd.s32 $0xFFFFC000  }
0xb0: {  	_ =	swait.ge [sflag:s18], $0x4000  }
0xb1: {  	[sflag:s18] =	ssyncset.done $0x0  }
0xb2: {  	[sflag:s18] =	ssyncadd.s32 $0xFFFFC000  }
0xb3: {  	_ =	swait.ge [sflag:s18], $0x4000  }
0xb4: {  	p0 =	sne.s32 s1, $0x1;
	[sflag:s18] =	ssyncset.done $0x0  }
.Ltmp1:
0xb5: {  	[sflag:s18] =	ssyncadd.s32 $0xFFFFC000;
	(pc) =	sbr.rel @p0 .LBB2_1-.Ltmp1, $4  }
0xb6: {  	_ =	swait.ge [sflag:s18], $0x4000  }
0xb7: {  	[sflag:s18] =	ssyncset.done $0x0  }
0xb8: {  	[sflag:s18] =	ssyncadd.s32 $0xFFFFC000  }
0xb9: {  	s1 =	sadd.s32 $0xFFFFFFFF, s1;
	_ =	swait.ge [sflag:s18], $0x4000  }
.LBB2_2:
0xba: {  	[sflag:s18] =	ssyncset.done $0x0  }
0xbb: {  	[sflag:s18] =	ssyncadd.s32 $0xFFFFC000  }
0xbc: {  	_ =	sfence.sel $0x180000  }
0xbd: {  	[bflag:$0x0] =	sbarrier.arrive $0xFFFF  }
0xbe: {  	_ =	strace $0x90000053  }
0xbf: {  	s0 =	stileid.u32;
	[bflag:$0x2] =	sbarrier.arrive $0xFFFF  }
0xc0: {  	p0 =	sne.s32 s0, $0x0;
	s0 =	rddreg [dreg:$0x2]  }
0xc1: {  	s0 =	sadd.s32 @!p0 $0x100000, s0  }
0xc2: {  	[sflag:s0] =	ssyncadd.tile.s32 @!p0 $0x1;
	_ =	shalt  }
.Lfunc_end2:
_tile_overlayer_lowered:
.L_overlay_start_2:
0xc3: {  	(tag) =	ssettag $0x2  }
0xc4: {  	s0 =	rddreg [dreg:$0x0];
	s2 =	stileid.u32  }
0xc5: {  	s1 =	rddreg [dreg:$0x1];
	p0 =	sne.s32 s2, $0x0  }
0xc6: {  	s3 =	rddreg [dreg:$0x2];
	[bflag:$0x3] =	sbarrier.arrive $0xFFFF;
	s2 =	simm.s32 @!p0 $0x1C03  }
0xc7: {  	[timem:s3], [sflag:s2] =	dma.local @!p0 [hbm:s0], s1  }
0xc8: {  	s0 =	simm.s32 @!p0 $0x3  }
0xc9: {  	_ =	swait.ge @!p0 [sflag:s0], s1  }
0xca: {  	s1 =	ssub.s32 @!p0 $0x0, s1;
	[sflag:s0] =	ssyncset.done @!p0 $0x0  }
0xcb: {  	[sflag:s0] =	ssyncadd.s32 @!p0 s1  }
0xcc: {  	[bflag:$0x3] =	sbarrier.arrive $0xFFFF  }
0xcd: {  	_ =	shalt  }

</sc_bundles>
